<compile_context>
chip_gen: v7x
topology: tpu7x:2x2x1
jax: 0.10.2.dev20260603
libtpu: 0.0.44.dev20260713+nightly
codegen_flags: <defaults>
</compile_context>

<pallas_src>
import functools

import jax
import jax.numpy as jnp
from jax import lax
from jax.experimental import pallas as pl
from jax.experimental.pallas import tpu as pltpu
from jax.experimental.pallas import tpu_sc as plsc

N = 10000
E = 320000
D = 128
EA = 16

NC, NS, L = 2, 16, 16
NW = NC * NS
EP = E
EPW = EP // NW
CHUNK = 40
NCH = EPW // CHUNK
ROWS_PT = 624
ROWS_TAIL = N - NS * ROWS_PT

_MESH = plsc.VectorSubcoreMesh(core_axis_name="c", subcore_axis_name="s")


def _rnd_bf16_bits(x):
    u = lax.bitcast_convert_type(x, jnp.uint32)
    return (u + jnp.uint32(0x7FFF) + ((u >> 16) & jnp.uint32(1))) >> 16


def _pq_body(h_ref, wa_ref, wb_ref, t_ref):
    hb = h_ref[...]
    pf = jnp.dot(hb, wa_ref[...], preferred_element_type=jnp.float32)
    qf = jnp.dot(hb, wb_ref[...], preferred_element_type=jnp.float32)
    packed = _rnd_bf16_bits(pf) | (_rnd_bf16_bits(qf) << 16)
    t_ref[...] = lax.bitcast_convert_type(packed, jnp.int32)


def _compute_pq(h, wa, wb):
    nb = 10
    blk = N // nb
    return pl.pallas_call(
        _pq_body,
        grid=(nb,),
        in_specs=[
            pl.BlockSpec((blk, D), lambda i: (i, 0)),
            pl.BlockSpec((D, D), lambda i: (0, 0)),
            pl.BlockSpec((D, D), lambda i: (0, 0)),
        ],
        out_specs=pl.BlockSpec((blk, D), lambda i: (i, 0)),
        out_shape=jax.ShapeDtypeStruct((N, D), jnp.int32),
    )(h, wa, wb)


NBUF = 3
GNBUF = 2
assert NCH % 4 == 2


@functools.partial(
    pl.kernel,
    out_type=jax.ShapeDtypeStruct((EP, D // 2), jnp.int32),
    mesh=_MESH,
    scratch_types=[
        pltpu.VMEM_SHARED((N, D), jnp.int32),
        pltpu.VMEM((4, CHUNK), jnp.int32),
        pltpu.VMEM((4, CHUNK), jnp.int32),
        pltpu.VMEM((GNBUF, CHUNK, D), jnp.int32),
        pltpu.VMEM((GNBUF, CHUNK, D), jnp.int32),
        pltpu.VMEM((GNBUF, CHUNK, D // 2), jnp.int32),
    ] + [pltpu.SemaphoreType.DMA] * (3 * GNBUF + 8),
)
def _gather_add(t_hbm, src_hbm, dst_hbm, g_hbm,
                spt, sidx, didx, pbuf, qbuf, gbuf, *sems):
    c = lax.axis_index("c")
    s = lax.axis_index("s")
    wid = s * NC + c
    base = wid * EPW

    pltpu.sync_copy(t_hbm.at[pl.ds(s * ROWS_PT, ROWS_PT)],
                    spt.at[pl.ds(s * ROWS_PT, ROWS_PT)])

    @pl.when(s == NS - 1)
    def _stage_tail():
        pltpu.sync_copy(t_hbm.at[pl.ds(NS * ROWS_PT, ROWS_TAIL)],
                        spt.at[pl.ds(NS * ROWS_PT, ROWS_TAIL)])

    plsc.subcore_barrier()

    semp = sems[0:GNBUF]
    semq = sems[GNBUF:2 * GNBUF]
    semw = sems[2 * GNBUF:3 * GNBUF]
    semi = sems[3 * GNBUF:3 * GNBUF + 4]
    semj = sems[3 * GNBUF + 4:3 * GNBUF + 8]

    def startidx(j, i4):
        pltpu.async_copy(src_hbm.at[wid, j], sidx.at[i4], semi[i4])
        pltpu.async_copy(dst_hbm.at[wid, j], didx.at[i4], semj[i4])

    def waitidx(j, i4):
        pltpu.make_async_copy(src_hbm.at[wid, j], sidx.at[i4],
                              semi[i4]).wait()
        pltpu.make_async_copy(dst_hbm.at[wid, j], didx.at[i4],
                              semj[i4]).wait()

    def startg(b, i4):
        pltpu.async_copy(spt.at[sidx.at[i4]], pbuf.at[b], semp[b])
        pltpu.async_copy(spt.at[didx.at[i4]], qbuf.at[b], semq[b])

    def waitg(b, i4):
        pltpu.make_async_copy(spt.at[sidx.at[i4]], pbuf.at[b],
                              semp[b]).wait()
        pltpu.make_async_copy(spt.at[didx.at[i4]], qbuf.at[b],
                              semq[b]).wait()

    def startw(j, b):
        pltpu.async_copy(gbuf.at[b],
                         g_hbm.at[pl.ds(base + j * CHUNK, CHUNK)], semw[b])

    def waitw(b):
        pltpu.make_async_copy(gbuf.at[b],
                              g_hbm.at[pl.ds(base, CHUNK)], semw[b]).wait()

    khalf = jnp.full((L,), 0x8000, jnp.int32)
    kmhi = jnp.full((L,), -65536, jnp.int32)
    k16 = jnp.full((L,), 16, jnp.int32)

    def _to_bf16_bits(sf):
        u = lax.bitcast_convert_type(sf, jnp.int32)
        return lax.shift_right_logical(u + khalf, k16)

    def adds(j, b):
        @pl.loop(0, CHUNK)
        def _row(r):
            for v in range(D // 2 // L):
                lo = pl.ds(v * L, L)
                hi = pl.ds(D // 2 + v * L, L)
                p_lo = lax.bitcast_convert_type(
                    lax.shift_left(pbuf[b, r, lo], k16), jnp.float32)
                q_lo = lax.bitcast_convert_type(
                    qbuf[b, r, lo] & kmhi, jnp.float32)
                p_hi = lax.bitcast_convert_type(
                    lax.shift_left(pbuf[b, r, hi], k16), jnp.float32)
                q_hi = lax.bitcast_convert_type(
                    qbuf[b, r, hi] & kmhi, jnp.float32)
                r_lo = _to_bf16_bits(p_lo + q_lo)
                r_hi = _to_bf16_bits(p_hi + q_hi)
                gbuf[b, r, lo] = r_lo | lax.shift_left(r_hi, k16)

    for k in range(4):
        startidx(k, k)
    waitidx(0, 0)
    startg(0, 0)
    waitidx(1, 1)
    startg(1, 1)

    @pl.loop(0, NCH - 2, step=4)
    def _grp(j):
        for k in range(4):
            c = j + k
            b = k % 2
            waitg(b, k)

            @pl.when(c >= 2)
            def _ww(b=b):
                waitw(b)

            adds(c, b)
            startw(c, b)
            cn = c + 2

            @pl.when(cn < NCH)
            def _pf(cn=cn, b=b, i4=(k + 2) % 4):
                waitidx(cn, i4)
                startg(b, i4)

            ci = c + 4

            @pl.when(ci < NCH)
            def _pfi(ci=ci, i4=k):
                startidx(ci, i4)

    for c in (NCH - 2, NCH - 1):
        b = c % 2
        waitg(b, c % 4)
        waitw(b)
        adds(c, b)
        startw(c, b)
    for b in range(GNBUF):
        waitw(b)


def _unpack_bf16(w):
    u = lax.bitcast_convert_type(w, jnp.uint32)
    lo = lax.bitcast_convert_type(u << 16, jnp.float32)
    hi = lax.bitcast_convert_type(u & jnp.uint32(0xFFFF0000), jnp.float32)
    return jnp.concatenate([lo, hi], axis=1)


def _msg_body(g_ref, ea_ref, wc_ref, b1_ref, w2_ref, b2_ref, w3_ref, b3_ref,
              gg_ref, bb_ref, out_ref):
    x = _unpack_bf16(g_ref[...]) + jnp.dot(
        ea_ref[...], wc_ref[...],
        preferred_element_type=jnp.float32) + b1_ref[...]
    x = jnp.maximum(x, 0.0)
    x = jnp.dot(x, w2_ref[...], preferred_element_type=jnp.float32) + b2_ref[...]
    x = jnp.maximum(x, 0.0)
    x = jnp.dot(x, w3_ref[...], preferred_element_type=jnp.float32) + b3_ref[...]
    mu = jnp.mean(x, axis=-1, keepdims=True)
    xc = x - mu
    var = jnp.mean(xc * xc, axis=-1, keepdims=True)
    out_ref[...] = xc * lax.rsqrt(var + 1e-5) * gg_ref[...] + bb_ref[...]


def _compute_msg(g, ea, wc, b1, w2, b2, w3, b3, gg, bb):
    be = 3200
    nb = EP // be
    wspec = pl.BlockSpec((D, D), lambda i: (0, 0))
    vspec = pl.BlockSpec((1, D), lambda i: (0, 0))
    return pl.pallas_call(
        _msg_body,
        grid=(nb,),
        in_specs=[
            pl.BlockSpec((be, D // 2), lambda i: (i, 0)),
            pl.BlockSpec((be, EA), lambda i: (i, 0)),
            pl.BlockSpec((EA, D), lambda i: (0, 0)),
            vspec, wspec, vspec, wspec, vspec, vspec, vspec,
        ],
        out_specs=pl.BlockSpec((be, D), lambda i: (i, 0)),
        out_shape=jax.ShapeDtypeStruct((EP, D), jnp.float32),
    )(g, ea, wc, b1, w2, b2, w3, b3, gg, bb)


@functools.partial(
    pl.kernel,
    out_type=jax.ShapeDtypeStruct((NC, N, D), jnp.float32),
    mesh=_MESH,
    scratch_types=[
        pltpu.VMEM_SHARED((N, D), jnp.float32),
        pltpu.VMEM((NCH, CHUNK), jnp.int32),
        pltpu.VMEM((NBUF, CHUNK, D), jnp.float32),
    ] + [pltpu.SemaphoreType.DMA] * (2 * NBUF),
)
def _scatter_add(msg_hbm, dst_hbm, zeros_hbm, agg_hbm, acc, didx, mbuf,
                 *sems):
    c = lax.axis_index("c")
    s = lax.axis_index("s")
    wid = s * NC + c
    pltpu.sync_copy(zeros_hbm.at[pl.ds(0, ROWS_PT)],
                    acc.at[pl.ds(s * ROWS_PT, ROWS_PT)])

    @pl.when(s == NS - 1)
    def _zero_tail():
        pltpu.sync_copy(zeros_hbm.at[pl.ds(0, ROWS_TAIL)],
                        acc.at[pl.ds(NS * ROWS_PT, ROWS_TAIL)])

    plsc.subcore_barrier()
    pltpu.sync_copy(dst_hbm.at[wid], didx)
    base = wid * EPW
    semm = sems[0:NBUF]
    sems_ = sems[NBUF:2 * NBUF]

    def startl(j, b):
        pltpu.async_copy(msg_hbm.at[pl.ds(base + j * CHUNK, CHUNK)],
                         mbuf.at[b], semm[b])

    def waitl(b):
        pltpu.make_async_copy(msg_hbm.at[pl.ds(base, CHUNK)],
                              mbuf.at[b], semm[b]).wait()

    def starts(j, b):
        pltpu.async_copy(mbuf.at[b], acc.at[didx.at[j]], sems_[b], add=True)

    def waits(j, b):
        pltpu.make_async_copy(mbuf.at[b], acc.at[didx.at[j]],
                              sems_[b]).wait()

    for b in range(NBUF):
        startl(b, b)

    @pl.loop(0, NCH - 2, step=NBUF)
    def _grp(j):
        for b in range(NBUF):
            waitl(b)
            starts(j + b, b)
        for b in range(NBUF):
            jj = j + NBUF + b

            @pl.when(jj < NCH)
            def _pf(jj=jj, b=b):
                waits(jj - NBUF, b)
                startl(jj, b)

    for ct in range(NCH - NCH % NBUF, NCH):
        b = ct % NBUF
        waitl(b)
        starts(ct, b)
    for b in range(NBUF):
        waits(NCH - NBUF + ((b - NCH) % NBUF), b)

    plsc.subcore_barrier()
    pltpu.sync_copy(acc.at[pl.ds(s * ROWS_PT, ROWS_PT)],
                    agg_hbm.at[c, pl.ds(s * ROWS_PT, ROWS_PT)])

    @pl.when(s == NS - 1)
    def _drain_tail():
        pltpu.sync_copy(acc.at[pl.ds(NS * ROWS_PT, ROWS_TAIL)],
                        agg_hbm.at[c, pl.ds(NS * ROWS_PT, ROWS_TAIL)])


def _upd_body(h_ref, a0_ref, a1_ref, wa_ref, wb_ref, b1_ref,
              w2_ref, b2_ref, w3_ref, b3_ref, gg_ref, bb_ref, out_ref):
    hb = h_ref[...]
    agg = a0_ref[...] + a1_ref[...]
    x = (jnp.dot(hb, wa_ref[...], preferred_element_type=jnp.float32)
         + jnp.dot(agg, wb_ref[...], preferred_element_type=jnp.float32)
         + b1_ref[...])
    x = jnp.maximum(x, 0.0)
    x = jnp.dot(x, w2_ref[...], preferred_element_type=jnp.float32) + b2_ref[...]
    x = jnp.maximum(x, 0.0)
    x = jnp.dot(x, w3_ref[...], preferred_element_type=jnp.float32) + b3_ref[...]
    mu = jnp.mean(x, axis=-1, keepdims=True)
    xc = x - mu
    var = jnp.mean(xc * xc, axis=-1, keepdims=True)
    out_ref[...] = xc * lax.rsqrt(var + 1e-5) * gg_ref[...] + bb_ref[...] + hb


def _compute_update(h, aggs, wa, wb, b1, w2, b2, w3, b3, gg, bb):
    nb = 10
    blk = N // nb
    wspec = pl.BlockSpec((D, D), lambda i: (0, 0))
    vspec = pl.BlockSpec((1, D), lambda i: (0, 0))
    rspec = pl.BlockSpec((blk, D), lambda i: (i, 0))
    return pl.pallas_call(
        _upd_body,
        grid=(nb,),
        in_specs=[rspec, rspec, rspec, wspec, wspec, vspec,
                  wspec, vspec, wspec, vspec, vspec, vspec],
        out_specs=rspec,
        out_shape=jax.ShapeDtypeStruct((N, D), jnp.float32),
    )(h, *aggs, wa, wb, b1, w2, b2, w3, b3, gg, bb)


def kernel(h, edge_index, edge_attr, mW1, mb1, mW2, mb2, mW3, mb3, mg, mbeta,
           uW1, ub1, uW2, ub2, uW3, ub3, ug, ubeta):
    src = edge_index[0].astype(jnp.int32)
    dst = edge_index[1].astype(jnp.int32)

    mA = mW1[:D]
    mB = mW1[D:2 * D]
    mC = mW1[2 * D:]
    uA = uW1[:D]
    uB = uW1[D:]

    mb1r = mb1.reshape(1, D)
    mb2r = mb2.reshape(1, D)
    mb3r = mb3.reshape(1, D)
    mgr = mg.reshape(1, D)
    mbetar = mbeta.reshape(1, D)
    ub1r = ub1.reshape(1, D)
    ub2r = ub2.reshape(1, D)
    ub3r = ub3.reshape(1, D)
    ugr = ug.reshape(1, D)
    ubetar = ubeta.reshape(1, D)

    t = _compute_pq(h, mA, mB)
    zeros = jnp.zeros((ROWS_PT, D), dtype=jnp.float32)

    src3d = src.reshape(NW, NCH, CHUNK)
    dst3d = dst.reshape(NW, NCH, CHUNK)
    g = _gather_add(t, src3d, dst3d)
    msg = _compute_msg(g, edge_attr, mC, mb1r, mW2, mb2r, mW3, mb3r,
                       mgr, mbetar)
    aggp = _scatter_add(msg, dst3d, zeros)
    h_new = _compute_update(h, [aggp[0], aggp[1]], uA, uB, ub1r, uW2, ub2r,
                            uW3, ub3r, ugr, ubetar)
    return (h_new, msg)

# --- scband reference (transcript-rebuilt; emitter-appended) ---
"""Pipeline reference for scband-edge-conv-74174085202606 (READ-ONLY COPY).

The authoritative reference and input builder live on the scoring server;
editing this copy changes nothing except your own understanding.
"""

import jax, jax.numpy as jnp
import numpy as np

N = 10000
E = 320000
NODE_DIM = 128
EDGE_DIM = 16
HIDDEN = 128
MSG_IN = 2 * NODE_DIM + EDGE_DIM
UPD_IN = 2 * NODE_DIM


def _mlp_apply(x, W1, b1, W2, b2, W3, b3, g, beta):
    x = jax.nn.relu(x @ W1 + b1)
    x = jax.nn.relu(x @ W2 + b2)
    x = x @ W3 + b3
    mu = jnp.mean(x, axis=-1, keepdims=True)
    var = jnp.var(x, axis=-1, keepdims=True)
    return (x - mu) * jax.lax.rsqrt(var + 1e-5) * g + beta


def setup_inputs(seed: int = 0) -> dict:
    key = jax.random.key(seed)
    ks = jax.random.split(key, 24)
    inp = {}
    inp['h'] = jax.random.normal(ks[0], (N, NODE_DIM), dtype=jnp.float32)
    inp['edge_index'] = jax.random.randint(ks[1], (2, E), 0, N)
    inp['edge_attr'] = jax.random.normal(ks[2], (E, EDGE_DIM), dtype=jnp.float32)
    # message MLP params
    inp['mW1'] = jax.random.normal(ks[3], (MSG_IN, HIDDEN), dtype=jnp.float32) / np.sqrt(MSG_IN)
    inp['mb1'] = jnp.zeros((HIDDEN,), dtype=jnp.float32)
    inp['mW2'] = jax.random.normal(ks[4], (HIDDEN, HIDDEN), dtype=jnp.float32) / np.sqrt(HIDDEN)
    inp['mb2'] = jnp.zeros((HIDDEN,), dtype=jnp.float32)
    inp['mW3'] = jax.random.normal(ks[5], (HIDDEN, NODE_DIM), dtype=jnp.float32) / np.sqrt(HIDDEN)
    inp['mb3'] = jnp.zeros((NODE_DIM,), dtype=jnp.float32)
    inp['mg'] = jnp.ones((NODE_DIM,), dtype=jnp.float32)
    inp['mbeta'] = jnp.zeros((NODE_DIM,), dtype=jnp.float32)
    # update MLP params
    inp['uW1'] = jax.random.normal(ks[6], (UPD_IN, HIDDEN), dtype=jnp.float32) / np.sqrt(UPD_IN)
    inp['ub1'] = jnp.zeros((HIDDEN,), dtype=jnp.float32)
    inp['uW2'] = jax.random.normal(ks[7], (HIDDEN, HIDDEN), dtype=jnp.float32) / np.sqrt(HIDDEN)
    inp['ub2'] = jnp.zeros((HIDDEN,), dtype=jnp.float32)
    inp['uW3'] = jax.random.normal(ks[8], (HIDDEN, NODE_DIM), dtype=jnp.float32) / np.sqrt(HIDDEN)
    inp['ub3'] = jnp.zeros((NODE_DIM,), dtype=jnp.float32)
    inp['ug'] = jnp.ones((NODE_DIM,), dtype=jnp.float32)
    inp['ubeta'] = jnp.zeros((NODE_DIM,), dtype=jnp.float32)
    return inp


def reference(h, edge_index, edge_attr, mW1, mb1, mW2, mb2, mW3, mb3, mg, mbeta, uW1, ub1, uW2, ub2, uW3, ub3, ug, ubeta):
    src = edge_index[0]
    dst = edge_index[1]
    h_src = jnp.take(h, src, axis=0)
    h_dst = jnp.take(h, dst, axis=0)
    msg_in = jnp.concatenate([h_src, h_dst, edge_attr], axis=-1)
    msg = _mlp_apply(msg_in, mW1, mb1, mW2, mb2, mW3, mb3, mg, mbeta)
    agg = jnp.zeros((h.shape[0], msg.shape[1]), dtype=msg.dtype).at[dst].add(msg)
    h_new = _mlp_apply(jnp.concatenate([h, agg], axis=-1), uW1, ub1, uW2, ub2, uW3, ub3, ug, ubeta)
    h_new = h_new + h
    return (h_new, msg)

if __name__ == "__main__":
    import jax
    _d = setup_inputs()
    print(jax.jit(kernel)(*tuple(_d.values())))

</pallas_src>

<mosaic_0001>
#map = affine_map<(d0, d1) -> (0, 0)>
#map1 = affine_map<(d0, d1) -> (0, 0, 0)>
module attributes {stable_mosaic.version = 14 : i64} {
  func.func @_gather_add(%arg0: i32, %arg1: i32, %arg2: memref<10000x128xi32, #tpu.memory_space<hbm>>, %arg3: memref<32x250x40xi32, #tpu.memory_space<hbm>>, %arg4: memref<32x250x40xi32, #tpu.memory_space<hbm>>, %arg5: memref<320000x64xi32, #tpu.memory_space<hbm>>, %arg6: memref<10000x128xi32, #tpu.memory_space<vmem_shared>>, %arg7: memref<4x40xi32, #tpu.memory_space<vmem>>, %arg8: memref<4x40xi32, #tpu.memory_space<vmem>>, %arg9: memref<2x40x128xi32, #tpu.memory_space<vmem>>, %arg10: memref<2x40x128xi32, #tpu.memory_space<vmem>>, %arg11: memref<2x40x64xi32, #tpu.memory_space<vmem>>, %arg12: memref<!tpu.dma_semaphore, #tpu.memory_space<semaphore_mem>>, %arg13: memref<!tpu.dma_semaphore, #tpu.memory_space<semaphore_mem>>, %arg14: memref<!tpu.dma_semaphore, #tpu.memory_space<semaphore_mem>>, %arg15: memref<!tpu.dma_semaphore, #tpu.memory_space<semaphore_mem>>, %arg16: memref<!tpu.dma_semaphore, #tpu.memory_space<semaphore_mem>>, %arg17: memref<!tpu.dma_semaphore, #tpu.memory_space<semaphore_mem>>, %arg18: memref<!tpu.dma_semaphore, #tpu.memory_space<semaphore_mem>>, %arg19: memref<!tpu.dma_semaphore, #tpu.memory_space<semaphore_mem>>, %arg20: memref<!tpu.dma_semaphore, #tpu.memory_space<semaphore_mem>>, %arg21: memref<!tpu.dma_semaphore, #tpu.memory_space<semaphore_mem>>, %arg22: memref<!tpu.dma_semaphore, #tpu.memory_space<semaphore_mem>>, %arg23: memref<!tpu.dma_semaphore, #tpu.memory_space<semaphore_mem>>, %arg24: memref<!tpu.dma_semaphore, #tpu.memory_space<semaphore_mem>>, %arg25: memref<!tpu.dma_semaphore, #tpu.memory_space<semaphore_mem>>) attributes {dimension_semantics = [#tpu.dimension_semantics<core_parallel>, #tpu.dimension_semantics<subcore_parallel>], iteration_bounds = array<i64: 2, 16>, scalar_prefetch = 0 : i64, scratch_operands = 20 : i64, tpu.core_type = #tpu.core_type<sc_vector_subcore>, window_params = [{transform_indices = #map}, {transform_indices = #map1}, {transform_indices = #map1}, {transform_indices = #map}]} {
    %mul3A = arith.constant 2 : i32
    %mul3A_0 = arith.muli %arg1, %mul3A : i32
    %add3A = arith.addi %mul3A_0, %arg0 : i32
    %mul3A_1 = arith.constant 10000 : i32
    %mul3A_2 = arith.muli %add3A, %mul3A_1 : i32
    %mul3A_3 = arith.constant 624 : i32
    %mul3A_4 = arith.muli %arg1, %mul3A_3 : i32
    %mul3A_5 = arith.constant 624 : i32
    %mul3A_6 = arith.muli %arg1, %mul3A_5 : i32
    "tpu.region"() ({
      %run_scoped3A = tpu.sem_alloc : memref<!tpu.dma_semaphore, #tpu.memory_space<semaphore_mem>>
      %dma_start3A_372 = arith.constant 0 : i32
      %dma_start3A_373 = tpu.memref_slice %arg6[%mul3A_6, %dma_start3A_372] : memref<10000x128xi32, #tpu.memory_space<vmem_shared>> -> memref<624x128xi32, #tpu.memory_space<vmem_shared>>
      %dma_start3A_374 = arith.constant 0 : i32
      %dma_start3A_375 = tpu.memref_slice %arg2[%mul3A_4, %dma_start3A_374] : memref<10000x128xi32, #tpu.memory_space<hbm>> -> memref<624x128xi32, #tpu.memory_space<hbm>>
      tpu.enqueue_dma source(%dma_start3A_375 : memref<624x128xi32, #tpu.memory_space<hbm>>) target(%dma_start3A_373 : memref<624x128xi32, #tpu.memory_space<vmem_shared>>) target_semaphore(%run_scoped3A : memref<!tpu.dma_semaphore, #tpu.memory_space<semaphore_mem>>)
      %dma_wait3A_376 = arith.constant 0 : i32
      %dma_wait3A_377 = tpu.memref_slice %arg6[%mul3A_6, %dma_wait3A_376] : memref<10000x128xi32, #tpu.memory_space<vmem_shared>> -> memref<624x128xi32, #tpu.memory_space<vmem_shared>>
      %dma_wait3A_378 = arith.constant 0 : i32
      %dma_wait3A_379 = tpu.memref_slice %arg2[%mul3A_4, %dma_wait3A_378] : memref<10000x128xi32, #tpu.memory_space<hbm>> -> memref<624x128xi32, #tpu.memory_space<hbm>>
      tpu.wait_dma2 semaphore(%run_scoped3A : memref<!tpu.dma_semaphore, #tpu.memory_space<semaphore_mem>>) src(%dma_wait3A_379 : memref<624x128xi32, #tpu.memory_space<hbm>>) dst(%dma_wait3A_377 : memref<624x128xi32, #tpu.memory_space<vmem_shared>>)
      tpu.yield
    }) : () -> ()
    %eq3A = arith.constant 15 : i32
    %eq3A_7 = arith.cmpi eq, %arg1, %eq3A : i32
    %convert_element_type3A = arith.extui %eq3A_7 : i1 to i32
    %cond3A = arith.constant 0 : i32
    %cond3A_8 = arith.cmpi ne, %convert_element_type3A, %cond3A : i32
    scf.if %cond3A_8 {
      "tpu.region"() ({
        %run_scoped3A = tpu.sem_alloc : memref<!tpu.dma_semaphore, #tpu.memory_space<semaphore_mem>>
        %dma_start3A_372 = arith.constant 9984 : i32
        %dma_start3A_373 = arith.constant 0 : i32
        %dma_start3A_374 = tpu.memref_slice %arg6[%dma_start3A_372, %dma_start3A_373] : memref<10000x128xi32, #tpu.memory_space<vmem_shared>> -> memref<16x128xi32, #tpu.memory_space<vmem_shared>>
        %dma_start3A_375 = arith.constant 9984 : i32
        %dma_start3A_376 = arith.constant 0 : i32
        %dma_start3A_377 = tpu.memref_slice %arg2[%dma_start3A_375, %dma_start3A_376] : memref<10000x128xi32, #tpu.memory_space<hbm>> -> memref<16x128xi32, #tpu.memory_space<hbm>>
        tpu.enqueue_dma source(%dma_start3A_377 : memref<16x128xi32, #tpu.memory_space<hbm>>) target(%dma_start3A_374 : memref<16x128xi32, #tpu.memory_space<vmem_shared>>) target_semaphore(%run_scoped3A : memref<!tpu.dma_semaphore, #tpu.memory_space<semaphore_mem>>)
        %dma_wait3A_378 = arith.constant 9984 : i32
        %dma_wait3A_379 = arith.constant 0 : i32
        %dma_wait3A_380 = tpu.memref_slice %arg6[%dma_wait3A_378, %dma_wait3A_379] : memref<10000x128xi32, #tpu.memory_space<vmem_shared>> -> memref<16x128xi32, #tpu.memory_space<vmem_shared>>
        %dma_wait3A_381 = arith.constant 9984 : i32
        %dma_wait3A_382 = arith.constant 0 : i32
        %dma_wait3A_383 = tpu.memref_slice %arg2[%dma_wait3A_381, %dma_wait3A_382] : memref<10000x128xi32, #tpu.memory_space<hbm>> -> memref<16x128xi32, #tpu.memory_space<hbm>>
        tpu.wait_dma2 semaphore(%run_scoped3A : memref<!tpu.dma_semaphore, #tpu.memory_space<semaphore_mem>>) src(%dma_wait3A_383 : memref<16x128xi32, #tpu.memory_space<hbm>>) dst(%dma_wait3A_380 : memref<16x128xi32, #tpu.memory_space<vmem_shared>>)
        tpu.yield
      }) : () -> ()
    } else {
    }
    %barrier3A = arith.constant 0 : index
    tpu.barrier barrier_id(%barrier3A)
    %broadcast_in_dim3A = arith.constant 32768 : i32
    %broadcast_in_dim3A_9 = vector.broadcast %broadcast_in_dim3A : i32 to vector<16xi32>
    %broadcast_in_dim3A_10 = arith.constant -65536 : i32
    %broadcast_in_dim3A_11 = vector.broadcast %broadcast_in_dim3A_10 : i32 to vector<16xi32>
    %broadcast_in_dim3A_12 = arith.constant 16 : i32
    %broadcast_in_dim3A_13 = vector.broadcast %broadcast_in_dim3A_12 : i32 to vector<16xi32>
    %dma_start3A = arith.constant 0 : i32
    %dma_start3A_14 = arith.constant 0 : i32
    %dma_start3A_15 = arith.constant 0 : i32
    %dma_start3A_16 = tpu.memref_slice %arg7[%dma_start3A_14, %dma_start3A_15] : memref<4x40xi32, #tpu.memory_space<vmem>> -> memref<1x40xi32, #tpu.memory_space<vmem>>
    %dma_start3A_17 = tpu.memref_squeeze %dma_start3A_16 : memref<1x40xi32, #tpu.memory_space<vmem>> -> memref<40xi32, #tpu.memory_space<vmem>>
    %dma_start3A_18 = arith.constant 0 : i32
    %dma_start3A_19 = tpu.memref_slice %arg3[%add3A, %dma_start3A, %dma_start3A_18] : memref<32x250x40xi32, #tpu.memory_space<hbm>> -> memref<1x1x40xi32, #tpu.memory_space<hbm>>
    %dma_start3A_20 = tpu.memref_squeeze %dma_start3A_19 : memref<1x1x40xi32, #tpu.memory_space<hbm>> -> memref<40xi32, #tpu.memory_space<hbm>>
    %dma_start3A_21 = arith.constant 0 : i32
    %dma_start3A_22 = tpu.memref_slice %arg7[%dma_start3A_14, %dma_start3A_21] : memref<4x40xi32, #tpu.memory_space<vmem>> -> memref<1x40xi32, #tpu.memory_space<vmem>>
    %dma_start3A_23 = tpu.memref_squeeze %dma_start3A_22 : memref<1x40xi32, #tpu.memory_space<vmem>> -> memref<40xi32, #tpu.memory_space<vmem>>
    %dma_start3A_24 = arith.constant 0 : i32
    %dma_start3A_25 = tpu.memref_slice %arg3[%add3A, %dma_start3A, %dma_start3A_24] : memref<32x250x40xi32, #tpu.memory_space<hbm>> -> memref<1x1x40xi32, #tpu.memory_space<hbm>>
    %dma_start3A_26 = tpu.memref_squeeze %dma_start3A_25 : memref<1x1x40xi32, #tpu.memory_space<hbm>> -> memref<40xi32, #tpu.memory_space<hbm>>
    tpu.enqueue_dma source(%dma_start3A_26 : memref<40xi32, #tpu.memory_space<hbm>>) target(%dma_start3A_23 : memref<40xi32, #tpu.memory_space<vmem>>) target_semaphore(%arg18 : memref<!tpu.dma_semaphore, #tpu.memory_space<semaphore_mem>>)
    %dma_start3A_27 = arith.constant 0 : i32
    %dma_start3A_28 = arith.constant 0 : i32
    %dma_start3A_29 = arith.constant 0 : i32
    %dma_start3A_30 = tpu.memref_slice %arg8[%dma_start3A_28, %dma_start3A_29] : memref<4x40xi32, #tpu.memory_space<vmem>> -> memref<1x40xi32, #tpu.memory_space<vmem>>
    %dma_start3A_31 = tpu.memref_squeeze %dma_start3A_30 : memref<1x40xi32, #tpu.memory_space<vmem>> -> memref<40xi32, #tpu.memory_space<vmem>>
    %dma_start3A_32 = arith.constant 0 : i32
    %dma_start3A_33 = tpu.memref_slice %arg4[%add3A, %dma_start3A_27, %dma_start3A_32] : memref<32x250x40xi32, #tpu.memory_space<hbm>> -> memref<1x1x40xi32, #tpu.memory_space<hbm>>
    %dma_start3A_34 = tpu.memref_squeeze %dma_start3A_33 : memref<1x1x40xi32, #tpu.memory_space<hbm>> -> memref<40xi32, #tpu.memory_space<hbm>>
    %dma_start3A_35 = arith.constant 0 : i32
    %dma_start3A_36 = tpu.memref_slice %arg8[%dma_start3A_28, %dma_start3A_35] : memref<4x40xi32, #tpu.memory_space<vmem>> -> memref<1x40xi32, #tpu.memory_space<vmem>>
    %dma_start3A_37 = tpu.memref_squeeze %dma_start3A_36 : memref<1x40xi32, #tpu.memory_space<vmem>> -> memref<40xi32, #tpu.memory_space<vmem>>
    %dma_start3A_38 = arith.constant 0 : i32
    %dma_start3A_39 = tpu.memref_slice %arg4[%add3A, %dma_start3A_27, %dma_start3A_38] : memref<32x250x40xi32, #tpu.memory_space<hbm>> -> memref<1x1x40xi32, #tpu.memory_space<hbm>>
    %dma_start3A_40 = tpu.memref_squeeze %dma_start3A_39 : memref<1x1x40xi32, #tpu.memory_space<hbm>> -> memref<40xi32, #tpu.memory_space<hbm>>
    tpu.enqueue_dma source(%dma_start3A_40 : memref<40xi32, #tpu.memory_space<hbm>>) target(%dma_start3A_37 : memref<40xi32, #tpu.memory_space<vmem>>) target_semaphore(%arg22 : memref<!tpu.dma_semaphore, #tpu.memory_space<semaphore_mem>>)
    %dma_start3A_41 = arith.constant 1 : i32
    %dma_start3A_42 = arith.constant 1 : i32
    %dma_start3A_43 = arith.constant 0 : i32
    %dma_start3A_44 = tpu.memref_slice %arg7[%dma_start3A_42, %dma_start3A_43] : memref<4x40xi32, #tpu.memory_space<vmem>> -> memref<1x40xi32, #tpu.memory_space<vmem>>
    %dma_start3A_45 = tpu.memref_squeeze %dma_start3A_44 : memref<1x40xi32, #tpu.memory_space<vmem>> -> memref<40xi32, #tpu.memory_space<vmem>>
    %dma_start3A_46 = arith.constant 0 : i32
    %dma_start3A_47 = tpu.memref_slice %arg3[%add3A, %dma_start3A_41, %dma_start3A_46] : memref<32x250x40xi32, #tpu.memory_space<hbm>> -> memref<1x1x40xi32, #tpu.memory_space<hbm>>
    %dma_start3A_48 = tpu.memref_squeeze %dma_start3A_47 : memref<1x1x40xi32, #tpu.memory_space<hbm>> -> memref<40xi32, #tpu.memory_space<hbm>>
    %dma_start3A_49 = arith.constant 0 : i32
    %dma_start3A_50 = tpu.memref_slice %arg7[%dma_start3A_42, %dma_start3A_49] : memref<4x40xi32, #tpu.memory_space<vmem>> -> memref<1x40xi32, #tpu.memory_space<vmem>>
    %dma_start3A_51 = tpu.memref_squeeze %dma_start3A_50 : memref<1x40xi32, #tpu.memory_space<vmem>> -> memref<40xi32, #tpu.memory_space<vmem>>
    %dma_start3A_52 = arith.constant 0 : i32
    %dma_start3A_53 = tpu.memref_slice %arg3[%add3A, %dma_start3A_41, %dma_start3A_52] : memref<32x250x40xi32, #tpu.memory_space<hbm>> -> memref<1x1x40xi32, #tpu.memory_space<hbm>>
    %dma_start3A_54 = tpu.memref_squeeze %dma_start3A_53 : memref<1x1x40xi32, #tpu.memory_space<hbm>> -> memref<40xi32, #tpu.memory_space<hbm>>
    tpu.enqueue_dma source(%dma_start3A_54 : memref<40xi32, #tpu.memory_space<hbm>>) target(%dma_start3A_51 : memref<40xi32, #tpu.memory_space<vmem>>) target_semaphore(%arg19 : memref<!tpu.dma_semaphore, #tpu.memory_space<semaphore_mem>>)
    %dma_start3A_55 = arith.constant 1 : i32
    %dma_start3A_56 = arith.constant 1 : i32
    %dma_start3A_57 = arith.constant 0 : i32
    %dma_start3A_58 = tpu.memref_slice %arg8[%dma_start3A_56, %dma_start3A_57] : memref<4x40xi32, #tpu.memory_space<vmem>> -> memref<1x40xi32, #tpu.memory_space<vmem>>
    %dma_start3A_59 = tpu.memref_squeeze %dma_start3A_58 : memref<1x40xi32, #tpu.memory_space<vmem>> -> memref<40xi32, #tpu.memory_space<vmem>>
    %dma_start3A_60 = arith.constant 0 : i32
    %dma_start3A_61 = tpu.memref_slice %arg4[%add3A, %dma_start3A_55, %dma_start3A_60] : memref<32x250x40xi32, #tpu.memory_space<hbm>> -> memref<1x1x40xi32, #tpu.memory_space<hbm>>
    %dma_start3A_62 = tpu.memref_squeeze %dma_start3A_61 : memref<1x1x40xi32, #tpu.memory_space<hbm>> -> memref<40xi32, #tpu.memory_space<hbm>>
    %dma_start3A_63 = arith.constant 0 : i32
    %dma_start3A_64 = tpu.memref_slice %arg8[%dma_start3A_56, %dma_start3A_63] : memref<4x40xi32, #tpu.memory_space<vmem>> -> memref<1x40xi32, #tpu.memory_space<vmem>>
    %dma_start3A_65 = tpu.memref_squeeze %dma_start3A_64 : memref<1x40xi32, #tpu.memory_space<vmem>> -> memref<40xi32, #tpu.memory_space<vmem>>
    %dma_start3A_66 = arith.constant 0 : i32
    %dma_start3A_67 = tpu.memref_slice %arg4[%add3A, %dma_start3A_55, %dma_start3A_66] : memref<32x250x40xi32, #tpu.memory_space<hbm>> -> memref<1x1x40xi32, #tpu.memory_space<hbm>>
    %dma_start3A_68 = tpu.memref_squeeze %dma_start3A_67 : memref<1x1x40xi32, #tpu.memory_space<hbm>> -> memref<40xi32, #tpu.memory_space<hbm>>
    tpu.enqueue_dma source(%dma_start3A_68 : memref<40xi32, #tpu.memory_space<hbm>>) target(%dma_start3A_65 : memref<40xi32, #tpu.memory_space<vmem>>) target_semaphore(%arg23 : memref<!tpu.dma_semaphore, #tpu.memory_space<semaphore_mem>>)
    %dma_start3A_69 = arith.constant 2 : i32
    %dma_start3A_70 = arith.constant 2 : i32
    %dma_start3A_71 = arith.constant 0 : i32
    %dma_start3A_72 = tpu.memref_slice %arg7[%dma_start3A_70, %dma_start3A_71] : memref<4x40xi32, #tpu.memory_space<vmem>> -> memref<1x40xi32, #tpu.memory_space<vmem>>
    %dma_start3A_73 = tpu.memref_squeeze %dma_start3A_72 : memref<1x40xi32, #tpu.memory_space<vmem>> -> memref<40xi32, #tpu.memory_space<vmem>>
    %dma_start3A_74 = arith.constant 0 : i32
    %dma_start3A_75 = tpu.memref_slice %arg3[%add3A, %dma_start3A_69, %dma_start3A_74] : memref<32x250x40xi32, #tpu.memory_space<hbm>> -> memref<1x1x40xi32, #tpu.memory_space<hbm>>
    %dma_start3A_76 = tpu.memref_squeeze %dma_start3A_75 : memref<1x1x40xi32, #tpu.memory_space<hbm>> -> memref<40xi32, #tpu.memory_space<hbm>>
    %dma_start3A_77 = arith.constant 0 : i32
    %dma_start3A_78 = tpu.memref_slice %arg7[%dma_start3A_70, %dma_start3A_77] : memref<4x40xi32, #tpu.memory_space<vmem>> -> memref<1x40xi32, #tpu.memory_space<vmem>>
    %dma_start3A_79 = tpu.memref_squeeze %dma_start3A_78 : memref<1x40xi32, #tpu.memory_space<vmem>> -> memref<40xi32, #tpu.memory_space<vmem>>
    %dma_start3A_80 = arith.constant 0 : i32
    %dma_start3A_81 = tpu.memref_slice %arg3[%add3A, %dma_start3A_69, %dma_start3A_80] : memref<32x250x40xi32, #tpu.memory_space<hbm>> -> memref<1x1x40xi32, #tpu.memory_space<hbm>>
    %dma_start3A_82 = tpu.memref_squeeze %dma_start3A_81 : memref<1x1x40xi32, #tpu.memory_space<hbm>> -> memref<40xi32, #tpu.memory_space<hbm>>
    tpu.enqueue_dma source(%dma_start3A_82 : memref<40xi32, #tpu.memory_space<hbm>>) target(%dma_start3A_79 : memref<40xi32, #tpu.memory_space<vmem>>) target_semaphore(%arg20 : memref<!tpu.dma_semaphore, #tpu.memory_space<semaphore_mem>>)
    %dma_start3A_83 = arith.constant 2 : i32
    %dma_start3A_84 = arith.constant 2 : i32
    %dma_start3A_85 = arith.constant 0 : i32
    %dma_start3A_86 = tpu.memref_slice %arg8[%dma_start3A_84, %dma_start3A_85] : memref<4x40xi32, #tpu.memory_space<vmem>> -> memref<1x40xi32, #tpu.memory_space<vmem>>
    %dma_start3A_87 = tpu.memref_squeeze %dma_start3A_86 : memref<1x40xi32, #tpu.memory_space<vmem>> -> memref<40xi32, #tpu.memory_space<vmem>>
    %dma_start3A_88 = arith.constant 0 : i32
    %dma_start3A_89 = tpu.memref_slice %arg4[%add3A, %dma_start3A_83, %dma_start3A_88] : memref<32x250x40xi32, #tpu.memory_space<hbm>> -> memref<1x1x40xi32, #tpu.memory_space<hbm>>
    %dma_start3A_90 = tpu.memref_squeeze %dma_start3A_89 : memref<1x1x40xi32, #tpu.memory_space<hbm>> -> memref<40xi32, #tpu.memory_space<hbm>>
    %dma_start3A_91 = arith.constant 0 : i32
    %dma_start3A_92 = tpu.memref_slice %arg8[%dma_start3A_84, %dma_start3A_91] : memref<4x40xi32, #tpu.memory_space<vmem>> -> memref<1x40xi32, #tpu.memory_space<vmem>>
    %dma_start3A_93 = tpu.memref_squeeze %dma_start3A_92 : memref<1x40xi32, #tpu.memory_space<vmem>> -> memref<40xi32, #tpu.memory_space<vmem>>
    %dma_start3A_94 = arith.constant 0 : i32
    %dma_start3A_95 = tpu.memref_slice %arg4[%add3A, %dma_start3A_83, %dma_start3A_94] : memref<32x250x40xi32, #tpu.memory_space<hbm>> -> memref<1x1x40xi32, #tpu.memory_space<hbm>>
    %dma_start3A_96 = tpu.memref_squeeze %dma_start3A_95 : memref<1x1x40xi32, #tpu.memory_space<hbm>> -> memref<40xi32, #tpu.memory_space<hbm>>
    tpu.enqueue_dma source(%dma_start3A_96 : memref<40xi32, #tpu.memory_space<hbm>>) target(%dma_start3A_93 : memref<40xi32, #tpu.memory_space<vmem>>) target_semaphore(%arg24 : memref<!tpu.dma_semaphore, #tpu.memory_space<semaphore_mem>>)
    %dma_start3A_97 = arith.constant 3 : i32
    %dma_start3A_98 = arith.constant 3 : i32
    %dma_start3A_99 = arith.constant 0 : i32
    %dma_start3A_100 = tpu.memref_slice %arg7[%dma_start3A_98, %dma_start3A_99] : memref<4x40xi32, #tpu.memory_space<vmem>> -> memref<1x40xi32, #tpu.memory_space<vmem>>
    %dma_start3A_101 = tpu.memref_squeeze %dma_start3A_100 : memref<1x40xi32, #tpu.memory_space<vmem>> -> memref<40xi32, #tpu.memory_space<vmem>>
    %dma_start3A_102 = arith.constant 0 : i32
    %dma_start3A_103 = tpu.memref_slice %arg3[%add3A, %dma_start3A_97, %dma_start3A_102] : memref<32x250x40xi32, #tpu.memory_space<hbm>> -> memref<1x1x40xi32, #tpu.memory_space<hbm>>
    %dma_start3A_104 = tpu.memref_squeeze %dma_start3A_103 : memref<1x1x40xi32, #tpu.memory_space<hbm>> -> memref<40xi32, #tpu.memory_space<hbm>>
    %dma_start3A_105 = arith.constant 0 : i32
    %dma_start3A_106 = tpu.memref_slice %arg7[%dma_start3A_98, %dma_start3A_105] : memref<4x40xi32, #tpu.memory_space<vmem>> -> memref<1x40xi32, #tpu.memory_space<vmem>>
    %dma_start3A_107 = tpu.memref_squeeze %dma_start3A_106 : memref<1x40xi32, #tpu.memory_space<vmem>> -> memref<40xi32, #tpu.memory_space<vmem>>
    %dma_start3A_108 = arith.constant 0 : i32
    %dma_start3A_109 = tpu.memref_slice %arg3[%add3A, %dma_start3A_97, %dma_start3A_108] : memref<32x250x40xi32, #tpu.memory_space<hbm>> -> memref<1x1x40xi32, #tpu.memory_space<hbm>>
    %dma_start3A_110 = tpu.memref_squeeze %dma_start3A_109 : memref<1x1x40xi32, #tpu.memory_space<hbm>> -> memref<40xi32, #tpu.memory_space<hbm>>
    tpu.enqueue_dma source(%dma_start3A_110 : memref<40xi32, #tpu.memory_space<hbm>>) target(%dma_start3A_107 : memref<40xi32, #tpu.memory_space<vmem>>) target_semaphore(%arg21 : memref<!tpu.dma_semaphore, #tpu.memory_space<semaphore_mem>>)
    %dma_start3A_111 = arith.constant 3 : i32
    %dma_start3A_112 = arith.constant 3 : i32
    %dma_start3A_113 = arith.constant 0 : i32
    %dma_start3A_114 = tpu.memref_slice %arg8[%dma_start3A_112, %dma_start3A_113] : memref<4x40xi32, #tpu.memory_space<vmem>> -> memref<1x40xi32, #tpu.memory_space<vmem>>
    %dma_start3A_115 = tpu.memref_squeeze %dma_start3A_114 : memref<1x40xi32, #tpu.memory_space<vmem>> -> memref<40xi32, #tpu.memory_space<vmem>>
    %dma_start3A_116 = arith.constant 0 : i32
    %dma_start3A_117 = tpu.memref_slice %arg4[%add3A, %dma_start3A_111, %dma_start3A_116] : memref<32x250x40xi32, #tpu.memory_space<hbm>> -> memref<1x1x40xi32, #tpu.memory_space<hbm>>
    %dma_start3A_118 = tpu.memref_squeeze %dma_start3A_117 : memref<1x1x40xi32, #tpu.memory_space<hbm>> -> memref<40xi32, #tpu.memory_space<hbm>>
    %dma_start3A_119 = arith.constant 0 : i32
    %dma_start3A_120 = tpu.memref_slice %arg8[%dma_start3A_112, %dma_start3A_119] : memref<4x40xi32, #tpu.memory_space<vmem>> -> memref<1x40xi32, #tpu.memory_space<vmem>>
    %dma_start3A_121 = tpu.memref_squeeze %dma_start3A_120 : memref<1x40xi32, #tpu.memory_space<vmem>> -> memref<40xi32, #tpu.memory_space<vmem>>
    %dma_start3A_122 = arith.constant 0 : i32
    %dma_start3A_123 = tpu.memref_slice %arg4[%add3A, %dma_start3A_111, %dma_start3A_122] : memref<32x250x40xi32, #tpu.memory_space<hbm>> -> memref<1x1x40xi32, #tpu.memory_space<hbm>>
    %dma_start3A_124 = tpu.memref_squeeze %dma_start3A_123 : memref<1x1x40xi32, #tpu.memory_space<hbm>> -> memref<40xi32, #tpu.memory_space<hbm>>
    tpu.enqueue_dma source(%dma_start3A_124 : memref<40xi32, #tpu.memory_space<hbm>>) target(%dma_start3A_121 : memref<40xi32, #tpu.memory_space<vmem>>) target_semaphore(%arg25 : memref<!tpu.dma_semaphore, #tpu.memory_space<semaphore_mem>>)
    %dma_wait3A = arith.constant 0 : i32
    %dma_wait3A_125 = arith.constant 0 : i32
    %dma_wait3A_126 = arith.constant 0 : i32
    %dma_wait3A_127 = tpu.memref_slice %arg7[%dma_wait3A_125, %dma_wait3A_126] : memref<4x40xi32, #tpu.memory_space<vmem>> -> memref<1x40xi32, #tpu.memory_space<vmem>>
    %dma_wait3A_128 = tpu.memref_squeeze %dma_wait3A_127 : memref<1x40xi32, #tpu.memory_space<vmem>> -> memref<40xi32, #tpu.memory_space<vmem>>
    %dma_wait3A_129 = arith.constant 0 : i32
    %dma_wait3A_130 = tpu.memref_slice %arg3[%add3A, %dma_wait3A, %dma_wait3A_129] : memref<32x250x40xi32, #tpu.memory_space<hbm>> -> memref<1x1x40xi32, #tpu.memory_space<hbm>>
    %dma_wait3A_131 = tpu.memref_squeeze %dma_wait3A_130 : memref<1x1x40xi32, #tpu.memory_space<hbm>> -> memref<40xi32, #tpu.memory_space<hbm>>
    %dma_wait3A_132 = arith.constant 0 : i32
    %dma_wait3A_133 = tpu.memref_slice %arg7[%dma_wait3A_125, %dma_wait3A_132] : memref<4x40xi32, #tpu.memory_space<vmem>> -> memref<1x40xi32, #tpu.memory_space<vmem>>
    %dma_wait3A_134 = tpu.memref_squeeze %dma_wait3A_133 : memref<1x40xi32, #tpu.memory_space<vmem>> -> memref<40xi32, #tpu.memory_space<vmem>>
    %dma_wait3A_135 = arith.constant 0 : i32
    %dma_wait3A_136 = tpu.memref_slice %arg3[%add3A, %dma_wait3A, %dma_wait3A_135] : memref<32x250x40xi32, #tpu.memory_space<hbm>> -> memref<1x1x40xi32, #tpu.memory_space<hbm>>
    %dma_wait3A_137 = tpu.memref_squeeze %dma_wait3A_136 : memref<1x1x40xi32, #tpu.memory_space<hbm>> -> memref<40xi32, #tpu.memory_space<hbm>>
    tpu.wait_dma2 semaphore(%arg18 : memref<!tpu.dma_semaphore, #tpu.memory_space<semaphore_mem>>) src(%dma_wait3A_137 : memref<40xi32, #tpu.memory_space<hbm>>) dst(%dma_wait3A_134 : memref<40xi32, #tpu.memory_space<vmem>>)
    %dma_wait3A_138 = arith.constant 0 : i32
    %dma_wait3A_139 = arith.constant 0 : i32
    %dma_wait3A_140 = arith.constant 0 : i32
    %dma_wait3A_141 = tpu.memref_slice %arg8[%dma_wait3A_139, %dma_wait3A_140] : memref<4x40xi32, #tpu.memory_space<vmem>> -> memref<1x40xi32, #tpu.memory_space<vmem>>
    %dma_wait3A_142 = tpu.memref_squeeze %dma_wait3A_141 : memref<1x40xi32, #tpu.memory_space<vmem>> -> memref<40xi32, #tpu.memory_space<vmem>>
    %dma_wait3A_143 = arith.constant 0 : i32
    %dma_wait3A_144 = tpu.memref_slice %arg4[%add3A, %dma_wait3A_138, %dma_wait3A_143] : memref<32x250x40xi32, #tpu.memory_space<hbm>> -> memref<1x1x40xi32, #tpu.memory_space<hbm>>
    %dma_wait3A_145 = tpu.memref_squeeze %dma_wait3A_144 : memref<1x1x40xi32, #tpu.memory_space<hbm>> -> memref<40xi32, #tpu.memory_space<hbm>>
    %dma_wait3A_146 = arith.constant 0 : i32
    %dma_wait3A_147 = tpu.memref_slice %arg8[%dma_wait3A_139, %dma_wait3A_146] : memref<4x40xi32, #tpu.memory_space<vmem>> -> memref<1x40xi32, #tpu.memory_space<vmem>>
    %dma_wait3A_148 = tpu.memref_squeeze %dma_wait3A_147 : memref<1x40xi32, #tpu.memory_space<vmem>> -> memref<40xi32, #tpu.memory_space<vmem>>
    %dma_wait3A_149 = arith.constant 0 : i32
    %dma_wait3A_150 = tpu.memref_slice %arg4[%add3A, %dma_wait3A_138, %dma_wait3A_149] : memref<32x250x40xi32, #tpu.memory_space<hbm>> -> memref<1x1x40xi32, #tpu.memory_space<hbm>>
    %dma_wait3A_151 = tpu.memref_squeeze %dma_wait3A_150 : memref<1x1x40xi32, #tpu.memory_space<hbm>> -> memref<40xi32, #tpu.memory_space<hbm>>
    tpu.wait_dma2 semaphore(%arg22 : memref<!tpu.dma_semaphore, #tpu.memory_space<semaphore_mem>>) src(%dma_wait3A_151 : memref<40xi32, #tpu.memory_space<hbm>>) dst(%dma_wait3A_148 : memref<40xi32, #tpu.memory_space<vmem>>)
    %dma_start3A_152 = arith.constant 0 : i32
    %dma_start3A_153 = arith.constant 0 : i32
    %dma_start3A_154 = arith.constant 0 : i32
    %dma_start3A_155 = arith.constant 0 : i32
    %dma_start3A_156 = tpu.memref_slice %arg9[%dma_start3A_153, %dma_start3A_154, %dma_start3A_155] : memref<2x40x128xi32, #tpu.memory_space<vmem>> -> memref<1x40x128xi32, #tpu.memory_space<vmem>>
    %dma_start3A_157 = tpu.memref_squeeze %dma_start3A_156 : memref<1x40x128xi32, #tpu.memory_space<vmem>> -> memref<40x128xi32, #tpu.memory_space<vmem>>
    %dma_start3A_158 = arith.constant 0 : i32
    %dma_start3A_159 = tpu.memref_slice %arg7[%dma_start3A_152, %dma_start3A_158] : memref<4x40xi32, #tpu.memory_space<vmem>> -> memref<1x40xi32, #tpu.memory_space<vmem>>
    %dma_start3A_160 = tpu.memref_squeeze %dma_start3A_159 : memref<1x40xi32, #tpu.memory_space<vmem>> -> memref<40xi32, #tpu.memory_space<vmem>>
    %dma_start3A_161 = arith.constant 0 : i32
    %dma_start3A_162 = arith.constant 0 : i32
    %dma_start3A_163 = tpu.memref_slice %arg6[%dma_start3A_161, %dma_start3A_162] : memref<10000x128xi32, #tpu.memory_space<vmem_shared>> -> memref<10000x128xi32, #tpu.memory_space<vmem_shared>>
    tpu.enqueue_indirect_dma source(%dma_start3A_163 : memref<10000x128xi32, #tpu.memory_space<vmem_shared>>) target(%dma_start3A_157 : memref<40x128xi32, #tpu.memory_space<vmem>>) offsets(%dma_start3A_160 : memref<40xi32, #tpu.memory_space<vmem>>) semaphore(%arg12 : memref<!tpu.dma_semaphore, #tpu.memory_space<semaphore_mem>>)
    %dma_start3A_164 = arith.constant 0 : i32
    %dma_start3A_165 = arith.constant 0 : i32
    %dma_start3A_166 = arith.constant 0 : i32
    %dma_start3A_167 = arith.constant 0 : i32
    %dma_start3A_168 = tpu.memref_slice %arg10[%dma_start3A_165, %dma_start3A_166, %dma_start3A_167] : memref<2x40x128xi32, #tpu.memory_space<vmem>> -> memref<1x40x128xi32, #tpu.memory_space<vmem>>
    %dma_start3A_169 = tpu.memref_squeeze %dma_start3A_168 : memref<1x40x128xi32, #tpu.memory_space<vmem>> -> memref<40x128xi32, #tpu.memory_space<vmem>>
    %dma_start3A_170 = arith.constant 0 : i32
    %dma_start3A_171 = tpu.memref_slice %arg8[%dma_start3A_164, %dma_start3A_170] : memref<4x40xi32, #tpu.memory_space<vmem>> -> memref<1x40xi32, #tpu.memory_space<vmem>>
    %dma_start3A_172 = tpu.memref_squeeze %dma_start3A_171 : memref<1x40xi32, #tpu.memory_space<vmem>> -> memref<40xi32, #tpu.memory_space<vmem>>
    %dma_start3A_173 = arith.constant 0 : i32
    %dma_start3A_174 = arith.constant 0 : i32
    %dma_start3A_175 = tpu.memref_slice %arg6[%dma_start3A_173, %dma_start3A_174] : memref<10000x128xi32, #tpu.memory_space<vmem_shared>> -> memref<10000x128xi32, #tpu.memory_space<vmem_shared>>
    tpu.enqueue_indirect_dma source(%dma_start3A_175 : memref<10000x128xi32, #tpu.memory_space<vmem_shared>>) target(%dma_start3A_169 : memref<40x128xi32, #tpu.memory_space<vmem>>) offsets(%dma_start3A_172 : memref<40xi32, #tpu.memory_space<vmem>>) semaphore(%arg14 : memref<!tpu.dma_semaphore, #tpu.memory_space<semaphore_mem>>)
    %dma_wait3A_176 = arith.constant 1 : i32
    %dma_wait3A_177 = arith.constant 1 : i32
    %dma_wait3A_178 = arith.constant 0 : i32
    %dma_wait3A_179 = tpu.memref_slice %arg7[%dma_wait3A_177, %dma_wait3A_178] : memref<4x40xi32, #tpu.memory_space<vmem>> -> memref<1x40xi32, #tpu.memory_space<vmem>>
    %dma_wait3A_180 = tpu.memref_squeeze %dma_wait3A_179 : memref<1x40xi32, #tpu.memory_space<vmem>> -> memref<40xi32, #tpu.memory_space<vmem>>
    %dma_wait3A_181 = arith.constant 0 : i32
    %dma_wait3A_182 = tpu.memref_slice %arg3[%add3A, %dma_wait3A_176, %dma_wait3A_181] : memref<32x250x40xi32, #tpu.memory_space<hbm>> -> memref<1x1x40xi32, #tpu.memory_space<hbm>>
    %dma_wait3A_183 = tpu.memref_squeeze %dma_wait3A_182 : memref<1x1x40xi32, #tpu.memory_space<hbm>> -> memref<40xi32, #tpu.memory_space<hbm>>
    %dma_wait3A_184 = arith.constant 0 : i32
    %dma_wait3A_185 = tpu.memref_slice %arg7[%dma_wait3A_177, %dma_wait3A_184] : memref<4x40xi32, #tpu.memory_space<vmem>> -> memref<1x40xi32, #tpu.memory_space<vmem>>
    %dma_wait3A_186 = tpu.memref_squeeze %dma_wait3A_185 : memref<1x40xi32, #tpu.memory_space<vmem>> -> memref<40xi32, #tpu.memory_space<vmem>>
    %dma_wait3A_187 = arith.constant 0 : i32
    %dma_wait3A_188 = tpu.memref_slice %arg3[%add3A, %dma_wait3A_176, %dma_wait3A_187] : memref<32x250x40xi32, #tpu.memory_space<hbm>> -> memref<1x1x40xi32, #tpu.memory_space<hbm>>
    %dma_wait3A_189 = tpu.memref_squeeze %dma_wait3A_188 : memref<1x1x40xi32, #tpu.memory_space<hbm>> -> memref<40xi32, #tpu.memory_space<hbm>>
    tpu.wait_dma2 semaphore(%arg19 : memref<!tpu.dma_semaphore, #tpu.memory_space<semaphore_mem>>) src(%dma_wait3A_189 : memref<40xi32, #tpu.memory_space<hbm>>) dst(%dma_wait3A_186 : memref<40xi32, #tpu.memory_space<vmem>>)
    %dma_wait3A_190 = arith.constant 1 : i32
    %dma_wait3A_191 = arith.constant 1 : i32
    %dma_wait3A_192 = arith.constant 0 : i32
    %dma_wait3A_193 = tpu.memref_slice %arg8[%dma_wait3A_191, %dma_wait3A_192] : memref<4x40xi32, #tpu.memory_space<vmem>> -> memref<1x40xi32, #tpu.memory_space<vmem>>
    %dma_wait3A_194 = tpu.memref_squeeze %dma_wait3A_193 : memref<1x40xi32, #tpu.memory_space<vmem>> -> memref<40xi32, #tpu.memory_space<vmem>>
    %dma_wait3A_195 = arith.constant 0 : i32
    %dma_wait3A_196 = tpu.memref_slice %arg4[%add3A, %dma_wait3A_190, %dma_wait3A_195] : memref<32x250x40xi32, #tpu.memory_space<hbm>> -> memref<1x1x40xi32, #tpu.memory_space<hbm>>
    %dma_wait3A_197 = tpu.memref_squeeze %dma_wait3A_196 : memref<1x1x40xi32, #tpu.memory_space<hbm>> -> memref<40xi32, #tpu.memory_space<hbm>>
    %dma_wait3A_198 = arith.constant 0 : i32
    %dma_wait3A_199 = tpu.memref_slice %arg8[%dma_wait3A_191, %dma_wait3A_198] : memref<4x40xi32, #tpu.memory_space<vmem>> -> memref<1x40xi32, #tpu.memory_space<vmem>>
    %dma_wait3A_200 = tpu.memref_squeeze %dma_wait3A_199 : memref<1x40xi32, #tpu.memory_space<vmem>> -> memref<40xi32, #tpu.memory_space<vmem>>
    %dma_wait3A_201 = arith.constant 0 : i32
    %dma_wait3A_202 = tpu.memref_slice %arg4[%add3A, %dma_wait3A_190, %dma_wait3A_201] : memref<32x250x40xi32, #tpu.memory_space<hbm>> -> memref<1x1x40xi32, #tpu.memory_space<hbm>>
    %dma_wait3A_203 = tpu.memref_squeeze %dma_wait3A_202 : memref<1x1x40xi32, #tpu.memory_space<hbm>> -> memref<40xi32, #tpu.memory_space<hbm>>
    tpu.wait_dma2 semaphore(%arg23 : memref<!tpu.dma_semaphore, #tpu.memory_space<semaphore_mem>>) src(%dma_wait3A_203 : memref<40xi32, #tpu.memory_space<hbm>>) dst(%dma_wait3A_200 : memref<40xi32, #tpu.memory_space<vmem>>)
    %dma_start3A_204 = arith.constant 1 : i32
    %dma_start3A_205 = arith.constant 1 : i32
    %dma_start3A_206 = arith.constant 0 : i32
    %dma_start3A_207 = arith.constant 0 : i32
    %dma_start3A_208 = tpu.memref_slice %arg9[%dma_start3A_205, %dma_start3A_206, %dma_start3A_207] : memref<2x40x128xi32, #tpu.memory_space<vmem>> -> memref<1x40x128xi32, #tpu.memory_space<vmem>>
    %dma_start3A_209 = tpu.memref_squeeze %dma_start3A_208 : memref<1x40x128xi32, #tpu.memory_space<vmem>> -> memref<40x128xi32, #tpu.memory_space<vmem>>
    %dma_start3A_210 = arith.constant 0 : i32
    %dma_start3A_211 = tpu.memref_slice %arg7[%dma_start3A_204, %dma_start3A_210] : memref<4x40xi32, #tpu.memory_space<vmem>> -> memref<1x40xi32, #tpu.memory_space<vmem>>
    %dma_start3A_212 = tpu.memref_squeeze %dma_start3A_211 : memref<1x40xi32, #tpu.memory_space<vmem>> -> memref<40xi32, #tpu.memory_space<vmem>>
    %dma_start3A_213 = arith.constant 0 : i32
    %dma_start3A_214 = arith.constant 0 : i32
    %dma_start3A_215 = tpu.memref_slice %arg6[%dma_start3A_213, %dma_start3A_214] : memref<10000x128xi32, #tpu.memory_space<vmem_shared>> -> memref<10000x128xi32, #tpu.memory_space<vmem_shared>>
    tpu.enqueue_indirect_dma source(%dma_start3A_215 : memref<10000x128xi32, #tpu.memory_space<vmem_shared>>) target(%dma_start3A_209 : memref<40x128xi32, #tpu.memory_space<vmem>>) offsets(%dma_start3A_212 : memref<40xi32, #tpu.memory_space<vmem>>) semaphore(%arg13 : memref<!tpu.dma_semaphore, #tpu.memory_space<semaphore_mem>>)
    %dma_start3A_216 = arith.constant 1 : i32
    %dma_start3A_217 = arith.constant 1 : i32
    %dma_start3A_218 = arith.constant 0 : i32
    %dma_start3A_219 = arith.constant 0 : i32
    %dma_start3A_220 = tpu.memref_slice %arg10[%dma_start3A_217, %dma_start3A_218, %dma_start3A_219] : memref<2x40x128xi32, #tpu.memory_space<vmem>> -> memref<1x40x128xi32, #tpu.memory_space<vmem>>
    %dma_start3A_221 = tpu.memref_squeeze %dma_start3A_220 : memref<1x40x128xi32, #tpu.memory_space<vmem>> -> memref<40x128xi32, #tpu.memory_space<vmem>>
    %dma_start3A_222 = arith.constant 0 : i32
    %dma_start3A_223 = tpu.memref_slice %arg8[%dma_start3A_216, %dma_start3A_222] : memref<4x40xi32, #tpu.memory_space<vmem>> -> memref<1x40xi32, #tpu.memory_space<vmem>>
    %dma_start3A_224 = tpu.memref_squeeze %dma_start3A_223 : memref<1x40xi32, #tpu.memory_space<vmem>> -> memref<40xi32, #tpu.memory_space<vmem>>
    %dma_start3A_225 = arith.constant 0 : i32
    %dma_start3A_226 = arith.constant 0 : i32
    %dma_start3A_227 = tpu.memref_slice %arg6[%dma_start3A_225, %dma_start3A_226] : memref<10000x128xi32, #tpu.memory_space<vmem_shared>> -> memref<10000x128xi32, #tpu.memory_space<vmem_shared>>
    tpu.enqueue_indirect_dma source(%dma_start3A_227 : memref<10000x128xi32, #tpu.memory_space<vmem_shared>>) target(%dma_start3A_221 : memref<40x128xi32, #tpu.memory_space<vmem>>) offsets(%dma_start3A_224 : memref<40xi32, #tpu.memory_space<vmem>>) semaphore(%arg15 : memref<!tpu.dma_semaphore, #tpu.memory_space<semaphore_mem>>)
    %scan3A = arith.constant 0 : i32
    %scan3A_228 = arith.constant 62 : i32
    %scan3A_229 = arith.addi %scan3A, %scan3A_228 : i32
    %scan3A_230 = arith.constant 1 : i32
    scf.for %scan3A_372 = %scan3A to %scan3A_229 step %scan3A_230  : i32 {
      %mul3A_373 = arith.constant 4 : i32
      %mul3A_374 = arith.muli %scan3A_372, %mul3A_373 : i32
      %add3A_375 = arith.constant 0 : i32
      %add3A_376 = arith.addi %add3A_375, %mul3A_374 : i32
      %add3A_377 = arith.constant 0 : i32
      %add3A_378 = arith.addi %add3A_376, %add3A_377 : i32
      %dma_wait3A_379 = arith.constant 0 : i32
      %dma_wait3A_380 = arith.constant 0 : i32
      %dma_wait3A_381 = arith.constant 0 : i32
      %dma_wait3A_382 = arith.constant 0 : i32
      %dma_wait3A_383 = tpu.memref_slice %arg9[%dma_wait3A_380, %dma_wait3A_381, %dma_wait3A_382] : memref<2x40x128xi32, #tpu.memory_space<vmem>> -> memref<1x40x128xi32, #tpu.memory_space<vmem>>
      %dma_wait3A_384 = tpu.memref_squeeze %dma_wait3A_383 : memref<1x40x128xi32, #tpu.memory_space<vmem>> -> memref<40x128xi32, #tpu.memory_space<vmem>>
      %dma_wait3A_385 = arith.constant 0 : i32
      %dma_wait3A_386 = tpu.memref_slice %arg7[%dma_wait3A_379, %dma_wait3A_385] : memref<4x40xi32, #tpu.memory_space<vmem>> -> memref<1x40xi32, #tpu.memory_space<vmem>>
      %dma_wait3A_387 = tpu.memref_squeeze %dma_wait3A_386 : memref<1x40xi32, #tpu.memory_space<vmem>> -> memref<40xi32, #tpu.memory_space<vmem>>
      %dma_wait3A_388 = arith.constant 0 : i32
      %dma_wait3A_389 = arith.constant 0 : i32
      %dma_wait3A_390 = tpu.memref_slice %arg6[%dma_wait3A_388, %dma_wait3A_389] : memref<10000x128xi32, #tpu.memory_space<vmem_shared>> -> memref<10000x128xi32, #tpu.memory_space<vmem_shared>>
      tpu.wait_indirect_dma semaphore(%arg12 : memref<!tpu.dma_semaphore, #tpu.memory_space<semaphore_mem>>) src(%dma_wait3A_390 : memref<10000x128xi32, #tpu.memory_space<vmem_shared>>) dst(%dma_wait3A_384 : memref<40x128xi32, #tpu.memory_space<vmem>>)
      %dma_wait3A_391 = arith.constant 0 : i32
      %dma_wait3A_392 = arith.constant 0 : i32
      %dma_wait3A_393 = arith.constant 0 : i32
      %dma_wait3A_394 = arith.constant 0 : i32
      %dma_wait3A_395 = tpu.memref_slice %arg10[%dma_wait3A_392, %dma_wait3A_393, %dma_wait3A_394] : memref<2x40x128xi32, #tpu.memory_space<vmem>> -> memref<1x40x128xi32, #tpu.memory_space<vmem>>
      %dma_wait3A_396 = tpu.memref_squeeze %dma_wait3A_395 : memref<1x40x128xi32, #tpu.memory_space<vmem>> -> memref<40x128xi32, #tpu.memory_space<vmem>>
      %dma_wait3A_397 = arith.constant 0 : i32
      %dma_wait3A_398 = tpu.memref_slice %arg8[%dma_wait3A_391, %dma_wait3A_397] : memref<4x40xi32, #tpu.memory_space<vmem>> -> memref<1x40xi32, #tpu.memory_space<vmem>>
      %dma_wait3A_399 = tpu.memref_squeeze %dma_wait3A_398 : memref<1x40xi32, #tpu.memory_space<vmem>> -> memref<40xi32, #tpu.memory_space<vmem>>
      %dma_wait3A_400 = arith.constant 0 : i32
      %dma_wait3A_401 = arith.constant 0 : i32
      %dma_wait3A_402 = tpu.memref_slice %arg6[%dma_wait3A_400, %dma_wait3A_401] : memref<10000x128xi32, #tpu.memory_space<vmem_shared>> -> memref<10000x128xi32, #tpu.memory_space<vmem_shared>>
      tpu.wait_indirect_dma semaphore(%arg14 : memref<!tpu.dma_semaphore, #tpu.memory_space<semaphore_mem>>) src(%dma_wait3A_402 : memref<10000x128xi32, #tpu.memory_space<vmem_shared>>) dst(%dma_wait3A_396 : memref<40x128xi32, #tpu.memory_space<vmem>>)
      %ge3A = arith.constant 2 : i32
      %ge3A_403 = arith.cmpi sge, %add3A_378, %ge3A : i32
      %convert_element_type3A_404 = arith.extui %ge3A_403 : i1 to i32
      %cond3A_405 = arith.constant 0 : i32
      %cond3A_406 = arith.cmpi ne, %convert_element_type3A_404, %cond3A_405 : i32
      scf.if %cond3A_406 {
        %dma_wait3A_639 = arith.constant 0 : i32
        %dma_wait3A_640 = arith.constant 0 : i32
        %dma_wait3A_641 = arith.constant 0 : i32
        %dma_wait3A_642 = tpu.memref_slice %arg11[%dma_wait3A_639, %dma_wait3A_640, %dma_wait3A_641] : memref<2x40x64xi32, #tpu.memory_space<vmem>> -> memref<1x40x64xi32, #tpu.memory_space<vmem>>
        %dma_wait3A_643 = tpu.memref_squeeze %dma_wait3A_642 : memref<1x40x64xi32, #tpu.memory_space<vmem>> -> memref<40x64xi32, #tpu.memory_space<vmem>>
        %dma_wait3A_644 = arith.constant 0 : i32
        %dma_wait3A_645 = tpu.memref_slice %arg5[%mul3A_2, %dma_wait3A_644] : memref<320000x64xi32, #tpu.memory_space<hbm>> -> memref<40x64xi32, #tpu.memory_space<hbm>>
        %dma_wait3A_646 = arith.constant 0 : i32
        %dma_wait3A_647 = tpu.memref_slice %arg5[%mul3A_2, %dma_wait3A_646] : memref<320000x64xi32, #tpu.memory_space<hbm>> -> memref<40x64xi32, #tpu.memory_space<hbm>>
        %dma_wait3A_648 = arith.constant 0 : i32
        %dma_wait3A_649 = arith.constant 0 : i32
        %dma_wait3A_650 = tpu.memref_slice %arg11[%dma_wait3A_639, %dma_wait3A_648, %dma_wait3A_649] : memref<2x40x64xi32, #tpu.memory_space<vmem>> -> memref<1x40x64xi32, #tpu.memory_space<vmem>>
        %dma_wait3A_651 = tpu.memref_squeeze %dma_wait3A_650 : memref<1x40x64xi32, #tpu.memory_space<vmem>> -> memref<40x64xi32, #tpu.memory_space<vmem>>
        tpu.wait_dma2 semaphore(%arg16 : memref<!tpu.dma_semaphore, #tpu.memory_space<semaphore_mem>>) src(%dma_wait3A_651 : memref<40x64xi32, #tpu.memory_space<vmem>>) dst(%dma_wait3A_647 : memref<40x64xi32, #tpu.memory_space<hbm>>)
      } else {
      }
      %scan3A_407 = arith.constant 0 : i32
      %scan3A_408 = arith.constant 40 : i32
      %scan3A_409 = arith.addi %scan3A_407, %scan3A_408 : i32
      %scan3A_410 = arith.constant 1 : i32
      scf.for %scan3A_639 = %scan3A_407 to %scan3A_409 step %scan3A_410  : i32 {
        %mul3A_640 = arith.constant 1 : i32
        %mul3A_641 = arith.muli %scan3A_639, %mul3A_640 : i32
        %add3A_642 = arith.constant 0 : i32
        %add3A_643 = arith.addi %add3A_642, %mul3A_641 : i32
        %get3A = arith.constant 0 : i32
        %get3A_644 = arith.index_cast %get3A : i32 to index
        %get3A_645 = arith.index_cast %add3A_643 : i32 to index
        %get3A_646 = arith.constant 0 : index
        %get3A_647 = tpu.vector_load %arg9[%get3A_644, %get3A_645, %get3A_646] {strides = array<i32>} : memref<2x40x128xi32, #tpu.memory_space<vmem>>, vector<1x1x16xi32>,
        %get3A_648 = vector.shape_cast %get3A_647 : vector<1x1x16xi32> to vector<16xi32>
        %shift_left3A = arith.shli %get3A_648, %broadcast_in_dim3A_13 : vector<16xi32>
        %bitcast_convert_type3A = tpu.bitcast %shift_left3A : vector<16xi32> -> vector<16xf32>
        %get3A_649 = arith.constant 0 : i32
        %get3A_650 = arith.index_cast %get3A_649 : i32 to index
        %get3A_651 = arith.index_cast %add3A_643 : i32 to index
        %get3A_652 = arith.constant 0 : index
        %get3A_653 = tpu.vector_load %arg10[%get3A_650, %get3A_651, %get3A_652] {strides = array<i32>} : memref<2x40x128xi32, #tpu.memory_space<vmem>>, vector<1x1x16xi32>,
        %get3A_654 = vector.shape_cast %get3A_653 : vector<1x1x16xi32> to vector<16xi32>
        %and3A = arith.andi %get3A_654, %broadcast_in_dim3A_11 : vector<16xi32>
        %bitcast_convert_type3A_655 = tpu.bitcast %and3A : vector<16xi32> -> vector<16xf32>
        %get3A_656 = arith.constant 0 : i32
        %get3A_657 = arith.index_cast %get3A_656 : i32 to index
        %get3A_658 = arith.index_cast %add3A_643 : i32 to index
        %get3A_659 = arith.constant 64 : index
        %get3A_660 = tpu.vector_load %arg9[%get3A_657, %get3A_658, %get3A_659] {strides = array<i32>} : memref<2x40x128xi32, #tpu.memory_space<vmem>>, vector<1x1x16xi32>,
        %get3A_661 = vector.shape_cast %get3A_660 : vector<1x1x16xi32> to vector<16xi32>
        %shift_left3A_662 = arith.shli %get3A_661, %broadcast_in_dim3A_13 : vector<16xi32>
        %bitcast_convert_type3A_663 = tpu.bitcast %shift_left3A_662 : vector<16xi32> -> vector<16xf32>
        %get3A_664 = arith.constant 0 : i32
        %get3A_665 = arith.index_cast %get3A_664 : i32 to index
        %get3A_666 = arith.index_cast %add3A_643 : i32 to index
        %get3A_667 = arith.constant 64 : index
        %get3A_668 = tpu.vector_load %arg10[%get3A_665, %get3A_666, %get3A_667] {strides = array<i32>} : memref<2x40x128xi32, #tpu.memory_space<vmem>>, vector<1x1x16xi32>,
        %get3A_669 = vector.shape_cast %get3A_668 : vector<1x1x16xi32> to vector<16xi32>
        %and3A_670 = arith.andi %get3A_669, %broadcast_in_dim3A_11 : vector<16xi32>
        %bitcast_convert_type3A_671 = tpu.bitcast %and3A_670 : vector<16xi32> -> vector<16xf32>
        %add3A_672 = arith.addf %bitcast_convert_type3A, %bitcast_convert_type3A_655 : vector<16xf32>
        %bitcast_convert_type3A_673 = tpu.bitcast %add3A_672 : vector<16xf32> -> vector<16xi32>
        %add3A_674 = arith.addi %bitcast_convert_type3A_673, %broadcast_in_dim3A_9 : vector<16xi32>
        %shift_right_logical3A = arith.shrui %add3A_674, %broadcast_in_dim3A_13 : vector<16xi32>
        %add3A_675 = arith.addf %bitcast_convert_type3A_663, %bitcast_convert_type3A_671 : vector<16xf32>
        %bitcast_convert_type3A_676 = tpu.bitcast %add3A_675 : vector<16xf32> -> vector<16xi32>
        %add3A_677 = arith.addi %bitcast_convert_type3A_676, %broadcast_in_dim3A_9 : vector<16xi32>
        %shift_right_logical3A_678 = arith.shrui %add3A_677, %broadcast_in_dim3A_13 : vector<16xi32>
        %shift_left3A_679 = arith.shli %shift_right_logical3A_678, %broadcast_in_dim3A_13 : vector<16xi32>
        %or3A = arith.ori %shift_right_logical3A, %shift_left3A_679 : vector<16xi32>
        %swap3A = arith.constant 0 : i32
        %swap3A_680 = arith.index_cast %swap3A : i32 to index
        %swap3A_681 = arith.index_cast %add3A_643 : i32 to index
        %swap3A_682 = arith.constant 0 : index
        %swap3A_683 = tpu.vector_load %arg11[%swap3A_680, %swap3A_681, %swap3A_682] {strides = array<i32>} : memref<2x40x64xi32, #tpu.memory_space<vmem>>, vector<1x1x16xi32>,
        %swap3A_684 = vector.shape_cast %swap3A_683 : vector<1x1x16xi32> to vector<16xi32>
        %swap3A_685 = vector.shape_cast %or3A : vector<16xi32> to vector<1x1x16xi32>
        tpu.vector_store %arg11[%swap3A_680, %swap3A_681, %swap3A_682], %swap3A_685 {strides = array<i32>} : memref<2x40x64xi32, #tpu.memory_space<vmem>>, vector<1x1x16xi32>,
        %get3A_686 = arith.constant 0 : i32
        %get3A_687 = arith.index_cast %get3A_686 : i32 to index
        %get3A_688 = arith.index_cast %add3A_643 : i32 to index
        %get3A_689 = arith.constant 16 : index
        %get3A_690 = tpu.vector_load %arg9[%get3A_687, %get3A_688, %get3A_689] {strides = array<i32>} : memref<2x40x128xi32, #tpu.memory_space<vmem>>, vector<1x1x16xi32>,
        %get3A_691 = vector.shape_cast %get3A_690 : vector<1x1x16xi32> to vector<16xi32>
        %shift_left3A_692 = arith.shli %get3A_691, %broadcast_in_dim3A_13 : vector<16xi32>
        %bitcast_convert_type3A_693 = tpu.bitcast %shift_left3A_692 : vector<16xi32> -> vector<16xf32>
        %get3A_694 = arith.constant 0 : i32
        %get3A_695 = arith.index_cast %get3A_694 : i32 to index
        %get3A_696 = arith.index_cast %add3A_643 : i32 to index
        %get3A_697 = arith.constant 16 : index
        %get3A_698 = tpu.vector_load %arg10[%get3A_695, %get3A_696, %get3A_697] {strides = array<i32>} : memref<2x40x128xi32, #tpu.memory_space<vmem>>, vector<1x1x16xi32>,
        %get3A_699 = vector.shape_cast %get3A_698 : vector<1x1x16xi32> to vector<16xi32>
        %and3A_700 = arith.andi %get3A_699, %broadcast_in_dim3A_11 : vector<16xi32>
        %bitcast_convert_type3A_701 = tpu.bitcast %and3A_700 : vector<16xi32> -> vector<16xf32>
        %get3A_702 = arith.constant 0 : i32
        %get3A_703 = arith.index_cast %get3A_702 : i32 to index
        %get3A_704 = arith.index_cast %add3A_643 : i32 to index
        %get3A_705 = arith.constant 80 : index
        %get3A_706 = tpu.vector_load %arg9[%get3A_703, %get3A_704, %get3A_705] {strides = array<i32>} : memref<2x40x128xi32, #tpu.memory_space<vmem>>, vector<1x1x16xi32>,
        %get3A_707 = vector.shape_cast %get3A_706 : vector<1x1x16xi32> to vector<16xi32>
        %shift_left3A_708 = arith.shli %get3A_707, %broadcast_in_dim3A_13 : vector<16xi32>
        %bitcast_convert_type3A_709 = tpu.bitcast %shift_left3A_708 : vector<16xi32> -> vector<16xf32>
        %get3A_710 = arith.constant 0 : i32
        %get3A_711 = arith.index_cast %get3A_710 : i32 to index
        %get3A_712 = arith.index_cast %add3A_643 : i32 to index
        %get3A_713 = arith.constant 80 : index
        %get3A_714 = tpu.vector_load %arg10[%get3A_711, %get3A_712, %get3A_713] {strides = array<i32>} : memref<2x40x128xi32, #tpu.memory_space<vmem>>, vector<1x1x16xi32>,
        %get3A_715 = vector.shape_cast %get3A_714 : vector<1x1x16xi32> to vector<16xi32>
        %and3A_716 = arith.andi %get3A_715, %broadcast_in_dim3A_11 : vector<16xi32>
        %bitcast_convert_type3A_717 = tpu.bitcast %and3A_716 : vector<16xi32> -> vector<16xf32>
        %add3A_718 = arith.addf %bitcast_convert_type3A_693, %bitcast_convert_type3A_701 : vector<16xf32>
        %bitcast_convert_type3A_719 = tpu.bitcast %add3A_718 : vector<16xf32> -> vector<16xi32>
        %add3A_720 = arith.addi %bitcast_convert_type3A_719, %broadcast_in_dim3A_9 : vector<16xi32>
        %shift_right_logical3A_721 = arith.shrui %add3A_720, %broadcast_in_dim3A_13 : vector<16xi32>
        %add3A_722 = arith.addf %bitcast_convert_type3A_709, %bitcast_convert_type3A_717 : vector<16xf32>
        %bitcast_convert_type3A_723 = tpu.bitcast %add3A_722 : vector<16xf32> -> vector<16xi32>
        %add3A_724 = arith.addi %bitcast_convert_type3A_723, %broadcast_in_dim3A_9 : vector<16xi32>
        %shift_right_logical3A_725 = arith.shrui %add3A_724, %broadcast_in_dim3A_13 : vector<16xi32>
        %shift_left3A_726 = arith.shli %shift_right_logical3A_725, %broadcast_in_dim3A_13 : vector<16xi32>
        %or3A_727 = arith.ori %shift_right_logical3A_721, %shift_left3A_726 : vector<16xi32>
        %swap3A_728 = arith.constant 0 : i32
        %swap3A_729 = arith.index_cast %swap3A_728 : i32 to index
        %swap3A_730 = arith.index_cast %add3A_643 : i32 to index
        %swap3A_731 = arith.constant 16 : index
        %swap3A_732 = tpu.vector_load %arg11[%swap3A_729, %swap3A_730, %swap3A_731] {strides = array<i32>} : memref<2x40x64xi32, #tpu.memory_space<vmem>>, vector<1x1x16xi32>,
        %swap3A_733 = vector.shape_cast %swap3A_732 : vector<1x1x16xi32> to vector<16xi32>
        %swap3A_734 = vector.shape_cast %or3A_727 : vector<16xi32> to vector<1x1x16xi32>
        tpu.vector_store %arg11[%swap3A_729, %swap3A_730, %swap3A_731], %swap3A_734 {strides = array<i32>} : memref<2x40x64xi32, #tpu.memory_space<vmem>>, vector<1x1x16xi32>,
        %get3A_735 = arith.constant 0 : i32
        %get3A_736 = arith.index_cast %get3A_735 : i32 to index
        %get3A_737 = arith.index_cast %add3A_643 : i32 to index
        %get3A_738 = arith.constant 32 : index
        %get3A_739 = tpu.vector_load %arg9[%get3A_736, %get3A_737, %get3A_738] {strides = array<i32>} : memref<2x40x128xi32, #tpu.memory_space<vmem>>, vector<1x1x16xi32>,
        %get3A_740 = vector.shape_cast %get3A_739 : vector<1x1x16xi32> to vector<16xi32>
        %shift_left3A_741 = arith.shli %get3A_740, %broadcast_in_dim3A_13 : vector<16xi32>
        %bitcast_convert_type3A_742 = tpu.bitcast %shift_left3A_741 : vector<16xi32> -> vector<16xf32>
        %get3A_743 = arith.constant 0 : i32
        %get3A_744 = arith.index_cast %get3A_743 : i32 to index
        %get3A_745 = arith.index_cast %add3A_643 : i32 to index
        %get3A_746 = arith.constant 32 : index
        %get3A_747 = tpu.vector_load %arg10[%get3A_744, %get3A_745, %get3A_746] {strides = array<i32>} : memref<2x40x128xi32, #tpu.memory_space<vmem>>, vector<1x1x16xi32>,
        %get3A_748 = vector.shape_cast %get3A_747 : vector<1x1x16xi32> to vector<16xi32>
        %and3A_749 = arith.andi %get3A_748, %broadcast_in_dim3A_11 : vector<16xi32>
        %bitcast_convert_type3A_750 = tpu.bitcast %and3A_749 : vector<16xi32> -> vector<16xf32>
        %get3A_751 = arith.constant 0 : i32
        %get3A_752 = arith.index_cast %get3A_751 : i32 to index
        %get3A_753 = arith.index_cast %add3A_643 : i32 to index
        %get3A_754 = arith.constant 96 : index
        %get3A_755 = tpu.vector_load %arg9[%get3A_752, %get3A_753, %get3A_754] {strides = array<i32>} : memref<2x40x128xi32, #tpu.memory_space<vmem>>, vector<1x1x16xi32>,
        %get3A_756 = vector.shape_cast %get3A_755 : vector<1x1x16xi32> to vector<16xi32>
        %shift_left3A_757 = arith.shli %get3A_756, %broadcast_in_dim3A_13 : vector<16xi32>
        %bitcast_convert_type3A_758 = tpu.bitcast %shift_left3A_757 : vector<16xi32> -> vector<16xf32>
        %get3A_759 = arith.constant 0 : i32
        %get3A_760 = arith.index_cast %get3A_759 : i32 to index
        %get3A_761 = arith.index_cast %add3A_643 : i32 to index
        %get3A_762 = arith.constant 96 : index
        %get3A_763 = tpu.vector_load %arg10[%get3A_760, %get3A_761, %get3A_762] {strides = array<i32>} : memref<2x40x128xi32, #tpu.memory_space<vmem>>, vector<1x1x16xi32>,
        %get3A_764 = vector.shape_cast %get3A_763 : vector<1x1x16xi32> to vector<16xi32>
        %and3A_765 = arith.andi %get3A_764, %broadcast_in_dim3A_11 : vector<16xi32>
        %bitcast_convert_type3A_766 = tpu.bitcast %and3A_765 : vector<16xi32> -> vector<16xf32>
        %add3A_767 = arith.addf %bitcast_convert_type3A_742, %bitcast_convert_type3A_750 : vector<16xf32>
        %bitcast_convert_type3A_768 = tpu.bitcast %add3A_767 : vector<16xf32> -> vector<16xi32>
        %add3A_769 = arith.addi %bitcast_convert_type3A_768, %broadcast_in_dim3A_9 : vector<16xi32>
        %shift_right_logical3A_770 = arith.shrui %add3A_769, %broadcast_in_dim3A_13 : vector<16xi32>
        %add3A_771 = arith.addf %bitcast_convert_type3A_758, %bitcast_convert_type3A_766 : vector<16xf32>
        %bitcast_convert_type3A_772 = tpu.bitcast %add3A_771 : vector<16xf32> -> vector<16xi32>
        %add3A_773 = arith.addi %bitcast_convert_type3A_772, %broadcast_in_dim3A_9 : vector<16xi32>
        %shift_right_logical3A_774 = arith.shrui %add3A_773, %broadcast_in_dim3A_13 : vector<16xi32>
        %shift_left3A_775 = arith.shli %shift_right_logical3A_774, %broadcast_in_dim3A_13 : vector<16xi32>
        %or3A_776 = arith.ori %shift_right_logical3A_770, %shift_left3A_775 : vector<16xi32>
        %swap3A_777 = arith.constant 0 : i32
        %swap3A_778 = arith.index_cast %swap3A_777 : i32 to index
        %swap3A_779 = arith.index_cast %add3A_643 : i32 to index
        %swap3A_780 = arith.constant 32 : index
        %swap3A_781 = tpu.vector_load %arg11[%swap3A_778, %swap3A_779, %swap3A_780] {strides = array<i32>} : memref<2x40x64xi32, #tpu.memory_space<vmem>>, vector<1x1x16xi32>,
        %swap3A_782 = vector.shape_cast %swap3A_781 : vector<1x1x16xi32> to vector<16xi32>
        %swap3A_783 = vector.shape_cast %or3A_776 : vector<16xi32> to vector<1x1x16xi32>
        tpu.vector_store %arg11[%swap3A_778, %swap3A_779, %swap3A_780], %swap3A_783 {strides = array<i32>} : memref<2x40x64xi32, #tpu.memory_space<vmem>>, vector<1x1x16xi32>,
        %get3A_784 = arith.constant 0 : i32
        %get3A_785 = arith.index_cast %get3A_784 : i32 to index
        %get3A_786 = arith.index_cast %add3A_643 : i32 to index
        %get3A_787 = arith.constant 48 : index
        %get3A_788 = tpu.vector_load %arg9[%get3A_785, %get3A_786, %get3A_787] {strides = array<i32>} : memref<2x40x128xi32, #tpu.memory_space<vmem>>, vector<1x1x16xi32>,
        %get3A_789 = vector.shape_cast %get3A_788 : vector<1x1x16xi32> to vector<16xi32>
        %shift_left3A_790 = arith.shli %get3A_789, %broadcast_in_dim3A_13 : vector<16xi32>
        %bitcast_convert_type3A_791 = tpu.bitcast %shift_left3A_790 : vector<16xi32> -> vector<16xf32>
        %get3A_792 = arith.constant 0 : i32
        %get3A_793 = arith.index_cast %get3A_792 : i32 to index
        %get3A_794 = arith.index_cast %add3A_643 : i32 to index
        %get3A_795 = arith.constant 48 : index
        %get3A_796 = tpu.vector_load %arg10[%get3A_793, %get3A_794, %get3A_795] {strides = array<i32>} : memref<2x40x128xi32, #tpu.memory_space<vmem>>, vector<1x1x16xi32>,
        %get3A_797 = vector.shape_cast %get3A_796 : vector<1x1x16xi32> to vector<16xi32>
        %and3A_798 = arith.andi %get3A_797, %broadcast_in_dim3A_11 : vector<16xi32>
        %bitcast_convert_type3A_799 = tpu.bitcast %and3A_798 : vector<16xi32> -> vector<16xf32>
        %get3A_800 = arith.constant 0 : i32
        %get3A_801 = arith.index_cast %get3A_800 : i32 to index
        %get3A_802 = arith.index_cast %add3A_643 : i32 to index
        %get3A_803 = arith.constant 112 : index
        %get3A_804 = tpu.vector_load %arg9[%get3A_801, %get3A_802, %get3A_803] {strides = array<i32>} : memref<2x40x128xi32, #tpu.memory_space<vmem>>, vector<1x1x16xi32>,
        %get3A_805 = vector.shape_cast %get3A_804 : vector<1x1x16xi32> to vector<16xi32>
        %shift_left3A_806 = arith.shli %get3A_805, %broadcast_in_dim3A_13 : vector<16xi32>
        %bitcast_convert_type3A_807 = tpu.bitcast %shift_left3A_806 : vector<16xi32> -> vector<16xf32>
        %get3A_808 = arith.constant 0 : i32
        %get3A_809 = arith.index_cast %get3A_808 : i32 to index
        %get3A_810 = arith.index_cast %add3A_643 : i32 to index
        %get3A_811 = arith.constant 112 : index
        %get3A_812 = tpu.vector_load %arg10[%get3A_809, %get3A_810, %get3A_811] {strides = array<i32>} : memref<2x40x128xi32, #tpu.memory_space<vmem>>, vector<1x1x16xi32>,
        %get3A_813 = vector.shape_cast %get3A_812 : vector<1x1x16xi32> to vector<16xi32>
        %and3A_814 = arith.andi %get3A_813, %broadcast_in_dim3A_11 : vector<16xi32>
        %bitcast_convert_type3A_815 = tpu.bitcast %and3A_814 : vector<16xi32> -> vector<16xf32>
        %add3A_816 = arith.addf %bitcast_convert_type3A_791, %bitcast_convert_type3A_799 : vector<16xf32>
        %bitcast_convert_type3A_817 = tpu.bitcast %add3A_816 : vector<16xf32> -> vector<16xi32>
        %add3A_818 = arith.addi %bitcast_convert_type3A_817, %broadcast_in_dim3A_9 : vector<16xi32>
        %shift_right_logical3A_819 = arith.shrui %add3A_818, %broadcast_in_dim3A_13 : vector<16xi32>
        %add3A_820 = arith.addf %bitcast_convert_type3A_807, %bitcast_convert_type3A_815 : vector<16xf32>
        %bitcast_convert_type3A_821 = tpu.bitcast %add3A_820 : vector<16xf32> -> vector<16xi32>
        %add3A_822 = arith.addi %bitcast_convert_type3A_821, %broadcast_in_dim3A_9 : vector<16xi32>
        %shift_right_logical3A_823 = arith.shrui %add3A_822, %broadcast_in_dim3A_13 : vector<16xi32>
        %shift_left3A_824 = arith.shli %shift_right_logical3A_823, %broadcast_in_dim3A_13 : vector<16xi32>
        %or3A_825 = arith.ori %shift_right_logical3A_819, %shift_left3A_824 : vector<16xi32>
        %swap3A_826 = arith.constant 0 : i32
        %swap3A_827 = arith.index_cast %swap3A_826 : i32 to index
        %swap3A_828 = arith.index_cast %add3A_643 : i32 to index
        %swap3A_829 = arith.constant 48 : index
        %swap3A_830 = tpu.vector_load %arg11[%swap3A_827, %swap3A_828, %swap3A_829] {strides = array<i32>} : memref<2x40x64xi32, #tpu.memory_space<vmem>>, vector<1x1x16xi32>,
        %swap3A_831 = vector.shape_cast %swap3A_830 : vector<1x1x16xi32> to vector<16xi32>
        %swap3A_832 = vector.shape_cast %or3A_825 : vector<16xi32> to vector<1x1x16xi32>
        tpu.vector_store %arg11[%swap3A_827, %swap3A_828, %swap3A_829], %swap3A_832 {strides = array<i32>} : memref<2x40x64xi32, #tpu.memory_space<vmem>>, vector<1x1x16xi32>,
      }
      %scan3A_411 = arith.constant 40 : i32
      %mul3A_412 = arith.constant 40 : i32
      %mul3A_413 = arith.muli %add3A_378, %mul3A_412 : i32
      %add3A_414 = arith.addi %mul3A_2, %mul3A_413 : i32
      %dma_start3A_415 = arith.constant 0 : i32
      %dma_start3A_416 = arith.constant 0 : i32
      %dma_start3A_417 = arith.constant 0 : i32
      %dma_start3A_418 = tpu.memref_slice %arg11[%dma_start3A_415, %dma_start3A_416, %dma_start3A_417] : memref<2x40x64xi32, #tpu.memory_space<vmem>> -> memref<1x40x64xi32, #tpu.memory_space<vmem>>
      %dma_start3A_419 = tpu.memref_squeeze %dma_start3A_418 : memref<1x40x64xi32, #tpu.memory_space<vmem>> -> memref<40x64xi32, #tpu.memory_space<vmem>>
      %dma_start3A_420 = arith.constant 0 : i32
      %dma_start3A_421 = tpu.memref_slice %arg5[%add3A_414, %dma_start3A_420] : memref<320000x64xi32, #tpu.memory_space<hbm>> -> memref<40x64xi32, #tpu.memory_space<hbm>>
      %dma_start3A_422 = arith.constant 0 : i32
      %dma_start3A_423 = tpu.memref_slice %arg5[%add3A_414, %dma_start3A_422] : memref<320000x64xi32, #tpu.memory_space<hbm>> -> memref<40x64xi32, #tpu.memory_space<hbm>>
      %dma_start3A_424 = arith.constant 0 : i32
      %dma_start3A_425 = arith.constant 0 : i32
      %dma_start3A_426 = tpu.memref_slice %arg11[%dma_start3A_415, %dma_start3A_424, %dma_start3A_425] : memref<2x40x64xi32, #tpu.memory_space<vmem>> -> memref<1x40x64xi32, #tpu.memory_space<vmem>>
      %dma_start3A_427 = tpu.memref_squeeze %dma_start3A_426 : memref<1x40x64xi32, #tpu.memory_space<vmem>> -> memref<40x64xi32, #tpu.memory_space<vmem>>
      tpu.enqueue_dma source(%dma_start3A_427 : memref<40x64xi32, #tpu.memory_space<vmem>>) target(%dma_start3A_423 : memref<40x64xi32, #tpu.memory_space<hbm>>) target_semaphore(%arg16 : memref<!tpu.dma_semaphore, #tpu.memory_space<semaphore_mem>>)
      %add3A_428 = arith.constant 2 : i32
      %add3A_429 = arith.addi %add3A_378, %add3A_428 : i32
      %lt3A = arith.constant 250 : i32
      %lt3A_430 = arith.cmpi slt, %add3A_429, %lt3A : i32
      %convert_element_type3A_431 = arith.extui %lt3A_430 : i1 to i32
      %cond3A_432 = arith.constant 0 : i32
      %cond3A_433 = arith.cmpi ne, %convert_element_type3A_431, %cond3A_432 : i32
      scf.if %cond3A_433 {
        %dma_wait3A_639 = arith.constant 2 : i32
        %dma_wait3A_640 = arith.constant 0 : i32
        %dma_wait3A_641 = tpu.memref_slice %arg7[%dma_wait3A_639, %dma_wait3A_640] : memref<4x40xi32, #tpu.memory_space<vmem>> -> memref<1x40xi32, #tpu.memory_space<vmem>>
        %dma_wait3A_642 = tpu.memref_squeeze %dma_wait3A_641 : memref<1x40xi32, #tpu.memory_space<vmem>> -> memref<40xi32, #tpu.memory_space<vmem>>
        %dma_wait3A_643 = arith.constant 0 : i32
        %dma_wait3A_644 = tpu.memref_slice %arg3[%add3A, %add3A_429, %dma_wait3A_643] : memref<32x250x40xi32, #tpu.memory_space<hbm>> -> memref<1x1x40xi32, #tpu.memory_space<hbm>>
        %dma_wait3A_645 = tpu.memref_squeeze %dma_wait3A_644 : memref<1x1x40xi32, #tpu.memory_space<hbm>> -> memref<40xi32, #tpu.memory_space<hbm>>
        %dma_wait3A_646 = arith.constant 0 : i32
        %dma_wait3A_647 = tpu.memref_slice %arg7[%dma_wait3A_639, %dma_wait3A_646] : memref<4x40xi32, #tpu.memory_space<vmem>> -> memref<1x40xi32, #tpu.memory_space<vmem>>
        %dma_wait3A_648 = tpu.memref_squeeze %dma_wait3A_647 : memref<1x40xi32, #tpu.memory_space<vmem>> -> memref<40xi32, #tpu.memory_space<vmem>>
        %dma_wait3A_649 = arith.constant 0 : i32
        %dma_wait3A_650 = tpu.memref_slice %arg3[%add3A, %add3A_429, %dma_wait3A_649] : memref<32x250x40xi32, #tpu.memory_space<hbm>> -> memref<1x1x40xi32, #tpu.memory_space<hbm>>
        %dma_wait3A_651 = tpu.memref_squeeze %dma_wait3A_650 : memref<1x1x40xi32, #tpu.memory_space<hbm>> -> memref<40xi32, #tpu.memory_space<hbm>>
        tpu.wait_dma2 semaphore(%arg20 : memref<!tpu.dma_semaphore, #tpu.memory_space<semaphore_mem>>) src(%dma_wait3A_651 : memref<40xi32, #tpu.memory_space<hbm>>) dst(%dma_wait3A_648 : memref<40xi32, #tpu.memory_space<vmem>>)
        %dma_wait3A_652 = arith.constant 2 : i32
        %dma_wait3A_653 = arith.constant 0 : i32
        %dma_wait3A_654 = tpu.memref_slice %arg8[%dma_wait3A_652, %dma_wait3A_653] : memref<4x40xi32, #tpu.memory_space<vmem>> -> memref<1x40xi32, #tpu.memory_space<vmem>>
        %dma_wait3A_655 = tpu.memref_squeeze %dma_wait3A_654 : memref<1x40xi32, #tpu.memory_space<vmem>> -> memref<40xi32, #tpu.memory_space<vmem>>
        %dma_wait3A_656 = arith.constant 0 : i32
        %dma_wait3A_657 = tpu.memref_slice %arg4[%add3A, %add3A_429, %dma_wait3A_656] : memref<32x250x40xi32, #tpu.memory_space<hbm>> -> memref<1x1x40xi32, #tpu.memory_space<hbm>>
        %dma_wait3A_658 = tpu.memref_squeeze %dma_wait3A_657 : memref<1x1x40xi32, #tpu.memory_space<hbm>> -> memref<40xi32, #tpu.memory_space<hbm>>
        %dma_wait3A_659 = arith.constant 0 : i32
        %dma_wait3A_660 = tpu.memref_slice %arg8[%dma_wait3A_652, %dma_wait3A_659] : memref<4x40xi32, #tpu.memory_space<vmem>> -> memref<1x40xi32, #tpu.memory_space<vmem>>
        %dma_wait3A_661 = tpu.memref_squeeze %dma_wait3A_660 : memref<1x40xi32, #tpu.memory_space<vmem>> -> memref<40xi32, #tpu.memory_space<vmem>>
        %dma_wait3A_662 = arith.constant 0 : i32
        %dma_wait3A_663 = tpu.memref_slice %arg4[%add3A, %add3A_429, %dma_wait3A_662] : memref<32x250x40xi32, #tpu.memory_space<hbm>> -> memref<1x1x40xi32, #tpu.memory_space<hbm>>
        %dma_wait3A_664 = tpu.memref_squeeze %dma_wait3A_663 : memref<1x1x40xi32, #tpu.memory_space<hbm>> -> memref<40xi32, #tpu.memory_space<hbm>>
        tpu.wait_dma2 semaphore(%arg24 : memref<!tpu.dma_semaphore, #tpu.memory_space<semaphore_mem>>) src(%dma_wait3A_664 : memref<40xi32, #tpu.memory_space<hbm>>) dst(%dma_wait3A_661 : memref<40xi32, #tpu.memory_space<vmem>>)
        %dma_start3A_665 = arith.constant 2 : i32
        %dma_start3A_666 = arith.constant 0 : i32
        %dma_start3A_667 = arith.constant 0 : i32
        %dma_start3A_668 = arith.constant 0 : i32
        %dma_start3A_669 = tpu.memref_slice %arg9[%dma_start3A_666, %dma_start3A_667, %dma_start3A_668] : memref<2x40x128xi32, #tpu.memory_space<vmem>> -> memref<1x40x128xi32, #tpu.memory_space<vmem>>
        %dma_start3A_670 = tpu.memref_squeeze %dma_start3A_669 : memref<1x40x128xi32, #tpu.memory_space<vmem>> -> memref<40x128xi32, #tpu.memory_space<vmem>>
        %dma_start3A_671 = arith.constant 0 : i32
        %dma_start3A_672 = tpu.memref_slice %arg7[%dma_start3A_665, %dma_start3A_671] : memref<4x40xi32, #tpu.memory_space<vmem>> -> memref<1x40xi32, #tpu.memory_space<vmem>>
        %dma_start3A_673 = tpu.memref_squeeze %dma_start3A_672 : memref<1x40xi32, #tpu.memory_space<vmem>> -> memref<40xi32, #tpu.memory_space<vmem>>
        %dma_start3A_674 = arith.constant 0 : i32
        %dma_start3A_675 = arith.constant 0 : i32
        %dma_start3A_676 = tpu.memref_slice %arg6[%dma_start3A_674, %dma_start3A_675] : memref<10000x128xi32, #tpu.memory_space<vmem_shared>> -> memref<10000x128xi32, #tpu.memory_space<vmem_shared>>
        tpu.enqueue_indirect_dma source(%dma_start3A_676 : memref<10000x128xi32, #tpu.memory_space<vmem_shared>>) target(%dma_start3A_670 : memref<40x128xi32, #tpu.memory_space<vmem>>) offsets(%dma_start3A_673 : memref<40xi32, #tpu.memory_space<vmem>>) semaphore(%arg12 : memref<!tpu.dma_semaphore, #tpu.memory_space<semaphore_mem>>)
        %dma_start3A_677 = arith.constant 2 : i32
        %dma_start3A_678 = arith.constant 0 : i32
        %dma_start3A_679 = arith.constant 0 : i32
        %dma_start3A_680 = arith.constant 0 : i32
        %dma_start3A_681 = tpu.memref_slice %arg10[%dma_start3A_678, %dma_start3A_679, %dma_start3A_680] : memref<2x40x128xi32, #tpu.memory_space<vmem>> -> memref<1x40x128xi32, #tpu.memory_space<vmem>>
        %dma_start3A_682 = tpu.memref_squeeze %dma_start3A_681 : memref<1x40x128xi32, #tpu.memory_space<vmem>> -> memref<40x128xi32, #tpu.memory_space<vmem>>
        %dma_start3A_683 = arith.constant 0 : i32
        %dma_start3A_684 = tpu.memref_slice %arg8[%dma_start3A_677, %dma_start3A_683] : memref<4x40xi32, #tpu.memory_space<vmem>> -> memref<1x40xi32, #tpu.memory_space<vmem>>
        %dma_start3A_685 = tpu.memref_squeeze %dma_start3A_684 : memref<1x40xi32, #tpu.memory_space<vmem>> -> memref<40xi32, #tpu.memory_space<vmem>>
        %dma_start3A_686 = arith.constant 0 : i32
        %dma_start3A_687 = arith.constant 0 : i32
        %dma_start3A_688 = tpu.memref_slice %arg6[%dma_start3A_686, %dma_start3A_687] : memref<10000x128xi32, #tpu.memory_space<vmem_shared>> -> memref<10000x128xi32, #tpu.memory_space<vmem_shared>>
        tpu.enqueue_indirect_dma source(%dma_start3A_688 : memref<10000x128xi32, #tpu.memory_space<vmem_shared>>) target(%dma_start3A_682 : memref<40x128xi32, #tpu.memory_space<vmem>>) offsets(%dma_start3A_685 : memref<40xi32, #tpu.memory_space<vmem>>) semaphore(%arg14 : memref<!tpu.dma_semaphore, #tpu.memory_space<semaphore_mem>>)
      } else {
      }
      %add3A_434 = arith.constant 4 : i32
      %add3A_435 = arith.addi %add3A_378, %add3A_434 : i32
      %lt3A_436 = arith.constant 250 : i32
      %lt3A_437 = arith.cmpi slt, %add3A_435, %lt3A_436 : i32
      %convert_element_type3A_438 = arith.extui %lt3A_437 : i1 to i32
      %cond3A_439 = arith.constant 0 : i32
      %cond3A_440 = arith.cmpi ne, %convert_element_type3A_438, %cond3A_439 : i32
      scf.if %cond3A_440 {
        %dma_start3A_639 = arith.constant 0 : i32
        %dma_start3A_640 = arith.constant 0 : i32
        %dma_start3A_641 = tpu.memref_slice %arg7[%dma_start3A_639, %dma_start3A_640] : memref<4x40xi32, #tpu.memory_space<vmem>> -> memref<1x40xi32, #tpu.memory_space<vmem>>
        %dma_start3A_642 = tpu.memref_squeeze %dma_start3A_641 : memref<1x40xi32, #tpu.memory_space<vmem>> -> memref<40xi32, #tpu.memory_space<vmem>>
        %dma_start3A_643 = arith.constant 0 : i32
        %dma_start3A_644 = tpu.memref_slice %arg3[%add3A, %add3A_435, %dma_start3A_643] : memref<32x250x40xi32, #tpu.memory_space<hbm>> -> memref<1x1x40xi32, #tpu.memory_space<hbm>>
        %dma_start3A_645 = tpu.memref_squeeze %dma_start3A_644 : memref<1x1x40xi32, #tpu.memory_space<hbm>> -> memref<40xi32, #tpu.memory_space<hbm>>
        %dma_start3A_646 = arith.constant 0 : i32
        %dma_start3A_647 = tpu.memref_slice %arg7[%dma_start3A_639, %dma_start3A_646] : memref<4x40xi32, #tpu.memory_space<vmem>> -> memref<1x40xi32, #tpu.memory_space<vmem>>
        %dma_start3A_648 = tpu.memref_squeeze %dma_start3A_647 : memref<1x40xi32, #tpu.memory_space<vmem>> -> memref<40xi32, #tpu.memory_space<vmem>>
        %dma_start3A_649 = arith.constant 0 : i32
        %dma_start3A_650 = tpu.memref_slice %arg3[%add3A, %add3A_435, %dma_start3A_649] : memref<32x250x40xi32, #tpu.memory_space<hbm>> -> memref<1x1x40xi32, #tpu.memory_space<hbm>>
        %dma_start3A_651 = tpu.memref_squeeze %dma_start3A_650 : memref<1x1x40xi32, #tpu.memory_space<hbm>> -> memref<40xi32, #tpu.memory_space<hbm>>
        tpu.enqueue_dma source(%dma_start3A_651 : memref<40xi32, #tpu.memory_space<hbm>>) target(%dma_start3A_648 : memref<40xi32, #tpu.memory_space<vmem>>) target_semaphore(%arg18 : memref<!tpu.dma_semaphore, #tpu.memory_space<semaphore_mem>>)
        %dma_start3A_652 = arith.constant 0 : i32
        %dma_start3A_653 = arith.constant 0 : i32
        %dma_start3A_654 = tpu.memref_slice %arg8[%dma_start3A_652, %dma_start3A_653] : memref<4x40xi32, #tpu.memory_space<vmem>> -> memref<1x40xi32, #tpu.memory_space<vmem>>
        %dma_start3A_655 = tpu.memref_squeeze %dma_start3A_654 : memref<1x40xi32, #tpu.memory_space<vmem>> -> memref<40xi32, #tpu.memory_space<vmem>>
        %dma_start3A_656 = arith.constant 0 : i32
        %dma_start3A_657 = tpu.memref_slice %arg4[%add3A, %add3A_435, %dma_start3A_656] : memref<32x250x40xi32, #tpu.memory_space<hbm>> -> memref<1x1x40xi32, #tpu.memory_space<hbm>>
        %dma_start3A_658 = tpu.memref_squeeze %dma_start3A_657 : memref<1x1x40xi32, #tpu.memory_space<hbm>> -> memref<40xi32, #tpu.memory_space<hbm>>
        %dma_start3A_659 = arith.constant 0 : i32
        %dma_start3A_660 = tpu.memref_slice %arg8[%dma_start3A_652, %dma_start3A_659] : memref<4x40xi32, #tpu.memory_space<vmem>> -> memref<1x40xi32, #tpu.memory_space<vmem>>
        %dma_start3A_661 = tpu.memref_squeeze %dma_start3A_660 : memref<1x40xi32, #tpu.memory_space<vmem>> -> memref<40xi32, #tpu.memory_space<vmem>>
        %dma_start3A_662 = arith.constant 0 : i32
        %dma_start3A_663 = tpu.memref_slice %arg4[%add3A, %add3A_435, %dma_start3A_662] : memref<32x250x40xi32, #tpu.memory_space<hbm>> -> memref<1x1x40xi32, #tpu.memory_space<hbm>>
        %dma_start3A_664 = tpu.memref_squeeze %dma_start3A_663 : memref<1x1x40xi32, #tpu.memory_space<hbm>> -> memref<40xi32, #tpu.memory_space<hbm>>
        tpu.enqueue_dma source(%dma_start3A_664 : memref<40xi32, #tpu.memory_space<hbm>>) target(%dma_start3A_661 : memref<40xi32, #tpu.memory_space<vmem>>) target_semaphore(%arg22 : memref<!tpu.dma_semaphore, #tpu.memory_space<semaphore_mem>>)
      } else {
      }
      %add3A_441 = arith.constant 1 : i32
      %add3A_442 = arith.addi %add3A_376, %add3A_441 : i32
      %dma_wait3A_443 = arith.constant 1 : i32
      %dma_wait3A_444 = arith.constant 1 : i32
      %dma_wait3A_445 = arith.constant 0 : i32
      %dma_wait3A_446 = arith.constant 0 : i32
      %dma_wait3A_447 = tpu.memref_slice %arg9[%dma_wait3A_444, %dma_wait3A_445, %dma_wait3A_446] : memref<2x40x128xi32, #tpu.memory_space<vmem>> -> memref<1x40x128xi32, #tpu.memory_space<vmem>>
      %dma_wait3A_448 = tpu.memref_squeeze %dma_wait3A_447 : memref<1x40x128xi32, #tpu.memory_space<vmem>> -> memref<40x128xi32, #tpu.memory_space<vmem>>
      %dma_wait3A_449 = arith.constant 0 : i32
      %dma_wait3A_450 = tpu.memref_slice %arg7[%dma_wait3A_443, %dma_wait3A_449] : memref<4x40xi32, #tpu.memory_space<vmem>> -> memref<1x40xi32, #tpu.memory_space<vmem>>
      %dma_wait3A_451 = tpu.memref_squeeze %dma_wait3A_450 : memref<1x40xi32, #tpu.memory_space<vmem>> -> memref<40xi32, #tpu.memory_space<vmem>>
      %dma_wait3A_452 = arith.constant 0 : i32
      %dma_wait3A_453 = arith.constant 0 : i32
      %dma_wait3A_454 = tpu.memref_slice %arg6[%dma_wait3A_452, %dma_wait3A_453] : memref<10000x128xi32, #tpu.memory_space<vmem_shared>> -> memref<10000x128xi32, #tpu.memory_space<vmem_shared>>
      tpu.wait_indirect_dma semaphore(%arg13 : memref<!tpu.dma_semaphore, #tpu.memory_space<semaphore_mem>>) src(%dma_wait3A_454 : memref<10000x128xi32, #tpu.memory_space<vmem_shared>>) dst(%dma_wait3A_448 : memref<40x128xi32, #tpu.memory_space<vmem>>)
      %dma_wait3A_455 = arith.constant 1 : i32
      %dma_wait3A_456 = arith.constant 1 : i32
      %dma_wait3A_457 = arith.constant 0 : i32
      %dma_wait3A_458 = arith.constant 0 : i32
      %dma_wait3A_459 = tpu.memref_slice %arg10[%dma_wait3A_456, %dma_wait3A_457, %dma_wait3A_458] : memref<2x40x128xi32, #tpu.memory_space<vmem>> -> memref<1x40x128xi32, #tpu.memory_space<vmem>>
      %dma_wait3A_460 = tpu.memref_squeeze %dma_wait3A_459 : memref<1x40x128xi32, #tpu.memory_space<vmem>> -> memref<40x128xi32, #tpu.memory_space<vmem>>
      %dma_wait3A_461 = arith.constant 0 : i32
      %dma_wait3A_462 = tpu.memref_slice %arg8[%dma_wait3A_455, %dma_wait3A_461] : memref<4x40xi32, #tpu.memory_space<vmem>> -> memref<1x40xi32, #tpu.memory_space<vmem>>
      %dma_wait3A_463 = tpu.memref_squeeze %dma_wait3A_462 : memref<1x40xi32, #tpu.memory_space<vmem>> -> memref<40xi32, #tpu.memory_space<vmem>>
      %dma_wait3A_464 = arith.constant 0 : i32
      %dma_wait3A_465 = arith.constant 0 : i32
      %dma_wait3A_466 = tpu.memref_slice %arg6[%dma_wait3A_464, %dma_wait3A_465] : memref<10000x128xi32, #tpu.memory_space<vmem_shared>> -> memref<10000x128xi32, #tpu.memory_space<vmem_shared>>
      tpu.wait_indirect_dma semaphore(%arg15 : memref<!tpu.dma_semaphore, #tpu.memory_space<semaphore_mem>>) src(%dma_wait3A_466 : memref<10000x128xi32, #tpu.memory_space<vmem_shared>>) dst(%dma_wait3A_460 : memref<40x128xi32, #tpu.memory_space<vmem>>)
      %ge3A_467 = arith.constant 2 : i32
      %ge3A_468 = arith.cmpi sge, %add3A_442, %ge3A_467 : i32
      %convert_element_type3A_469 = arith.extui %ge3A_468 : i1 to i32
      %cond3A_470 = arith.constant 0 : i32
      %cond3A_471 = arith.cmpi ne, %convert_element_type3A_469, %cond3A_470 : i32
      scf.if %cond3A_471 {
        %dma_wait3A_639 = arith.constant 1 : i32
        %dma_wait3A_640 = arith.constant 0 : i32
        %dma_wait3A_641 = arith.constant 0 : i32
        %dma_wait3A_642 = tpu.memref_slice %arg11[%dma_wait3A_639, %dma_wait3A_640, %dma_wait3A_641] : memref<2x40x64xi32, #tpu.memory_space<vmem>> -> memref<1x40x64xi32, #tpu.memory_space<vmem>>
        %dma_wait3A_643 = tpu.memref_squeeze %dma_wait3A_642 : memref<1x40x64xi32, #tpu.memory_space<vmem>> -> memref<40x64xi32, #tpu.memory_space<vmem>>
        %dma_wait3A_644 = arith.constant 0 : i32
        %dma_wait3A_645 = tpu.memref_slice %arg5[%mul3A_2, %dma_wait3A_644] : memref<320000x64xi32, #tpu.memory_space<hbm>> -> memref<40x64xi32, #tpu.memory_space<hbm>>
        %dma_wait3A_646 = arith.constant 0 : i32
        %dma_wait3A_647 = tpu.memref_slice %arg5[%mul3A_2, %dma_wait3A_646] : memref<320000x64xi32, #tpu.memory_space<hbm>> -> memref<40x64xi32, #tpu.memory_space<hbm>>
        %dma_wait3A_648 = arith.constant 0 : i32
        %dma_wait3A_649 = arith.constant 0 : i32
        %dma_wait3A_650 = tpu.memref_slice %arg11[%dma_wait3A_639, %dma_wait3A_648, %dma_wait3A_649] : memref<2x40x64xi32, #tpu.memory_space<vmem>> -> memref<1x40x64xi32, #tpu.memory_space<vmem>>
        %dma_wait3A_651 = tpu.memref_squeeze %dma_wait3A_650 : memref<1x40x64xi32, #tpu.memory_space<vmem>> -> memref<40x64xi32, #tpu.memory_space<vmem>>
        tpu.wait_dma2 semaphore(%arg17 : memref<!tpu.dma_semaphore, #tpu.memory_space<semaphore_mem>>) src(%dma_wait3A_651 : memref<40x64xi32, #tpu.memory_space<vmem>>) dst(%dma_wait3A_647 : memref<40x64xi32, #tpu.memory_space<hbm>>)
      } else {
      }
      %scan3A_472 = arith.constant 0 : i32
      %scan3A_473 = arith.constant 40 : i32
      %scan3A_474 = arith.addi %scan3A_472, %scan3A_473 : i32
      %scan3A_475 = arith.constant 1 : i32
      scf.for %scan3A_639 = %scan3A_472 to %scan3A_474 step %scan3A_475  : i32 {
        %mul3A_640 = arith.constant 1 : i32
        %mul3A_641 = arith.muli %scan3A_639, %mul3A_640 : i32
        %add3A_642 = arith.constant 0 : i32
        %add3A_643 = arith.addi %add3A_642, %mul3A_641 : i32
        %get3A = arith.constant 1 : i32
        %get3A_644 = arith.index_cast %get3A : i32 to index
        %get3A_645 = arith.index_cast %add3A_643 : i32 to index
        %get3A_646 = arith.constant 0 : index
        %get3A_647 = tpu.vector_load %arg9[%get3A_644, %get3A_645, %get3A_646] {strides = array<i32>} : memref<2x40x128xi32, #tpu.memory_space<vmem>>, vector<1x1x16xi32>,
        %get3A_648 = vector.shape_cast %get3A_647 : vector<1x1x16xi32> to vector<16xi32>
        %shift_left3A = arith.shli %get3A_648, %broadcast_in_dim3A_13 : vector<16xi32>
        %bitcast_convert_type3A = tpu.bitcast %shift_left3A : vector<16xi32> -> vector<16xf32>
        %get3A_649 = arith.constant 1 : i32
        %get3A_650 = arith.index_cast %get3A_649 : i32 to index
        %get3A_651 = arith.index_cast %add3A_643 : i32 to index
        %get3A_652 = arith.constant 0 : index
        %get3A_653 = tpu.vector_load %arg10[%get3A_650, %get3A_651, %get3A_652] {strides = array<i32>} : memref<2x40x128xi32, #tpu.memory_space<vmem>>, vector<1x1x16xi32>,
        %get3A_654 = vector.shape_cast %get3A_653 : vector<1x1x16xi32> to vector<16xi32>
        %and3A = arith.andi %get3A_654, %broadcast_in_dim3A_11 : vector<16xi32>
        %bitcast_convert_type3A_655 = tpu.bitcast %and3A : vector<16xi32> -> vector<16xf32>
        %get3A_656 = arith.constant 1 : i32
        %get3A_657 = arith.index_cast %get3A_656 : i32 to index
        %get3A_658 = arith.index_cast %add3A_643 : i32 to index
        %get3A_659 = arith.constant 64 : index
        %get3A_660 = tpu.vector_load %arg9[%get3A_657, %get3A_658, %get3A_659] {strides = array<i32>} : memref<2x40x128xi32, #tpu.memory_space<vmem>>, vector<1x1x16xi32>,
        %get3A_661 = vector.shape_cast %get3A_660 : vector<1x1x16xi32> to vector<16xi32>
        %shift_left3A_662 = arith.shli %get3A_661, %broadcast_in_dim3A_13 : vector<16xi32>
        %bitcast_convert_type3A_663 = tpu.bitcast %shift_left3A_662 : vector<16xi32> -> vector<16xf32>
        %get3A_664 = arith.constant 1 : i32
        %get3A_665 = arith.index_cast %get3A_664 : i32 to index
        %get3A_666 = arith.index_cast %add3A_643 : i32 to index
        %get3A_667 = arith.constant 64 : index
        %get3A_668 = tpu.vector_load %arg10[%get3A_665, %get3A_666, %get3A_667] {strides = array<i32>} : memref<2x40x128xi32, #tpu.memory_space<vmem>>, vector<1x1x16xi32>,
        %get3A_669 = vector.shape_cast %get3A_668 : vector<1x1x16xi32> to vector<16xi32>
        %and3A_670 = arith.andi %get3A_669, %broadcast_in_dim3A_11 : vector<16xi32>
        %bitcast_convert_type3A_671 = tpu.bitcast %and3A_670 : vector<16xi32> -> vector<16xf32>
        %add3A_672 = arith.addf %bitcast_convert_type3A, %bitcast_convert_type3A_655 : vector<16xf32>
        %bitcast_convert_type3A_673 = tpu.bitcast %add3A_672 : vector<16xf32> -> vector<16xi32>
        %add3A_674 = arith.addi %bitcast_convert_type3A_673, %broadcast_in_dim3A_9 : vector<16xi32>
        %shift_right_logical3A = arith.shrui %add3A_674, %broadcast_in_dim3A_13 : vector<16xi32>
        %add3A_675 = arith.addf %bitcast_convert_type3A_663, %bitcast_convert_type3A_671 : vector<16xf32>
        %bitcast_convert_type3A_676 = tpu.bitcast %add3A_675 : vector<16xf32> -> vector<16xi32>
        %add3A_677 = arith.addi %bitcast_convert_type3A_676, %broadcast_in_dim3A_9 : vector<16xi32>
        %shift_right_logical3A_678 = arith.shrui %add3A_677, %broadcast_in_dim3A_13 : vector<16xi32>
        %shift_left3A_679 = arith.shli %shift_right_logical3A_678, %broadcast_in_dim3A_13 : vector<16xi32>
        %or3A = arith.ori %shift_right_logical3A, %shift_left3A_679 : vector<16xi32>
        %swap3A = arith.constant 1 : i32
        %swap3A_680 = arith.index_cast %swap3A : i32 to index
        %swap3A_681 = arith.index_cast %add3A_643 : i32 to index
        %swap3A_682 = arith.constant 0 : index
        %swap3A_683 = tpu.vector_load %arg11[%swap3A_680, %swap3A_681, %swap3A_682] {strides = array<i32>} : memref<2x40x64xi32, #tpu.memory_space<vmem>>, vector<1x1x16xi32>,
        %swap3A_684 = vector.shape_cast %swap3A_683 : vector<1x1x16xi32> to vector<16xi32>
        %swap3A_685 = vector.shape_cast %or3A : vector<16xi32> to vector<1x1x16xi32>
        tpu.vector_store %arg11[%swap3A_680, %swap3A_681, %swap3A_682], %swap3A_685 {strides = array<i32>} : memref<2x40x64xi32, #tpu.memory_space<vmem>>, vector<1x1x16xi32>,
        %get3A_686 = arith.constant 1 : i32
        %get3A_687 = arith.index_cast %get3A_686 : i32 to index
        %get3A_688 = arith.index_cast %add3A_643 : i32 to index
        %get3A_689 = arith.constant 16 : index
        %get3A_690 = tpu.vector_load %arg9[%get3A_687, %get3A_688, %get3A_689] {strides = array<i32>} : memref<2x40x128xi32, #tpu.memory_space<vmem>>, vector<1x1x16xi32>,
        %get3A_691 = vector.shape_cast %get3A_690 : vector<1x1x16xi32> to vector<16xi32>
        %shift_left3A_692 = arith.shli %get3A_691, %broadcast_in_dim3A_13 : vector<16xi32>
        %bitcast_convert_type3A_693 = tpu.bitcast %shift_left3A_692 : vector<16xi32> -> vector<16xf32>
        %get3A_694 = arith.constant 1 : i32
        %get3A_695 = arith.index_cast %get3A_694 : i32 to index
        %get3A_696 = arith.index_cast %add3A_643 : i32 to index
        %get3A_697 = arith.constant 16 : index
        %get3A_698 = tpu.vector_load %arg10[%get3A_695, %get3A_696, %get3A_697] {strides = array<i32>} : memref<2x40x128xi32, #tpu.memory_space<vmem>>, vector<1x1x16xi32>,
        %get3A_699 = vector.shape_cast %get3A_698 : vector<1x1x16xi32> to vector<16xi32>
        %and3A_700 = arith.andi %get3A_699, %broadcast_in_dim3A_11 : vector<16xi32>
        %bitcast_convert_type3A_701 = tpu.bitcast %and3A_700 : vector<16xi32> -> vector<16xf32>
        %get3A_702 = arith.constant 1 : i32
        %get3A_703 = arith.index_cast %get3A_702 : i32 to index
        %get3A_704 = arith.index_cast %add3A_643 : i32 to index
        %get3A_705 = arith.constant 80 : index
        %get3A_706 = tpu.vector_load %arg9[%get3A_703, %get3A_704, %get3A_705] {strides = array<i32>} : memref<2x40x128xi32, #tpu.memory_space<vmem>>, vector<1x1x16xi32>,
        %get3A_707 = vector.shape_cast %get3A_706 : vector<1x1x16xi32> to vector<16xi32>
        %shift_left3A_708 = arith.shli %get3A_707, %broadcast_in_dim3A_13 : vector<16xi32>
        %bitcast_convert_type3A_709 = tpu.bitcast %shift_left3A_708 : vector<16xi32> -> vector<16xf32>
        %get3A_710 = arith.constant 1 : i32
        %get3A_711 = arith.index_cast %get3A_710 : i32 to index
        %get3A_712 = arith.index_cast %add3A_643 : i32 to index
        %get3A_713 = arith.constant 80 : index
        %get3A_714 = tpu.vector_load %arg10[%get3A_711, %get3A_712, %get3A_713] {strides = array<i32>} : memref<2x40x128xi32, #tpu.memory_space<vmem>>, vector<1x1x16xi32>,
        %get3A_715 = vector.shape_cast %get3A_714 : vector<1x1x16xi32> to vector<16xi32>
        %and3A_716 = arith.andi %get3A_715, %broadcast_in_dim3A_11 : vector<16xi32>
        %bitcast_convert_type3A_717 = tpu.bitcast %and3A_716 : vector<16xi32> -> vector<16xf32>
        %add3A_718 = arith.addf %bitcast_convert_type3A_693, %bitcast_convert_type3A_701 : vector<16xf32>
        %bitcast_convert_type3A_719 = tpu.bitcast %add3A_718 : vector<16xf32> -> vector<16xi32>
        %add3A_720 = arith.addi %bitcast_convert_type3A_719, %broadcast_in_dim3A_9 : vector<16xi32>
        %shift_right_logical3A_721 = arith.shrui %add3A_720, %broadcast_in_dim3A_13 : vector<16xi32>
        %add3A_722 = arith.addf %bitcast_convert_type3A_709, %bitcast_convert_type3A_717 : vector<16xf32>
        %bitcast_convert_type3A_723 = tpu.bitcast %add3A_722 : vector<16xf32> -> vector<16xi32>
        %add3A_724 = arith.addi %bitcast_convert_type3A_723, %broadcast_in_dim3A_9 : vector<16xi32>
        %shift_right_logical3A_725 = arith.shrui %add3A_724, %broadcast_in_dim3A_13 : vector<16xi32>
        %shift_left3A_726 = arith.shli %shift_right_logical3A_725, %broadcast_in_dim3A_13 : vector<16xi32>
        %or3A_727 = arith.ori %shift_right_logical3A_721, %shift_left3A_726 : vector<16xi32>
        %swap3A_728 = arith.constant 1 : i32
        %swap3A_729 = arith.index_cast %swap3A_728 : i32 to index
        %swap3A_730 = arith.index_cast %add3A_643 : i32 to index
        %swap3A_731 = arith.constant 16 : index
        %swap3A_732 = tpu.vector_load %arg11[%swap3A_729, %swap3A_730, %swap3A_731] {strides = array<i32>} : memref<2x40x64xi32, #tpu.memory_space<vmem>>, vector<1x1x16xi32>,
        %swap3A_733 = vector.shape_cast %swap3A_732 : vector<1x1x16xi32> to vector<16xi32>
        %swap3A_734 = vector.shape_cast %or3A_727 : vector<16xi32> to vector<1x1x16xi32>
        tpu.vector_store %arg11[%swap3A_729, %swap3A_730, %swap3A_731], %swap3A_734 {strides = array<i32>} : memref<2x40x64xi32, #tpu.memory_space<vmem>>, vector<1x1x16xi32>,
        %get3A_735 = arith.constant 1 : i32
        %get3A_736 = arith.index_cast %get3A_735 : i32 to index
        %get3A_737 = arith.index_cast %add3A_643 : i32 to index
        %get3A_738 = arith.constant 32 : index
        %get3A_739 = tpu.vector_load %arg9[%get3A_736, %get3A_737, %get3A_738] {strides = array<i32>} : memref<2x40x128xi32, #tpu.memory_space<vmem>>, vector<1x1x16xi32>,
        %get3A_740 = vector.shape_cast %get3A_739 : vector<1x1x16xi32> to vector<16xi32>
        %shift_left3A_741 = arith.shli %get3A_740, %broadcast_in_dim3A_13 : vector<16xi32>
        %bitcast_convert_type3A_742 = tpu.bitcast %shift_left3A_741 : vector<16xi32> -> vector<16xf32>
        %get3A_743 = arith.constant 1 : i32
        %get3A_744 = arith.index_cast %get3A_743 : i32 to index
        %get3A_745 = arith.index_cast %add3A_643 : i32 to index
        %get3A_746 = arith.constant 32 : index
        %get3A_747 = tpu.vector_load %arg10[%get3A_744, %get3A_745, %get3A_746] {strides = array<i32>} : memref<2x40x128xi32, #tpu.memory_space<vmem>>, vector<1x1x16xi32>,
        %get3A_748 = vector.shape_cast %get3A_747 : vector<1x1x16xi32> to vector<16xi32>
        %and3A_749 = arith.andi %get3A_748, %broadcast_in_dim3A_11 : vector<16xi32>
        %bitcast_convert_type3A_750 = tpu.bitcast %and3A_749 : vector<16xi32> -> vector<16xf32>
        %get3A_751 = arith.constant 1 : i32
        %get3A_752 = arith.index_cast %get3A_751 : i32 to index
        %get3A_753 = arith.index_cast %add3A_643 : i32 to index
        %get3A_754 = arith.constant 96 : index
        %get3A_755 = tpu.vector_load %arg9[%get3A_752, %get3A_753, %get3A_754] {strides = array<i32>} : memref<2x40x128xi32, #tpu.memory_space<vmem>>, vector<1x1x16xi32>,
        %get3A_756 = vector.shape_cast %get3A_755 : vector<1x1x16xi32> to vector<16xi32>
        %shift_left3A_757 = arith.shli %get3A_756, %broadcast_in_dim3A_13 : vector<16xi32>
        %bitcast_convert_type3A_758 = tpu.bitcast %shift_left3A_757 : vector<16xi32> -> vector<16xf32>
        %get3A_759 = arith.constant 1 : i32
        %get3A_760 = arith.index_cast %get3A_759 : i32 to index
        %get3A_761 = arith.index_cast %add3A_643 : i32 to index
        %get3A_762 = arith.constant 96 : index
        %get3A_763 = tpu.vector_load %arg10[%get3A_760, %get3A_761, %get3A_762] {strides = array<i32>} : memref<2x40x128xi32, #tpu.memory_space<vmem>>, vector<1x1x16xi32>,
        %get3A_764 = vector.shape_cast %get3A_763 : vector<1x1x16xi32> to vector<16xi32>
        %and3A_765 = arith.andi %get3A_764, %broadcast_in_dim3A_11 : vector<16xi32>
        %bitcast_convert_type3A_766 = tpu.bitcast %and3A_765 : vector<16xi32> -> vector<16xf32>
        %add3A_767 = arith.addf %bitcast_convert_type3A_742, %bitcast_convert_type3A_750 : vector<16xf32>
        %bitcast_convert_type3A_768 = tpu.bitcast %add3A_767 : vector<16xf32> -> vector<16xi32>
        %add3A_769 = arith.addi %bitcast_convert_type3A_768, %broadcast_in_dim3A_9 : vector<16xi32>
        %shift_right_logical3A_770 = arith.shrui %add3A_769, %broadcast_in_dim3A_13 : vector<16xi32>
        %add3A_771 = arith.addf %bitcast_convert_type3A_758, %bitcast_convert_type3A_766 : vector<16xf32>
        %bitcast_convert_type3A_772 = tpu.bitcast %add3A_771 : vector<16xf32> -> vector<16xi32>
        %add3A_773 = arith.addi %bitcast_convert_type3A_772, %broadcast_in_dim3A_9 : vector<16xi32>
        %shift_right_logical3A_774 = arith.shrui %add3A_773, %broadcast_in_dim3A_13 : vector<16xi32>
        %shift_left3A_775 = arith.shli %shift_right_logical3A_774, %broadcast_in_dim3A_13 : vector<16xi32>
        %or3A_776 = arith.ori %shift_right_logical3A_770, %shift_left3A_775 : vector<16xi32>
        %swap3A_777 = arith.constant 1 : i32
        %swap3A_778 = arith.index_cast %swap3A_777 : i32 to index
        %swap3A_779 = arith.index_cast %add3A_643 : i32 to index
        %swap3A_780 = arith.constant 32 : index
        %swap3A_781 = tpu.vector_load %arg11[%swap3A_778, %swap3A_779, %swap3A_780] {strides = array<i32>} : memref<2x40x64xi32, #tpu.memory_space<vmem>>, vector<1x1x16xi32>,
        %swap3A_782 = vector.shape_cast %swap3A_781 : vector<1x1x16xi32> to vector<16xi32>
        %swap3A_783 = vector.shape_cast %or3A_776 : vector<16xi32> to vector<1x1x16xi32>
        tpu.vector_store %arg11[%swap3A_778, %swap3A_779, %swap3A_780], %swap3A_783 {strides = array<i32>} : memref<2x40x64xi32, #tpu.memory_space<vmem>>, vector<1x1x16xi32>,
        %get3A_784 = arith.constant 1 : i32
        %get3A_785 = arith.index_cast %get3A_784 : i32 to index
        %get3A_786 = arith.index_cast %add3A_643 : i32 to index
        %get3A_787 = arith.constant 48 : index
        %get3A_788 = tpu.vector_load %arg9[%get3A_785, %get3A_786, %get3A_787] {strides = array<i32>} : memref<2x40x128xi32, #tpu.memory_space<vmem>>, vector<1x1x16xi32>,
        %get3A_789 = vector.shape_cast %get3A_788 : vector<1x1x16xi32> to vector<16xi32>
        %shift_left3A_790 = arith.shli %get3A_789, %broadcast_in_dim3A_13 : vector<16xi32>
        %bitcast_convert_type3A_791 = tpu.bitcast %shift_left3A_790 : vector<16xi32> -> vector<16xf32>
        %get3A_792 = arith.constant 1 : i32
        %get3A_793 = arith.index_cast %get3A_792 : i32 to index
        %get3A_794 = arith.index_cast %add3A_643 : i32 to index
        %get3A_795 = arith.constant 48 : index
        %get3A_796 = tpu.vector_load %arg10[%get3A_793, %get3A_794, %get3A_795] {strides = array<i32>} : memref<2x40x128xi32, #tpu.memory_space<vmem>>, vector<1x1x16xi32>,
        %get3A_797 = vector.shape_cast %get3A_796 : vector<1x1x16xi32> to vector<16xi32>
        %and3A_798 = arith.andi %get3A_797, %broadcast_in_dim3A_11 : vector<16xi32>
        %bitcast_convert_type3A_799 = tpu.bitcast %and3A_798 : vector<16xi32> -> vector<16xf32>
        %get3A_800 = arith.constant 1 : i32
        %get3A_801 = arith.index_cast %get3A_800 : i32 to index
        %get3A_802 = arith.index_cast %add3A_643 : i32 to index
        %get3A_803 = arith.constant 112 : index
        %get3A_804 = tpu.vector_load %arg9[%get3A_801, %get3A_802, %get3A_803] {strides = array<i32>} : memref<2x40x128xi32, #tpu.memory_space<vmem>>, vector<1x1x16xi32>,
        %get3A_805 = vector.shape_cast %get3A_804 : vector<1x1x16xi32> to vector<16xi32>
        %shift_left3A_806 = arith.shli %get3A_805, %broadcast_in_dim3A_13 : vector<16xi32>
        %bitcast_convert_type3A_807 = tpu.bitcast %shift_left3A_806 : vector<16xi32> -> vector<16xf32>
        %get3A_808 = arith.constant 1 : i32
        %get3A_809 = arith.index_cast %get3A_808 : i32 to index
        %get3A_810 = arith.index_cast %add3A_643 : i32 to index
        %get3A_811 = arith.constant 112 : index
        %get3A_812 = tpu.vector_load %arg10[%get3A_809, %get3A_810, %get3A_811] {strides = array<i32>} : memref<2x40x128xi32, #tpu.memory_space<vmem>>, vector<1x1x16xi32>,
        %get3A_813 = vector.shape_cast %get3A_812 : vector<1x1x16xi32> to vector<16xi32>
        %and3A_814 = arith.andi %get3A_813, %broadcast_in_dim3A_11 : vector<16xi32>
        %bitcast_convert_type3A_815 = tpu.bitcast %and3A_814 : vector<16xi32> -> vector<16xf32>
        %add3A_816 = arith.addf %bitcast_convert_type3A_791, %bitcast_convert_type3A_799 : vector<16xf32>
        %bitcast_convert_type3A_817 = tpu.bitcast %add3A_816 : vector<16xf32> -> vector<16xi32>
        %add3A_818 = arith.addi %bitcast_convert_type3A_817, %broadcast_in_dim3A_9 : vector<16xi32>
        %shift_right_logical3A_819 = arith.shrui %add3A_818, %broadcast_in_dim3A_13 : vector<16xi32>
        %add3A_820 = arith.addf %bitcast_convert_type3A_807, %bitcast_convert_type3A_815 : vector<16xf32>
        %bitcast_convert_type3A_821 = tpu.bitcast %add3A_820 : vector<16xf32> -> vector<16xi32>
        %add3A_822 = arith.addi %bitcast_convert_type3A_821, %broadcast_in_dim3A_9 : vector<16xi32>
        %shift_right_logical3A_823 = arith.shrui %add3A_822, %broadcast_in_dim3A_13 : vector<16xi32>
        %shift_left3A_824 = arith.shli %shift_right_logical3A_823, %broadcast_in_dim3A_13 : vector<16xi32>
        %or3A_825 = arith.ori %shift_right_logical3A_819, %shift_left3A_824 : vector<16xi32>
        %swap3A_826 = arith.constant 1 : i32
        %swap3A_827 = arith.index_cast %swap3A_826 : i32 to index
        %swap3A_828 = arith.index_cast %add3A_643 : i32 to index
        %swap3A_829 = arith.constant 48 : index
        %swap3A_830 = tpu.vector_load %arg11[%swap3A_827, %swap3A_828, %swap3A_829] {strides = array<i32>} : memref<2x40x64xi32, #tpu.memory_space<vmem>>, vector<1x1x16xi32>,
        %swap3A_831 = vector.shape_cast %swap3A_830 : vector<1x1x16xi32> to vector<16xi32>
        %swap3A_832 = vector.shape_cast %or3A_825 : vector<16xi32> to vector<1x1x16xi32>
        tpu.vector_store %arg11[%swap3A_827, %swap3A_828, %swap3A_829], %swap3A_832 {strides = array<i32>} : memref<2x40x64xi32, #tpu.memory_space<vmem>>, vector<1x1x16xi32>,
      }
      %scan3A_476 = arith.constant 40 : i32
      %mul3A_477 = arith.constant 40 : i32
      %mul3A_478 = arith.muli %add3A_442, %mul3A_477 : i32
      %add3A_479 = arith.addi %mul3A_2, %mul3A_478 : i32
      %dma_start3A_480 = arith.constant 1 : i32
      %dma_start3A_481 = arith.constant 0 : i32
      %dma_start3A_482 = arith.constant 0 : i32
      %dma_start3A_483 = tpu.memref_slice %arg11[%dma_start3A_480, %dma_start3A_481, %dma_start3A_482] : memref<2x40x64xi32, #tpu.memory_space<vmem>> -> memref<1x40x64xi32, #tpu.memory_space<vmem>>
      %dma_start3A_484 = tpu.memref_squeeze %dma_start3A_483 : memref<1x40x64xi32, #tpu.memory_space<vmem>> -> memref<40x64xi32, #tpu.memory_space<vmem>>
      %dma_start3A_485 = arith.constant 0 : i32
      %dma_start3A_486 = tpu.memref_slice %arg5[%add3A_479, %dma_start3A_485] : memref<320000x64xi32, #tpu.memory_space<hbm>> -> memref<40x64xi32, #tpu.memory_space<hbm>>
      %dma_start3A_487 = arith.constant 0 : i32
      %dma_start3A_488 = tpu.memref_slice %arg5[%add3A_479, %dma_start3A_487] : memref<320000x64xi32, #tpu.memory_space<hbm>> -> memref<40x64xi32, #tpu.memory_space<hbm>>
      %dma_start3A_489 = arith.constant 0 : i32
      %dma_start3A_490 = arith.constant 0 : i32
      %dma_start3A_491 = tpu.memref_slice %arg11[%dma_start3A_480, %dma_start3A_489, %dma_start3A_490] : memref<2x40x64xi32, #tpu.memory_space<vmem>> -> memref<1x40x64xi32, #tpu.memory_space<vmem>>
      %dma_start3A_492 = tpu.memref_squeeze %dma_start3A_491 : memref<1x40x64xi32, #tpu.memory_space<vmem>> -> memref<40x64xi32, #tpu.memory_space<vmem>>
      tpu.enqueue_dma source(%dma_start3A_492 : memref<40x64xi32, #tpu.memory_space<vmem>>) target(%dma_start3A_488 : memref<40x64xi32, #tpu.memory_space<hbm>>) target_semaphore(%arg17 : memref<!tpu.dma_semaphore, #tpu.memory_space<semaphore_mem>>)
      %add3A_493 = arith.constant 2 : i32
      %add3A_494 = arith.addi %add3A_442, %add3A_493 : i32
      %lt3A_495 = arith.constant 250 : i32
      %lt3A_496 = arith.cmpi slt, %add3A_494, %lt3A_495 : i32
      %convert_element_type3A_497 = arith.extui %lt3A_496 : i1 to i32
      %cond3A_498 = arith.constant 0 : i32
      %cond3A_499 = arith.cmpi ne, %convert_element_type3A_497, %cond3A_498 : i32
      scf.if %cond3A_499 {
        %dma_wait3A_639 = arith.constant 3 : i32
        %dma_wait3A_640 = arith.constant 0 : i32
        %dma_wait3A_641 = tpu.memref_slice %arg7[%dma_wait3A_639, %dma_wait3A_640] : memref<4x40xi32, #tpu.memory_space<vmem>> -> memref<1x40xi32, #tpu.memory_space<vmem>>
        %dma_wait3A_642 = tpu.memref_squeeze %dma_wait3A_641 : memref<1x40xi32, #tpu.memory_space<vmem>> -> memref<40xi32, #tpu.memory_space<vmem>>
        %dma_wait3A_643 = arith.constant 0 : i32
        %dma_wait3A_644 = tpu.memref_slice %arg3[%add3A, %add3A_494, %dma_wait3A_643] : memref<32x250x40xi32, #tpu.memory_space<hbm>> -> memref<1x1x40xi32, #tpu.memory_space<hbm>>
        %dma_wait3A_645 = tpu.memref_squeeze %dma_wait3A_644 : memref<1x1x40xi32, #tpu.memory_space<hbm>> -> memref<40xi32, #tpu.memory_space<hbm>>
        %dma_wait3A_646 = arith.constant 0 : i32
        %dma_wait3A_647 = tpu.memref_slice %arg7[%dma_wait3A_639, %dma_wait3A_646] : memref<4x40xi32, #tpu.memory_space<vmem>> -> memref<1x40xi32, #tpu.memory_space<vmem>>
        %dma_wait3A_648 = tpu.memref_squeeze %dma_wait3A_647 : memref<1x40xi32, #tpu.memory_space<vmem>> -> memref<40xi32, #tpu.memory_space<vmem>>
        %dma_wait3A_649 = arith.constant 0 : i32
        %dma_wait3A_650 = tpu.memref_slice %arg3[%add3A, %add3A_494, %dma_wait3A_649] : memref<32x250x40xi32, #tpu.memory_space<hbm>> -> memref<1x1x40xi32, #tpu.memory_space<hbm>>
        %dma_wait3A_651 = tpu.memref_squeeze %dma_wait3A_650 : memref<1x1x40xi32, #tpu.memory_space<hbm>> -> memref<40xi32, #tpu.memory_space<hbm>>
        tpu.wait_dma2 semaphore(%arg21 : memref<!tpu.dma_semaphore, #tpu.memory_space<semaphore_mem>>) src(%dma_wait3A_651 : memref<40xi32, #tpu.memory_space<hbm>>) dst(%dma_wait3A_648 : memref<40xi32, #tpu.memory_space<vmem>>)
        %dma_wait3A_652 = arith.constant 3 : i32
        %dma_wait3A_653 = arith.constant 0 : i32
        %dma_wait3A_654 = tpu.memref_slice %arg8[%dma_wait3A_652, %dma_wait3A_653] : memref<4x40xi32, #tpu.memory_space<vmem>> -> memref<1x40xi32, #tpu.memory_space<vmem>>
        %dma_wait3A_655 = tpu.memref_squeeze %dma_wait3A_654 : memref<1x40xi32, #tpu.memory_space<vmem>> -> memref<40xi32, #tpu.memory_space<vmem>>
        %dma_wait3A_656 = arith.constant 0 : i32
        %dma_wait3A_657 = tpu.memref_slice %arg4[%add3A, %add3A_494, %dma_wait3A_656] : memref<32x250x40xi32, #tpu.memory_space<hbm>> -> memref<1x1x40xi32, #tpu.memory_space<hbm>>
        %dma_wait3A_658 = tpu.memref_squeeze %dma_wait3A_657 : memref<1x1x40xi32, #tpu.memory_space<hbm>> -> memref<40xi32, #tpu.memory_space<hbm>>
        %dma_wait3A_659 = arith.constant 0 : i32
        %dma_wait3A_660 = tpu.memref_slice %arg8[%dma_wait3A_652, %dma_wait3A_659] : memref<4x40xi32, #tpu.memory_space<vmem>> -> memref<1x40xi32, #tpu.memory_space<vmem>>
        %dma_wait3A_661 = tpu.memref_squeeze %dma_wait3A_660 : memref<1x40xi32, #tpu.memory_space<vmem>> -> memref<40xi32, #tpu.memory_space<vmem>>
        %dma_wait3A_662 = arith.constant 0 : i32
        %dma_wait3A_663 = tpu.memref_slice %arg4[%add3A, %add3A_494, %dma_wait3A_662] : memref<32x250x40xi32, #tpu.memory_space<hbm>> -> memref<1x1x40xi32, #tpu.memory_space<hbm>>
        %dma_wait3A_664 = tpu.memref_squeeze %dma_wait3A_663 : memref<1x1x40xi32, #tpu.memory_space<hbm>> -> memref<40xi32, #tpu.memory_space<hbm>>
        tpu.wait_dma2 semaphore(%arg25 : memref<!tpu.dma_semaphore, #tpu.memory_space<semaphore_mem>>) src(%dma_wait3A_664 : memref<40xi32, #tpu.memory_space<hbm>>) dst(%dma_wait3A_661 : memref<40xi32, #tpu.memory_space<vmem>>)
        %dma_start3A_665 = arith.constant 3 : i32
        %dma_start3A_666 = arith.constant 1 : i32
        %dma_start3A_667 = arith.constant 0 : i32
        %dma_start3A_668 = arith.constant 0 : i32
        %dma_start3A_669 = tpu.memref_slice %arg9[%dma_start3A_666, %dma_start3A_667, %dma_start3A_668] : memref<2x40x128xi32, #tpu.memory_space<vmem>> -> memref<1x40x128xi32, #tpu.memory_space<vmem>>
        %dma_start3A_670 = tpu.memref_squeeze %dma_start3A_669 : memref<1x40x128xi32, #tpu.memory_space<vmem>> -> memref<40x128xi32, #tpu.memory_space<vmem>>
        %dma_start3A_671 = arith.constant 0 : i32
        %dma_start3A_672 = tpu.memref_slice %arg7[%dma_start3A_665, %dma_start3A_671] : memref<4x40xi32, #tpu.memory_space<vmem>> -> memref<1x40xi32, #tpu.memory_space<vmem>>
        %dma_start3A_673 = tpu.memref_squeeze %dma_start3A_672 : memref<1x40xi32, #tpu.memory_space<vmem>> -> memref<40xi32, #tpu.memory_space<vmem>>
        %dma_start3A_674 = arith.constant 0 : i32
        %dma_start3A_675 = arith.constant 0 : i32
        %dma_start3A_676 = tpu.memref_slice %arg6[%dma_start3A_674, %dma_start3A_675] : memref<10000x128xi32, #tpu.memory_space<vmem_shared>> -> memref<10000x128xi32, #tpu.memory_space<vmem_shared>>
        tpu.enqueue_indirect_dma source(%dma_start3A_676 : memref<10000x128xi32, #tpu.memory_space<vmem_shared>>) target(%dma_start3A_670 : memref<40x128xi32, #tpu.memory_space<vmem>>) offsets(%dma_start3A_673 : memref<40xi32, #tpu.memory_space<vmem>>) semaphore(%arg13 : memref<!tpu.dma_semaphore, #tpu.memory_space<semaphore_mem>>)
        %dma_start3A_677 = arith.constant 3 : i32
        %dma_start3A_678 = arith.constant 1 : i32
        %dma_start3A_679 = arith.constant 0 : i32
        %dma_start3A_680 = arith.constant 0 : i32
        %dma_start3A_681 = tpu.memref_slice %arg10[%dma_start3A_678, %dma_start3A_679, %dma_start3A_680] : memref<2x40x128xi32, #tpu.memory_space<vmem>> -> memref<1x40x128xi32, #tpu.memory_space<vmem>>
        %dma_start3A_682 = tpu.memref_squeeze %dma_start3A_681 : memref<1x40x128xi32, #tpu.memory_space<vmem>> -> memref<40x128xi32, #tpu.memory_space<vmem>>
        %dma_start3A_683 = arith.constant 0 : i32
        %dma_start3A_684 = tpu.memref_slice %arg8[%dma_start3A_677, %dma_start3A_683] : memref<4x40xi32, #tpu.memory_space<vmem>> -> memref<1x40xi32, #tpu.memory_space<vmem>>
        %dma_start3A_685 = tpu.memref_squeeze %dma_start3A_684 : memref<1x40xi32, #tpu.memory_space<vmem>> -> memref<40xi32, #tpu.memory_space<vmem>>
        %dma_start3A_686 = arith.constant 0 : i32
        %dma_start3A_687 = arith.constant 0 : i32
        %dma_start3A_688 = tpu.memref_slice %arg6[%dma_start3A_686, %dma_start3A_687] : memref<10000x128xi32, #tpu.memory_space<vmem_shared>> -> memref<10000x128xi32, #tpu.memory_space<vmem_shared>>
        tpu.enqueue_indirect_dma source(%dma_start3A_688 : memref<10000x128xi32, #tpu.memory_space<vmem_shared>>) target(%dma_start3A_682 : memref<40x128xi32, #tpu.memory_space<vmem>>) offsets(%dma_start3A_685 : memref<40xi32, #tpu.memory_space<vmem>>) semaphore(%arg15 : memref<!tpu.dma_semaphore, #tpu.memory_space<semaphore_mem>>)
      } else {
      }
      %add3A_500 = arith.constant 4 : i32
      %add3A_501 = arith.addi %add3A_442, %add3A_500 : i32
      %lt3A_502 = arith.constant 250 : i32
      %lt3A_503 = arith.cmpi slt, %add3A_501, %lt3A_502 : i32
      %convert_element_type3A_504 = arith.extui %lt3A_503 : i1 to i32
      %cond3A_505 = arith.constant 0 : i32
      %cond3A_506 = arith.cmpi ne, %convert_element_type3A_504, %cond3A_505 : i32
      scf.if %cond3A_506 {
        %dma_start3A_639 = arith.constant 1 : i32
        %dma_start3A_640 = arith.constant 0 : i32
        %dma_start3A_641 = tpu.memref_slice %arg7[%dma_start3A_639, %dma_start3A_640] : memref<4x40xi32, #tpu.memory_space<vmem>> -> memref<1x40xi32, #tpu.memory_space<vmem>>
        %dma_start3A_642 = tpu.memref_squeeze %dma_start3A_641 : memref<1x40xi32, #tpu.memory_space<vmem>> -> memref<40xi32, #tpu.memory_space<vmem>>
        %dma_start3A_643 = arith.constant 0 : i32
        %dma_start3A_644 = tpu.memref_slice %arg3[%add3A, %add3A_501, %dma_start3A_643] : memref<32x250x40xi32, #tpu.memory_space<hbm>> -> memref<1x1x40xi32, #tpu.memory_space<hbm>>
        %dma_start3A_645 = tpu.memref_squeeze %dma_start3A_644 : memref<1x1x40xi32, #tpu.memory_space<hbm>> -> memref<40xi32, #tpu.memory_space<hbm>>
        %dma_start3A_646 = arith.constant 0 : i32
        %dma_start3A_647 = tpu.memref_slice %arg7[%dma_start3A_639, %dma_start3A_646] : memref<4x40xi32, #tpu.memory_space<vmem>> -> memref<1x40xi32, #tpu.memory_space<vmem>>
        %dma_start3A_648 = tpu.memref_squeeze %dma_start3A_647 : memref<1x40xi32, #tpu.memory_space<vmem>> -> memref<40xi32, #tpu.memory_space<vmem>>
        %dma_start3A_649 = arith.constant 0 : i32
        %dma_start3A_650 = tpu.memref_slice %arg3[%add3A, %add3A_501, %dma_start3A_649] : memref<32x250x40xi32, #tpu.memory_space<hbm>> -> memref<1x1x40xi32, #tpu.memory_space<hbm>>
        %dma_start3A_651 = tpu.memref_squeeze %dma_start3A_650 : memref<1x1x40xi32, #tpu.memory_space<hbm>> -> memref<40xi32, #tpu.memory_space<hbm>>
        tpu.enqueue_dma source(%dma_start3A_651 : memref<40xi32, #tpu.memory_space<hbm>>) target(%dma_start3A_648 : memref<40xi32, #tpu.memory_space<vmem>>) target_semaphore(%arg19 : memref<!tpu.dma_semaphore, #tpu.memory_space<semaphore_mem>>)
        %dma_start3A_652 = arith.constant 1 : i32
        %dma_start3A_653 = arith.constant 0 : i32
        %dma_start3A_654 = tpu.memref_slice %arg8[%dma_start3A_652, %dma_start3A_653] : memref<4x40xi32, #tpu.memory_space<vmem>> -> memref<1x40xi32, #tpu.memory_space<vmem>>
        %dma_start3A_655 = tpu.memref_squeeze %dma_start3A_654 : memref<1x40xi32, #tpu.memory_space<vmem>> -> memref<40xi32, #tpu.memory_space<vmem>>
        %dma_start3A_656 = arith.constant 0 : i32
        %dma_start3A_657 = tpu.memref_slice %arg4[%add3A, %add3A_501, %dma_start3A_656] : memref<32x250x40xi32, #tpu.memory_space<hbm>> -> memref<1x1x40xi32, #tpu.memory_space<hbm>>
        %dma_start3A_658 = tpu.memref_squeeze %dma_start3A_657 : memref<1x1x40xi32, #tpu.memory_space<hbm>> -> memref<40xi32, #tpu.memory_space<hbm>>
        %dma_start3A_659 = arith.constant 0 : i32
        %dma_start3A_660 = tpu.memref_slice %arg8[%dma_start3A_652, %dma_start3A_659] : memref<4x40xi32, #tpu.memory_space<vmem>> -> memref<1x40xi32, #tpu.memory_space<vmem>>
        %dma_start3A_661 = tpu.memref_squeeze %dma_start3A_660 : memref<1x40xi32, #tpu.memory_space<vmem>> -> memref<40xi32, #tpu.memory_space<vmem>>
        %dma_start3A_662 = arith.constant 0 : i32
        %dma_start3A_663 = tpu.memref_slice %arg4[%add3A, %add3A_501, %dma_start3A_662] : memref<32x250x40xi32, #tpu.memory_space<hbm>> -> memref<1x1x40xi32, #tpu.memory_space<hbm>>
        %dma_start3A_664 = tpu.memref_squeeze %dma_start3A_663 : memref<1x1x40xi32, #tpu.memory_space<hbm>> -> memref<40xi32, #tpu.memory_space<hbm>>
        tpu.enqueue_dma source(%dma_start3A_664 : memref<40xi32, #tpu.memory_space<hbm>>) target(%dma_start3A_661 : memref<40xi32, #tpu.memory_space<vmem>>) target_semaphore(%arg23 : memref<!tpu.dma_semaphore, #tpu.memory_space<semaphore_mem>>)
      } else {
      }
      %add3A_507 = arith.constant 2 : i32
      %add3A_508 = arith.addi %add3A_376, %add3A_507 : i32
      %dma_wait3A_509 = arith.constant 2 : i32
      %dma_wait3A_510 = arith.constant 0 : i32
      %dma_wait3A_511 = arith.constant 0 : i32
      %dma_wait3A_512 = arith.constant 0 : i32
      %dma_wait3A_513 = tpu.memref_slice %arg9[%dma_wait3A_510, %dma_wait3A_511, %dma_wait3A_512] : memref<2x40x128xi32, #tpu.memory_space<vmem>> -> memref<1x40x128xi32, #tpu.memory_space<vmem>>
      %dma_wait3A_514 = tpu.memref_squeeze %dma_wait3A_513 : memref<1x40x128xi32, #tpu.memory_space<vmem>> -> memref<40x128xi32, #tpu.memory_space<vmem>>
      %dma_wait3A_515 = arith.constant 0 : i32
      %dma_wait3A_516 = tpu.memref_slice %arg7[%dma_wait3A_509, %dma_wait3A_515] : memref<4x40xi32, #tpu.memory_space<vmem>> -> memref<1x40xi32, #tpu.memory_space<vmem>>
      %dma_wait3A_517 = tpu.memref_squeeze %dma_wait3A_516 : memref<1x40xi32, #tpu.memory_space<vmem>> -> memref<40xi32, #tpu.memory_space<vmem>>
      %dma_wait3A_518 = arith.constant 0 : i32
      %dma_wait3A_519 = arith.constant 0 : i32
      %dma_wait3A_520 = tpu.memref_slice %arg6[%dma_wait3A_518, %dma_wait3A_519] : memref<10000x128xi32, #tpu.memory_space<vmem_shared>> -> memref<10000x128xi32, #tpu.memory_space<vmem_shared>>
      tpu.wait_indirect_dma semaphore(%arg12 : memref<!tpu.dma_semaphore, #tpu.memory_space<semaphore_mem>>) src(%dma_wait3A_520 : memref<10000x128xi32, #tpu.memory_space<vmem_shared>>) dst(%dma_wait3A_514 : memref<40x128xi32, #tpu.memory_space<vmem>>)
      %dma_wait3A_521 = arith.constant 2 : i32
      %dma_wait3A_522 = arith.constant 0 : i32
      %dma_wait3A_523 = arith.constant 0 : i32
      %dma_wait3A_524 = arith.constant 0 : i32
      %dma_wait3A_525 = tpu.memref_slice %arg10[%dma_wait3A_522, %dma_wait3A_523, %dma_wait3A_524] : memref<2x40x128xi32, #tpu.memory_space<vmem>> -> memref<1x40x128xi32, #tpu.memory_space<vmem>>
      %dma_wait3A_526 = tpu.memref_squeeze %dma_wait3A_525 : memref<1x40x128xi32, #tpu.memory_space<vmem>> -> memref<40x128xi32, #tpu.memory_space<vmem>>
      %dma_wait3A_527 = arith.constant 0 : i32
      %dma_wait3A_528 = tpu.memref_slice %arg8[%dma_wait3A_521, %dma_wait3A_527] : memref<4x40xi32, #tpu.memory_space<vmem>> -> memref<1x40xi32, #tpu.memory_space<vmem>>
      %dma_wait3A_529 = tpu.memref_squeeze %dma_wait3A_528 : memref<1x40xi32, #tpu.memory_space<vmem>> -> memref<40xi32, #tpu.memory_space<vmem>>
      %dma_wait3A_530 = arith.constant 0 : i32
      %dma_wait3A_531 = arith.constant 0 : i32
      %dma_wait3A_532 = tpu.memref_slice %arg6[%dma_wait3A_530, %dma_wait3A_531] : memref<10000x128xi32, #tpu.memory_space<vmem_shared>> -> memref<10000x128xi32, #tpu.memory_space<vmem_shared>>
      tpu.wait_indirect_dma semaphore(%arg14 : memref<!tpu.dma_semaphore, #tpu.memory_space<semaphore_mem>>) src(%dma_wait3A_532 : memref<10000x128xi32, #tpu.memory_space<vmem_shared>>) dst(%dma_wait3A_526 : memref<40x128xi32, #tpu.memory_space<vmem>>)
      %ge3A_533 = arith.constant 2 : i32
      %ge3A_534 = arith.cmpi sge, %add3A_508, %ge3A_533 : i32
      %convert_element_type3A_535 = arith.extui %ge3A_534 : i1 to i32
      %cond3A_536 = arith.constant 0 : i32
      %cond3A_537 = arith.cmpi ne, %convert_element_type3A_535, %cond3A_536 : i32
      scf.if %cond3A_537 {
        %dma_wait3A_639 = arith.constant 0 : i32
        %dma_wait3A_640 = arith.constant 0 : i32
        %dma_wait3A_641 = arith.constant 0 : i32
        %dma_wait3A_642 = tpu.memref_slice %arg11[%dma_wait3A_639, %dma_wait3A_640, %dma_wait3A_641] : memref<2x40x64xi32, #tpu.memory_space<vmem>> -> memref<1x40x64xi32, #tpu.memory_space<vmem>>
        %dma_wait3A_643 = tpu.memref_squeeze %dma_wait3A_642 : memref<1x40x64xi32, #tpu.memory_space<vmem>> -> memref<40x64xi32, #tpu.memory_space<vmem>>
        %dma_wait3A_644 = arith.constant 0 : i32
        %dma_wait3A_645 = tpu.memref_slice %arg5[%mul3A_2, %dma_wait3A_644] : memref<320000x64xi32, #tpu.memory_space<hbm>> -> memref<40x64xi32, #tpu.memory_space<hbm>>
        %dma_wait3A_646 = arith.constant 0 : i32
        %dma_wait3A_647 = tpu.memref_slice %arg5[%mul3A_2, %dma_wait3A_646] : memref<320000x64xi32, #tpu.memory_space<hbm>> -> memref<40x64xi32, #tpu.memory_space<hbm>>
        %dma_wait3A_648 = arith.constant 0 : i32
        %dma_wait3A_649 = arith.constant 0 : i32
        %dma_wait3A_650 = tpu.memref_slice %arg11[%dma_wait3A_639, %dma_wait3A_648, %dma_wait3A_649] : memref<2x40x64xi32, #tpu.memory_space<vmem>> -> memref<1x40x64xi32, #tpu.memory_space<vmem>>
        %dma_wait3A_651 = tpu.memref_squeeze %dma_wait3A_650 : memref<1x40x64xi32, #tpu.memory_space<vmem>> -> memref<40x64xi32, #tpu.memory_space<vmem>>
        tpu.wait_dma2 semaphore(%arg16 : memref<!tpu.dma_semaphore, #tpu.memory_space<semaphore_mem>>) src(%dma_wait3A_651 : memref<40x64xi32, #tpu.memory_space<vmem>>) dst(%dma_wait3A_647 : memref<40x64xi32, #tpu.memory_space<hbm>>)
      } else {
      }
      %scan3A_538 = arith.constant 0 : i32
      %scan3A_539 = arith.constant 40 : i32
      %scan3A_540 = arith.addi %scan3A_538, %scan3A_539 : i32
      %scan3A_541 = arith.constant 1 : i32
      scf.for %scan3A_639 = %scan3A_538 to %scan3A_540 step %scan3A_541  : i32 {
        %mul3A_640 = arith.constant 1 : i32
        %mul3A_641 = arith.muli %scan3A_639, %mul3A_640 : i32
        %add3A_642 = arith.constant 0 : i32
        %add3A_643 = arith.addi %add3A_642, %mul3A_641 : i32
        %get3A = arith.constant 0 : i32
        %get3A_644 = arith.index_cast %get3A : i32 to index
        %get3A_645 = arith.index_cast %add3A_643 : i32 to index
        %get3A_646 = arith.constant 0 : index
        %get3A_647 = tpu.vector_load %arg9[%get3A_644, %get3A_645, %get3A_646] {strides = array<i32>} : memref<2x40x128xi32, #tpu.memory_space<vmem>>, vector<1x1x16xi32>,
        %get3A_648 = vector.shape_cast %get3A_647 : vector<1x1x16xi32> to vector<16xi32>
        %shift_left3A = arith.shli %get3A_648, %broadcast_in_dim3A_13 : vector<16xi32>
        %bitcast_convert_type3A = tpu.bitcast %shift_left3A : vector<16xi32> -> vector<16xf32>
        %get3A_649 = arith.constant 0 : i32
        %get3A_650 = arith.index_cast %get3A_649 : i32 to index
        %get3A_651 = arith.index_cast %add3A_643 : i32 to index
        %get3A_652 = arith.constant 0 : index
        %get3A_653 = tpu.vector_load %arg10[%get3A_650, %get3A_651, %get3A_652] {strides = array<i32>} : memref<2x40x128xi32, #tpu.memory_space<vmem>>, vector<1x1x16xi32>,
        %get3A_654 = vector.shape_cast %get3A_653 : vector<1x1x16xi32> to vector<16xi32>
        %and3A = arith.andi %get3A_654, %broadcast_in_dim3A_11 : vector<16xi32>
        %bitcast_convert_type3A_655 = tpu.bitcast %and3A : vector<16xi32> -> vector<16xf32>
        %get3A_656 = arith.constant 0 : i32
        %get3A_657 = arith.index_cast %get3A_656 : i32 to index
        %get3A_658 = arith.index_cast %add3A_643 : i32 to index
        %get3A_659 = arith.constant 64 : index
        %get3A_660 = tpu.vector_load %arg9[%get3A_657, %get3A_658, %get3A_659] {strides = array<i32>} : memref<2x40x128xi32, #tpu.memory_space<vmem>>, vector<1x1x16xi32>,
        %get3A_661 = vector.shape_cast %get3A_660 : vector<1x1x16xi32> to vector<16xi32>
        %shift_left3A_662 = arith.shli %get3A_661, %broadcast_in_dim3A_13 : vector<16xi32>
        %bitcast_convert_type3A_663 = tpu.bitcast %shift_left3A_662 : vector<16xi32> -> vector<16xf32>
        %get3A_664 = arith.constant 0 : i32
        %get3A_665 = arith.index_cast %get3A_664 : i32 to index
        %get3A_666 = arith.index_cast %add3A_643 : i32 to index
        %get3A_667 = arith.constant 64 : index
        %get3A_668 = tpu.vector_load %arg10[%get3A_665, %get3A_666, %get3A_667] {strides = array<i32>} : memref<2x40x128xi32, #tpu.memory_space<vmem>>, vector<1x1x16xi32>,
        %get3A_669 = vector.shape_cast %get3A_668 : vector<1x1x16xi32> to vector<16xi32>
        %and3A_670 = arith.andi %get3A_669, %broadcast_in_dim3A_11 : vector<16xi32>
        %bitcast_convert_type3A_671 = tpu.bitcast %and3A_670 : vector<16xi32> -> vector<16xf32>
        %add3A_672 = arith.addf %bitcast_convert_type3A, %bitcast_convert_type3A_655 : vector<16xf32>
        %bitcast_convert_type3A_673 = tpu.bitcast %add3A_672 : vector<16xf32> -> vector<16xi32>
        %add3A_674 = arith.addi %bitcast_convert_type3A_673, %broadcast_in_dim3A_9 : vector<16xi32>
        %shift_right_logical3A = arith.shrui %add3A_674, %broadcast_in_dim3A_13 : vector<16xi32>
        %add3A_675 = arith.addf %bitcast_convert_type3A_663, %bitcast_convert_type3A_671 : vector<16xf32>
        %bitcast_convert_type3A_676 = tpu.bitcast %add3A_675 : vector<16xf32> -> vector<16xi32>
        %add3A_677 = arith.addi %bitcast_convert_type3A_676, %broadcast_in_dim3A_9 : vector<16xi32>
        %shift_right_logical3A_678 = arith.shrui %add3A_677, %broadcast_in_dim3A_13 : vector<16xi32>
        %shift_left3A_679 = arith.shli %shift_right_logical3A_678, %broadcast_in_dim3A_13 : vector<16xi32>
        %or3A = arith.ori %shift_right_logical3A, %shift_left3A_679 : vector<16xi32>
        %swap3A = arith.constant 0 : i32
        %swap3A_680 = arith.index_cast %swap3A : i32 to index
        %swap3A_681 = arith.index_cast %add3A_643 : i32 to index
        %swap3A_682 = arith.constant 0 : index
        %swap3A_683 = tpu.vector_load %arg11[%swap3A_680, %swap3A_681, %swap3A_682] {strides = array<i32>} : memref<2x40x64xi32, #tpu.memory_space<vmem>>, vector<1x1x16xi32>,
        %swap3A_684 = vector.shape_cast %swap3A_683 : vector<1x1x16xi32> to vector<16xi32>
        %swap3A_685 = vector.shape_cast %or3A : vector<16xi32> to vector<1x1x16xi32>
        tpu.vector_store %arg11[%swap3A_680, %swap3A_681, %swap3A_682], %swap3A_685 {strides = array<i32>} : memref<2x40x64xi32, #tpu.memory_space<vmem>>, vector<1x1x16xi32>,
        %get3A_686 = arith.constant 0 : i32
        %get3A_687 = arith.index_cast %get3A_686 : i32 to index
        %get3A_688 = arith.index_cast %add3A_643 : i32 to index
        %get3A_689 = arith.constant 16 : index
        %get3A_690 = tpu.vector_load %arg9[%get3A_687, %get3A_688, %get3A_689] {strides = array<i32>} : memref<2x40x128xi32, #tpu.memory_space<vmem>>, vector<1x1x16xi32>,
        %get3A_691 = vector.shape_cast %get3A_690 : vector<1x1x16xi32> to vector<16xi32>
        %shift_left3A_692 = arith.shli %get3A_691, %broadcast_in_dim3A_13 : vector<16xi32>
        %bitcast_convert_type3A_693 = tpu.bitcast %shift_left3A_692 : vector<16xi32> -> vector<16xf32>
        %get3A_694 = arith.constant 0 : i32
        %get3A_695 = arith.index_cast %get3A_694 : i32 to index
        %get3A_696 = arith.index_cast %add3A_643 : i32 to index
        %get3A_697 = arith.constant 16 : index
        %get3A_698 = tpu.vector_load %arg10[%get3A_695, %get3A_696, %get3A_697] {strides = array<i32>} : memref<2x40x128xi32, #tpu.memory_space<vmem>>, vector<1x1x16xi32>,
        %get3A_699 = vector.shape_cast %get3A_698 : vector<1x1x16xi32> to vector<16xi32>
        %and3A_700 = arith.andi %get3A_699, %broadcast_in_dim3A_11 : vector<16xi32>
        %bitcast_convert_type3A_701 = tpu.bitcast %and3A_700 : vector<16xi32> -> vector<16xf32>
        %get3A_702 = arith.constant 0 : i32
        %get3A_703 = arith.index_cast %get3A_702 : i32 to index
        %get3A_704 = arith.index_cast %add3A_643 : i32 to index
        %get3A_705 = arith.constant 80 : index
        %get3A_706 = tpu.vector_load %arg9[%get3A_703, %get3A_704, %get3A_705] {strides = array<i32>} : memref<2x40x128xi32, #tpu.memory_space<vmem>>, vector<1x1x16xi32>,
        %get3A_707 = vector.shape_cast %get3A_706 : vector<1x1x16xi32> to vector<16xi32>
        %shift_left3A_708 = arith.shli %get3A_707, %broadcast_in_dim3A_13 : vector<16xi32>
        %bitcast_convert_type3A_709 = tpu.bitcast %shift_left3A_708 : vector<16xi32> -> vector<16xf32>
        %get3A_710 = arith.constant 0 : i32
        %get3A_711 = arith.index_cast %get3A_710 : i32 to index
        %get3A_712 = arith.index_cast %add3A_643 : i32 to index
        %get3A_713 = arith.constant 80 : index
        %get3A_714 = tpu.vector_load %arg10[%get3A_711, %get3A_712, %get3A_713] {strides = array<i32>} : memref<2x40x128xi32, #tpu.memory_space<vmem>>, vector<1x1x16xi32>,
        %get3A_715 = vector.shape_cast %get3A_714 : vector<1x1x16xi32> to vector<16xi32>
        %and3A_716 = arith.andi %get3A_715, %broadcast_in_dim3A_11 : vector<16xi32>
        %bitcast_convert_type3A_717 = tpu.bitcast %and3A_716 : vector<16xi32> -> vector<16xf32>
        %add3A_718 = arith.addf %bitcast_convert_type3A_693, %bitcast_convert_type3A_701 : vector<16xf32>
        %bitcast_convert_type3A_719 = tpu.bitcast %add3A_718 : vector<16xf32> -> vector<16xi32>
        %add3A_720 = arith.addi %bitcast_convert_type3A_719, %broadcast_in_dim3A_9 : vector<16xi32>
        %shift_right_logical3A_721 = arith.shrui %add3A_720, %broadcast_in_dim3A_13 : vector<16xi32>
        %add3A_722 = arith.addf %bitcast_convert_type3A_709, %bitcast_convert_type3A_717 : vector<16xf32>
        %bitcast_convert_type3A_723 = tpu.bitcast %add3A_722 : vector<16xf32> -> vector<16xi32>
        %add3A_724 = arith.addi %bitcast_convert_type3A_723, %broadcast_in_dim3A_9 : vector<16xi32>
        %shift_right_logical3A_725 = arith.shrui %add3A_724, %broadcast_in_dim3A_13 : vector<16xi32>
        %shift_left3A_726 = arith.shli %shift_right_logical3A_725, %broadcast_in_dim3A_13 : vector<16xi32>
        %or3A_727 = arith.ori %shift_right_logical3A_721, %shift_left3A_726 : vector<16xi32>
        %swap3A_728 = arith.constant 0 : i32
        %swap3A_729 = arith.index_cast %swap3A_728 : i32 to index
        %swap3A_730 = arith.index_cast %add3A_643 : i32 to index
        %swap3A_731 = arith.constant 16 : index
        %swap3A_732 = tpu.vector_load %arg11[%swap3A_729, %swap3A_730, %swap3A_731] {strides = array<i32>} : memref<2x40x64xi32, #tpu.memory_space<vmem>>, vector<1x1x16xi32>,
        %swap3A_733 = vector.shape_cast %swap3A_732 : vector<1x1x16xi32> to vector<16xi32>
        %swap3A_734 = vector.shape_cast %or3A_727 : vector<16xi32> to vector<1x1x16xi32>
        tpu.vector_store %arg11[%swap3A_729, %swap3A_730, %swap3A_731], %swap3A_734 {strides = array<i32>} : memref<2x40x64xi32, #tpu.memory_space<vmem>>, vector<1x1x16xi32>,
        %get3A_735 = arith.constant 0 : i32
        %get3A_736 = arith.index_cast %get3A_735 : i32 to index
        %get3A_737 = arith.index_cast %add3A_643 : i32 to index
        %get3A_738 = arith.constant 32 : index
        %get3A_739 = tpu.vector_load %arg9[%get3A_736, %get3A_737, %get3A_738] {strides = array<i32>} : memref<2x40x128xi32, #tpu.memory_space<vmem>>, vector<1x1x16xi32>,
        %get3A_740 = vector.shape_cast %get3A_739 : vector<1x1x16xi32> to vector<16xi32>
        %shift_left3A_741 = arith.shli %get3A_740, %broadcast_in_dim3A_13 : vector<16xi32>
        %bitcast_convert_type3A_742 = tpu.bitcast %shift_left3A_741 : vector<16xi32> -> vector<16xf32>
        %get3A_743 = arith.constant 0 : i32
        %get3A_744 = arith.index_cast %get3A_743 : i32 to index
        %get3A_745 = arith.index_cast %add3A_643 : i32 to index
        %get3A_746 = arith.constant 32 : index
        %get3A_747 = tpu.vector_load %arg10[%get3A_744, %get3A_745, %get3A_746] {strides = array<i32>} : memref<2x40x128xi32, #tpu.memory_space<vmem>>, vector<1x1x16xi32>,
        %get3A_748 = vector.shape_cast %get3A_747 : vector<1x1x16xi32> to vector<16xi32>
        %and3A_749 = arith.andi %get3A_748, %broadcast_in_dim3A_11 : vector<16xi32>
        %bitcast_convert_type3A_750 = tpu.bitcast %and3A_749 : vector<16xi32> -> vector<16xf32>
        %get3A_751 = arith.constant 0 : i32
        %get3A_752 = arith.index_cast %get3A_751 : i32 to index
        %get3A_753 = arith.index_cast %add3A_643 : i32 to index
        %get3A_754 = arith.constant 96 : index
        %get3A_755 = tpu.vector_load %arg9[%get3A_752, %get3A_753, %get3A_754] {strides = array<i32>} : memref<2x40x128xi32, #tpu.memory_space<vmem>>, vector<1x1x16xi32>,
        %get3A_756 = vector.shape_cast %get3A_755 : vector<1x1x16xi32> to vector<16xi32>
        %shift_left3A_757 = arith.shli %get3A_756, %broadcast_in_dim3A_13 : vector<16xi32>
        %bitcast_convert_type3A_758 = tpu.bitcast %shift_left3A_757 : vector<16xi32> -> vector<16xf32>
        %get3A_759 = arith.constant 0 : i32
        %get3A_760 = arith.index_cast %get3A_759 : i32 to index
        %get3A_761 = arith.index_cast %add3A_643 : i32 to index
        %get3A_762 = arith.constant 96 : index
        %get3A_763 = tpu.vector_load %arg10[%get3A_760, %get3A_761, %get3A_762] {strides = array<i32>} : memref<2x40x128xi32, #tpu.memory_space<vmem>>, vector<1x1x16xi32>,
        %get3A_764 = vector.shape_cast %get3A_763 : vector<1x1x16xi32> to vector<16xi32>
        %and3A_765 = arith.andi %get3A_764, %broadcast_in_dim3A_11 : vector<16xi32>
        %bitcast_convert_type3A_766 = tpu.bitcast %and3A_765 : vector<16xi32> -> vector<16xf32>
        %add3A_767 = arith.addf %bitcast_convert_type3A_742, %bitcast_convert_type3A_750 : vector<16xf32>
        %bitcast_convert_type3A_768 = tpu.bitcast %add3A_767 : vector<16xf32> -> vector<16xi32>
        %add3A_769 = arith.addi %bitcast_convert_type3A_768, %broadcast_in_dim3A_9 : vector<16xi32>
        %shift_right_logical3A_770 = arith.shrui %add3A_769, %broadcast_in_dim3A_13 : vector<16xi32>
        %add3A_771 = arith.addf %bitcast_convert_type3A_758, %bitcast_convert_type3A_766 : vector<16xf32>
        %bitcast_convert_type3A_772 = tpu.bitcast %add3A_771 : vector<16xf32> -> vector<16xi32>
        %add3A_773 = arith.addi %bitcast_convert_type3A_772, %broadcast_in_dim3A_9 : vector<16xi32>
        %shift_right_logical3A_774 = arith.shrui %add3A_773, %broadcast_in_dim3A_13 : vector<16xi32>
        %shift_left3A_775 = arith.shli %shift_right_logical3A_774, %broadcast_in_dim3A_13 : vector<16xi32>
        %or3A_776 = arith.ori %shift_right_logical3A_770, %shift_left3A_775 : vector<16xi32>
        %swap3A_777 = arith.constant 0 : i32
        %swap3A_778 = arith.index_cast %swap3A_777 : i32 to index
        %swap3A_779 = arith.index_cast %add3A_643 : i32 to index
        %swap3A_780 = arith.constant 32 : index
        %swap3A_781 = tpu.vector_load %arg11[%swap3A_778, %swap3A_779, %swap3A_780] {strides = array<i32>} : memref<2x40x64xi32, #tpu.memory_space<vmem>>, vector<1x1x16xi32>,
        %swap3A_782 = vector.shape_cast %swap3A_781 : vector<1x1x16xi32> to vector<16xi32>
        %swap3A_783 = vector.shape_cast %or3A_776 : vector<16xi32> to vector<1x1x16xi32>
        tpu.vector_store %arg11[%swap3A_778, %swap3A_779, %swap3A_780], %swap3A_783 {strides = array<i32>} : memref<2x40x64xi32, #tpu.memory_space<vmem>>, vector<1x1x16xi32>,
        %get3A_784 = arith.constant 0 : i32
        %get3A_785 = arith.index_cast %get3A_784 : i32 to index
        %get3A_786 = arith.index_cast %add3A_643 : i32 to index
        %get3A_787 = arith.constant 48 : index
        %get3A_788 = tpu.vector_load %arg9[%get3A_785, %get3A_786, %get3A_787] {strides = array<i32>} : memref<2x40x128xi32, #tpu.memory_space<vmem>>, vector<1x1x16xi32>,
        %get3A_789 = vector.shape_cast %get3A_788 : vector<1x1x16xi32> to vector<16xi32>
        %shift_left3A_790 = arith.shli %get3A_789, %broadcast_in_dim3A_13 : vector<16xi32>
        %bitcast_convert_type3A_791 = tpu.bitcast %shift_left3A_790 : vector<16xi32> -> vector<16xf32>
        %get3A_792 = arith.constant 0 : i32
        %get3A_793 = arith.index_cast %get3A_792 : i32 to index
        %get3A_794 = arith.index_cast %add3A_643 : i32 to index
        %get3A_795 = arith.constant 48 : index
        %get3A_796 = tpu.vector_load %arg10[%get3A_793, %get3A_794, %get3A_795] {strides = array<i32>} : memref<2x40x128xi32, #tpu.memory_space<vmem>>, vector<1x1x16xi32>,
        %get3A_797 = vector.shape_cast %get3A_796 : vector<1x1x16xi32> to vector<16xi32>
        %and3A_798 = arith.andi %get3A_797, %broadcast_in_dim3A_11 : vector<16xi32>
        %bitcast_convert_type3A_799 = tpu.bitcast %and3A_798 : vector<16xi32> -> vector<16xf32>
        %get3A_800 = arith.constant 0 : i32
        %get3A_801 = arith.index_cast %get3A_800 : i32 to index
        %get3A_802 = arith.index_cast %add3A_643 : i32 to index
        %get3A_803 = arith.constant 112 : index
        %get3A_804 = tpu.vector_load %arg9[%get3A_801, %get3A_802, %get3A_803] {strides = array<i32>} : memref<2x40x128xi32, #tpu.memory_space<vmem>>, vector<1x1x16xi32>,
        %get3A_805 = vector.shape_cast %get3A_804 : vector<1x1x16xi32> to vector<16xi32>
        %shift_left3A_806 = arith.shli %get3A_805, %broadcast_in_dim3A_13 : vector<16xi32>
        %bitcast_convert_type3A_807 = tpu.bitcast %shift_left3A_806 : vector<16xi32> -> vector<16xf32>
        %get3A_808 = arith.constant 0 : i32
        %get3A_809 = arith.index_cast %get3A_808 : i32 to index
        %get3A_810 = arith.index_cast %add3A_643 : i32 to index
        %get3A_811 = arith.constant 112 : index
        %get3A_812 = tpu.vector_load %arg10[%get3A_809, %get3A_810, %get3A_811] {strides = array<i32>} : memref<2x40x128xi32, #tpu.memory_space<vmem>>, vector<1x1x16xi32>,
        %get3A_813 = vector.shape_cast %get3A_812 : vector<1x1x16xi32> to vector<16xi32>
        %and3A_814 = arith.andi %get3A_813, %broadcast_in_dim3A_11 : vector<16xi32>
        %bitcast_convert_type3A_815 = tpu.bitcast %and3A_814 : vector<16xi32> -> vector<16xf32>
        %add3A_816 = arith.addf %bitcast_convert_type3A_791, %bitcast_convert_type3A_799 : vector<16xf32>
        %bitcast_convert_type3A_817 = tpu.bitcast %add3A_816 : vector<16xf32> -> vector<16xi32>
        %add3A_818 = arith.addi %bitcast_convert_type3A_817, %broadcast_in_dim3A_9 : vector<16xi32>
        %shift_right_logical3A_819 = arith.shrui %add3A_818, %broadcast_in_dim3A_13 : vector<16xi32>
        %add3A_820 = arith.addf %bitcast_convert_type3A_807, %bitcast_convert_type3A_815 : vector<16xf32>
        %bitcast_convert_type3A_821 = tpu.bitcast %add3A_820 : vector<16xf32> -> vector<16xi32>
        %add3A_822 = arith.addi %bitcast_convert_type3A_821, %broadcast_in_dim3A_9 : vector<16xi32>
        %shift_right_logical3A_823 = arith.shrui %add3A_822, %broadcast_in_dim3A_13 : vector<16xi32>
        %shift_left3A_824 = arith.shli %shift_right_logical3A_823, %broadcast_in_dim3A_13 : vector<16xi32>
        %or3A_825 = arith.ori %shift_right_logical3A_819, %shift_left3A_824 : vector<16xi32>
        %swap3A_826 = arith.constant 0 : i32
        %swap3A_827 = arith.index_cast %swap3A_826 : i32 to index
        %swap3A_828 = arith.index_cast %add3A_643 : i32 to index
        %swap3A_829 = arith.constant 48 : index
        %swap3A_830 = tpu.vector_load %arg11[%swap3A_827, %swap3A_828, %swap3A_829] {strides = array<i32>} : memref<2x40x64xi32, #tpu.memory_space<vmem>>, vector<1x1x16xi32>,
        %swap3A_831 = vector.shape_cast %swap3A_830 : vector<1x1x16xi32> to vector<16xi32>
        %swap3A_832 = vector.shape_cast %or3A_825 : vector<16xi32> to vector<1x1x16xi32>
        tpu.vector_store %arg11[%swap3A_827, %swap3A_828, %swap3A_829], %swap3A_832 {strides = array<i32>} : memref<2x40x64xi32, #tpu.memory_space<vmem>>, vector<1x1x16xi32>,
      }
      %scan3A_542 = arith.constant 40 : i32
      %mul3A_543 = arith.constant 40 : i32
      %mul3A_544 = arith.muli %add3A_508, %mul3A_543 : i32
      %add3A_545 = arith.addi %mul3A_2, %mul3A_544 : i32
      %dma_start3A_546 = arith.constant 0 : i32
      %dma_start3A_547 = arith.constant 0 : i32
      %dma_start3A_548 = arith.constant 0 : i32
      %dma_start3A_549 = tpu.memref_slice %arg11[%dma_start3A_546, %dma_start3A_547, %dma_start3A_548] : memref<2x40x64xi32, #tpu.memory_space<vmem>> -> memref<1x40x64xi32, #tpu.memory_space<vmem>>
      %dma_start3A_550 = tpu.memref_squeeze %dma_start3A_549 : memref<1x40x64xi32, #tpu.memory_space<vmem>> -> memref<40x64xi32, #tpu.memory_space<vmem>>
      %dma_start3A_551 = arith.constant 0 : i32
      %dma_start3A_552 = tpu.memref_slice %arg5[%add3A_545, %dma_start3A_551] : memref<320000x64xi32, #tpu.memory_space<hbm>> -> memref<40x64xi32, #tpu.memory_space<hbm>>
      %dma_start3A_553 = arith.constant 0 : i32
      %dma_start3A_554 = tpu.memref_slice %arg5[%add3A_545, %dma_start3A_553] : memref<320000x64xi32, #tpu.memory_space<hbm>> -> memref<40x64xi32, #tpu.memory_space<hbm>>
      %dma_start3A_555 = arith.constant 0 : i32
      %dma_start3A_556 = arith.constant 0 : i32
      %dma_start3A_557 = tpu.memref_slice %arg11[%dma_start3A_546, %dma_start3A_555, %dma_start3A_556] : memref<2x40x64xi32, #tpu.memory_space<vmem>> -> memref<1x40x64xi32, #tpu.memory_space<vmem>>
      %dma_start3A_558 = tpu.memref_squeeze %dma_start3A_557 : memref<1x40x64xi32, #tpu.memory_space<vmem>> -> memref<40x64xi32, #tpu.memory_space<vmem>>
      tpu.enqueue_dma source(%dma_start3A_558 : memref<40x64xi32, #tpu.memory_space<vmem>>) target(%dma_start3A_554 : memref<40x64xi32, #tpu.memory_space<hbm>>) target_semaphore(%arg16 : memref<!tpu.dma_semaphore, #tpu.memory_space<semaphore_mem>>)
      %add3A_559 = arith.constant 2 : i32
      %add3A_560 = arith.addi %add3A_508, %add3A_559 : i32
      %lt3A_561 = arith.constant 250 : i32
      %lt3A_562 = arith.cmpi slt, %add3A_560, %lt3A_561 : i32
      %convert_element_type3A_563 = arith.extui %lt3A_562 : i1 to i32
      %cond3A_564 = arith.constant 0 : i32
      %cond3A_565 = arith.cmpi ne, %convert_element_type3A_563, %cond3A_564 : i32
      scf.if %cond3A_565 {
        %dma_wait3A_639 = arith.constant 0 : i32
        %dma_wait3A_640 = arith.constant 0 : i32
        %dma_wait3A_641 = tpu.memref_slice %arg7[%dma_wait3A_639, %dma_wait3A_640] : memref<4x40xi32, #tpu.memory_space<vmem>> -> memref<1x40xi32, #tpu.memory_space<vmem>>
        %dma_wait3A_642 = tpu.memref_squeeze %dma_wait3A_641 : memref<1x40xi32, #tpu.memory_space<vmem>> -> memref<40xi32, #tpu.memory_space<vmem>>
        %dma_wait3A_643 = arith.constant 0 : i32
        %dma_wait3A_644 = tpu.memref_slice %arg3[%add3A, %add3A_560, %dma_wait3A_643] : memref<32x250x40xi32, #tpu.memory_space<hbm>> -> memref<1x1x40xi32, #tpu.memory_space<hbm>>
        %dma_wait3A_645 = tpu.memref_squeeze %dma_wait3A_644 : memref<1x1x40xi32, #tpu.memory_space<hbm>> -> memref<40xi32, #tpu.memory_space<hbm>>
        %dma_wait3A_646 = arith.constant 0 : i32
        %dma_wait3A_647 = tpu.memref_slice %arg7[%dma_wait3A_639, %dma_wait3A_646] : memref<4x40xi32, #tpu.memory_space<vmem>> -> memref<1x40xi32, #tpu.memory_space<vmem>>
        %dma_wait3A_648 = tpu.memref_squeeze %dma_wait3A_647 : memref<1x40xi32, #tpu.memory_space<vmem>> -> memref<40xi32, #tpu.memory_space<vmem>>
        %dma_wait3A_649 = arith.constant 0 : i32
        %dma_wait3A_650 = tpu.memref_slice %arg3[%add3A, %add3A_560, %dma_wait3A_649] : memref<32x250x40xi32, #tpu.memory_space<hbm>> -> memref<1x1x40xi32, #tpu.memory_space<hbm>>
        %dma_wait3A_651 = tpu.memref_squeeze %dma_wait3A_650 : memref<1x1x40xi32, #tpu.memory_space<hbm>> -> memref<40xi32, #tpu.memory_space<hbm>>
        tpu.wait_dma2 semaphore(%arg18 : memref<!tpu.dma_semaphore, #tpu.memory_space<semaphore_mem>>) src(%dma_wait3A_651 : memref<40xi32, #tpu.memory_space<hbm>>) dst(%dma_wait3A_648 : memref<40xi32, #tpu.memory_space<vmem>>)
        %dma_wait3A_652 = arith.constant 0 : i32
        %dma_wait3A_653 = arith.constant 0 : i32
        %dma_wait3A_654 = tpu.memref_slice %arg8[%dma_wait3A_652, %dma_wait3A_653] : memref<4x40xi32, #tpu.memory_space<vmem>> -> memref<1x40xi32, #tpu.memory_space<vmem>>
        %dma_wait3A_655 = tpu.memref_squeeze %dma_wait3A_654 : memref<1x40xi32, #tpu.memory_space<vmem>> -> memref<40xi32, #tpu.memory_space<vmem>>
        %dma_wait3A_656 = arith.constant 0 : i32
        %dma_wait3A_657 = tpu.memref_slice %arg4[%add3A, %add3A_560, %dma_wait3A_656] : memref<32x250x40xi32, #tpu.memory_space<hbm>> -> memref<1x1x40xi32, #tpu.memory_space<hbm>>
        %dma_wait3A_658 = tpu.memref_squeeze %dma_wait3A_657 : memref<1x1x40xi32, #tpu.memory_space<hbm>> -> memref<40xi32, #tpu.memory_space<hbm>>
        %dma_wait3A_659 = arith.constant 0 : i32
        %dma_wait3A_660 = tpu.memref_slice %arg8[%dma_wait3A_652, %dma_wait3A_659] : memref<4x40xi32, #tpu.memory_space<vmem>> -> memref<1x40xi32, #tpu.memory_space<vmem>>
        %dma_wait3A_661 = tpu.memref_squeeze %dma_wait3A_660 : memref<1x40xi32, #tpu.memory_space<vmem>> -> memref<40xi32, #tpu.memory_space<vmem>>
        %dma_wait3A_662 = arith.constant 0 : i32
        %dma_wait3A_663 = tpu.memref_slice %arg4[%add3A, %add3A_560, %dma_wait3A_662] : memref<32x250x40xi32, #tpu.memory_space<hbm>> -> memref<1x1x40xi32, #tpu.memory_space<hbm>>
        %dma_wait3A_664 = tpu.memref_squeeze %dma_wait3A_663 : memref<1x1x40xi32, #tpu.memory_space<hbm>> -> memref<40xi32, #tpu.memory_space<hbm>>
        tpu.wait_dma2 semaphore(%arg22 : memref<!tpu.dma_semaphore, #tpu.memory_space<semaphore_mem>>) src(%dma_wait3A_664 : memref<40xi32, #tpu.memory_space<hbm>>) dst(%dma_wait3A_661 : memref<40xi32, #tpu.memory_space<vmem>>)
        %dma_start3A_665 = arith.constant 0 : i32
        %dma_start3A_666 = arith.constant 0 : i32
        %dma_start3A_667 = arith.constant 0 : i32
        %dma_start3A_668 = arith.constant 0 : i32
        %dma_start3A_669 = tpu.memref_slice %arg9[%dma_start3A_666, %dma_start3A_667, %dma_start3A_668] : memref<2x40x128xi32, #tpu.memory_space<vmem>> -> memref<1x40x128xi32, #tpu.memory_space<vmem>>
        %dma_start3A_670 = tpu.memref_squeeze %dma_start3A_669 : memref<1x40x128xi32, #tpu.memory_space<vmem>> -> memref<40x128xi32, #tpu.memory_space<vmem>>
        %dma_start3A_671 = arith.constant 0 : i32
        %dma_start3A_672 = tpu.memref_slice %arg7[%dma_start3A_665, %dma_start3A_671] : memref<4x40xi32, #tpu.memory_space<vmem>> -> memref<1x40xi32, #tpu.memory_space<vmem>>
        %dma_start3A_673 = tpu.memref_squeeze %dma_start3A_672 : memref<1x40xi32, #tpu.memory_space<vmem>> -> memref<40xi32, #tpu.memory_space<vmem>>
        %dma_start3A_674 = arith.constant 0 : i32
        %dma_start3A_675 = arith.constant 0 : i32
        %dma_start3A_676 = tpu.memref_slice %arg6[%dma_start3A_674, %dma_start3A_675] : memref<10000x128xi32, #tpu.memory_space<vmem_shared>> -> memref<10000x128xi32, #tpu.memory_space<vmem_shared>>
        tpu.enqueue_indirect_dma source(%dma_start3A_676 : memref<10000x128xi32, #tpu.memory_space<vmem_shared>>) target(%dma_start3A_670 : memref<40x128xi32, #tpu.memory_space<vmem>>) offsets(%dma_start3A_673 : memref<40xi32, #tpu.memory_space<vmem>>) semaphore(%arg12 : memref<!tpu.dma_semaphore, #tpu.memory_space<semaphore_mem>>)
        %dma_start3A_677 = arith.constant 0 : i32
        %dma_start3A_678 = arith.constant 0 : i32
        %dma_start3A_679 = arith.constant 0 : i32
        %dma_start3A_680 = arith.constant 0 : i32
        %dma_start3A_681 = tpu.memref_slice %arg10[%dma_start3A_678, %dma_start3A_679, %dma_start3A_680] : memref<2x40x128xi32, #tpu.memory_space<vmem>> -> memref<1x40x128xi32, #tpu.memory_space<vmem>>
        %dma_start3A_682 = tpu.memref_squeeze %dma_start3A_681 : memref<1x40x128xi32, #tpu.memory_space<vmem>> -> memref<40x128xi32, #tpu.memory_space<vmem>>
        %dma_start3A_683 = arith.constant 0 : i32
        %dma_start3A_684 = tpu.memref_slice %arg8[%dma_start3A_677, %dma_start3A_683] : memref<4x40xi32, #tpu.memory_space<vmem>> -> memref<1x40xi32, #tpu.memory_space<vmem>>
        %dma_start3A_685 = tpu.memref_squeeze %dma_start3A_684 : memref<1x40xi32, #tpu.memory_space<vmem>> -> memref<40xi32, #tpu.memory_space<vmem>>
        %dma_start3A_686 = arith.constant 0 : i32
        %dma_start3A_687 = arith.constant 0 : i32
        %dma_start3A_688 = tpu.memref_slice %arg6[%dma_start3A_686, %dma_start3A_687] : memref<10000x128xi32, #tpu.memory_space<vmem_shared>> -> memref<10000x128xi32, #tpu.memory_space<vmem_shared>>
        tpu.enqueue_indirect_dma source(%dma_start3A_688 : memref<10000x128xi32, #tpu.memory_space<vmem_shared>>) target(%dma_start3A_682 : memref<40x128xi32, #tpu.memory_space<vmem>>) offsets(%dma_start3A_685 : memref<40xi32, #tpu.memory_space<vmem>>) semaphore(%arg14 : memref<!tpu.dma_semaphore, #tpu.memory_space<semaphore_mem>>)
      } else {
      }
      %add3A_566 = arith.constant 4 : i32
      %add3A_567 = arith.addi %add3A_508, %add3A_566 : i32
      %lt3A_568 = arith.constant 250 : i32
      %lt3A_569 = arith.cmpi slt, %add3A_567, %lt3A_568 : i32
      %convert_element_type3A_570 = arith.extui %lt3A_569 : i1 to i32
      %cond3A_571 = arith.constant 0 : i32
      %cond3A_572 = arith.cmpi ne, %convert_element_type3A_570, %cond3A_571 : i32
      scf.if %cond3A_572 {
        %dma_start3A_639 = arith.constant 2 : i32
        %dma_start3A_640 = arith.constant 0 : i32
        %dma_start3A_641 = tpu.memref_slice %arg7[%dma_start3A_639, %dma_start3A_640] : memref<4x40xi32, #tpu.memory_space<vmem>> -> memref<1x40xi32, #tpu.memory_space<vmem>>
        %dma_start3A_642 = tpu.memref_squeeze %dma_start3A_641 : memref<1x40xi32, #tpu.memory_space<vmem>> -> memref<40xi32, #tpu.memory_space<vmem>>
        %dma_start3A_643 = arith.constant 0 : i32
        %dma_start3A_644 = tpu.memref_slice %arg3[%add3A, %add3A_567, %dma_start3A_643] : memref<32x250x40xi32, #tpu.memory_space<hbm>> -> memref<1x1x40xi32, #tpu.memory_space<hbm>>
        %dma_start3A_645 = tpu.memref_squeeze %dma_start3A_644 : memref<1x1x40xi32, #tpu.memory_space<hbm>> -> memref<40xi32, #tpu.memory_space<hbm>>
        %dma_start3A_646 = arith.constant 0 : i32
        %dma_start3A_647 = tpu.memref_slice %arg7[%dma_start3A_639, %dma_start3A_646] : memref<4x40xi32, #tpu.memory_space<vmem>> -> memref<1x40xi32, #tpu.memory_space<vmem>>
        %dma_start3A_648 = tpu.memref_squeeze %dma_start3A_647 : memref<1x40xi32, #tpu.memory_space<vmem>> -> memref<40xi32, #tpu.memory_space<vmem>>
        %dma_start3A_649 = arith.constant 0 : i32
        %dma_start3A_650 = tpu.memref_slice %arg3[%add3A, %add3A_567, %dma_start3A_649] : memref<32x250x40xi32, #tpu.memory_space<hbm>> -> memref<1x1x40xi32, #tpu.memory_space<hbm>>
        %dma_start3A_651 = tpu.memref_squeeze %dma_start3A_650 : memref<1x1x40xi32, #tpu.memory_space<hbm>> -> memref<40xi32, #tpu.memory_space<hbm>>
        tpu.enqueue_dma source(%dma_start3A_651 : memref<40xi32, #tpu.memory_space<hbm>>) target(%dma_start3A_648 : memref<40xi32, #tpu.memory_space<vmem>>) target_semaphore(%arg20 : memref<!tpu.dma_semaphore, #tpu.memory_space<semaphore_mem>>)
        %dma_start3A_652 = arith.constant 2 : i32
        %dma_start3A_653 = arith.constant 0 : i32
        %dma_start3A_654 = tpu.memref_slice %arg8[%dma_start3A_652, %dma_start3A_653] : memref<4x40xi32, #tpu.memory_space<vmem>> -> memref<1x40xi32, #tpu.memory_space<vmem>>
        %dma_start3A_655 = tpu.memref_squeeze %dma_start3A_654 : memref<1x40xi32, #tpu.memory_space<vmem>> -> memref<40xi32, #tpu.memory_space<vmem>>
        %dma_start3A_656 = arith.constant 0 : i32
        %dma_start3A_657 = tpu.memref_slice %arg4[%add3A, %add3A_567, %dma_start3A_656] : memref<32x250x40xi32, #tpu.memory_space<hbm>> -> memref<1x1x40xi32, #tpu.memory_space<hbm>>
        %dma_start3A_658 = tpu.memref_squeeze %dma_start3A_657 : memref<1x1x40xi32, #tpu.memory_space<hbm>> -> memref<40xi32, #tpu.memory_space<hbm>>
        %dma_start3A_659 = arith.constant 0 : i32
        %dma_start3A_660 = tpu.memref_slice %arg8[%dma_start3A_652, %dma_start3A_659] : memref<4x40xi32, #tpu.memory_space<vmem>> -> memref<1x40xi32, #tpu.memory_space<vmem>>
        %dma_start3A_661 = tpu.memref_squeeze %dma_start3A_660 : memref<1x40xi32, #tpu.memory_space<vmem>> -> memref<40xi32, #tpu.memory_space<vmem>>
        %dma_start3A_662 = arith.constant 0 : i32
        %dma_start3A_663 = tpu.memref_slice %arg4[%add3A, %add3A_567, %dma_start3A_662] : memref<32x250x40xi32, #tpu.memory_space<hbm>> -> memref<1x1x40xi32, #tpu.memory_space<hbm>>
        %dma_start3A_664 = tpu.memref_squeeze %dma_start3A_663 : memref<1x1x40xi32, #tpu.memory_space<hbm>> -> memref<40xi32, #tpu.memory_space<hbm>>
        tpu.enqueue_dma source(%dma_start3A_664 : memref<40xi32, #tpu.memory_space<hbm>>) target(%dma_start3A_661 : memref<40xi32, #tpu.memory_space<vmem>>) target_semaphore(%arg24 : memref<!tpu.dma_semaphore, #tpu.memory_space<semaphore_mem>>)
      } else {
      }
      %add3A_573 = arith.constant 3 : i32
      %add3A_574 = arith.addi %add3A_376, %add3A_573 : i32
      %dma_wait3A_575 = arith.constant 3 : i32
      %dma_wait3A_576 = arith.constant 1 : i32
      %dma_wait3A_577 = arith.constant 0 : i32
      %dma_wait3A_578 = arith.constant 0 : i32
      %dma_wait3A_579 = tpu.memref_slice %arg9[%dma_wait3A_576, %dma_wait3A_577, %dma_wait3A_578] : memref<2x40x128xi32, #tpu.memory_space<vmem>> -> memref<1x40x128xi32, #tpu.memory_space<vmem>>
      %dma_wait3A_580 = tpu.memref_squeeze %dma_wait3A_579 : memref<1x40x128xi32, #tpu.memory_space<vmem>> -> memref<40x128xi32, #tpu.memory_space<vmem>>
      %dma_wait3A_581 = arith.constant 0 : i32
      %dma_wait3A_582 = tpu.memref_slice %arg7[%dma_wait3A_575, %dma_wait3A_581] : memref<4x40xi32, #tpu.memory_space<vmem>> -> memref<1x40xi32, #tpu.memory_space<vmem>>
      %dma_wait3A_583 = tpu.memref_squeeze %dma_wait3A_582 : memref<1x40xi32, #tpu.memory_space<vmem>> -> memref<40xi32, #tpu.memory_space<vmem>>
      %dma_wait3A_584 = arith.constant 0 : i32
      %dma_wait3A_585 = arith.constant 0 : i32
      %dma_wait3A_586 = tpu.memref_slice %arg6[%dma_wait3A_584, %dma_wait3A_585] : memref<10000x128xi32, #tpu.memory_space<vmem_shared>> -> memref<10000x128xi32, #tpu.memory_space<vmem_shared>>
      tpu.wait_indirect_dma semaphore(%arg13 : memref<!tpu.dma_semaphore, #tpu.memory_space<semaphore_mem>>) src(%dma_wait3A_586 : memref<10000x128xi32, #tpu.memory_space<vmem_shared>>) dst(%dma_wait3A_580 : memref<40x128xi32, #tpu.memory_space<vmem>>)
      %dma_wait3A_587 = arith.constant 3 : i32
      %dma_wait3A_588 = arith.constant 1 : i32
      %dma_wait3A_589 = arith.constant 0 : i32
      %dma_wait3A_590 = arith.constant 0 : i32
      %dma_wait3A_591 = tpu.memref_slice %arg10[%dma_wait3A_588, %dma_wait3A_589, %dma_wait3A_590] : memref<2x40x128xi32, #tpu.memory_space<vmem>> -> memref<1x40x128xi32, #tpu.memory_space<vmem>>
      %dma_wait3A_592 = tpu.memref_squeeze %dma_wait3A_591 : memref<1x40x128xi32, #tpu.memory_space<vmem>> -> memref<40x128xi32, #tpu.memory_space<vmem>>
      %dma_wait3A_593 = arith.constant 0 : i32
      %dma_wait3A_594 = tpu.memref_slice %arg8[%dma_wait3A_587, %dma_wait3A_593] : memref<4x40xi32, #tpu.memory_space<vmem>> -> memref<1x40xi32, #tpu.memory_space<vmem>>
      %dma_wait3A_595 = tpu.memref_squeeze %dma_wait3A_594 : memref<1x40xi32, #tpu.memory_space<vmem>> -> memref<40xi32, #tpu.memory_space<vmem>>
      %dma_wait3A_596 = arith.constant 0 : i32
      %dma_wait3A_597 = arith.constant 0 : i32
      %dma_wait3A_598 = tpu.memref_slice %arg6[%dma_wait3A_596, %dma_wait3A_597] : memref<10000x128xi32, #tpu.memory_space<vmem_shared>> -> memref<10000x128xi32, #tpu.memory_space<vmem_shared>>
      tpu.wait_indirect_dma semaphore(%arg15 : memref<!tpu.dma_semaphore, #tpu.memory_space<semaphore_mem>>) src(%dma_wait3A_598 : memref<10000x128xi32, #tpu.memory_space<vmem_shared>>) dst(%dma_wait3A_592 : memref<40x128xi32, #tpu.memory_space<vmem>>)
      %ge3A_599 = arith.constant 2 : i32
      %ge3A_600 = arith.cmpi sge, %add3A_574, %ge3A_599 : i32
      %convert_element_type3A_601 = arith.extui %ge3A_600 : i1 to i32
      %cond3A_602 = arith.constant 0 : i32
      %cond3A_603 = arith.cmpi ne, %convert_element_type3A_601, %cond3A_602 : i32
      scf.if %cond3A_603 {
        %dma_wait3A_639 = arith.constant 1 : i32
        %dma_wait3A_640 = arith.constant 0 : i32
        %dma_wait3A_641 = arith.constant 0 : i32
        %dma_wait3A_642 = tpu.memref_slice %arg11[%dma_wait3A_639, %dma_wait3A_640, %dma_wait3A_641] : memref<2x40x64xi32, #tpu.memory_space<vmem>> -> memref<1x40x64xi32, #tpu.memory_space<vmem>>
        %dma_wait3A_643 = tpu.memref_squeeze %dma_wait3A_642 : memref<1x40x64xi32, #tpu.memory_space<vmem>> -> memref<40x64xi32, #tpu.memory_space<vmem>>
        %dma_wait3A_644 = arith.constant 0 : i32
        %dma_wait3A_645 = tpu.memref_slice %arg5[%mul3A_2, %dma_wait3A_644] : memref<320000x64xi32, #tpu.memory_space<hbm>> -> memref<40x64xi32, #tpu.memory_space<hbm>>
        %dma_wait3A_646 = arith.constant 0 : i32
        %dma_wait3A_647 = tpu.memref_slice %arg5[%mul3A_2, %dma_wait3A_646] : memref<320000x64xi32, #tpu.memory_space<hbm>> -> memref<40x64xi32, #tpu.memory_space<hbm>>
        %dma_wait3A_648 = arith.constant 0 : i32
        %dma_wait3A_649 = arith.constant 0 : i32
        %dma_wait3A_650 = tpu.memref_slice %arg11[%dma_wait3A_639, %dma_wait3A_648, %dma_wait3A_649] : memref<2x40x64xi32, #tpu.memory_space<vmem>> -> memref<1x40x64xi32, #tpu.memory_space<vmem>>
        %dma_wait3A_651 = tpu.memref_squeeze %dma_wait3A_650 : memref<1x40x64xi32, #tpu.memory_space<vmem>> -> memref<40x64xi32, #tpu.memory_space<vmem>>
        tpu.wait_dma2 semaphore(%arg17 : memref<!tpu.dma_semaphore, #tpu.memory_space<semaphore_mem>>) src(%dma_wait3A_651 : memref<40x64xi32, #tpu.memory_space<vmem>>) dst(%dma_wait3A_647 : memref<40x64xi32, #tpu.memory_space<hbm>>)
      } else {
      }
      %scan3A_604 = arith.constant 0 : i32
      %scan3A_605 = arith.constant 40 : i32
      %scan3A_606 = arith.addi %scan3A_604, %scan3A_605 : i32
      %scan3A_607 = arith.constant 1 : i32
      scf.for %scan3A_639 = %scan3A_604 to %scan3A_606 step %scan3A_607  : i32 {
        %mul3A_640 = arith.constant 1 : i32
        %mul3A_641 = arith.muli %scan3A_639, %mul3A_640 : i32
        %add3A_642 = arith.constant 0 : i32
        %add3A_643 = arith.addi %add3A_642, %mul3A_641 : i32
        %get3A = arith.constant 1 : i32
        %get3A_644 = arith.index_cast %get3A : i32 to index
        %get3A_645 = arith.index_cast %add3A_643 : i32 to index
        %get3A_646 = arith.constant 0 : index
        %get3A_647 = tpu.vector_load %arg9[%get3A_644, %get3A_645, %get3A_646] {strides = array<i32>} : memref<2x40x128xi32, #tpu.memory_space<vmem>>, vector<1x1x16xi32>,
        %get3A_648 = vector.shape_cast %get3A_647 : vector<1x1x16xi32> to vector<16xi32>
        %shift_left3A = arith.shli %get3A_648, %broadcast_in_dim3A_13 : vector<16xi32>
        %bitcast_convert_type3A = tpu.bitcast %shift_left3A : vector<16xi32> -> vector<16xf32>
        %get3A_649 = arith.constant 1 : i32
        %get3A_650 = arith.index_cast %get3A_649 : i32 to index
        %get3A_651 = arith.index_cast %add3A_643 : i32 to index
        %get3A_652 = arith.constant 0 : index
        %get3A_653 = tpu.vector_load %arg10[%get3A_650, %get3A_651, %get3A_652] {strides = array<i32>} : memref<2x40x128xi32, #tpu.memory_space<vmem>>, vector<1x1x16xi32>,
        %get3A_654 = vector.shape_cast %get3A_653 : vector<1x1x16xi32> to vector<16xi32>
        %and3A = arith.andi %get3A_654, %broadcast_in_dim3A_11 : vector<16xi32>
        %bitcast_convert_type3A_655 = tpu.bitcast %and3A : vector<16xi32> -> vector<16xf32>
        %get3A_656 = arith.constant 1 : i32
        %get3A_657 = arith.index_cast %get3A_656 : i32 to index
        %get3A_658 = arith.index_cast %add3A_643 : i32 to index
        %get3A_659 = arith.constant 64 : index
        %get3A_660 = tpu.vector_load %arg9[%get3A_657, %get3A_658, %get3A_659] {strides = array<i32>} : memref<2x40x128xi32, #tpu.memory_space<vmem>>, vector<1x1x16xi32>,
        %get3A_661 = vector.shape_cast %get3A_660 : vector<1x1x16xi32> to vector<16xi32>
        %shift_left3A_662 = arith.shli %get3A_661, %broadcast_in_dim3A_13 : vector<16xi32>
        %bitcast_convert_type3A_663 = tpu.bitcast %shift_left3A_662 : vector<16xi32> -> vector<16xf32>
        %get3A_664 = arith.constant 1 : i32
        %get3A_665 = arith.index_cast %get3A_664 : i32 to index
        %get3A_666 = arith.index_cast %add3A_643 : i32 to index
        %get3A_667 = arith.constant 64 : index
        %get3A_668 = tpu.vector_load %arg10[%get3A_665, %get3A_666, %get3A_667] {strides = array<i32>} : memref<2x40x128xi32, #tpu.memory_space<vmem>>, vector<1x1x16xi32>,
        %get3A_669 = vector.shape_cast %get3A_668 : vector<1x1x16xi32> to vector<16xi32>
        %and3A_670 = arith.andi %get3A_669, %broadcast_in_dim3A_11 : vector<16xi32>
        %bitcast_convert_type3A_671 = tpu.bitcast %and3A_670 : vector<16xi32> -> vector<16xf32>
        %add3A_672 = arith.addf %bitcast_convert_type3A, %bitcast_convert_type3A_655 : vector<16xf32>
        %bitcast_convert_type3A_673 = tpu.bitcast %add3A_672 : vector<16xf32> -> vector<16xi32>
        %add3A_674 = arith.addi %bitcast_convert_type3A_673, %broadcast_in_dim3A_9 : vector<16xi32>
        %shift_right_logical3A = arith.shrui %add3A_674, %broadcast_in_dim3A_13 : vector<16xi32>
        %add3A_675 = arith.addf %bitcast_convert_type3A_663, %bitcast_convert_type3A_671 : vector<16xf32>
        %bitcast_convert_type3A_676 = tpu.bitcast %add3A_675 : vector<16xf32> -> vector<16xi32>
        %add3A_677 = arith.addi %bitcast_convert_type3A_676, %broadcast_in_dim3A_9 : vector<16xi32>
        %shift_right_logical3A_678 = arith.shrui %add3A_677, %broadcast_in_dim3A_13 : vector<16xi32>
        %shift_left3A_679 = arith.shli %shift_right_logical3A_678, %broadcast_in_dim3A_13 : vector<16xi32>
        %or3A = arith.ori %shift_right_logical3A, %shift_left3A_679 : vector<16xi32>
        %swap3A = arith.constant 1 : i32
        %swap3A_680 = arith.index_cast %swap3A : i32 to index
        %swap3A_681 = arith.index_cast %add3A_643 : i32 to index
        %swap3A_682 = arith.constant 0 : index
        %swap3A_683 = tpu.vector_load %arg11[%swap3A_680, %swap3A_681, %swap3A_682] {strides = array<i32>} : memref<2x40x64xi32, #tpu.memory_space<vmem>>, vector<1x1x16xi32>,
        %swap3A_684 = vector.shape_cast %swap3A_683 : vector<1x1x16xi32> to vector<16xi32>
        %swap3A_685 = vector.shape_cast %or3A : vector<16xi32> to vector<1x1x16xi32>
        tpu.vector_store %arg11[%swap3A_680, %swap3A_681, %swap3A_682], %swap3A_685 {strides = array<i32>} : memref<2x40x64xi32, #tpu.memory_space<vmem>>, vector<1x1x16xi32>,
        %get3A_686 = arith.constant 1 : i32
        %get3A_687 = arith.index_cast %get3A_686 : i32 to index
        %get3A_688 = arith.index_cast %add3A_643 : i32 to index
        %get3A_689 = arith.constant 16 : index
        %get3A_690 = tpu.vector_load %arg9[%get3A_687, %get3A_688, %get3A_689] {strides = array<i32>} : memref<2x40x128xi32, #tpu.memory_space<vmem>>, vector<1x1x16xi32>,
        %get3A_691 = vector.shape_cast %get3A_690 : vector<1x1x16xi32> to vector<16xi32>
        %shift_left3A_692 = arith.shli %get3A_691, %broadcast_in_dim3A_13 : vector<16xi32>
        %bitcast_convert_type3A_693 = tpu.bitcast %shift_left3A_692 : vector<16xi32> -> vector<16xf32>
        %get3A_694 = arith.constant 1 : i32
        %get3A_695 = arith.index_cast %get3A_694 : i32 to index
        %get3A_696 = arith.index_cast %add3A_643 : i32 to index
        %get3A_697 = arith.constant 16 : index
        %get3A_698 = tpu.vector_load %arg10[%get3A_695, %get3A_696, %get3A_697] {strides = array<i32>} : memref<2x40x128xi32, #tpu.memory_space<vmem>>, vector<1x1x16xi32>,
        %get3A_699 = vector.shape_cast %get3A_698 : vector<1x1x16xi32> to vector<16xi32>
        %and3A_700 = arith.andi %get3A_699, %broadcast_in_dim3A_11 : vector<16xi32>
        %bitcast_convert_type3A_701 = tpu.bitcast %and3A_700 : vector<16xi32> -> vector<16xf32>
        %get3A_702 = arith.constant 1 : i32
        %get3A_703 = arith.index_cast %get3A_702 : i32 to index
        %get3A_704 = arith.index_cast %add3A_643 : i32 to index
        %get3A_705 = arith.constant 80 : index
        %get3A_706 = tpu.vector_load %arg9[%get3A_703, %get3A_704, %get3A_705] {strides = array<i32>} : memref<2x40x128xi32, #tpu.memory_space<vmem>>, vector<1x1x16xi32>,
        %get3A_707 = vector.shape_cast %get3A_706 : vector<1x1x16xi32> to vector<16xi32>
        %shift_left3A_708 = arith.shli %get3A_707, %broadcast_in_dim3A_13 : vector<16xi32>
        %bitcast_convert_type3A_709 = tpu.bitcast %shift_left3A_708 : vector<16xi32> -> vector<16xf32>
        %get3A_710 = arith.constant 1 : i32
        %get3A_711 = arith.index_cast %get3A_710 : i32 to index
        %get3A_712 = arith.index_cast %add3A_643 : i32 to index
        %get3A_713 = arith.constant 80 : index
        %get3A_714 = tpu.vector_load %arg10[%get3A_711, %get3A_712, %get3A_713] {strides = array<i32>} : memref<2x40x128xi32, #tpu.memory_space<vmem>>, vector<1x1x16xi32>,
        %get3A_715 = vector.shape_cast %get3A_714 : vector<1x1x16xi32> to vector<16xi32>
        %and3A_716 = arith.andi %get3A_715, %broadcast_in_dim3A_11 : vector<16xi32>
        %bitcast_convert_type3A_717 = tpu.bitcast %and3A_716 : vector<16xi32> -> vector<16xf32>
        %add3A_718 = arith.addf %bitcast_convert_type3A_693, %bitcast_convert_type3A_701 : vector<16xf32>
        %bitcast_convert_type3A_719 = tpu.bitcast %add3A_718 : vector<16xf32> -> vector<16xi32>
        %add3A_720 = arith.addi %bitcast_convert_type3A_719, %broadcast_in_dim3A_9 : vector<16xi32>
        %shift_right_logical3A_721 = arith.shrui %add3A_720, %broadcast_in_dim3A_13 : vector<16xi32>
        %add3A_722 = arith.addf %bitcast_convert_type3A_709, %bitcast_convert_type3A_717 : vector<16xf32>
        %bitcast_convert_type3A_723 = tpu.bitcast %add3A_722 : vector<16xf32> -> vector<16xi32>
        %add3A_724 = arith.addi %bitcast_convert_type3A_723, %broadcast_in_dim3A_9 : vector<16xi32>
        %shift_right_logical3A_725 = arith.shrui %add3A_724, %broadcast_in_dim3A_13 : vector<16xi32>
        %shift_left3A_726 = arith.shli %shift_right_logical3A_725, %broadcast_in_dim3A_13 : vector<16xi32>
        %or3A_727 = arith.ori %shift_right_logical3A_721, %shift_left3A_726 : vector<16xi32>
        %swap3A_728 = arith.constant 1 : i32
        %swap3A_729 = arith.index_cast %swap3A_728 : i32 to index
        %swap3A_730 = arith.index_cast %add3A_643 : i32 to index
        %swap3A_731 = arith.constant 16 : index
        %swap3A_732 = tpu.vector_load %arg11[%swap3A_729, %swap3A_730, %swap3A_731] {strides = array<i32>} : memref<2x40x64xi32, #tpu.memory_space<vmem>>, vector<1x1x16xi32>,
        %swap3A_733 = vector.shape_cast %swap3A_732 : vector<1x1x16xi32> to vector<16xi32>
        %swap3A_734 = vector.shape_cast %or3A_727 : vector<16xi32> to vector<1x1x16xi32>
        tpu.vector_store %arg11[%swap3A_729, %swap3A_730, %swap3A_731], %swap3A_734 {strides = array<i32>} : memref<2x40x64xi32, #tpu.memory_space<vmem>>, vector<1x1x16xi32>,
        %get3A_735 = arith.constant 1 : i32
        %get3A_736 = arith.index_cast %get3A_735 : i32 to index
        %get3A_737 = arith.index_cast %add3A_643 : i32 to index
        %get3A_738 = arith.constant 32 : index
        %get3A_739 = tpu.vector_load %arg9[%get3A_736, %get3A_737, %get3A_738] {strides = array<i32>} : memref<2x40x128xi32, #tpu.memory_space<vmem>>, vector<1x1x16xi32>,
        %get3A_740 = vector.shape_cast %get3A_739 : vector<1x1x16xi32> to vector<16xi32>
        %shift_left3A_741 = arith.shli %get3A_740, %broadcast_in_dim3A_13 : vector<16xi32>
        %bitcast_convert_type3A_742 = tpu.bitcast %shift_left3A_741 : vector<16xi32> -> vector<16xf32>
        %get3A_743 = arith.constant 1 : i32
        %get3A_744 = arith.index_cast %get3A_743 : i32 to index
        %get3A_745 = arith.index_cast %add3A_643 : i32 to index
        %get3A_746 = arith.constant 32 : index
        %get3A_747 = tpu.vector_load %arg10[%get3A_744, %get3A_745, %get3A_746] {strides = array<i32>} : memref<2x40x128xi32, #tpu.memory_space<vmem>>, vector<1x1x16xi32>,
        %get3A_748 = vector.shape_cast %get3A_747 : vector<1x1x16xi32> to vector<16xi32>
        %and3A_749 = arith.andi %get3A_748, %broadcast_in_dim3A_11 : vector<16xi32>
        %bitcast_convert_type3A_750 = tpu.bitcast %and3A_749 : vector<16xi32> -> vector<16xf32>
        %get3A_751 = arith.constant 1 : i32
        %get3A_752 = arith.index_cast %get3A_751 : i32 to index
        %get3A_753 = arith.index_cast %add3A_643 : i32 to index
        %get3A_754 = arith.constant 96 : index
        %get3A_755 = tpu.vector_load %arg9[%get3A_752, %get3A_753, %get3A_754] {strides = array<i32>} : memref<2x40x128xi32, #tpu.memory_space<vmem>>, vector<1x1x16xi32>,
        %get3A_756 = vector.shape_cast %get3A_755 : vector<1x1x16xi32> to vector<16xi32>
        %shift_left3A_757 = arith.shli %get3A_756, %broadcast_in_dim3A_13 : vector<16xi32>
        %bitcast_convert_type3A_758 = tpu.bitcast %shift_left3A_757 : vector<16xi32> -> vector<16xf32>
        %get3A_759 = arith.constant 1 : i32
        %get3A_760 = arith.index_cast %get3A_759 : i32 to index
        %get3A_761 = arith.index_cast %add3A_643 : i32 to index
        %get3A_762 = arith.constant 96 : index
        %get3A_763 = tpu.vector_load %arg10[%get3A_760, %get3A_761, %get3A_762] {strides = array<i32>} : memref<2x40x128xi32, #tpu.memory_space<vmem>>, vector<1x1x16xi32>,
        %get3A_764 = vector.shape_cast %get3A_763 : vector<1x1x16xi32> to vector<16xi32>
        %and3A_765 = arith.andi %get3A_764, %broadcast_in_dim3A_11 : vector<16xi32>
        %bitcast_convert_type3A_766 = tpu.bitcast %and3A_765 : vector<16xi32> -> vector<16xf32>
        %add3A_767 = arith.addf %bitcast_convert_type3A_742, %bitcast_convert_type3A_750 : vector<16xf32>
        %bitcast_convert_type3A_768 = tpu.bitcast %add3A_767 : vector<16xf32> -> vector<16xi32>
        %add3A_769 = arith.addi %bitcast_convert_type3A_768, %broadcast_in_dim3A_9 : vector<16xi32>
        %shift_right_logical3A_770 = arith.shrui %add3A_769, %broadcast_in_dim3A_13 : vector<16xi32>
        %add3A_771 = arith.addf %bitcast_convert_type3A_758, %bitcast_convert_type3A_766 : vector<16xf32>
        %bitcast_convert_type3A_772 = tpu.bitcast %add3A_771 : vector<16xf32> -> vector<16xi32>
        %add3A_773 = arith.addi %bitcast_convert_type3A_772, %broadcast_in_dim3A_9 : vector<16xi32>
        %shift_right_logical3A_774 = arith.shrui %add3A_773, %broadcast_in_dim3A_13 : vector<16xi32>
        %shift_left3A_775 = arith.shli %shift_right_logical3A_774, %broadcast_in_dim3A_13 : vector<16xi32>
        %or3A_776 = arith.ori %shift_right_logical3A_770, %shift_left3A_775 : vector<16xi32>
        %swap3A_777 = arith.constant 1 : i32
        %swap3A_778 = arith.index_cast %swap3A_777 : i32 to index
        %swap3A_779 = arith.index_cast %add3A_643 : i32 to index
        %swap3A_780 = arith.constant 32 : index
        %swap3A_781 = tpu.vector_load %arg11[%swap3A_778, %swap3A_779, %swap3A_780] {strides = array<i32>} : memref<2x40x64xi32, #tpu.memory_space<vmem>>, vector<1x1x16xi32>,
        %swap3A_782 = vector.shape_cast %swap3A_781 : vector<1x1x16xi32> to vector<16xi32>
        %swap3A_783 = vector.shape_cast %or3A_776 : vector<16xi32> to vector<1x1x16xi32>
        tpu.vector_store %arg11[%swap3A_778, %swap3A_779, %swap3A_780], %swap3A_783 {strides = array<i32>} : memref<2x40x64xi32, #tpu.memory_space<vmem>>, vector<1x1x16xi32>,
        %get3A_784 = arith.constant 1 : i32
        %get3A_785 = arith.index_cast %get3A_784 : i32 to index
        %get3A_786 = arith.index_cast %add3A_643 : i32 to index
        %get3A_787 = arith.constant 48 : index
        %get3A_788 = tpu.vector_load %arg9[%get3A_785, %get3A_786, %get3A_787] {strides = array<i32>} : memref<2x40x128xi32, #tpu.memory_space<vmem>>, vector<1x1x16xi32>,
        %get3A_789 = vector.shape_cast %get3A_788 : vector<1x1x16xi32> to vector<16xi32>
        %shift_left3A_790 = arith.shli %get3A_789, %broadcast_in_dim3A_13 : vector<16xi32>
        %bitcast_convert_type3A_791 = tpu.bitcast %shift_left3A_790 : vector<16xi32> -> vector<16xf32>
        %get3A_792 = arith.constant 1 : i32
        %get3A_793 = arith.index_cast %get3A_792 : i32 to index
        %get3A_794 = arith.index_cast %add3A_643 : i32 to index
        %get3A_795 = arith.constant 48 : index
        %get3A_796 = tpu.vector_load %arg10[%get3A_793, %get3A_794, %get3A_795] {strides = array<i32>} : memref<2x40x128xi32, #tpu.memory_space<vmem>>, vector<1x1x16xi32>,
        %get3A_797 = vector.shape_cast %get3A_796 : vector<1x1x16xi32> to vector<16xi32>
        %and3A_798 = arith.andi %get3A_797, %broadcast_in_dim3A_11 : vector<16xi32>
        %bitcast_convert_type3A_799 = tpu.bitcast %and3A_798 : vector<16xi32> -> vector<16xf32>
        %get3A_800 = arith.constant 1 : i32
        %get3A_801 = arith.index_cast %get3A_800 : i32 to index
        %get3A_802 = arith.index_cast %add3A_643 : i32 to index
        %get3A_803 = arith.constant 112 : index
        %get3A_804 = tpu.vector_load %arg9[%get3A_801, %get3A_802, %get3A_803] {strides = array<i32>} : memref<2x40x128xi32, #tpu.memory_space<vmem>>, vector<1x1x16xi32>,
        %get3A_805 = vector.shape_cast %get3A_804 : vector<1x1x16xi32> to vector<16xi32>
        %shift_left3A_806 = arith.shli %get3A_805, %broadcast_in_dim3A_13 : vector<16xi32>
        %bitcast_convert_type3A_807 = tpu.bitcast %shift_left3A_806 : vector<16xi32> -> vector<16xf32>
        %get3A_808 = arith.constant 1 : i32
        %get3A_809 = arith.index_cast %get3A_808 : i32 to index
        %get3A_810 = arith.index_cast %add3A_643 : i32 to index
        %get3A_811 = arith.constant 112 : index
        %get3A_812 = tpu.vector_load %arg10[%get3A_809, %get3A_810, %get3A_811] {strides = array<i32>} : memref<2x40x128xi32, #tpu.memory_space<vmem>>, vector<1x1x16xi32>,
        %get3A_813 = vector.shape_cast %get3A_812 : vector<1x1x16xi32> to vector<16xi32>
        %and3A_814 = arith.andi %get3A_813, %broadcast_in_dim3A_11 : vector<16xi32>
        %bitcast_convert_type3A_815 = tpu.bitcast %and3A_814 : vector<16xi32> -> vector<16xf32>
        %add3A_816 = arith.addf %bitcast_convert_type3A_791, %bitcast_convert_type3A_799 : vector<16xf32>
        %bitcast_convert_type3A_817 = tpu.bitcast %add3A_816 : vector<16xf32> -> vector<16xi32>
        %add3A_818 = arith.addi %bitcast_convert_type3A_817, %broadcast_in_dim3A_9 : vector<16xi32>
        %shift_right_logical3A_819 = arith.shrui %add3A_818, %broadcast_in_dim3A_13 : vector<16xi32>
        %add3A_820 = arith.addf %bitcast_convert_type3A_807, %bitcast_convert_type3A_815 : vector<16xf32>
        %bitcast_convert_type3A_821 = tpu.bitcast %add3A_820 : vector<16xf32> -> vector<16xi32>
        %add3A_822 = arith.addi %bitcast_convert_type3A_821, %broadcast_in_dim3A_9 : vector<16xi32>
        %shift_right_logical3A_823 = arith.shrui %add3A_822, %broadcast_in_dim3A_13 : vector<16xi32>
        %shift_left3A_824 = arith.shli %shift_right_logical3A_823, %broadcast_in_dim3A_13 : vector<16xi32>
        %or3A_825 = arith.ori %shift_right_logical3A_819, %shift_left3A_824 : vector<16xi32>
        %swap3A_826 = arith.constant 1 : i32
        %swap3A_827 = arith.index_cast %swap3A_826 : i32 to index
        %swap3A_828 = arith.index_cast %add3A_643 : i32 to index
        %swap3A_829 = arith.constant 48 : index
        %swap3A_830 = tpu.vector_load %arg11[%swap3A_827, %swap3A_828, %swap3A_829] {strides = array<i32>} : memref<2x40x64xi32, #tpu.memory_space<vmem>>, vector<1x1x16xi32>,
        %swap3A_831 = vector.shape_cast %swap3A_830 : vector<1x1x16xi32> to vector<16xi32>
        %swap3A_832 = vector.shape_cast %or3A_825 : vector<16xi32> to vector<1x1x16xi32>
        tpu.vector_store %arg11[%swap3A_827, %swap3A_828, %swap3A_829], %swap3A_832 {strides = array<i32>} : memref<2x40x64xi32, #tpu.memory_space<vmem>>, vector<1x1x16xi32>,
      }
      %scan3A_608 = arith.constant 40 : i32
      %mul3A_609 = arith.constant 40 : i32
      %mul3A_610 = arith.muli %add3A_574, %mul3A_609 : i32
      %add3A_611 = arith.addi %mul3A_2, %mul3A_610 : i32
      %dma_start3A_612 = arith.constant 1 : i32
      %dma_start3A_613 = arith.constant 0 : i32
      %dma_start3A_614 = arith.constant 0 : i32
      %dma_start3A_615 = tpu.memref_slice %arg11[%dma_start3A_612, %dma_start3A_613, %dma_start3A_614] : memref<2x40x64xi32, #tpu.memory_space<vmem>> -> memref<1x40x64xi32, #tpu.memory_space<vmem>>
      %dma_start3A_616 = tpu.memref_squeeze %dma_start3A_615 : memref<1x40x64xi32, #tpu.memory_space<vmem>> -> memref<40x64xi32, #tpu.memory_space<vmem>>
      %dma_start3A_617 = arith.constant 0 : i32
      %dma_start3A_618 = tpu.memref_slice %arg5[%add3A_611, %dma_start3A_617] : memref<320000x64xi32, #tpu.memory_space<hbm>> -> memref<40x64xi32, #tpu.memory_space<hbm>>
      %dma_start3A_619 = arith.constant 0 : i32
      %dma_start3A_620 = tpu.memref_slice %arg5[%add3A_611, %dma_start3A_619] : memref<320000x64xi32, #tpu.memory_space<hbm>> -> memref<40x64xi32, #tpu.memory_space<hbm>>
      %dma_start3A_621 = arith.constant 0 : i32
      %dma_start3A_622 = arith.constant 0 : i32
      %dma_start3A_623 = tpu.memref_slice %arg11[%dma_start3A_612, %dma_start3A_621, %dma_start3A_622] : memref<2x40x64xi32, #tpu.memory_space<vmem>> -> memref<1x40x64xi32, #tpu.memory_space<vmem>>
      %dma_start3A_624 = tpu.memref_squeeze %dma_start3A_623 : memref<1x40x64xi32, #tpu.memory_space<vmem>> -> memref<40x64xi32, #tpu.memory_space<vmem>>
      tpu.enqueue_dma source(%dma_start3A_624 : memref<40x64xi32, #tpu.memory_space<vmem>>) target(%dma_start3A_620 : memref<40x64xi32, #tpu.memory_space<hbm>>) target_semaphore(%arg17 : memref<!tpu.dma_semaphore, #tpu.memory_space<semaphore_mem>>)
      %add3A_625 = arith.constant 2 : i32
      %add3A_626 = arith.addi %add3A_574, %add3A_625 : i32
      %lt3A_627 = arith.constant 250 : i32
      %lt3A_628 = arith.cmpi slt, %add3A_626, %lt3A_627 : i32
      %convert_element_type3A_629 = arith.extui %lt3A_628 : i1 to i32
      %cond3A_630 = arith.constant 0 : i32
      %cond3A_631 = arith.cmpi ne, %convert_element_type3A_629, %cond3A_630 : i32
      scf.if %cond3A_631 {
        %dma_wait3A_639 = arith.constant 1 : i32
        %dma_wait3A_640 = arith.constant 0 : i32
        %dma_wait3A_641 = tpu.memref_slice %arg7[%dma_wait3A_639, %dma_wait3A_640] : memref<4x40xi32, #tpu.memory_space<vmem>> -> memref<1x40xi32, #tpu.memory_space<vmem>>
        %dma_wait3A_642 = tpu.memref_squeeze %dma_wait3A_641 : memref<1x40xi32, #tpu.memory_space<vmem>> -> memref<40xi32, #tpu.memory_space<vmem>>
        %dma_wait3A_643 = arith.constant 0 : i32
        %dma_wait3A_644 = tpu.memref_slice %arg3[%add3A, %add3A_626, %dma_wait3A_643] : memref<32x250x40xi32, #tpu.memory_space<hbm>> -> memref<1x1x40xi32, #tpu.memory_space<hbm>>
        %dma_wait3A_645 = tpu.memref_squeeze %dma_wait3A_644 : memref<1x1x40xi32, #tpu.memory_space<hbm>> -> memref<40xi32, #tpu.memory_space<hbm>>
        %dma_wait3A_646 = arith.constant 0 : i32
        %dma_wait3A_647 = tpu.memref_slice %arg7[%dma_wait3A_639, %dma_wait3A_646] : memref<4x40xi32, #tpu.memory_space<vmem>> -> memref<1x40xi32, #tpu.memory_space<vmem>>
        %dma_wait3A_648 = tpu.memref_squeeze %dma_wait3A_647 : memref<1x40xi32, #tpu.memory_space<vmem>> -> memref<40xi32, #tpu.memory_space<vmem>>
        %dma_wait3A_649 = arith.constant 0 : i32
        %dma_wait3A_650 = tpu.memref_slice %arg3[%add3A, %add3A_626, %dma_wait3A_649] : memref<32x250x40xi32, #tpu.memory_space<hbm>> -> memref<1x1x40xi32, #tpu.memory_space<hbm>>
        %dma_wait3A_651 = tpu.memref_squeeze %dma_wait3A_650 : memref<1x1x40xi32, #tpu.memory_space<hbm>> -> memref<40xi32, #tpu.memory_space<hbm>>
        tpu.wait_dma2 semaphore(%arg19 : memref<!tpu.dma_semaphore, #tpu.memory_space<semaphore_mem>>) src(%dma_wait3A_651 : memref<40xi32, #tpu.memory_space<hbm>>) dst(%dma_wait3A_648 : memref<40xi32, #tpu.memory_space<vmem>>)
        %dma_wait3A_652 = arith.constant 1 : i32
        %dma_wait3A_653 = arith.constant 0 : i32
        %dma_wait3A_654 = tpu.memref_slice %arg8[%dma_wait3A_652, %dma_wait3A_653] : memref<4x40xi32, #tpu.memory_space<vmem>> -> memref<1x40xi32, #tpu.memory_space<vmem>>
        %dma_wait3A_655 = tpu.memref_squeeze %dma_wait3A_654 : memref<1x40xi32, #tpu.memory_space<vmem>> -> memref<40xi32, #tpu.memory_space<vmem>>
        %dma_wait3A_656 = arith.constant 0 : i32
        %dma_wait3A_657 = tpu.memref_slice %arg4[%add3A, %add3A_626, %dma_wait3A_656] : memref<32x250x40xi32, #tpu.memory_space<hbm>> -> memref<1x1x40xi32, #tpu.memory_space<hbm>>
        %dma_wait3A_658 = tpu.memref_squeeze %dma_wait3A_657 : memref<1x1x40xi32, #tpu.memory_space<hbm>> -> memref<40xi32, #tpu.memory_space<hbm>>
        %dma_wait3A_659 = arith.constant 0 : i32
        %dma_wait3A_660 = tpu.memref_slice %arg8[%dma_wait3A_652, %dma_wait3A_659] : memref<4x40xi32, #tpu.memory_space<vmem>> -> memref<1x40xi32, #tpu.memory_space<vmem>>
        %dma_wait3A_661 = tpu.memref_squeeze %dma_wait3A_660 : memref<1x40xi32, #tpu.memory_space<vmem>> -> memref<40xi32, #tpu.memory_space<vmem>>
        %dma_wait3A_662 = arith.constant 0 : i32
        %dma_wait3A_663 = tpu.memref_slice %arg4[%add3A, %add3A_626, %dma_wait3A_662] : memref<32x250x40xi32, #tpu.memory_space<hbm>> -> memref<1x1x40xi32, #tpu.memory_space<hbm>>
        %dma_wait3A_664 = tpu.memref_squeeze %dma_wait3A_663 : memref<1x1x40xi32, #tpu.memory_space<hbm>> -> memref<40xi32, #tpu.memory_space<hbm>>
        tpu.wait_dma2 semaphore(%arg23 : memref<!tpu.dma_semaphore, #tpu.memory_space<semaphore_mem>>) src(%dma_wait3A_664 : memref<40xi32, #tpu.memory_space<hbm>>) dst(%dma_wait3A_661 : memref<40xi32, #tpu.memory_space<vmem>>)
        %dma_start3A_665 = arith.constant 1 : i32
        %dma_start3A_666 = arith.constant 1 : i32
        %dma_start3A_667 = arith.constant 0 : i32
        %dma_start3A_668 = arith.constant 0 : i32
        %dma_start3A_669 = tpu.memref_slice %arg9[%dma_start3A_666, %dma_start3A_667, %dma_start3A_668] : memref<2x40x128xi32, #tpu.memory_space<vmem>> -> memref<1x40x128xi32, #tpu.memory_space<vmem>>
        %dma_start3A_670 = tpu.memref_squeeze %dma_start3A_669 : memref<1x40x128xi32, #tpu.memory_space<vmem>> -> memref<40x128xi32, #tpu.memory_space<vmem>>
        %dma_start3A_671 = arith.constant 0 : i32
        %dma_start3A_672 = tpu.memref_slice %arg7[%dma_start3A_665, %dma_start3A_671] : memref<4x40xi32, #tpu.memory_space<vmem>> -> memref<1x40xi32, #tpu.memory_space<vmem>>
        %dma_start3A_673 = tpu.memref_squeeze %dma_start3A_672 : memref<1x40xi32, #tpu.memory_space<vmem>> -> memref<40xi32, #tpu.memory_space<vmem>>
        %dma_start3A_674 = arith.constant 0 : i32
        %dma_start3A_675 = arith.constant 0 : i32
        %dma_start3A_676 = tpu.memref_slice %arg6[%dma_start3A_674, %dma_start3A_675] : memref<10000x128xi32, #tpu.memory_space<vmem_shared>> -> memref<10000x128xi32, #tpu.memory_space<vmem_shared>>
        tpu.enqueue_indirect_dma source(%dma_start3A_676 : memref<10000x128xi32, #tpu.memory_space<vmem_shared>>) target(%dma_start3A_670 : memref<40x128xi32, #tpu.memory_space<vmem>>) offsets(%dma_start3A_673 : memref<40xi32, #tpu.memory_space<vmem>>) semaphore(%arg13 : memref<!tpu.dma_semaphore, #tpu.memory_space<semaphore_mem>>)
        %dma_start3A_677 = arith.constant 1 : i32
        %dma_start3A_678 = arith.constant 1 : i32
        %dma_start3A_679 = arith.constant 0 : i32
        %dma_start3A_680 = arith.constant 0 : i32
        %dma_start3A_681 = tpu.memref_slice %arg10[%dma_start3A_678, %dma_start3A_679, %dma_start3A_680] : memref<2x40x128xi32, #tpu.memory_space<vmem>> -> memref<1x40x128xi32, #tpu.memory_space<vmem>>
        %dma_start3A_682 = tpu.memref_squeeze %dma_start3A_681 : memref<1x40x128xi32, #tpu.memory_space<vmem>> -> memref<40x128xi32, #tpu.memory_space<vmem>>
        %dma_start3A_683 = arith.constant 0 : i32
        %dma_start3A_684 = tpu.memref_slice %arg8[%dma_start3A_677, %dma_start3A_683] : memref<4x40xi32, #tpu.memory_space<vmem>> -> memref<1x40xi32, #tpu.memory_space<vmem>>
        %dma_start3A_685 = tpu.memref_squeeze %dma_start3A_684 : memref<1x40xi32, #tpu.memory_space<vmem>> -> memref<40xi32, #tpu.memory_space<vmem>>
        %dma_start3A_686 = arith.constant 0 : i32
        %dma_start3A_687 = arith.constant 0 : i32
        %dma_start3A_688 = tpu.memref_slice %arg6[%dma_start3A_686, %dma_start3A_687] : memref<10000x128xi32, #tpu.memory_space<vmem_shared>> -> memref<10000x128xi32, #tpu.memory_space<vmem_shared>>
        tpu.enqueue_indirect_dma source(%dma_start3A_688 : memref<10000x128xi32, #tpu.memory_space<vmem_shared>>) target(%dma_start3A_682 : memref<40x128xi32, #tpu.memory_space<vmem>>) offsets(%dma_start3A_685 : memref<40xi32, #tpu.memory_space<vmem>>) semaphore(%arg15 : memref<!tpu.dma_semaphore, #tpu.memory_space<semaphore_mem>>)
      } else {
      }
      %add3A_632 = arith.constant 4 : i32
      %add3A_633 = arith.addi %add3A_574, %add3A_632 : i32
      %lt3A_634 = arith.constant 250 : i32
      %lt3A_635 = arith.cmpi slt, %add3A_633, %lt3A_634 : i32
      %convert_element_type3A_636 = arith.extui %lt3A_635 : i1 to i32
      %cond3A_637 = arith.constant 0 : i32
      %cond3A_638 = arith.cmpi ne, %convert_element_type3A_636, %cond3A_637 : i32
      scf.if %cond3A_638 {
        %dma_start3A_639 = arith.constant 3 : i32
        %dma_start3A_640 = arith.constant 0 : i32
        %dma_start3A_641 = tpu.memref_slice %arg7[%dma_start3A_639, %dma_start3A_640] : memref<4x40xi32, #tpu.memory_space<vmem>> -> memref<1x40xi32, #tpu.memory_space<vmem>>
        %dma_start3A_642 = tpu.memref_squeeze %dma_start3A_641 : memref<1x40xi32, #tpu.memory_space<vmem>> -> memref<40xi32, #tpu.memory_space<vmem>>
        %dma_start3A_643 = arith.constant 0 : i32
        %dma_start3A_644 = tpu.memref_slice %arg3[%add3A, %add3A_633, %dma_start3A_643] : memref<32x250x40xi32, #tpu.memory_space<hbm>> -> memref<1x1x40xi32, #tpu.memory_space<hbm>>
        %dma_start3A_645 = tpu.memref_squeeze %dma_start3A_644 : memref<1x1x40xi32, #tpu.memory_space<hbm>> -> memref<40xi32, #tpu.memory_space<hbm>>
        %dma_start3A_646 = arith.constant 0 : i32
        %dma_start3A_647 = tpu.memref_slice %arg7[%dma_start3A_639, %dma_start3A_646] : memref<4x40xi32, #tpu.memory_space<vmem>> -> memref<1x40xi32, #tpu.memory_space<vmem>>
        %dma_start3A_648 = tpu.memref_squeeze %dma_start3A_647 : memref<1x40xi32, #tpu.memory_space<vmem>> -> memref<40xi32, #tpu.memory_space<vmem>>
        %dma_start3A_649 = arith.constant 0 : i32
        %dma_start3A_650 = tpu.memref_slice %arg3[%add3A, %add3A_633, %dma_start3A_649] : memref<32x250x40xi32, #tpu.memory_space<hbm>> -> memref<1x1x40xi32, #tpu.memory_space<hbm>>
        %dma_start3A_651 = tpu.memref_squeeze %dma_start3A_650 : memref<1x1x40xi32, #tpu.memory_space<hbm>> -> memref<40xi32, #tpu.memory_space<hbm>>
        tpu.enqueue_dma source(%dma_start3A_651 : memref<40xi32, #tpu.memory_space<hbm>>) target(%dma_start3A_648 : memref<40xi32, #tpu.memory_space<vmem>>) target_semaphore(%arg21 : memref<!tpu.dma_semaphore, #tpu.memory_space<semaphore_mem>>)
        %dma_start3A_652 = arith.constant 3 : i32
        %dma_start3A_653 = arith.constant 0 : i32
        %dma_start3A_654 = tpu.memref_slice %arg8[%dma_start3A_652, %dma_start3A_653] : memref<4x40xi32, #tpu.memory_space<vmem>> -> memref<1x40xi32, #tpu.memory_space<vmem>>
        %dma_start3A_655 = tpu.memref_squeeze %dma_start3A_654 : memref<1x40xi32, #tpu.memory_space<vmem>> -> memref<40xi32, #tpu.memory_space<vmem>>
        %dma_start3A_656 = arith.constant 0 : i32
        %dma_start3A_657 = tpu.memref_slice %arg4[%add3A, %add3A_633, %dma_start3A_656] : memref<32x250x40xi32, #tpu.memory_space<hbm>> -> memref<1x1x40xi32, #tpu.memory_space<hbm>>
        %dma_start3A_658 = tpu.memref_squeeze %dma_start3A_657 : memref<1x1x40xi32, #tpu.memory_space<hbm>> -> memref<40xi32, #tpu.memory_space<hbm>>
        %dma_start3A_659 = arith.constant 0 : i32
        %dma_start3A_660 = tpu.memref_slice %arg8[%dma_start3A_652, %dma_start3A_659] : memref<4x40xi32, #tpu.memory_space<vmem>> -> memref<1x40xi32, #tpu.memory_space<vmem>>
        %dma_start3A_661 = tpu.memref_squeeze %dma_start3A_660 : memref<1x40xi32, #tpu.memory_space<vmem>> -> memref<40xi32, #tpu.memory_space<vmem>>
        %dma_start3A_662 = arith.constant 0 : i32
        %dma_start3A_663 = tpu.memref_slice %arg4[%add3A, %add3A_633, %dma_start3A_662] : memref<32x250x40xi32, #tpu.memory_space<hbm>> -> memref<1x1x40xi32, #tpu.memory_space<hbm>>
        %dma_start3A_664 = tpu.memref_squeeze %dma_start3A_663 : memref<1x1x40xi32, #tpu.memory_space<hbm>> -> memref<40xi32, #tpu.memory_space<hbm>>
        tpu.enqueue_dma source(%dma_start3A_664 : memref<40xi32, #tpu.memory_space<hbm>>) target(%dma_start3A_661 : memref<40xi32, #tpu.memory_space<vmem>>) target_semaphore(%arg25 : memref<!tpu.dma_semaphore, #tpu.memory_space<semaphore_mem>>)
      } else {
      }
    }
    %scan3A_231 = arith.constant 62 : i32
    %dma_wait3A_232 = arith.constant 0 : i32
    %dma_wait3A_233 = arith.constant 0 : i32
    %dma_wait3A_234 = arith.constant 0 : i32
    %dma_wait3A_235 = arith.constant 0 : i32
    %dma_wait3A_236 = tpu.memref_slice %arg9[%dma_wait3A_233, %dma_wait3A_234, %dma_wait3A_235] : memref<2x40x128xi32, #tpu.memory_space<vmem>> -> memref<1x40x128xi32, #tpu.memory_space<vmem>>
    %dma_wait3A_237 = tpu.memref_squeeze %dma_wait3A_236 : memref<1x40x128xi32, #tpu.memory_space<vmem>> -> memref<40x128xi32, #tpu.memory_space<vmem>>
    %dma_wait3A_238 = arith.constant 0 : i32
    %dma_wait3A_239 = tpu.memref_slice %arg7[%dma_wait3A_232, %dma_wait3A_238] : memref<4x40xi32, #tpu.memory_space<vmem>> -> memref<1x40xi32, #tpu.memory_space<vmem>>
    %dma_wait3A_240 = tpu.memref_squeeze %dma_wait3A_239 : memref<1x40xi32, #tpu.memory_space<vmem>> -> memref<40xi32, #tpu.memory_space<vmem>>
    %dma_wait3A_241 = arith.constant 0 : i32
    %dma_wait3A_242 = arith.constant 0 : i32
    %dma_wait3A_243 = tpu.memref_slice %arg6[%dma_wait3A_241, %dma_wait3A_242] : memref<10000x128xi32, #tpu.memory_space<vmem_shared>> -> memref<10000x128xi32, #tpu.memory_space<vmem_shared>>
    tpu.wait_indirect_dma semaphore(%arg12 : memref<!tpu.dma_semaphore, #tpu.memory_space<semaphore_mem>>) src(%dma_wait3A_243 : memref<10000x128xi32, #tpu.memory_space<vmem_shared>>) dst(%dma_wait3A_237 : memref<40x128xi32, #tpu.memory_space<vmem>>)
    %dma_wait3A_244 = arith.constant 0 : i32
    %dma_wait3A_245 = arith.constant 0 : i32
    %dma_wait3A_246 = arith.constant 0 : i32
    %dma_wait3A_247 = arith.constant 0 : i32
    %dma_wait3A_248 = tpu.memref_slice %arg10[%dma_wait3A_245, %dma_wait3A_246, %dma_wait3A_247] : memref<2x40x128xi32, #tpu.memory_space<vmem>> -> memref<1x40x128xi32, #tpu.memory_space<vmem>>
    %dma_wait3A_249 = tpu.memref_squeeze %dma_wait3A_248 : memref<1x40x128xi32, #tpu.memory_space<vmem>> -> memref<40x128xi32, #tpu.memory_space<vmem>>
    %dma_wait3A_250 = arith.constant 0 : i32
    %dma_wait3A_251 = tpu.memref_slice %arg8[%dma_wait3A_244, %dma_wait3A_250] : memref<4x40xi32, #tpu.memory_space<vmem>> -> memref<1x40xi32, #tpu.memory_space<vmem>>
    %dma_wait3A_252 = tpu.memref_squeeze %dma_wait3A_251 : memref<1x40xi32, #tpu.memory_space<vmem>> -> memref<40xi32, #tpu.memory_space<vmem>>
    %dma_wait3A_253 = arith.constant 0 : i32
    %dma_wait3A_254 = arith.constant 0 : i32
    %dma_wait3A_255 = tpu.memref_slice %arg6[%dma_wait3A_253, %dma_wait3A_254] : memref<10000x128xi32, #tpu.memory_space<vmem_shared>> -> memref<10000x128xi32, #tpu.memory_space<vmem_shared>>
    tpu.wait_indirect_dma semaphore(%arg14 : memref<!tpu.dma_semaphore, #tpu.memory_space<semaphore_mem>>) src(%dma_wait3A_255 : memref<10000x128xi32, #tpu.memory_space<vmem_shared>>) dst(%dma_wait3A_249 : memref<40x128xi32, #tpu.memory_space<vmem>>)
    %dma_wait3A_256 = arith.constant 0 : i32
    %dma_wait3A_257 = arith.constant 0 : i32
    %dma_wait3A_258 = arith.constant 0 : i32
    %dma_wait3A_259 = tpu.memref_slice %arg11[%dma_wait3A_256, %dma_wait3A_257, %dma_wait3A_258] : memref<2x40x64xi32, #tpu.memory_space<vmem>> -> memref<1x40x64xi32, #tpu.memory_space<vmem>>
    %dma_wait3A_260 = tpu.memref_squeeze %dma_wait3A_259 : memref<1x40x64xi32, #tpu.memory_space<vmem>> -> memref<40x64xi32, #tpu.memory_space<vmem>>
    %dma_wait3A_261 = arith.constant 0 : i32
    %dma_wait3A_262 = tpu.memref_slice %arg5[%mul3A_2, %dma_wait3A_261] : memref<320000x64xi32, #tpu.memory_space<hbm>> -> memref<40x64xi32, #tpu.memory_space<hbm>>
    %dma_wait3A_263 = arith.constant 0 : i32
    %dma_wait3A_264 = tpu.memref_slice %arg5[%mul3A_2, %dma_wait3A_263] : memref<320000x64xi32, #tpu.memory_space<hbm>> -> memref<40x64xi32, #tpu.memory_space<hbm>>
    %dma_wait3A_265 = arith.constant 0 : i32
    %dma_wait3A_266 = arith.constant 0 : i32
    %dma_wait3A_267 = tpu.memref_slice %arg11[%dma_wait3A_256, %dma_wait3A_265, %dma_wait3A_266] : memref<2x40x64xi32, #tpu.memory_space<vmem>> -> memref<1x40x64xi32, #tpu.memory_space<vmem>>
    %dma_wait3A_268 = tpu.memref_squeeze %dma_wait3A_267 : memref<1x40x64xi32, #tpu.memory_space<vmem>> -> memref<40x64xi32, #tpu.memory_space<vmem>>
    tpu.wait_dma2 semaphore(%arg16 : memref<!tpu.dma_semaphore, #tpu.memory_space<semaphore_mem>>) src(%dma_wait3A_268 : memref<40x64xi32, #tpu.memory_space<vmem>>) dst(%dma_wait3A_264 : memref<40x64xi32, #tpu.memory_space<hbm>>)
    %scan3A_269 = arith.constant 0 : i32
    %scan3A_270 = arith.constant 40 : i32
    %scan3A_271 = arith.addi %scan3A_269, %scan3A_270 : i32
    %scan3A_272 = arith.constant 1 : i32
    scf.for %scan3A_372 = %scan3A_269 to %scan3A_271 step %scan3A_272  : i32 {
      %mul3A_373 = arith.constant 1 : i32
      %mul3A_374 = arith.muli %scan3A_372, %mul3A_373 : i32
      %add3A_375 = arith.constant 0 : i32
      %add3A_376 = arith.addi %add3A_375, %mul3A_374 : i32
      %get3A = arith.constant 0 : i32
      %get3A_377 = arith.index_cast %get3A : i32 to index
      %get3A_378 = arith.index_cast %add3A_376 : i32 to index
      %get3A_379 = arith.constant 0 : index
      %get3A_380 = tpu.vector_load %arg9[%get3A_377, %get3A_378, %get3A_379] {strides = array<i32>} : memref<2x40x128xi32, #tpu.memory_space<vmem>>, vector<1x1x16xi32>,
      %get3A_381 = vector.shape_cast %get3A_380 : vector<1x1x16xi32> to vector<16xi32>
      %shift_left3A = arith.shli %get3A_381, %broadcast_in_dim3A_13 : vector<16xi32>
      %bitcast_convert_type3A = tpu.bitcast %shift_left3A : vector<16xi32> -> vector<16xf32>
      %get3A_382 = arith.constant 0 : i32
      %get3A_383 = arith.index_cast %get3A_382 : i32 to index
      %get3A_384 = arith.index_cast %add3A_376 : i32 to index
      %get3A_385 = arith.constant 0 : index
      %get3A_386 = tpu.vector_load %arg10[%get3A_383, %get3A_384, %get3A_385] {strides = array<i32>} : memref<2x40x128xi32, #tpu.memory_space<vmem>>, vector<1x1x16xi32>,
      %get3A_387 = vector.shape_cast %get3A_386 : vector<1x1x16xi32> to vector<16xi32>
      %and3A = arith.andi %get3A_387, %broadcast_in_dim3A_11 : vector<16xi32>
      %bitcast_convert_type3A_388 = tpu.bitcast %and3A : vector<16xi32> -> vector<16xf32>
      %get3A_389 = arith.constant 0 : i32
      %get3A_390 = arith.index_cast %get3A_389 : i32 to index
      %get3A_391 = arith.index_cast %add3A_376 : i32 to index
      %get3A_392 = arith.constant 64 : index
      %get3A_393 = tpu.vector_load %arg9[%get3A_390, %get3A_391, %get3A_392] {strides = array<i32>} : memref<2x40x128xi32, #tpu.memory_space<vmem>>, vector<1x1x16xi32>,
      %get3A_394 = vector.shape_cast %get3A_393 : vector<1x1x16xi32> to vector<16xi32>
      %shift_left3A_395 = arith.shli %get3A_394, %broadcast_in_dim3A_13 : vector<16xi32>
      %bitcast_convert_type3A_396 = tpu.bitcast %shift_left3A_395 : vector<16xi32> -> vector<16xf32>
      %get3A_397 = arith.constant 0 : i32
      %get3A_398 = arith.index_cast %get3A_397 : i32 to index
      %get3A_399 = arith.index_cast %add3A_376 : i32 to index
      %get3A_400 = arith.constant 64 : index
      %get3A_401 = tpu.vector_load %arg10[%get3A_398, %get3A_399, %get3A_400] {strides = array<i32>} : memref<2x40x128xi32, #tpu.memory_space<vmem>>, vector<1x1x16xi32>,
      %get3A_402 = vector.shape_cast %get3A_401 : vector<1x1x16xi32> to vector<16xi32>
      %and3A_403 = arith.andi %get3A_402, %broadcast_in_dim3A_11 : vector<16xi32>
      %bitcast_convert_type3A_404 = tpu.bitcast %and3A_403 : vector<16xi32> -> vector<16xf32>
      %add3A_405 = arith.addf %bitcast_convert_type3A, %bitcast_convert_type3A_388 : vector<16xf32>
      %bitcast_convert_type3A_406 = tpu.bitcast %add3A_405 : vector<16xf32> -> vector<16xi32>
      %add3A_407 = arith.addi %bitcast_convert_type3A_406, %broadcast_in_dim3A_9 : vector<16xi32>
      %shift_right_logical3A = arith.shrui %add3A_407, %broadcast_in_dim3A_13 : vector<16xi32>
      %add3A_408 = arith.addf %bitcast_convert_type3A_396, %bitcast_convert_type3A_404 : vector<16xf32>
      %bitcast_convert_type3A_409 = tpu.bitcast %add3A_408 : vector<16xf32> -> vector<16xi32>
      %add3A_410 = arith.addi %bitcast_convert_type3A_409, %broadcast_in_dim3A_9 : vector<16xi32>
      %shift_right_logical3A_411 = arith.shrui %add3A_410, %broadcast_in_dim3A_13 : vector<16xi32>
      %shift_left3A_412 = arith.shli %shift_right_logical3A_411, %broadcast_in_dim3A_13 : vector<16xi32>
      %or3A = arith.ori %shift_right_logical3A, %shift_left3A_412 : vector<16xi32>
      %swap3A = arith.constant 0 : i32
      %swap3A_413 = arith.index_cast %swap3A : i32 to index
      %swap3A_414 = arith.index_cast %add3A_376 : i32 to index
      %swap3A_415 = arith.constant 0 : index
      %swap3A_416 = tpu.vector_load %arg11[%swap3A_413, %swap3A_414, %swap3A_415] {strides = array<i32>} : memref<2x40x64xi32, #tpu.memory_space<vmem>>, vector<1x1x16xi32>,
      %swap3A_417 = vector.shape_cast %swap3A_416 : vector<1x1x16xi32> to vector<16xi32>
      %swap3A_418 = vector.shape_cast %or3A : vector<16xi32> to vector<1x1x16xi32>
      tpu.vector_store %arg11[%swap3A_413, %swap3A_414, %swap3A_415], %swap3A_418 {strides = array<i32>} : memref<2x40x64xi32, #tpu.memory_space<vmem>>, vector<1x1x16xi32>,
      %get3A_419 = arith.constant 0 : i32
      %get3A_420 = arith.index_cast %get3A_419 : i32 to index
      %get3A_421 = arith.index_cast %add3A_376 : i32 to index
      %get3A_422 = arith.constant 16 : index
      %get3A_423 = tpu.vector_load %arg9[%get3A_420, %get3A_421, %get3A_422] {strides = array<i32>} : memref<2x40x128xi32, #tpu.memory_space<vmem>>, vector<1x1x16xi32>,
      %get3A_424 = vector.shape_cast %get3A_423 : vector<1x1x16xi32> to vector<16xi32>
      %shift_left3A_425 = arith.shli %get3A_424, %broadcast_in_dim3A_13 : vector<16xi32>
      %bitcast_convert_type3A_426 = tpu.bitcast %shift_left3A_425 : vector<16xi32> -> vector<16xf32>
      %get3A_427 = arith.constant 0 : i32
      %get3A_428 = arith.index_cast %get3A_427 : i32 to index
      %get3A_429 = arith.index_cast %add3A_376 : i32 to index
      %get3A_430 = arith.constant 16 : index
      %get3A_431 = tpu.vector_load %arg10[%get3A_428, %get3A_429, %get3A_430] {strides = array<i32>} : memref<2x40x128xi32, #tpu.memory_space<vmem>>, vector<1x1x16xi32>,
      %get3A_432 = vector.shape_cast %get3A_431 : vector<1x1x16xi32> to vector<16xi32>
      %and3A_433 = arith.andi %get3A_432, %broadcast_in_dim3A_11 : vector<16xi32>
      %bitcast_convert_type3A_434 = tpu.bitcast %and3A_433 : vector<16xi32> -> vector<16xf32>
      %get3A_435 = arith.constant 0 : i32
      %get3A_436 = arith.index_cast %get3A_435 : i32 to index
      %get3A_437 = arith.index_cast %add3A_376 : i32 to index
      %get3A_438 = arith.constant 80 : index
      %get3A_439 = tpu.vector_load %arg9[%get3A_436, %get3A_437, %get3A_438] {strides = array<i32>} : memref<2x40x128xi32, #tpu.memory_space<vmem>>, vector<1x1x16xi32>,
      %get3A_440 = vector.shape_cast %get3A_439 : vector<1x1x16xi32> to vector<16xi32>
      %shift_left3A_441 = arith.shli %get3A_440, %broadcast_in_dim3A_13 : vector<16xi32>
      %bitcast_convert_type3A_442 = tpu.bitcast %shift_left3A_441 : vector<16xi32> -> vector<16xf32>
      %get3A_443 = arith.constant 0 : i32
      %get3A_444 = arith.index_cast %get3A_443 : i32 to index
      %get3A_445 = arith.index_cast %add3A_376 : i32 to index
      %get3A_446 = arith.constant 80 : index
      %get3A_447 = tpu.vector_load %arg10[%get3A_444, %get3A_445, %get3A_446] {strides = array<i32>} : memref<2x40x128xi32, #tpu.memory_space<vmem>>, vector<1x1x16xi32>,
      %get3A_448 = vector.shape_cast %get3A_447 : vector<1x1x16xi32> to vector<16xi32>
      %and3A_449 = arith.andi %get3A_448, %broadcast_in_dim3A_11 : vector<16xi32>
      %bitcast_convert_type3A_450 = tpu.bitcast %and3A_449 : vector<16xi32> -> vector<16xf32>
      %add3A_451 = arith.addf %bitcast_convert_type3A_426, %bitcast_convert_type3A_434 : vector<16xf32>
      %bitcast_convert_type3A_452 = tpu.bitcast %add3A_451 : vector<16xf32> -> vector<16xi32>
      %add3A_453 = arith.addi %bitcast_convert_type3A_452, %broadcast_in_dim3A_9 : vector<16xi32>
      %shift_right_logical3A_454 = arith.shrui %add3A_453, %broadcast_in_dim3A_13 : vector<16xi32>
      %add3A_455 = arith.addf %bitcast_convert_type3A_442, %bitcast_convert_type3A_450 : vector<16xf32>
      %bitcast_convert_type3A_456 = tpu.bitcast %add3A_455 : vector<16xf32> -> vector<16xi32>
      %add3A_457 = arith.addi %bitcast_convert_type3A_456, %broadcast_in_dim3A_9 : vector<16xi32>
      %shift_right_logical3A_458 = arith.shrui %add3A_457, %broadcast_in_dim3A_13 : vector<16xi32>
      %shift_left3A_459 = arith.shli %shift_right_logical3A_458, %broadcast_in_dim3A_13 : vector<16xi32>
      %or3A_460 = arith.ori %shift_right_logical3A_454, %shift_left3A_459 : vector<16xi32>
      %swap3A_461 = arith.constant 0 : i32
      %swap3A_462 = arith.index_cast %swap3A_461 : i32 to index
      %swap3A_463 = arith.index_cast %add3A_376 : i32 to index
      %swap3A_464 = arith.constant 16 : index
      %swap3A_465 = tpu.vector_load %arg11[%swap3A_462, %swap3A_463, %swap3A_464] {strides = array<i32>} : memref<2x40x64xi32, #tpu.memory_space<vmem>>, vector<1x1x16xi32>,
      %swap3A_466 = vector.shape_cast %swap3A_465 : vector<1x1x16xi32> to vector<16xi32>
      %swap3A_467 = vector.shape_cast %or3A_460 : vector<16xi32> to vector<1x1x16xi32>
      tpu.vector_store %arg11[%swap3A_462, %swap3A_463, %swap3A_464], %swap3A_467 {strides = array<i32>} : memref<2x40x64xi32, #tpu.memory_space<vmem>>, vector<1x1x16xi32>,
      %get3A_468 = arith.constant 0 : i32
      %get3A_469 = arith.index_cast %get3A_468 : i32 to index
      %get3A_470 = arith.index_cast %add3A_376 : i32 to index
      %get3A_471 = arith.constant 32 : index
      %get3A_472 = tpu.vector_load %arg9[%get3A_469, %get3A_470, %get3A_471] {strides = array<i32>} : memref<2x40x128xi32, #tpu.memory_space<vmem>>, vector<1x1x16xi32>,
      %get3A_473 = vector.shape_cast %get3A_472 : vector<1x1x16xi32> to vector<16xi32>
      %shift_left3A_474 = arith.shli %get3A_473, %broadcast_in_dim3A_13 : vector<16xi32>
      %bitcast_convert_type3A_475 = tpu.bitcast %shift_left3A_474 : vector<16xi32> -> vector<16xf32>
      %get3A_476 = arith.constant 0 : i32
      %get3A_477 = arith.index_cast %get3A_476 : i32 to index
      %get3A_478 = arith.index_cast %add3A_376 : i32 to index
      %get3A_479 = arith.constant 32 : index
      %get3A_480 = tpu.vector_load %arg10[%get3A_477, %get3A_478, %get3A_479] {strides = array<i32>} : memref<2x40x128xi32, #tpu.memory_space<vmem>>, vector<1x1x16xi32>,
      %get3A_481 = vector.shape_cast %get3A_480 : vector<1x1x16xi32> to vector<16xi32>
      %and3A_482 = arith.andi %get3A_481, %broadcast_in_dim3A_11 : vector<16xi32>
      %bitcast_convert_type3A_483 = tpu.bitcast %and3A_482 : vector<16xi32> -> vector<16xf32>
      %get3A_484 = arith.constant 0 : i32
      %get3A_485 = arith.index_cast %get3A_484 : i32 to index
      %get3A_486 = arith.index_cast %add3A_376 : i32 to index
      %get3A_487 = arith.constant 96 : index
      %get3A_488 = tpu.vector_load %arg9[%get3A_485, %get3A_486, %get3A_487] {strides = array<i32>} : memref<2x40x128xi32, #tpu.memory_space<vmem>>, vector<1x1x16xi32>,
      %get3A_489 = vector.shape_cast %get3A_488 : vector<1x1x16xi32> to vector<16xi32>
      %shift_left3A_490 = arith.shli %get3A_489, %broadcast_in_dim3A_13 : vector<16xi32>
      %bitcast_convert_type3A_491 = tpu.bitcast %shift_left3A_490 : vector<16xi32> -> vector<16xf32>
      %get3A_492 = arith.constant 0 : i32
      %get3A_493 = arith.index_cast %get3A_492 : i32 to index
      %get3A_494 = arith.index_cast %add3A_376 : i32 to index
      %get3A_495 = arith.constant 96 : index
      %get3A_496 = tpu.vector_load %arg10[%get3A_493, %get3A_494, %get3A_495] {strides = array<i32>} : memref<2x40x128xi32, #tpu.memory_space<vmem>>, vector<1x1x16xi32>,
      %get3A_497 = vector.shape_cast %get3A_496 : vector<1x1x16xi32> to vector<16xi32>
      %and3A_498 = arith.andi %get3A_497, %broadcast_in_dim3A_11 : vector<16xi32>
      %bitcast_convert_type3A_499 = tpu.bitcast %and3A_498 : vector<16xi32> -> vector<16xf32>
      %add3A_500 = arith.addf %bitcast_convert_type3A_475, %bitcast_convert_type3A_483 : vector<16xf32>
      %bitcast_convert_type3A_501 = tpu.bitcast %add3A_500 : vector<16xf32> -> vector<16xi32>
      %add3A_502 = arith.addi %bitcast_convert_type3A_501, %broadcast_in_dim3A_9 : vector<16xi32>
      %shift_right_logical3A_503 = arith.shrui %add3A_502, %broadcast_in_dim3A_13 : vector<16xi32>
      %add3A_504 = arith.addf %bitcast_convert_type3A_491, %bitcast_convert_type3A_499 : vector<16xf32>
      %bitcast_convert_type3A_505 = tpu.bitcast %add3A_504 : vector<16xf32> -> vector<16xi32>
      %add3A_506 = arith.addi %bitcast_convert_type3A_505, %broadcast_in_dim3A_9 : vector<16xi32>
      %shift_right_logical3A_507 = arith.shrui %add3A_506, %broadcast_in_dim3A_13 : vector<16xi32>
      %shift_left3A_508 = arith.shli %shift_right_logical3A_507, %broadcast_in_dim3A_13 : vector<16xi32>
      %or3A_509 = arith.ori %shift_right_logical3A_503, %shift_left3A_508 : vector<16xi32>
      %swap3A_510 = arith.constant 0 : i32
      %swap3A_511 = arith.index_cast %swap3A_510 : i32 to index
      %swap3A_512 = arith.index_cast %add3A_376 : i32 to index
      %swap3A_513 = arith.constant 32 : index
      %swap3A_514 = tpu.vector_load %arg11[%swap3A_511, %swap3A_512, %swap3A_513] {strides = array<i32>} : memref<2x40x64xi32, #tpu.memory_space<vmem>>, vector<1x1x16xi32>,
      %swap3A_515 = vector.shape_cast %swap3A_514 : vector<1x1x16xi32> to vector<16xi32>
      %swap3A_516 = vector.shape_cast %or3A_509 : vector<16xi32> to vector<1x1x16xi32>
      tpu.vector_store %arg11[%swap3A_511, %swap3A_512, %swap3A_513], %swap3A_516 {strides = array<i32>} : memref<2x40x64xi32, #tpu.memory_space<vmem>>, vector<1x1x16xi32>,
      %get3A_517 = arith.constant 0 : i32
      %get3A_518 = arith.index_cast %get3A_517 : i32 to index
      %get3A_519 = arith.index_cast %add3A_376 : i32 to index
      %get3A_520 = arith.constant 48 : index
      %get3A_521 = tpu.vector_load %arg9[%get3A_518, %get3A_519, %get3A_520] {strides = array<i32>} : memref<2x40x128xi32, #tpu.memory_space<vmem>>, vector<1x1x16xi32>,
      %get3A_522 = vector.shape_cast %get3A_521 : vector<1x1x16xi32> to vector<16xi32>
      %shift_left3A_523 = arith.shli %get3A_522, %broadcast_in_dim3A_13 : vector<16xi32>
      %bitcast_convert_type3A_524 = tpu.bitcast %shift_left3A_523 : vector<16xi32> -> vector<16xf32>
      %get3A_525 = arith.constant 0 : i32
      %get3A_526 = arith.index_cast %get3A_525 : i32 to index
      %get3A_527 = arith.index_cast %add3A_376 : i32 to index
      %get3A_528 = arith.constant 48 : index
      %get3A_529 = tpu.vector_load %arg10[%get3A_526, %get3A_527, %get3A_528] {strides = array<i32>} : memref<2x40x128xi32, #tpu.memory_space<vmem>>, vector<1x1x16xi32>,
      %get3A_530 = vector.shape_cast %get3A_529 : vector<1x1x16xi32> to vector<16xi32>
      %and3A_531 = arith.andi %get3A_530, %broadcast_in_dim3A_11 : vector<16xi32>
      %bitcast_convert_type3A_532 = tpu.bitcast %and3A_531 : vector<16xi32> -> vector<16xf32>
      %get3A_533 = arith.constant 0 : i32
      %get3A_534 = arith.index_cast %get3A_533 : i32 to index
      %get3A_535 = arith.index_cast %add3A_376 : i32 to index
      %get3A_536 = arith.constant 112 : index
      %get3A_537 = tpu.vector_load %arg9[%get3A_534, %get3A_535, %get3A_536] {strides = array<i32>} : memref<2x40x128xi32, #tpu.memory_space<vmem>>, vector<1x1x16xi32>,
      %get3A_538 = vector.shape_cast %get3A_537 : vector<1x1x16xi32> to vector<16xi32>
      %shift_left3A_539 = arith.shli %get3A_538, %broadcast_in_dim3A_13 : vector<16xi32>
      %bitcast_convert_type3A_540 = tpu.bitcast %shift_left3A_539 : vector<16xi32> -> vector<16xf32>
      %get3A_541 = arith.constant 0 : i32
      %get3A_542 = arith.index_cast %get3A_541 : i32 to index
      %get3A_543 = arith.index_cast %add3A_376 : i32 to index
      %get3A_544 = arith.constant 112 : index
      %get3A_545 = tpu.vector_load %arg10[%get3A_542, %get3A_543, %get3A_544] {strides = array<i32>} : memref<2x40x128xi32, #tpu.memory_space<vmem>>, vector<1x1x16xi32>,
      %get3A_546 = vector.shape_cast %get3A_545 : vector<1x1x16xi32> to vector<16xi32>
      %and3A_547 = arith.andi %get3A_546, %broadcast_in_dim3A_11 : vector<16xi32>
      %bitcast_convert_type3A_548 = tpu.bitcast %and3A_547 : vector<16xi32> -> vector<16xf32>
      %add3A_549 = arith.addf %bitcast_convert_type3A_524, %bitcast_convert_type3A_532 : vector<16xf32>
      %bitcast_convert_type3A_550 = tpu.bitcast %add3A_549 : vector<16xf32> -> vector<16xi32>
      %add3A_551 = arith.addi %bitcast_convert_type3A_550, %broadcast_in_dim3A_9 : vector<16xi32>
      %shift_right_logical3A_552 = arith.shrui %add3A_551, %broadcast_in_dim3A_13 : vector<16xi32>
      %add3A_553 = arith.addf %bitcast_convert_type3A_540, %bitcast_convert_type3A_548 : vector<16xf32>
      %bitcast_convert_type3A_554 = tpu.bitcast %add3A_553 : vector<16xf32> -> vector<16xi32>
      %add3A_555 = arith.addi %bitcast_convert_type3A_554, %broadcast_in_dim3A_9 : vector<16xi32>
      %shift_right_logical3A_556 = arith.shrui %add3A_555, %broadcast_in_dim3A_13 : vector<16xi32>
      %shift_left3A_557 = arith.shli %shift_right_logical3A_556, %broadcast_in_dim3A_13 : vector<16xi32>
      %or3A_558 = arith.ori %shift_right_logical3A_552, %shift_left3A_557 : vector<16xi32>
      %swap3A_559 = arith.constant 0 : i32
      %swap3A_560 = arith.index_cast %swap3A_559 : i32 to index
      %swap3A_561 = arith.index_cast %add3A_376 : i32 to index
      %swap3A_562 = arith.constant 48 : index
      %swap3A_563 = tpu.vector_load %arg11[%swap3A_560, %swap3A_561, %swap3A_562] {strides = array<i32>} : memref<2x40x64xi32, #tpu.memory_space<vmem>>, vector<1x1x16xi32>,
      %swap3A_564 = vector.shape_cast %swap3A_563 : vector<1x1x16xi32> to vector<16xi32>
      %swap3A_565 = vector.shape_cast %or3A_558 : vector<16xi32> to vector<1x1x16xi32>
      tpu.vector_store %arg11[%swap3A_560, %swap3A_561, %swap3A_562], %swap3A_565 {strides = array<i32>} : memref<2x40x64xi32, #tpu.memory_space<vmem>>, vector<1x1x16xi32>,
    }
    %scan3A_273 = arith.constant 40 : i32
    %add3A_274 = arith.constant 9920 : i32
    %add3A_275 = arith.addi %mul3A_2, %add3A_274 : i32
    %dma_start3A_276 = arith.constant 0 : i32
    %dma_start3A_277 = arith.constant 0 : i32
    %dma_start3A_278 = arith.constant 0 : i32
    %dma_start3A_279 = tpu.memref_slice %arg11[%dma_start3A_276, %dma_start3A_277, %dma_start3A_278] : memref<2x40x64xi32, #tpu.memory_space<vmem>> -> memref<1x40x64xi32, #tpu.memory_space<vmem>>
    %dma_start3A_280 = tpu.memref_squeeze %dma_start3A_279 : memref<1x40x64xi32, #tpu.memory_space<vmem>> -> memref<40x64xi32, #tpu.memory_space<vmem>>
    %dma_start3A_281 = arith.constant 0 : i32
    %dma_start3A_282 = tpu.memref_slice %arg5[%add3A_275, %dma_start3A_281] : memref<320000x64xi32, #tpu.memory_space<hbm>> -> memref<40x64xi32, #tpu.memory_space<hbm>>
    %dma_start3A_283 = arith.constant 0 : i32
    %dma_start3A_284 = tpu.memref_slice %arg5[%add3A_275, %dma_start3A_283] : memref<320000x64xi32, #tpu.memory_space<hbm>> -> memref<40x64xi32, #tpu.memory_space<hbm>>
    %dma_start3A_285 = arith.constant 0 : i32
    %dma_start3A_286 = arith.constant 0 : i32
    %dma_start3A_287 = tpu.memref_slice %arg11[%dma_start3A_276, %dma_start3A_285, %dma_start3A_286] : memref<2x40x64xi32, #tpu.memory_space<vmem>> -> memref<1x40x64xi32, #tpu.memory_space<vmem>>
    %dma_start3A_288 = tpu.memref_squeeze %dma_start3A_287 : memref<1x40x64xi32, #tpu.memory_space<vmem>> -> memref<40x64xi32, #tpu.memory_space<vmem>>
    tpu.enqueue_dma source(%dma_start3A_288 : memref<40x64xi32, #tpu.memory_space<vmem>>) target(%dma_start3A_284 : memref<40x64xi32, #tpu.memory_space<hbm>>) target_semaphore(%arg16 : memref<!tpu.dma_semaphore, #tpu.memory_space<semaphore_mem>>)
    %dma_wait3A_289 = arith.constant 1 : i32
    %dma_wait3A_290 = arith.constant 1 : i32
    %dma_wait3A_291 = arith.constant 0 : i32
    %dma_wait3A_292 = arith.constant 0 : i32
    %dma_wait3A_293 = tpu.memref_slice %arg9[%dma_wait3A_290, %dma_wait3A_291, %dma_wait3A_292] : memref<2x40x128xi32, #tpu.memory_space<vmem>> -> memref<1x40x128xi32, #tpu.memory_space<vmem>>
    %dma_wait3A_294 = tpu.memref_squeeze %dma_wait3A_293 : memref<1x40x128xi32, #tpu.memory_space<vmem>> -> memref<40x128xi32, #tpu.memory_space<vmem>>
    %dma_wait3A_295 = arith.constant 0 : i32
    %dma_wait3A_296 = tpu.memref_slice %arg7[%dma_wait3A_289, %dma_wait3A_295] : memref<4x40xi32, #tpu.memory_space<vmem>> -> memref<1x40xi32, #tpu.memory_space<vmem>>
    %dma_wait3A_297 = tpu.memref_squeeze %dma_wait3A_296 : memref<1x40xi32, #tpu.memory_space<vmem>> -> memref<40xi32, #tpu.memory_space<vmem>>
    %dma_wait3A_298 = arith.constant 0 : i32
    %dma_wait3A_299 = arith.constant 0 : i32
    %dma_wait3A_300 = tpu.memref_slice %arg6[%dma_wait3A_298, %dma_wait3A_299] : memref<10000x128xi32, #tpu.memory_space<vmem_shared>> -> memref<10000x128xi32, #tpu.memory_space<vmem_shared>>
    tpu.wait_indirect_dma semaphore(%arg13 : memref<!tpu.dma_semaphore, #tpu.memory_space<semaphore_mem>>) src(%dma_wait3A_300 : memref<10000x128xi32, #tpu.memory_space<vmem_shared>>) dst(%dma_wait3A_294 : memref<40x128xi32, #tpu.memory_space<vmem>>)
    %dma_wait3A_301 = arith.constant 1 : i32
    %dma_wait3A_302 = arith.constant 1 : i32
    %dma_wait3A_303 = arith.constant 0 : i32
    %dma_wait3A_304 = arith.constant 0 : i32
    %dma_wait3A_305 = tpu.memref_slice %arg10[%dma_wait3A_302, %dma_wait3A_303, %dma_wait3A_304] : memref<2x40x128xi32, #tpu.memory_space<vmem>> -> memref<1x40x128xi32, #tpu.memory_space<vmem>>
    %dma_wait3A_306 = tpu.memref_squeeze %dma_wait3A_305 : memref<1x40x128xi32, #tpu.memory_space<vmem>> -> memref<40x128xi32, #tpu.memory_space<vmem>>
    %dma_wait3A_307 = arith.constant 0 : i32
    %dma_wait3A_308 = tpu.memref_slice %arg8[%dma_wait3A_301, %dma_wait3A_307] : memref<4x40xi32, #tpu.memory_space<vmem>> -> memref<1x40xi32, #tpu.memory_space<vmem>>
    %dma_wait3A_309 = tpu.memref_squeeze %dma_wait3A_308 : memref<1x40xi32, #tpu.memory_space<vmem>> -> memref<40xi32, #tpu.memory_space<vmem>>
    %dma_wait3A_310 = arith.constant 0 : i32
    %dma_wait3A_311 = arith.constant 0 : i32
    %dma_wait3A_312 = tpu.memref_slice %arg6[%dma_wait3A_310, %dma_wait3A_311] : memref<10000x128xi32, #tpu.memory_space<vmem_shared>> -> memref<10000x128xi32, #tpu.memory_space<vmem_shared>>
    tpu.wait_indirect_dma semaphore(%arg15 : memref<!tpu.dma_semaphore, #tpu.memory_space<semaphore_mem>>) src(%dma_wait3A_312 : memref<10000x128xi32, #tpu.memory_space<vmem_shared>>) dst(%dma_wait3A_306 : memref<40x128xi32, #tpu.memory_space<vmem>>)
    %dma_wait3A_313 = arith.constant 1 : i32
    %dma_wait3A_314 = arith.constant 0 : i32
    %dma_wait3A_315 = arith.constant 0 : i32
    %dma_wait3A_316 = tpu.memref_slice %arg11[%dma_wait3A_313, %dma_wait3A_314, %dma_wait3A_315] : memref<2x40x64xi32, #tpu.memory_space<vmem>> -> memref<1x40x64xi32, #tpu.memory_space<vmem>>
    %dma_wait3A_317 = tpu.memref_squeeze %dma_wait3A_316 : memref<1x40x64xi32, #tpu.memory_space<vmem>> -> memref<40x64xi32, #tpu.memory_space<vmem>>
    %dma_wait3A_318 = arith.constant 0 : i32
    %dma_wait3A_319 = tpu.memref_slice %arg5[%mul3A_2, %dma_wait3A_318] : memref<320000x64xi32, #tpu.memory_space<hbm>> -> memref<40x64xi32, #tpu.memory_space<hbm>>
    %dma_wait3A_320 = arith.constant 0 : i32
    %dma_wait3A_321 = tpu.memref_slice %arg5[%mul3A_2, %dma_wait3A_320] : memref<320000x64xi32, #tpu.memory_space<hbm>> -> memref<40x64xi32, #tpu.memory_space<hbm>>
    %dma_wait3A_322 = arith.constant 0 : i32
    %dma_wait3A_323 = arith.constant 0 : i32
    %dma_wait3A_324 = tpu.memref_slice %arg11[%dma_wait3A_313, %dma_wait3A_322, %dma_wait3A_323] : memref<2x40x64xi32, #tpu.memory_space<vmem>> -> memref<1x40x64xi32, #tpu.memory_space<vmem>>
    %dma_wait3A_325 = tpu.memref_squeeze %dma_wait3A_324 : memref<1x40x64xi32, #tpu.memory_space<vmem>> -> memref<40x64xi32, #tpu.memory_space<vmem>>
    tpu.wait_dma2 semaphore(%arg17 : memref<!tpu.dma_semaphore, #tpu.memory_space<semaphore_mem>>) src(%dma_wait3A_325 : memref<40x64xi32, #tpu.memory_space<vmem>>) dst(%dma_wait3A_321 : memref<40x64xi32, #tpu.memory_space<hbm>>)
    %scan3A_326 = arith.constant 0 : i32
    %scan3A_327 = arith.constant 40 : i32
    %scan3A_328 = arith.addi %scan3A_326, %scan3A_327 : i32
    %scan3A_329 = arith.constant 1 : i32
    scf.for %scan3A_372 = %scan3A_326 to %scan3A_328 step %scan3A_329  : i32 {
      %mul3A_373 = arith.constant 1 : i32
      %mul3A_374 = arith.muli %scan3A_372, %mul3A_373 : i32
      %add3A_375 = arith.constant 0 : i32
      %add3A_376 = arith.addi %add3A_375, %mul3A_374 : i32
      %get3A = arith.constant 1 : i32
      %get3A_377 = arith.index_cast %get3A : i32 to index
      %get3A_378 = arith.index_cast %add3A_376 : i32 to index
      %get3A_379 = arith.constant 0 : index
      %get3A_380 = tpu.vector_load %arg9[%get3A_377, %get3A_378, %get3A_379] {strides = array<i32>} : memref<2x40x128xi32, #tpu.memory_space<vmem>>, vector<1x1x16xi32>,
      %get3A_381 = vector.shape_cast %get3A_380 : vector<1x1x16xi32> to vector<16xi32>
      %shift_left3A = arith.shli %get3A_381, %broadcast_in_dim3A_13 : vector<16xi32>
      %bitcast_convert_type3A = tpu.bitcast %shift_left3A : vector<16xi32> -> vector<16xf32>
      %get3A_382 = arith.constant 1 : i32
      %get3A_383 = arith.index_cast %get3A_382 : i32 to index
      %get3A_384 = arith.index_cast %add3A_376 : i32 to index
      %get3A_385 = arith.constant 0 : index
      %get3A_386 = tpu.vector_load %arg10[%get3A_383, %get3A_384, %get3A_385] {strides = array<i32>} : memref<2x40x128xi32, #tpu.memory_space<vmem>>, vector<1x1x16xi32>,
      %get3A_387 = vector.shape_cast %get3A_386 : vector<1x1x16xi32> to vector<16xi32>
      %and3A = arith.andi %get3A_387, %broadcast_in_dim3A_11 : vector<16xi32>
      %bitcast_convert_type3A_388 = tpu.bitcast %and3A : vector<16xi32> -> vector<16xf32>
      %get3A_389 = arith.constant 1 : i32
      %get3A_390 = arith.index_cast %get3A_389 : i32 to index
      %get3A_391 = arith.index_cast %add3A_376 : i32 to index
      %get3A_392 = arith.constant 64 : index
      %get3A_393 = tpu.vector_load %arg9[%get3A_390, %get3A_391, %get3A_392] {strides = array<i32>} : memref<2x40x128xi32, #tpu.memory_space<vmem>>, vector<1x1x16xi32>,
      %get3A_394 = vector.shape_cast %get3A_393 : vector<1x1x16xi32> to vector<16xi32>
      %shift_left3A_395 = arith.shli %get3A_394, %broadcast_in_dim3A_13 : vector<16xi32>
      %bitcast_convert_type3A_396 = tpu.bitcast %shift_left3A_395 : vector<16xi32> -> vector<16xf32>
      %get3A_397 = arith.constant 1 : i32
      %get3A_398 = arith.index_cast %get3A_397 : i32 to index
      %get3A_399 = arith.index_cast %add3A_376 : i32 to index
      %get3A_400 = arith.constant 64 : index
      %get3A_401 = tpu.vector_load %arg10[%get3A_398, %get3A_399, %get3A_400] {strides = array<i32>} : memref<2x40x128xi32, #tpu.memory_space<vmem>>, vector<1x1x16xi32>,
      %get3A_402 = vector.shape_cast %get3A_401 : vector<1x1x16xi32> to vector<16xi32>
      %and3A_403 = arith.andi %get3A_402, %broadcast_in_dim3A_11 : vector<16xi32>
      %bitcast_convert_type3A_404 = tpu.bitcast %and3A_403 : vector<16xi32> -> vector<16xf32>
      %add3A_405 = arith.addf %bitcast_convert_type3A, %bitcast_convert_type3A_388 : vector<16xf32>
      %bitcast_convert_type3A_406 = tpu.bitcast %add3A_405 : vector<16xf32> -> vector<16xi32>
      %add3A_407 = arith.addi %bitcast_convert_type3A_406, %broadcast_in_dim3A_9 : vector<16xi32>
      %shift_right_logical3A = arith.shrui %add3A_407, %broadcast_in_dim3A_13 : vector<16xi32>
      %add3A_408 = arith.addf %bitcast_convert_type3A_396, %bitcast_convert_type3A_404 : vector<16xf32>
      %bitcast_convert_type3A_409 = tpu.bitcast %add3A_408 : vector<16xf32> -> vector<16xi32>
      %add3A_410 = arith.addi %bitcast_convert_type3A_409, %broadcast_in_dim3A_9 : vector<16xi32>
      %shift_right_logical3A_411 = arith.shrui %add3A_410, %broadcast_in_dim3A_13 : vector<16xi32>
      %shift_left3A_412 = arith.shli %shift_right_logical3A_411, %broadcast_in_dim3A_13 : vector<16xi32>
      %or3A = arith.ori %shift_right_logical3A, %shift_left3A_412 : vector<16xi32>
      %swap3A = arith.constant 1 : i32
      %swap3A_413 = arith.index_cast %swap3A : i32 to index
      %swap3A_414 = arith.index_cast %add3A_376 : i32 to index
      %swap3A_415 = arith.constant 0 : index
      %swap3A_416 = tpu.vector_load %arg11[%swap3A_413, %swap3A_414, %swap3A_415] {strides = array<i32>} : memref<2x40x64xi32, #tpu.memory_space<vmem>>, vector<1x1x16xi32>,
      %swap3A_417 = vector.shape_cast %swap3A_416 : vector<1x1x16xi32> to vector<16xi32>
      %swap3A_418 = vector.shape_cast %or3A : vector<16xi32> to vector<1x1x16xi32>
      tpu.vector_store %arg11[%swap3A_413, %swap3A_414, %swap3A_415], %swap3A_418 {strides = array<i32>} : memref<2x40x64xi32, #tpu.memory_space<vmem>>, vector<1x1x16xi32>,
      %get3A_419 = arith.constant 1 : i32
      %get3A_420 = arith.index_cast %get3A_419 : i32 to index
      %get3A_421 = arith.index_cast %add3A_376 : i32 to index
      %get3A_422 = arith.constant 16 : index
      %get3A_423 = tpu.vector_load %arg9[%get3A_420, %get3A_421, %get3A_422] {strides = array<i32>} : memref<2x40x128xi32, #tpu.memory_space<vmem>>, vector<1x1x16xi32>,
      %get3A_424 = vector.shape_cast %get3A_423 : vector<1x1x16xi32> to vector<16xi32>
      %shift_left3A_425 = arith.shli %get3A_424, %broadcast_in_dim3A_13 : vector<16xi32>
      %bitcast_convert_type3A_426 = tpu.bitcast %shift_left3A_425 : vector<16xi32> -> vector<16xf32>
      %get3A_427 = arith.constant 1 : i32
      %get3A_428 = arith.index_cast %get3A_427 : i32 to index
      %get3A_429 = arith.index_cast %add3A_376 : i32 to index
      %get3A_430 = arith.constant 16 : index
      %get3A_431 = tpu.vector_load %arg10[%get3A_428, %get3A_429, %get3A_430] {strides = array<i32>} : memref<2x40x128xi32, #tpu.memory_space<vmem>>, vector<1x1x16xi32>,
      %get3A_432 = vector.shape_cast %get3A_431 : vector<1x1x16xi32> to vector<16xi32>
      %and3A_433 = arith.andi %get3A_432, %broadcast_in_dim3A_11 : vector<16xi32>
      %bitcast_convert_type3A_434 = tpu.bitcast %and3A_433 : vector<16xi32> -> vector<16xf32>
      %get3A_435 = arith.constant 1 : i32
      %get3A_436 = arith.index_cast %get3A_435 : i32 to index
      %get3A_437 = arith.index_cast %add3A_376 : i32 to index
      %get3A_438 = arith.constant 80 : index
      %get3A_439 = tpu.vector_load %arg9[%get3A_436, %get3A_437, %get3A_438] {strides = array<i32>} : memref<2x40x128xi32, #tpu.memory_space<vmem>>, vector<1x1x16xi32>,
      %get3A_440 = vector.shape_cast %get3A_439 : vector<1x1x16xi32> to vector<16xi32>
      %shift_left3A_441 = arith.shli %get3A_440, %broadcast_in_dim3A_13 : vector<16xi32>
      %bitcast_convert_type3A_442 = tpu.bitcast %shift_left3A_441 : vector<16xi32> -> vector<16xf32>
      %get3A_443 = arith.constant 1 : i32
      %get3A_444 = arith.index_cast %get3A_443 : i32 to index
      %get3A_445 = arith.index_cast %add3A_376 : i32 to index
      %get3A_446 = arith.constant 80 : index
      %get3A_447 = tpu.vector_load %arg10[%get3A_444, %get3A_445, %get3A_446] {strides = array<i32>} : memref<2x40x128xi32, #tpu.memory_space<vmem>>, vector<1x1x16xi32>,
      %get3A_448 = vector.shape_cast %get3A_447 : vector<1x1x16xi32> to vector<16xi32>
      %and3A_449 = arith.andi %get3A_448, %broadcast_in_dim3A_11 : vector<16xi32>
      %bitcast_convert_type3A_450 = tpu.bitcast %and3A_449 : vector<16xi32> -> vector<16xf32>
      %add3A_451 = arith.addf %bitcast_convert_type3A_426, %bitcast_convert_type3A_434 : vector<16xf32>
      %bitcast_convert_type3A_452 = tpu.bitcast %add3A_451 : vector<16xf32> -> vector<16xi32>
      %add3A_453 = arith.addi %bitcast_convert_type3A_452, %broadcast_in_dim3A_9 : vector<16xi32>
      %shift_right_logical3A_454 = arith.shrui %add3A_453, %broadcast_in_dim3A_13 : vector<16xi32>
      %add3A_455 = arith.addf %bitcast_convert_type3A_442, %bitcast_convert_type3A_450 : vector<16xf32>
      %bitcast_convert_type3A_456 = tpu.bitcast %add3A_455 : vector<16xf32> -> vector<16xi32>
      %add3A_457 = arith.addi %bitcast_convert_type3A_456, %broadcast_in_dim3A_9 : vector<16xi32>
      %shift_right_logical3A_458 = arith.shrui %add3A_457, %broadcast_in_dim3A_13 : vector<16xi32>
      %shift_left3A_459 = arith.shli %shift_right_logical3A_458, %broadcast_in_dim3A_13 : vector<16xi32>
      %or3A_460 = arith.ori %shift_right_logical3A_454, %shift_left3A_459 : vector<16xi32>
      %swap3A_461 = arith.constant 1 : i32
      %swap3A_462 = arith.index_cast %swap3A_461 : i32 to index
      %swap3A_463 = arith.index_cast %add3A_376 : i32 to index
      %swap3A_464 = arith.constant 16 : index
      %swap3A_465 = tpu.vector_load %arg11[%swap3A_462, %swap3A_463, %swap3A_464] {strides = array<i32>} : memref<2x40x64xi32, #tpu.memory_space<vmem>>, vector<1x1x16xi32>,
      %swap3A_466 = vector.shape_cast %swap3A_465 : vector<1x1x16xi32> to vector<16xi32>
      %swap3A_467 = vector.shape_cast %or3A_460 : vector<16xi32> to vector<1x1x16xi32>
      tpu.vector_store %arg11[%swap3A_462, %swap3A_463, %swap3A_464], %swap3A_467 {strides = array<i32>} : memref<2x40x64xi32, #tpu.memory_space<vmem>>, vector<1x1x16xi32>,
      %get3A_468 = arith.constant 1 : i32
      %get3A_469 = arith.index_cast %get3A_468 : i32 to index
      %get3A_470 = arith.index_cast %add3A_376 : i32 to index
      %get3A_471 = arith.constant 32 : index
      %get3A_472 = tpu.vector_load %arg9[%get3A_469, %get3A_470, %get3A_471] {strides = array<i32>} : memref<2x40x128xi32, #tpu.memory_space<vmem>>, vector<1x1x16xi32>,
      %get3A_473 = vector.shape_cast %get3A_472 : vector<1x1x16xi32> to vector<16xi32>
      %shift_left3A_474 = arith.shli %get3A_473, %broadcast_in_dim3A_13 : vector<16xi32>
      %bitcast_convert_type3A_475 = tpu.bitcast %shift_left3A_474 : vector<16xi32> -> vector<16xf32>
      %get3A_476 = arith.constant 1 : i32
      %get3A_477 = arith.index_cast %get3A_476 : i32 to index
      %get3A_478 = arith.index_cast %add3A_376 : i32 to index
      %get3A_479 = arith.constant 32 : index
      %get3A_480 = tpu.vector_load %arg10[%get3A_477, %get3A_478, %get3A_479] {strides = array<i32>} : memref<2x40x128xi32, #tpu.memory_space<vmem>>, vector<1x1x16xi32>,
      %get3A_481 = vector.shape_cast %get3A_480 : vector<1x1x16xi32> to vector<16xi32>
      %and3A_482 = arith.andi %get3A_481, %broadcast_in_dim3A_11 : vector<16xi32>
      %bitcast_convert_type3A_483 = tpu.bitcast %and3A_482 : vector<16xi32> -> vector<16xf32>
      %get3A_484 = arith.constant 1 : i32
      %get3A_485 = arith.index_cast %get3A_484 : i32 to index
      %get3A_486 = arith.index_cast %add3A_376 : i32 to index
      %get3A_487 = arith.constant 96 : index
      %get3A_488 = tpu.vector_load %arg9[%get3A_485, %get3A_486, %get3A_487] {strides = array<i32>} : memref<2x40x128xi32, #tpu.memory_space<vmem>>, vector<1x1x16xi32>,
      %get3A_489 = vector.shape_cast %get3A_488 : vector<1x1x16xi32> to vector<16xi32>
      %shift_left3A_490 = arith.shli %get3A_489, %broadcast_in_dim3A_13 : vector<16xi32>
      %bitcast_convert_type3A_491 = tpu.bitcast %shift_left3A_490 : vector<16xi32> -> vector<16xf32>
      %get3A_492 = arith.constant 1 : i32
      %get3A_493 = arith.index_cast %get3A_492 : i32 to index
      %get3A_494 = arith.index_cast %add3A_376 : i32 to index
      %get3A_495 = arith.constant 96 : index
      %get3A_496 = tpu.vector_load %arg10[%get3A_493, %get3A_494, %get3A_495] {strides = array<i32>} : memref<2x40x128xi32, #tpu.memory_space<vmem>>, vector<1x1x16xi32>,
      %get3A_497 = vector.shape_cast %get3A_496 : vector<1x1x16xi32> to vector<16xi32>
      %and3A_498 = arith.andi %get3A_497, %broadcast_in_dim3A_11 : vector<16xi32>
      %bitcast_convert_type3A_499 = tpu.bitcast %and3A_498 : vector<16xi32> -> vector<16xf32>
      %add3A_500 = arith.addf %bitcast_convert_type3A_475, %bitcast_convert_type3A_483 : vector<16xf32>
      %bitcast_convert_type3A_501 = tpu.bitcast %add3A_500 : vector<16xf32> -> vector<16xi32>
      %add3A_502 = arith.addi %bitcast_convert_type3A_501, %broadcast_in_dim3A_9 : vector<16xi32>
      %shift_right_logical3A_503 = arith.shrui %add3A_502, %broadcast_in_dim3A_13 : vector<16xi32>
      %add3A_504 = arith.addf %bitcast_convert_type3A_491, %bitcast_convert_type3A_499 : vector<16xf32>
      %bitcast_convert_type3A_505 = tpu.bitcast %add3A_504 : vector<16xf32> -> vector<16xi32>
      %add3A_506 = arith.addi %bitcast_convert_type3A_505, %broadcast_in_dim3A_9 : vector<16xi32>
      %shift_right_logical3A_507 = arith.shrui %add3A_506, %broadcast_in_dim3A_13 : vector<16xi32>
      %shift_left3A_508 = arith.shli %shift_right_logical3A_507, %broadcast_in_dim3A_13 : vector<16xi32>
      %or3A_509 = arith.ori %shift_right_logical3A_503, %shift_left3A_508 : vector<16xi32>
      %swap3A_510 = arith.constant 1 : i32
      %swap3A_511 = arith.index_cast %swap3A_510 : i32 to index
      %swap3A_512 = arith.index_cast %add3A_376 : i32 to index
      %swap3A_513 = arith.constant 32 : index
      %swap3A_514 = tpu.vector_load %arg11[%swap3A_511, %swap3A_512, %swap3A_513] {strides = array<i32>} : memref<2x40x64xi32, #tpu.memory_space<vmem>>, vector<1x1x16xi32>,
      %swap3A_515 = vector.shape_cast %swap3A_514 : vector<1x1x16xi32> to vector<16xi32>
      %swap3A_516 = vector.shape_cast %or3A_509 : vector<16xi32> to vector<1x1x16xi32>
      tpu.vector_store %arg11[%swap3A_511, %swap3A_512, %swap3A_513], %swap3A_516 {strides = array<i32>} : memref<2x40x64xi32, #tpu.memory_space<vmem>>, vector<1x1x16xi32>,
      %get3A_517 = arith.constant 1 : i32
      %get3A_518 = arith.index_cast %get3A_517 : i32 to index
      %get3A_519 = arith.index_cast %add3A_376 : i32 to index
      %get3A_520 = arith.constant 48 : index
      %get3A_521 = tpu.vector_load %arg9[%get3A_518, %get3A_519, %get3A_520] {strides = array<i32>} : memref<2x40x128xi32, #tpu.memory_space<vmem>>, vector<1x1x16xi32>,
      %get3A_522 = vector.shape_cast %get3A_521 : vector<1x1x16xi32> to vector<16xi32>
      %shift_left3A_523 = arith.shli %get3A_522, %broadcast_in_dim3A_13 : vector<16xi32>
      %bitcast_convert_type3A_524 = tpu.bitcast %shift_left3A_523 : vector<16xi32> -> vector<16xf32>
      %get3A_525 = arith.constant 1 : i32
      %get3A_526 = arith.index_cast %get3A_525 : i32 to index
      %get3A_527 = arith.index_cast %add3A_376 : i32 to index
      %get3A_528 = arith.constant 48 : index
      %get3A_529 = tpu.vector_load %arg10[%get3A_526, %get3A_527, %get3A_528] {strides = array<i32>} : memref<2x40x128xi32, #tpu.memory_space<vmem>>, vector<1x1x16xi32>,
      %get3A_530 = vector.shape_cast %get3A_529 : vector<1x1x16xi32> to vector<16xi32>
      %and3A_531 = arith.andi %get3A_530, %broadcast_in_dim3A_11 : vector<16xi32>
      %bitcast_convert_type3A_532 = tpu.bitcast %and3A_531 : vector<16xi32> -> vector<16xf32>
      %get3A_533 = arith.constant 1 : i32
      %get3A_534 = arith.index_cast %get3A_533 : i32 to index
      %get3A_535 = arith.index_cast %add3A_376 : i32 to index
      %get3A_536 = arith.constant 112 : index
      %get3A_537 = tpu.vector_load %arg9[%get3A_534, %get3A_535, %get3A_536] {strides = array<i32>} : memref<2x40x128xi32, #tpu.memory_space<vmem>>, vector<1x1x16xi32>,
      %get3A_538 = vector.shape_cast %get3A_537 : vector<1x1x16xi32> to vector<16xi32>
      %shift_left3A_539 = arith.shli %get3A_538, %broadcast_in_dim3A_13 : vector<16xi32>
      %bitcast_convert_type3A_540 = tpu.bitcast %shift_left3A_539 : vector<16xi32> -> vector<16xf32>
      %get3A_541 = arith.constant 1 : i32
      %get3A_542 = arith.index_cast %get3A_541 : i32 to index
      %get3A_543 = arith.index_cast %add3A_376 : i32 to index
      %get3A_544 = arith.constant 112 : index
      %get3A_545 = tpu.vector_load %arg10[%get3A_542, %get3A_543, %get3A_544] {strides = array<i32>} : memref<2x40x128xi32, #tpu.memory_space<vmem>>, vector<1x1x16xi32>,
      %get3A_546 = vector.shape_cast %get3A_545 : vector<1x1x16xi32> to vector<16xi32>
      %and3A_547 = arith.andi %get3A_546, %broadcast_in_dim3A_11 : vector<16xi32>
      %bitcast_convert_type3A_548 = tpu.bitcast %and3A_547 : vector<16xi32> -> vector<16xf32>
      %add3A_549 = arith.addf %bitcast_convert_type3A_524, %bitcast_convert_type3A_532 : vector<16xf32>
      %bitcast_convert_type3A_550 = tpu.bitcast %add3A_549 : vector<16xf32> -> vector<16xi32>
      %add3A_551 = arith.addi %bitcast_convert_type3A_550, %broadcast_in_dim3A_9 : vector<16xi32>
      %shift_right_logical3A_552 = arith.shrui %add3A_551, %broadcast_in_dim3A_13 : vector<16xi32>
      %add3A_553 = arith.addf %bitcast_convert_type3A_540, %bitcast_convert_type3A_548 : vector<16xf32>
      %bitcast_convert_type3A_554 = tpu.bitcast %add3A_553 : vector<16xf32> -> vector<16xi32>
      %add3A_555 = arith.addi %bitcast_convert_type3A_554, %broadcast_in_dim3A_9 : vector<16xi32>
      %shift_right_logical3A_556 = arith.shrui %add3A_555, %broadcast_in_dim3A_13 : vector<16xi32>
      %shift_left3A_557 = arith.shli %shift_right_logical3A_556, %broadcast_in_dim3A_13 : vector<16xi32>
      %or3A_558 = arith.ori %shift_right_logical3A_552, %shift_left3A_557 : vector<16xi32>
      %swap3A_559 = arith.constant 1 : i32
      %swap3A_560 = arith.index_cast %swap3A_559 : i32 to index
      %swap3A_561 = arith.index_cast %add3A_376 : i32 to index
      %swap3A_562 = arith.constant 48 : index
      %swap3A_563 = tpu.vector_load %arg11[%swap3A_560, %swap3A_561, %swap3A_562] {strides = array<i32>} : memref<2x40x64xi32, #tpu.memory_space<vmem>>, vector<1x1x16xi32>,
      %swap3A_564 = vector.shape_cast %swap3A_563 : vector<1x1x16xi32> to vector<16xi32>
      %swap3A_565 = vector.shape_cast %or3A_558 : vector<16xi32> to vector<1x1x16xi32>
      tpu.vector_store %arg11[%swap3A_560, %swap3A_561, %swap3A_562], %swap3A_565 {strides = array<i32>} : memref<2x40x64xi32, #tpu.memory_space<vmem>>, vector<1x1x16xi32>,
    }
    %scan3A_330 = arith.constant 40 : i32
    %add3A_331 = arith.constant 9960 : i32
    %add3A_332 = arith.addi %mul3A_2, %add3A_331 : i32
    %dma_start3A_333 = arith.constant 1 : i32
    %dma_start3A_334 = arith.constant 0 : i32
    %dma_start3A_335 = arith.constant 0 : i32
    %dma_start3A_336 = tpu.memref_slice %arg11[%dma_start3A_333, %dma_start3A_334, %dma_start3A_335] : memref<2x40x64xi32, #tpu.memory_space<vmem>> -> memref<1x40x64xi32, #tpu.memory_space<vmem>>
    %dma_start3A_337 = tpu.memref_squeeze %dma_start3A_336 : memref<1x40x64xi32, #tpu.memory_space<vmem>> -> memref<40x64xi32, #tpu.memory_space<vmem>>
    %dma_start3A_338 = arith.constant 0 : i32
    %dma_start3A_339 = tpu.memref_slice %arg5[%add3A_332, %dma_start3A_338] : memref<320000x64xi32, #tpu.memory_space<hbm>> -> memref<40x64xi32, #tpu.memory_space<hbm>>
    %dma_start3A_340 = arith.constant 0 : i32
    %dma_start3A_341 = tpu.memref_slice %arg5[%add3A_332, %dma_start3A_340] : memref<320000x64xi32, #tpu.memory_space<hbm>> -> memref<40x64xi32, #tpu.memory_space<hbm>>
    %dma_start3A_342 = arith.constant 0 : i32
    %dma_start3A_343 = arith.constant 0 : i32
    %dma_start3A_344 = tpu.memref_slice %arg11[%dma_start3A_333, %dma_start3A_342, %dma_start3A_343] : memref<2x40x64xi32, #tpu.memory_space<vmem>> -> memref<1x40x64xi32, #tpu.memory_space<vmem>>
    %dma_start3A_345 = tpu.memref_squeeze %dma_start3A_344 : memref<1x40x64xi32, #tpu.memory_space<vmem>> -> memref<40x64xi32, #tpu.memory_space<vmem>>
    tpu.enqueue_dma source(%dma_start3A_345 : memref<40x64xi32, #tpu.memory_space<vmem>>) target(%dma_start3A_341 : memref<40x64xi32, #tpu.memory_space<hbm>>) target_semaphore(%arg17 : memref<!tpu.dma_semaphore, #tpu.memory_space<semaphore_mem>>)
    %dma_wait3A_346 = arith.constant 0 : i32
    %dma_wait3A_347 = arith.constant 0 : i32
    %dma_wait3A_348 = arith.constant 0 : i32
    %dma_wait3A_349 = tpu.memref_slice %arg11[%dma_wait3A_346, %dma_wait3A_347, %dma_wait3A_348] : memref<2x40x64xi32, #tpu.memory_space<vmem>> -> memref<1x40x64xi32, #tpu.memory_space<vmem>>
    %dma_wait3A_350 = tpu.memref_squeeze %dma_wait3A_349 : memref<1x40x64xi32, #tpu.memory_space<vmem>> -> memref<40x64xi32, #tpu.memory_space<vmem>>
    %dma_wait3A_351 = arith.constant 0 : i32
    %dma_wait3A_352 = tpu.memref_slice %arg5[%mul3A_2, %dma_wait3A_351] : memref<320000x64xi32, #tpu.memory_space<hbm>> -> memref<40x64xi32, #tpu.memory_space<hbm>>
    %dma_wait3A_353 = arith.constant 0 : i32
    %dma_wait3A_354 = tpu.memref_slice %arg5[%mul3A_2, %dma_wait3A_353] : memref<320000x64xi32, #tpu.memory_space<hbm>> -> memref<40x64xi32, #tpu.memory_space<hbm>>
    %dma_wait3A_355 = arith.constant 0 : i32
    %dma_wait3A_356 = arith.constant 0 : i32
    %dma_wait3A_357 = tpu.memref_slice %arg11[%dma_wait3A_346, %dma_wait3A_355, %dma_wait3A_356] : memref<2x40x64xi32, #tpu.memory_space<vmem>> -> memref<1x40x64xi32, #tpu.memory_space<vmem>>
    %dma_wait3A_358 = tpu.memref_squeeze %dma_wait3A_357 : memref<1x40x64xi32, #tpu.memory_space<vmem>> -> memref<40x64xi32, #tpu.memory_space<vmem>>
    tpu.wait_dma2 semaphore(%arg16 : memref<!tpu.dma_semaphore, #tpu.memory_space<semaphore_mem>>) src(%dma_wait3A_358 : memref<40x64xi32, #tpu.memory_space<vmem>>) dst(%dma_wait3A_354 : memref<40x64xi32, #tpu.memory_space<hbm>>)
    %dma_wait3A_359 = arith.constant 1 : i32
    %dma_wait3A_360 = arith.constant 0 : i32
    %dma_wait3A_361 = arith.constant 0 : i32
    %dma_wait3A_362 = tpu.memref_slice %arg11[%dma_wait3A_359, %dma_wait3A_360, %dma_wait3A_361] : memref<2x40x64xi32, #tpu.memory_space<vmem>> -> memref<1x40x64xi32, #tpu.memory_space<vmem>>
    %dma_wait3A_363 = tpu.memref_squeeze %dma_wait3A_362 : memref<1x40x64xi32, #tpu.memory_space<vmem>> -> memref<40x64xi32, #tpu.memory_space<vmem>>
    %dma_wait3A_364 = arith.constant 0 : i32
    %dma_wait3A_365 = tpu.memref_slice %arg5[%mul3A_2, %dma_wait3A_364] : memref<320000x64xi32, #tpu.memory_space<hbm>> -> memref<40x64xi32, #tpu.memory_space<hbm>>
    %dma_wait3A_366 = arith.constant 0 : i32
    %dma_wait3A_367 = tpu.memref_slice %arg5[%mul3A_2, %dma_wait3A_366] : memref<320000x64xi32, #tpu.memory_space<hbm>> -> memref<40x64xi32, #tpu.memory_space<hbm>>
    %dma_wait3A_368 = arith.constant 0 : i32
    %dma_wait3A_369 = arith.constant 0 : i32
    %dma_wait3A_370 = tpu.memref_slice %arg11[%dma_wait3A_359, %dma_wait3A_368, %dma_wait3A_369] : memref<2x40x64xi32, #tpu.memory_space<vmem>> -> memref<1x40x64xi32, #tpu.memory_space<vmem>>
    %dma_wait3A_371 = tpu.memref_squeeze %dma_wait3A_370 : memref<1x40x64xi32, #tpu.memory_space<vmem>> -> memref<40x64xi32, #tpu.memory_space<vmem>>
    tpu.wait_dma2 semaphore(%arg17 : memref<!tpu.dma_semaphore, #tpu.memory_space<semaphore_mem>>) src(%dma_wait3A_371 : memref<40x64xi32, #tpu.memory_space<vmem>>) dst(%dma_wait3A_367 : memref<40x64xi32, #tpu.memory_space<hbm>>)
    return
  }
}

#map = affine_map<(d0, d1) -> (0, 0)>
#map1 = affine_map<(d0, d1) -> (0, 0, 0)>
module attributes {stable_mosaic.version = 14 : i64} {
  func.func @_scatter_add(%arg0: i32, %arg1: i32, %arg2: memref<320000x128xf32, #tpu.memory_space<hbm>>, %arg3: memref<32x250x40xi32, #tpu.memory_space<hbm>>, %arg4: memref<624x128xf32, #tpu.memory_space<hbm>>, %arg5: memref<2x10000x128xf32, #tpu.memory_space<hbm>>, %arg6: memref<10000x128xf32, #tpu.memory_space<vmem_shared>>, %arg7: memref<250x40xi32, #tpu.memory_space<vmem>>, %arg8: memref<3x40x128xf32, #tpu.memory_space<vmem>>, %arg9: memref<!tpu.dma_semaphore, #tpu.memory_space<semaphore_mem>>, %arg10: memref<!tpu.dma_semaphore, #tpu.memory_space<semaphore_mem>>, %arg11: memref<!tpu.dma_semaphore, #tpu.memory_space<semaphore_mem>>, %arg12: memref<!tpu.dma_semaphore, #tpu.memory_space<semaphore_mem>>, %arg13: memref<!tpu.dma_semaphore, #tpu.memory_space<semaphore_mem>>, %arg14: memref<!tpu.dma_semaphore, #tpu.memory_space<semaphore_mem>>) attributes {dimension_semantics = [#tpu.dimension_semantics<core_parallel>, #tpu.dimension_semantics<subcore_parallel>], iteration_bounds = array<i64: 2, 16>, scalar_prefetch = 0 : i64, scratch_operands = 9 : i64, tpu.core_type = #tpu.core_type<sc_vector_subcore>, window_params = [{transform_indices = #map}, {transform_indices = #map1}, {transform_indices = #map}, {transform_indices = #map1}]} {
    %mul3A = arith.constant 2 : i32
    %mul3A_0 = arith.muli %arg1, %mul3A : i32
    %add3A = arith.addi %mul3A_0, %arg0 : i32
    %mul3A_1 = arith.constant 624 : i32
    %mul3A_2 = arith.muli %arg1, %mul3A_1 : i32
    "tpu.region"() ({
      %run_scoped3A = tpu.sem_alloc : memref<!tpu.dma_semaphore, #tpu.memory_space<semaphore_mem>>
      %dma_start3A_125 = arith.constant 0 : i32
      %dma_start3A_126 = tpu.memref_slice %arg6[%mul3A_2, %dma_start3A_125] : memref<10000x128xf32, #tpu.memory_space<vmem_shared>> -> memref<624x128xf32, #tpu.memory_space<vmem_shared>>
      %dma_start3A_127 = arith.constant 0 : i32
      %dma_start3A_128 = arith.constant 0 : i32
      %dma_start3A_129 = tpu.memref_slice %arg4[%dma_start3A_127, %dma_start3A_128] : memref<624x128xf32, #tpu.memory_space<hbm>> -> memref<624x128xf32, #tpu.memory_space<hbm>>
      tpu.enqueue_dma source(%dma_start3A_129 : memref<624x128xf32, #tpu.memory_space<hbm>>) target(%dma_start3A_126 : memref<624x128xf32, #tpu.memory_space<vmem_shared>>) target_semaphore(%run_scoped3A : memref<!tpu.dma_semaphore, #tpu.memory_space<semaphore_mem>>)
      %dma_wait3A_130 = arith.constant 0 : i32
      %dma_wait3A_131 = tpu.memref_slice %arg6[%mul3A_2, %dma_wait3A_130] : memref<10000x128xf32, #tpu.memory_space<vmem_shared>> -> memref<624x128xf32, #tpu.memory_space<vmem_shared>>
      %dma_wait3A_132 = arith.constant 0 : i32
      %dma_wait3A_133 = arith.constant 0 : i32
      %dma_wait3A_134 = tpu.memref_slice %arg4[%dma_wait3A_132, %dma_wait3A_133] : memref<624x128xf32, #tpu.memory_space<hbm>> -> memref<624x128xf32, #tpu.memory_space<hbm>>
      tpu.wait_dma2 semaphore(%run_scoped3A : memref<!tpu.dma_semaphore, #tpu.memory_space<semaphore_mem>>) src(%dma_wait3A_134 : memref<624x128xf32, #tpu.memory_space<hbm>>) dst(%dma_wait3A_131 : memref<624x128xf32, #tpu.memory_space<vmem_shared>>)
      tpu.yield
    }) : () -> ()
    %eq3A = arith.constant 15 : i32
    %eq3A_3 = arith.cmpi eq, %arg1, %eq3A : i32
    %convert_element_type3A = arith.extui %eq3A_3 : i1 to i32
    %cond3A = arith.constant 0 : i32
    %cond3A_4 = arith.cmpi ne, %convert_element_type3A, %cond3A : i32
    scf.if %cond3A_4 {
      "tpu.region"() ({
        %run_scoped3A = tpu.sem_alloc : memref<!tpu.dma_semaphore, #tpu.memory_space<semaphore_mem>>
        %dma_start3A_125 = arith.constant 9984 : i32
        %dma_start3A_126 = arith.constant 0 : i32
        %dma_start3A_127 = tpu.memref_slice %arg6[%dma_start3A_125, %dma_start3A_126] : memref<10000x128xf32, #tpu.memory_space<vmem_shared>> -> memref<16x128xf32, #tpu.memory_space<vmem_shared>>
        %dma_start3A_128 = arith.constant 0 : i32
        %dma_start3A_129 = arith.constant 0 : i32
        %dma_start3A_130 = tpu.memref_slice %arg4[%dma_start3A_128, %dma_start3A_129] : memref<624x128xf32, #tpu.memory_space<hbm>> -> memref<16x128xf32, #tpu.memory_space<hbm>>
        tpu.enqueue_dma source(%dma_start3A_130 : memref<16x128xf32, #tpu.memory_space<hbm>>) target(%dma_start3A_127 : memref<16x128xf32, #tpu.memory_space<vmem_shared>>) target_semaphore(%run_scoped3A : memref<!tpu.dma_semaphore, #tpu.memory_space<semaphore_mem>>)
        %dma_wait3A_131 = arith.constant 9984 : i32
        %dma_wait3A_132 = arith.constant 0 : i32
        %dma_wait3A_133 = tpu.memref_slice %arg6[%dma_wait3A_131, %dma_wait3A_132] : memref<10000x128xf32, #tpu.memory_space<vmem_shared>> -> memref<16x128xf32, #tpu.memory_space<vmem_shared>>
        %dma_wait3A_134 = arith.constant 0 : i32
        %dma_wait3A_135 = arith.constant 0 : i32
        %dma_wait3A_136 = tpu.memref_slice %arg4[%dma_wait3A_134, %dma_wait3A_135] : memref<624x128xf32, #tpu.memory_space<hbm>> -> memref<16x128xf32, #tpu.memory_space<hbm>>
        tpu.wait_dma2 semaphore(%run_scoped3A : memref<!tpu.dma_semaphore, #tpu.memory_space<semaphore_mem>>) src(%dma_wait3A_136 : memref<16x128xf32, #tpu.memory_space<hbm>>) dst(%dma_wait3A_133 : memref<16x128xf32, #tpu.memory_space<vmem_shared>>)
        tpu.yield
      }) : () -> ()
    } else {
    }
    %barrier3A = arith.constant 0 : index
    tpu.barrier barrier_id(%barrier3A)
    "tpu.region"() ({
      %run_scoped3A = tpu.sem_alloc : memref<!tpu.dma_semaphore, #tpu.memory_space<semaphore_mem>>
      %dma_start3A_125 = arith.constant 0 : i32
      %dma_start3A_126 = arith.constant 0 : i32
      %dma_start3A_127 = tpu.memref_slice %arg3[%add3A, %dma_start3A_125, %dma_start3A_126] : memref<32x250x40xi32, #tpu.memory_space<hbm>> -> memref<1x250x40xi32, #tpu.memory_space<hbm>>
      %dma_start3A_128 = tpu.memref_squeeze %dma_start3A_127 : memref<1x250x40xi32, #tpu.memory_space<hbm>> -> memref<250x40xi32, #tpu.memory_space<hbm>>
      %dma_start3A_129 = arith.constant 0 : i32
      %dma_start3A_130 = arith.constant 0 : i32
      %dma_start3A_131 = tpu.memref_slice %arg3[%add3A, %dma_start3A_129, %dma_start3A_130] : memref<32x250x40xi32, #tpu.memory_space<hbm>> -> memref<1x250x40xi32, #tpu.memory_space<hbm>>
      %dma_start3A_132 = tpu.memref_squeeze %dma_start3A_131 : memref<1x250x40xi32, #tpu.memory_space<hbm>> -> memref<250x40xi32, #tpu.memory_space<hbm>>
      tpu.enqueue_dma source(%dma_start3A_132 : memref<250x40xi32, #tpu.memory_space<hbm>>) target(%arg7 : memref<250x40xi32, #tpu.memory_space<vmem>>) target_semaphore(%run_scoped3A : memref<!tpu.dma_semaphore, #tpu.memory_space<semaphore_mem>>)
      %dma_wait3A_133 = arith.constant 0 : i32
      %dma_wait3A_134 = arith.constant 0 : i32
      %dma_wait3A_135 = tpu.memref_slice %arg3[%add3A, %dma_wait3A_133, %dma_wait3A_134] : memref<32x250x40xi32, #tpu.memory_space<hbm>> -> memref<1x250x40xi32, #tpu.memory_space<hbm>>
      %dma_wait3A_136 = tpu.memref_squeeze %dma_wait3A_135 : memref<1x250x40xi32, #tpu.memory_space<hbm>> -> memref<250x40xi32, #tpu.memory_space<hbm>>
      %dma_wait3A_137 = arith.constant 0 : i32
      %dma_wait3A_138 = arith.constant 0 : i32
      %dma_wait3A_139 = tpu.memref_slice %arg3[%add3A, %dma_wait3A_137, %dma_wait3A_138] : memref<32x250x40xi32, #tpu.memory_space<hbm>> -> memref<1x250x40xi32, #tpu.memory_space<hbm>>
      %dma_wait3A_140 = tpu.memref_squeeze %dma_wait3A_139 : memref<1x250x40xi32, #tpu.memory_space<hbm>> -> memref<250x40xi32, #tpu.memory_space<hbm>>
      tpu.wait_dma2 semaphore(%run_scoped3A : memref<!tpu.dma_semaphore, #tpu.memory_space<semaphore_mem>>) src(%dma_wait3A_140 : memref<250x40xi32, #tpu.memory_space<hbm>>) dst(%arg7 : memref<250x40xi32, #tpu.memory_space<vmem>>)
      tpu.yield
    }) : () -> ()
    %mul3A_5 = arith.constant 10000 : i32
    %mul3A_6 = arith.muli %add3A, %mul3A_5 : i32
    %add3A_7 = arith.constant 0 : i32
    %add3A_8 = arith.addi %mul3A_6, %add3A_7 : i32
    %dma_start3A = arith.constant 0 : i32
    %dma_start3A_9 = arith.constant 0 : i32
    %dma_start3A_10 = arith.constant 0 : i32
    %dma_start3A_11 = tpu.memref_slice %arg8[%dma_start3A, %dma_start3A_9, %dma_start3A_10] : memref<3x40x128xf32, #tpu.memory_space<vmem>> -> memref<1x40x128xf32, #tpu.memory_space<vmem>>
    %dma_start3A_12 = tpu.memref_squeeze %dma_start3A_11 : memref<1x40x128xf32, #tpu.memory_space<vmem>> -> memref<40x128xf32, #tpu.memory_space<vmem>>
    %dma_start3A_13 = arith.constant 0 : i32
    %dma_start3A_14 = tpu.memref_slice %arg2[%add3A_8, %dma_start3A_13] : memref<320000x128xf32, #tpu.memory_space<hbm>> -> memref<40x128xf32, #tpu.memory_space<hbm>>
    %dma_start3A_15 = arith.constant 0 : i32
    %dma_start3A_16 = arith.constant 0 : i32
    %dma_start3A_17 = tpu.memref_slice %arg8[%dma_start3A, %dma_start3A_15, %dma_start3A_16] : memref<3x40x128xf32, #tpu.memory_space<vmem>> -> memref<1x40x128xf32, #tpu.memory_space<vmem>>
    %dma_start3A_18 = tpu.memref_squeeze %dma_start3A_17 : memref<1x40x128xf32, #tpu.memory_space<vmem>> -> memref<40x128xf32, #tpu.memory_space<vmem>>
    %dma_start3A_19 = arith.constant 0 : i32
    %dma_start3A_20 = tpu.memref_slice %arg2[%add3A_8, %dma_start3A_19] : memref<320000x128xf32, #tpu.memory_space<hbm>> -> memref<40x128xf32, #tpu.memory_space<hbm>>
    tpu.enqueue_dma source(%dma_start3A_20 : memref<40x128xf32, #tpu.memory_space<hbm>>) target(%dma_start3A_18 : memref<40x128xf32, #tpu.memory_space<vmem>>) target_semaphore(%arg9 : memref<!tpu.dma_semaphore, #tpu.memory_space<semaphore_mem>>)
    %add3A_21 = arith.constant 40 : i32
    %add3A_22 = arith.addi %mul3A_6, %add3A_21 : i32
    %dma_start3A_23 = arith.constant 1 : i32
    %dma_start3A_24 = arith.constant 0 : i32
    %dma_start3A_25 = arith.constant 0 : i32
    %dma_start3A_26 = tpu.memref_slice %arg8[%dma_start3A_23, %dma_start3A_24, %dma_start3A_25] : memref<3x40x128xf32, #tpu.memory_space<vmem>> -> memref<1x40x128xf32, #tpu.memory_space<vmem>>
    %dma_start3A_27 = tpu.memref_squeeze %dma_start3A_26 : memref<1x40x128xf32, #tpu.memory_space<vmem>> -> memref<40x128xf32, #tpu.memory_space<vmem>>
    %dma_start3A_28 = arith.constant 0 : i32
    %dma_start3A_29 = tpu.memref_slice %arg2[%add3A_22, %dma_start3A_28] : memref<320000x128xf32, #tpu.memory_space<hbm>> -> memref<40x128xf32, #tpu.memory_space<hbm>>
    %dma_start3A_30 = arith.constant 0 : i32
    %dma_start3A_31 = arith.constant 0 : i32
    %dma_start3A_32 = tpu.memref_slice %arg8[%dma_start3A_23, %dma_start3A_30, %dma_start3A_31] : memref<3x40x128xf32, #tpu.memory_space<vmem>> -> memref<1x40x128xf32, #tpu.memory_space<vmem>>
    %dma_start3A_33 = tpu.memref_squeeze %dma_start3A_32 : memref<1x40x128xf32, #tpu.memory_space<vmem>> -> memref<40x128xf32, #tpu.memory_space<vmem>>
    %dma_start3A_34 = arith.constant 0 : i32
    %dma_start3A_35 = tpu.memref_slice %arg2[%add3A_22, %dma_start3A_34] : memref<320000x128xf32, #tpu.memory_space<hbm>> -> memref<40x128xf32, #tpu.memory_space<hbm>>
    tpu.enqueue_dma source(%dma_start3A_35 : memref<40x128xf32, #tpu.memory_space<hbm>>) target(%dma_start3A_33 : memref<40x128xf32, #tpu.memory_space<vmem>>) target_semaphore(%arg10 : memref<!tpu.dma_semaphore, #tpu.memory_space<semaphore_mem>>)
    %add3A_36 = arith.constant 80 : i32
    %add3A_37 = arith.addi %mul3A_6, %add3A_36 : i32
    %dma_start3A_38 = arith.constant 2 : i32
    %dma_start3A_39 = arith.constant 0 : i32
    %dma_start3A_40 = arith.constant 0 : i32
    %dma_start3A_41 = tpu.memref_slice %arg8[%dma_start3A_38, %dma_start3A_39, %dma_start3A_40] : memref<3x40x128xf32, #tpu.memory_space<vmem>> -> memref<1x40x128xf32, #tpu.memory_space<vmem>>
    %dma_start3A_42 = tpu.memref_squeeze %dma_start3A_41 : memref<1x40x128xf32, #tpu.memory_space<vmem>> -> memref<40x128xf32, #tpu.memory_space<vmem>>
    %dma_start3A_43 = arith.constant 0 : i32
    %dma_start3A_44 = tpu.memref_slice %arg2[%add3A_37, %dma_start3A_43] : memref<320000x128xf32, #tpu.memory_space<hbm>> -> memref<40x128xf32, #tpu.memory_space<hbm>>
    %dma_start3A_45 = arith.constant 0 : i32
    %dma_start3A_46 = arith.constant 0 : i32
    %dma_start3A_47 = tpu.memref_slice %arg8[%dma_start3A_38, %dma_start3A_45, %dma_start3A_46] : memref<3x40x128xf32, #tpu.memory_space<vmem>> -> memref<1x40x128xf32, #tpu.memory_space<vmem>>
    %dma_start3A_48 = tpu.memref_squeeze %dma_start3A_47 : memref<1x40x128xf32, #tpu.memory_space<vmem>> -> memref<40x128xf32, #tpu.memory_space<vmem>>
    %dma_start3A_49 = arith.constant 0 : i32
    %dma_start3A_50 = tpu.memref_slice %arg2[%add3A_37, %dma_start3A_49] : memref<320000x128xf32, #tpu.memory_space<hbm>> -> memref<40x128xf32, #tpu.memory_space<hbm>>
    tpu.enqueue_dma source(%dma_start3A_50 : memref<40x128xf32, #tpu.memory_space<hbm>>) target(%dma_start3A_48 : memref<40x128xf32, #tpu.memory_space<vmem>>) target_semaphore(%arg11 : memref<!tpu.dma_semaphore, #tpu.memory_space<semaphore_mem>>)
    %scan3A = arith.constant 0 : i32
    %scan3A_51 = arith.constant 83 : i32
    %scan3A_52 = arith.addi %scan3A, %scan3A_51 : i32
    %scan3A_53 = arith.constant 1 : i32
    scf.for %scan3A_125 = %scan3A to %scan3A_52 step %scan3A_53  : i32 {
      %mul3A_126 = arith.constant 3 : i32
      %mul3A_127 = arith.muli %scan3A_125, %mul3A_126 : i32
      %add3A_128 = arith.constant 0 : i32
      %add3A_129 = arith.addi %add3A_128, %mul3A_127 : i32
      %dma_wait3A_130 = arith.constant 0 : i32
      %dma_wait3A_131 = arith.constant 0 : i32
      %dma_wait3A_132 = arith.constant 0 : i32
      %dma_wait3A_133 = tpu.memref_slice %arg8[%dma_wait3A_130, %dma_wait3A_131, %dma_wait3A_132] : memref<3x40x128xf32, #tpu.memory_space<vmem>> -> memref<1x40x128xf32, #tpu.memory_space<vmem>>
      %dma_wait3A_134 = tpu.memref_squeeze %dma_wait3A_133 : memref<1x40x128xf32, #tpu.memory_space<vmem>> -> memref<40x128xf32, #tpu.memory_space<vmem>>
      %dma_wait3A_135 = arith.constant 0 : i32
      %dma_wait3A_136 = tpu.memref_slice %arg2[%mul3A_6, %dma_wait3A_135] : memref<320000x128xf32, #tpu.memory_space<hbm>> -> memref<40x128xf32, #tpu.memory_space<hbm>>
      %dma_wait3A_137 = arith.constant 0 : i32
      %dma_wait3A_138 = arith.constant 0 : i32
      %dma_wait3A_139 = tpu.memref_slice %arg8[%dma_wait3A_130, %dma_wait3A_137, %dma_wait3A_138] : memref<3x40x128xf32, #tpu.memory_space<vmem>> -> memref<1x40x128xf32, #tpu.memory_space<vmem>>
      %dma_wait3A_140 = tpu.memref_squeeze %dma_wait3A_139 : memref<1x40x128xf32, #tpu.memory_space<vmem>> -> memref<40x128xf32, #tpu.memory_space<vmem>>
      %dma_wait3A_141 = arith.constant 0 : i32
      %dma_wait3A_142 = tpu.memref_slice %arg2[%mul3A_6, %dma_wait3A_141] : memref<320000x128xf32, #tpu.memory_space<hbm>> -> memref<40x128xf32, #tpu.memory_space<hbm>>
      tpu.wait_dma2 semaphore(%arg9 : memref<!tpu.dma_semaphore, #tpu.memory_space<semaphore_mem>>) src(%dma_wait3A_142 : memref<40x128xf32, #tpu.memory_space<hbm>>) dst(%dma_wait3A_140 : memref<40x128xf32, #tpu.memory_space<vmem>>)
      %add3A_143 = arith.constant 0 : i32
      %add3A_144 = arith.addi %add3A_129, %add3A_143 : i32
      %dma_start3A_145 = arith.constant 0 : i32
      %dma_start3A_146 = arith.constant 0 : i32
      %dma_start3A_147 = arith.constant 0 : i32
      %dma_start3A_148 = tpu.memref_slice %arg8[%dma_start3A_145, %dma_start3A_146, %dma_start3A_147] : memref<3x40x128xf32, #tpu.memory_space<vmem>> -> memref<1x40x128xf32, #tpu.memory_space<vmem>>
      %dma_start3A_149 = tpu.memref_squeeze %dma_start3A_148 : memref<1x40x128xf32, #tpu.memory_space<vmem>> -> memref<40x128xf32, #tpu.memory_space<vmem>>
      %dma_start3A_150 = arith.constant 0 : i32
      %dma_start3A_151 = tpu.memref_slice %arg7[%add3A_144, %dma_start3A_150] : memref<250x40xi32, #tpu.memory_space<vmem>> -> memref<1x40xi32, #tpu.memory_space<vmem>>
      %dma_start3A_152 = tpu.memref_squeeze %dma_start3A_151 : memref<1x40xi32, #tpu.memory_space<vmem>> -> memref<40xi32, #tpu.memory_space<vmem>>
      %dma_start3A_153 = arith.constant 0 : i32
      %dma_start3A_154 = arith.constant 0 : i32
      %dma_start3A_155 = tpu.memref_slice %arg6[%dma_start3A_153, %dma_start3A_154] : memref<10000x128xf32, #tpu.memory_space<vmem_shared>> -> memref<10000x128xf32, #tpu.memory_space<vmem_shared>>
      tpu.enqueue_indirect_dma source(%dma_start3A_149 : memref<40x128xf32, #tpu.memory_space<vmem>>) target(%dma_start3A_155 : memref<10000x128xf32, #tpu.memory_space<vmem_shared>>) offsets(%dma_start3A_152 : memref<40xi32, #tpu.memory_space<vmem>>) semaphore(%arg12 : memref<!tpu.dma_semaphore, #tpu.memory_space<semaphore_mem>>) {add = true}
      %dma_wait3A_156 = arith.constant 1 : i32
      %dma_wait3A_157 = arith.constant 0 : i32
      %dma_wait3A_158 = arith.constant 0 : i32
      %dma_wait3A_159 = tpu.memref_slice %arg8[%dma_wait3A_156, %dma_wait3A_157, %dma_wait3A_158] : memref<3x40x128xf32, #tpu.memory_space<vmem>> -> memref<1x40x128xf32, #tpu.memory_space<vmem>>
      %dma_wait3A_160 = tpu.memref_squeeze %dma_wait3A_159 : memref<1x40x128xf32, #tpu.memory_space<vmem>> -> memref<40x128xf32, #tpu.memory_space<vmem>>
      %dma_wait3A_161 = arith.constant 0 : i32
      %dma_wait3A_162 = tpu.memref_slice %arg2[%mul3A_6, %dma_wait3A_161] : memref<320000x128xf32, #tpu.memory_space<hbm>> -> memref<40x128xf32, #tpu.memory_space<hbm>>
      %dma_wait3A_163 = arith.constant 0 : i32
      %dma_wait3A_164 = arith.constant 0 : i32
      %dma_wait3A_165 = tpu.memref_slice %arg8[%dma_wait3A_156, %dma_wait3A_163, %dma_wait3A_164] : memref<3x40x128xf32, #tpu.memory_space<vmem>> -> memref<1x40x128xf32, #tpu.memory_space<vmem>>
      %dma_wait3A_166 = tpu.memref_squeeze %dma_wait3A_165 : memref<1x40x128xf32, #tpu.memory_space<vmem>> -> memref<40x128xf32, #tpu.memory_space<vmem>>
      %dma_wait3A_167 = arith.constant 0 : i32
      %dma_wait3A_168 = tpu.memref_slice %arg2[%mul3A_6, %dma_wait3A_167] : memref<320000x128xf32, #tpu.memory_space<hbm>> -> memref<40x128xf32, #tpu.memory_space<hbm>>
      tpu.wait_dma2 semaphore(%arg10 : memref<!tpu.dma_semaphore, #tpu.memory_space<semaphore_mem>>) src(%dma_wait3A_168 : memref<40x128xf32, #tpu.memory_space<hbm>>) dst(%dma_wait3A_166 : memref<40x128xf32, #tpu.memory_space<vmem>>)
      %add3A_169 = arith.constant 1 : i32
      %add3A_170 = arith.addi %add3A_129, %add3A_169 : i32
      %dma_start3A_171 = arith.constant 1 : i32
      %dma_start3A_172 = arith.constant 0 : i32
      %dma_start3A_173 = arith.constant 0 : i32
      %dma_start3A_174 = tpu.memref_slice %arg8[%dma_start3A_171, %dma_start3A_172, %dma_start3A_173] : memref<3x40x128xf32, #tpu.memory_space<vmem>> -> memref<1x40x128xf32, #tpu.memory_space<vmem>>
      %dma_start3A_175 = tpu.memref_squeeze %dma_start3A_174 : memref<1x40x128xf32, #tpu.memory_space<vmem>> -> memref<40x128xf32, #tpu.memory_space<vmem>>
      %dma_start3A_176 = arith.constant 0 : i32
      %dma_start3A_177 = tpu.memref_slice %arg7[%add3A_170, %dma_start3A_176] : memref<250x40xi32, #tpu.memory_space<vmem>> -> memref<1x40xi32, #tpu.memory_space<vmem>>
      %dma_start3A_178 = tpu.memref_squeeze %dma_start3A_177 : memref<1x40xi32, #tpu.memory_space<vmem>> -> memref<40xi32, #tpu.memory_space<vmem>>
      %dma_start3A_179 = arith.constant 0 : i32
      %dma_start3A_180 = arith.constant 0 : i32
      %dma_start3A_181 = tpu.memref_slice %arg6[%dma_start3A_179, %dma_start3A_180] : memref<10000x128xf32, #tpu.memory_space<vmem_shared>> -> memref<10000x128xf32, #tpu.memory_space<vmem_shared>>
      tpu.enqueue_indirect_dma source(%dma_start3A_175 : memref<40x128xf32, #tpu.memory_space<vmem>>) target(%dma_start3A_181 : memref<10000x128xf32, #tpu.memory_space<vmem_shared>>) offsets(%dma_start3A_178 : memref<40xi32, #tpu.memory_space<vmem>>) semaphore(%arg13 : memref<!tpu.dma_semaphore, #tpu.memory_space<semaphore_mem>>) {add = true}
      %dma_wait3A_182 = arith.constant 2 : i32
      %dma_wait3A_183 = arith.constant 0 : i32
      %dma_wait3A_184 = arith.constant 0 : i32
      %dma_wait3A_185 = tpu.memref_slice %arg8[%dma_wait3A_182, %dma_wait3A_183, %dma_wait3A_184] : memref<3x40x128xf32, #tpu.memory_space<vmem>> -> memref<1x40x128xf32, #tpu.memory_space<vmem>>
      %dma_wait3A_186 = tpu.memref_squeeze %dma_wait3A_185 : memref<1x40x128xf32, #tpu.memory_space<vmem>> -> memref<40x128xf32, #tpu.memory_space<vmem>>
      %dma_wait3A_187 = arith.constant 0 : i32
      %dma_wait3A_188 = tpu.memref_slice %arg2[%mul3A_6, %dma_wait3A_187] : memref<320000x128xf32, #tpu.memory_space<hbm>> -> memref<40x128xf32, #tpu.memory_space<hbm>>
      %dma_wait3A_189 = arith.constant 0 : i32
      %dma_wait3A_190 = arith.constant 0 : i32
      %dma_wait3A_191 = tpu.memref_slice %arg8[%dma_wait3A_182, %dma_wait3A_189, %dma_wait3A_190] : memref<3x40x128xf32, #tpu.memory_space<vmem>> -> memref<1x40x128xf32, #tpu.memory_space<vmem>>
      %dma_wait3A_192 = tpu.memref_squeeze %dma_wait3A_191 : memref<1x40x128xf32, #tpu.memory_space<vmem>> -> memref<40x128xf32, #tpu.memory_space<vmem>>
      %dma_wait3A_193 = arith.constant 0 : i32
      %dma_wait3A_194 = tpu.memref_slice %arg2[%mul3A_6, %dma_wait3A_193] : memref<320000x128xf32, #tpu.memory_space<hbm>> -> memref<40x128xf32, #tpu.memory_space<hbm>>
      tpu.wait_dma2 semaphore(%arg11 : memref<!tpu.dma_semaphore, #tpu.memory_space<semaphore_mem>>) src(%dma_wait3A_194 : memref<40x128xf32, #tpu.memory_space<hbm>>) dst(%dma_wait3A_192 : memref<40x128xf32, #tpu.memory_space<vmem>>)
      %add3A_195 = arith.constant 2 : i32
      %add3A_196 = arith.addi %add3A_129, %add3A_195 : i32
      %dma_start3A_197 = arith.constant 2 : i32
      %dma_start3A_198 = arith.constant 0 : i32
      %dma_start3A_199 = arith.constant 0 : i32
      %dma_start3A_200 = tpu.memref_slice %arg8[%dma_start3A_197, %dma_start3A_198, %dma_start3A_199] : memref<3x40x128xf32, #tpu.memory_space<vmem>> -> memref<1x40x128xf32, #tpu.memory_space<vmem>>
      %dma_start3A_201 = tpu.memref_squeeze %dma_start3A_200 : memref<1x40x128xf32, #tpu.memory_space<vmem>> -> memref<40x128xf32, #tpu.memory_space<vmem>>
      %dma_start3A_202 = arith.constant 0 : i32
      %dma_start3A_203 = tpu.memref_slice %arg7[%add3A_196, %dma_start3A_202] : memref<250x40xi32, #tpu.memory_space<vmem>> -> memref<1x40xi32, #tpu.memory_space<vmem>>
      %dma_start3A_204 = tpu.memref_squeeze %dma_start3A_203 : memref<1x40xi32, #tpu.memory_space<vmem>> -> memref<40xi32, #tpu.memory_space<vmem>>
      %dma_start3A_205 = arith.constant 0 : i32
      %dma_start3A_206 = arith.constant 0 : i32
      %dma_start3A_207 = tpu.memref_slice %arg6[%dma_start3A_205, %dma_start3A_206] : memref<10000x128xf32, #tpu.memory_space<vmem_shared>> -> memref<10000x128xf32, #tpu.memory_space<vmem_shared>>
      tpu.enqueue_indirect_dma source(%dma_start3A_201 : memref<40x128xf32, #tpu.memory_space<vmem>>) target(%dma_start3A_207 : memref<10000x128xf32, #tpu.memory_space<vmem_shared>>) offsets(%dma_start3A_204 : memref<40xi32, #tpu.memory_space<vmem>>) semaphore(%arg14 : memref<!tpu.dma_semaphore, #tpu.memory_space<semaphore_mem>>) {add = true}
      %add3A_208 = arith.constant 3 : i32
      %add3A_209 = arith.addi %add3A_129, %add3A_208 : i32
      %add3A_210 = arith.constant 0 : i32
      %add3A_211 = arith.addi %add3A_209, %add3A_210 : i32
      %lt3A = arith.constant 250 : i32
      %lt3A_212 = arith.cmpi slt, %add3A_211, %lt3A : i32
      %convert_element_type3A_213 = arith.extui %lt3A_212 : i1 to i32
      %cond3A_214 = arith.constant 0 : i32
      %cond3A_215 = arith.cmpi ne, %convert_element_type3A_213, %cond3A_214 : i32
      scf.if %cond3A_215 {
        %sub3A = arith.constant 3 : i32
        %sub3A_234 = arith.subi %add3A_211, %sub3A : i32
        %dma_wait3A_235 = arith.constant 0 : i32
        %dma_wait3A_236 = arith.constant 0 : i32
        %dma_wait3A_237 = arith.constant 0 : i32
        %dma_wait3A_238 = tpu.memref_slice %arg8[%dma_wait3A_235, %dma_wait3A_236, %dma_wait3A_237] : memref<3x40x128xf32, #tpu.memory_space<vmem>> -> memref<1x40x128xf32, #tpu.memory_space<vmem>>
        %dma_wait3A_239 = tpu.memref_squeeze %dma_wait3A_238 : memref<1x40x128xf32, #tpu.memory_space<vmem>> -> memref<40x128xf32, #tpu.memory_space<vmem>>
        %dma_wait3A_240 = arith.constant 0 : i32
        %dma_wait3A_241 = tpu.memref_slice %arg7[%sub3A_234, %dma_wait3A_240] : memref<250x40xi32, #tpu.memory_space<vmem>> -> memref<1x40xi32, #tpu.memory_space<vmem>>
        %dma_wait3A_242 = tpu.memref_squeeze %dma_wait3A_241 : memref<1x40xi32, #tpu.memory_space<vmem>> -> memref<40xi32, #tpu.memory_space<vmem>>
        %dma_wait3A_243 = arith.constant 0 : i32
        %dma_wait3A_244 = arith.constant 0 : i32
        %dma_wait3A_245 = tpu.memref_slice %arg6[%dma_wait3A_243, %dma_wait3A_244] : memref<10000x128xf32, #tpu.memory_space<vmem_shared>> -> memref<10000x128xf32, #tpu.memory_space<vmem_shared>>
        tpu.wait_indirect_dma semaphore(%arg12 : memref<!tpu.dma_semaphore, #tpu.memory_space<semaphore_mem>>) src(%dma_wait3A_239 : memref<40x128xf32, #tpu.memory_space<vmem>>) dst(%dma_wait3A_245 : memref<10000x128xf32, #tpu.memory_space<vmem_shared>>)
        %mul3A_246 = arith.constant 40 : i32
        %mul3A_247 = arith.muli %add3A_211, %mul3A_246 : i32
        %add3A_248 = arith.addi %mul3A_6, %mul3A_247 : i32
        %dma_start3A_249 = arith.constant 0 : i32
        %dma_start3A_250 = arith.constant 0 : i32
        %dma_start3A_251 = arith.constant 0 : i32
        %dma_start3A_252 = tpu.memref_slice %arg8[%dma_start3A_249, %dma_start3A_250, %dma_start3A_251] : memref<3x40x128xf32, #tpu.memory_space<vmem>> -> memref<1x40x128xf32, #tpu.memory_space<vmem>>
        %dma_start3A_253 = tpu.memref_squeeze %dma_start3A_252 : memref<1x40x128xf32, #tpu.memory_space<vmem>> -> memref<40x128xf32, #tpu.memory_space<vmem>>
        %dma_start3A_254 = arith.constant 0 : i32
        %dma_start3A_255 = tpu.memref_slice %arg2[%add3A_248, %dma_start3A_254] : memref<320000x128xf32, #tpu.memory_space<hbm>> -> memref<40x128xf32, #tpu.memory_space<hbm>>
        %dma_start3A_256 = arith.constant 0 : i32
        %dma_start3A_257 = arith.constant 0 : i32
        %dma_start3A_258 = tpu.memref_slice %arg8[%dma_start3A_249, %dma_start3A_256, %dma_start3A_257] : memref<3x40x128xf32, #tpu.memory_space<vmem>> -> memref<1x40x128xf32, #tpu.memory_space<vmem>>
        %dma_start3A_259 = tpu.memref_squeeze %dma_start3A_258 : memref<1x40x128xf32, #tpu.memory_space<vmem>> -> memref<40x128xf32, #tpu.memory_space<vmem>>
        %dma_start3A_260 = arith.constant 0 : i32
        %dma_start3A_261 = tpu.memref_slice %arg2[%add3A_248, %dma_start3A_260] : memref<320000x128xf32, #tpu.memory_space<hbm>> -> memref<40x128xf32, #tpu.memory_space<hbm>>
        tpu.enqueue_dma source(%dma_start3A_261 : memref<40x128xf32, #tpu.memory_space<hbm>>) target(%dma_start3A_259 : memref<40x128xf32, #tpu.memory_space<vmem>>) target_semaphore(%arg9 : memref<!tpu.dma_semaphore, #tpu.memory_space<semaphore_mem>>)
      } else {
      }
      %add3A_216 = arith.constant 3 : i32
      %add3A_217 = arith.addi %add3A_129, %add3A_216 : i32
      %add3A_218 = arith.constant 1 : i32
      %add3A_219 = arith.addi %add3A_217, %add3A_218 : i32
      %lt3A_220 = arith.constant 250 : i32
      %lt3A_221 = arith.cmpi slt, %add3A_219, %lt3A_220 : i32
      %convert_element_type3A_222 = arith.extui %lt3A_221 : i1 to i32
      %cond3A_223 = arith.constant 0 : i32
      %cond3A_224 = arith.cmpi ne, %convert_element_type3A_222, %cond3A_223 : i32
      scf.if %cond3A_224 {
        %sub3A = arith.constant 3 : i32
        %sub3A_234 = arith.subi %add3A_219, %sub3A : i32
        %dma_wait3A_235 = arith.constant 1 : i32
        %dma_wait3A_236 = arith.constant 0 : i32
        %dma_wait3A_237 = arith.constant 0 : i32
        %dma_wait3A_238 = tpu.memref_slice %arg8[%dma_wait3A_235, %dma_wait3A_236, %dma_wait3A_237] : memref<3x40x128xf32, #tpu.memory_space<vmem>> -> memref<1x40x128xf32, #tpu.memory_space<vmem>>
        %dma_wait3A_239 = tpu.memref_squeeze %dma_wait3A_238 : memref<1x40x128xf32, #tpu.memory_space<vmem>> -> memref<40x128xf32, #tpu.memory_space<vmem>>
        %dma_wait3A_240 = arith.constant 0 : i32
        %dma_wait3A_241 = tpu.memref_slice %arg7[%sub3A_234, %dma_wait3A_240] : memref<250x40xi32, #tpu.memory_space<vmem>> -> memref<1x40xi32, #tpu.memory_space<vmem>>
        %dma_wait3A_242 = tpu.memref_squeeze %dma_wait3A_241 : memref<1x40xi32, #tpu.memory_space<vmem>> -> memref<40xi32, #tpu.memory_space<vmem>>
        %dma_wait3A_243 = arith.constant 0 : i32
        %dma_wait3A_244 = arith.constant 0 : i32
        %dma_wait3A_245 = tpu.memref_slice %arg6[%dma_wait3A_243, %dma_wait3A_244] : memref<10000x128xf32, #tpu.memory_space<vmem_shared>> -> memref<10000x128xf32, #tpu.memory_space<vmem_shared>>
        tpu.wait_indirect_dma semaphore(%arg13 : memref<!tpu.dma_semaphore, #tpu.memory_space<semaphore_mem>>) src(%dma_wait3A_239 : memref<40x128xf32, #tpu.memory_space<vmem>>) dst(%dma_wait3A_245 : memref<10000x128xf32, #tpu.memory_space<vmem_shared>>)
        %mul3A_246 = arith.constant 40 : i32
        %mul3A_247 = arith.muli %add3A_219, %mul3A_246 : i32
        %add3A_248 = arith.addi %mul3A_6, %mul3A_247 : i32
        %dma_start3A_249 = arith.constant 1 : i32
        %dma_start3A_250 = arith.constant 0 : i32
        %dma_start3A_251 = arith.constant 0 : i32
        %dma_start3A_252 = tpu.memref_slice %arg8[%dma_start3A_249, %dma_start3A_250, %dma_start3A_251] : memref<3x40x128xf32, #tpu.memory_space<vmem>> -> memref<1x40x128xf32, #tpu.memory_space<vmem>>
        %dma_start3A_253 = tpu.memref_squeeze %dma_start3A_252 : memref<1x40x128xf32, #tpu.memory_space<vmem>> -> memref<40x128xf32, #tpu.memory_space<vmem>>
        %dma_start3A_254 = arith.constant 0 : i32
        %dma_start3A_255 = tpu.memref_slice %arg2[%add3A_248, %dma_start3A_254] : memref<320000x128xf32, #tpu.memory_space<hbm>> -> memref<40x128xf32, #tpu.memory_space<hbm>>
        %dma_start3A_256 = arith.constant 0 : i32
        %dma_start3A_257 = arith.constant 0 : i32
        %dma_start3A_258 = tpu.memref_slice %arg8[%dma_start3A_249, %dma_start3A_256, %dma_start3A_257] : memref<3x40x128xf32, #tpu.memory_space<vmem>> -> memref<1x40x128xf32, #tpu.memory_space<vmem>>
        %dma_start3A_259 = tpu.memref_squeeze %dma_start3A_258 : memref<1x40x128xf32, #tpu.memory_space<vmem>> -> memref<40x128xf32, #tpu.memory_space<vmem>>
        %dma_start3A_260 = arith.constant 0 : i32
        %dma_start3A_261 = tpu.memref_slice %arg2[%add3A_248, %dma_start3A_260] : memref<320000x128xf32, #tpu.memory_space<hbm>> -> memref<40x128xf32, #tpu.memory_space<hbm>>
        tpu.enqueue_dma source(%dma_start3A_261 : memref<40x128xf32, #tpu.memory_space<hbm>>) target(%dma_start3A_259 : memref<40x128xf32, #tpu.memory_space<vmem>>) target_semaphore(%arg10 : memref<!tpu.dma_semaphore, #tpu.memory_space<semaphore_mem>>)
      } else {
      }
      %add3A_225 = arith.constant 3 : i32
      %add3A_226 = arith.addi %add3A_129, %add3A_225 : i32
      %add3A_227 = arith.constant 2 : i32
      %add3A_228 = arith.addi %add3A_226, %add3A_227 : i32
      %lt3A_229 = arith.constant 250 : i32
      %lt3A_230 = arith.cmpi slt, %add3A_228, %lt3A_229 : i32
      %convert_element_type3A_231 = arith.extui %lt3A_230 : i1 to i32
      %cond3A_232 = arith.constant 0 : i32
      %cond3A_233 = arith.cmpi ne, %convert_element_type3A_231, %cond3A_232 : i32
      scf.if %cond3A_233 {
        %sub3A = arith.constant 3 : i32
        %sub3A_234 = arith.subi %add3A_228, %sub3A : i32
        %dma_wait3A_235 = arith.constant 2 : i32
        %dma_wait3A_236 = arith.constant 0 : i32
        %dma_wait3A_237 = arith.constant 0 : i32
        %dma_wait3A_238 = tpu.memref_slice %arg8[%dma_wait3A_235, %dma_wait3A_236, %dma_wait3A_237] : memref<3x40x128xf32, #tpu.memory_space<vmem>> -> memref<1x40x128xf32, #tpu.memory_space<vmem>>
        %dma_wait3A_239 = tpu.memref_squeeze %dma_wait3A_238 : memref<1x40x128xf32, #tpu.memory_space<vmem>> -> memref<40x128xf32, #tpu.memory_space<vmem>>
        %dma_wait3A_240 = arith.constant 0 : i32
        %dma_wait3A_241 = tpu.memref_slice %arg7[%sub3A_234, %dma_wait3A_240] : memref<250x40xi32, #tpu.memory_space<vmem>> -> memref<1x40xi32, #tpu.memory_space<vmem>>
        %dma_wait3A_242 = tpu.memref_squeeze %dma_wait3A_241 : memref<1x40xi32, #tpu.memory_space<vmem>> -> memref<40xi32, #tpu.memory_space<vmem>>
        %dma_wait3A_243 = arith.constant 0 : i32
        %dma_wait3A_244 = arith.constant 0 : i32
        %dma_wait3A_245 = tpu.memref_slice %arg6[%dma_wait3A_243, %dma_wait3A_244] : memref<10000x128xf32, #tpu.memory_space<vmem_shared>> -> memref<10000x128xf32, #tpu.memory_space<vmem_shared>>
        tpu.wait_indirect_dma semaphore(%arg14 : memref<!tpu.dma_semaphore, #tpu.memory_space<semaphore_mem>>) src(%dma_wait3A_239 : memref<40x128xf32, #tpu.memory_space<vmem>>) dst(%dma_wait3A_245 : memref<10000x128xf32, #tpu.memory_space<vmem_shared>>)
        %mul3A_246 = arith.constant 40 : i32
        %mul3A_247 = arith.muli %add3A_228, %mul3A_246 : i32
        %add3A_248 = arith.addi %mul3A_6, %mul3A_247 : i32
        %dma_start3A_249 = arith.constant 2 : i32
        %dma_start3A_250 = arith.constant 0 : i32
        %dma_start3A_251 = arith.constant 0 : i32
        %dma_start3A_252 = tpu.memref_slice %arg8[%dma_start3A_249, %dma_start3A_250, %dma_start3A_251] : memref<3x40x128xf32, #tpu.memory_space<vmem>> -> memref<1x40x128xf32, #tpu.memory_space<vmem>>
        %dma_start3A_253 = tpu.memref_squeeze %dma_start3A_252 : memref<1x40x128xf32, #tpu.memory_space<vmem>> -> memref<40x128xf32, #tpu.memory_space<vmem>>
        %dma_start3A_254 = arith.constant 0 : i32
        %dma_start3A_255 = tpu.memref_slice %arg2[%add3A_248, %dma_start3A_254] : memref<320000x128xf32, #tpu.memory_space<hbm>> -> memref<40x128xf32, #tpu.memory_space<hbm>>
        %dma_start3A_256 = arith.constant 0 : i32
        %dma_start3A_257 = arith.constant 0 : i32
        %dma_start3A_258 = tpu.memref_slice %arg8[%dma_start3A_249, %dma_start3A_256, %dma_start3A_257] : memref<3x40x128xf32, #tpu.memory_space<vmem>> -> memref<1x40x128xf32, #tpu.memory_space<vmem>>
        %dma_start3A_259 = tpu.memref_squeeze %dma_start3A_258 : memref<1x40x128xf32, #tpu.memory_space<vmem>> -> memref<40x128xf32, #tpu.memory_space<vmem>>
        %dma_start3A_260 = arith.constant 0 : i32
        %dma_start3A_261 = tpu.memref_slice %arg2[%add3A_248, %dma_start3A_260] : memref<320000x128xf32, #tpu.memory_space<hbm>> -> memref<40x128xf32, #tpu.memory_space<hbm>>
        tpu.enqueue_dma source(%dma_start3A_261 : memref<40x128xf32, #tpu.memory_space<hbm>>) target(%dma_start3A_259 : memref<40x128xf32, #tpu.memory_space<vmem>>) target_semaphore(%arg11 : memref<!tpu.dma_semaphore, #tpu.memory_space<semaphore_mem>>)
      } else {
      }
    }
    %scan3A_54 = arith.constant 83 : i32
    %dma_wait3A = arith.constant 0 : i32
    %dma_wait3A_55 = arith.constant 0 : i32
    %dma_wait3A_56 = arith.constant 0 : i32
    %dma_wait3A_57 = tpu.memref_slice %arg8[%dma_wait3A, %dma_wait3A_55, %dma_wait3A_56] : memref<3x40x128xf32, #tpu.memory_space<vmem>> -> memref<1x40x128xf32, #tpu.memory_space<vmem>>
    %dma_wait3A_58 = tpu.memref_squeeze %dma_wait3A_57 : memref<1x40x128xf32, #tpu.memory_space<vmem>> -> memref<40x128xf32, #tpu.memory_space<vmem>>
    %dma_wait3A_59 = arith.constant 0 : i32
    %dma_wait3A_60 = tpu.memref_slice %arg2[%mul3A_6, %dma_wait3A_59] : memref<320000x128xf32, #tpu.memory_space<hbm>> -> memref<40x128xf32, #tpu.memory_space<hbm>>
    %dma_wait3A_61 = arith.constant 0 : i32
    %dma_wait3A_62 = arith.constant 0 : i32
    %dma_wait3A_63 = tpu.memref_slice %arg8[%dma_wait3A, %dma_wait3A_61, %dma_wait3A_62] : memref<3x40x128xf32, #tpu.memory_space<vmem>> -> memref<1x40x128xf32, #tpu.memory_space<vmem>>
    %dma_wait3A_64 = tpu.memref_squeeze %dma_wait3A_63 : memref<1x40x128xf32, #tpu.memory_space<vmem>> -> memref<40x128xf32, #tpu.memory_space<vmem>>
    %dma_wait3A_65 = arith.constant 0 : i32
    %dma_wait3A_66 = tpu.memref_slice %arg2[%mul3A_6, %dma_wait3A_65] : memref<320000x128xf32, #tpu.memory_space<hbm>> -> memref<40x128xf32, #tpu.memory_space<hbm>>
    tpu.wait_dma2 semaphore(%arg9 : memref<!tpu.dma_semaphore, #tpu.memory_space<semaphore_mem>>) src(%dma_wait3A_66 : memref<40x128xf32, #tpu.memory_space<hbm>>) dst(%dma_wait3A_64 : memref<40x128xf32, #tpu.memory_space<vmem>>)
    %dma_start3A_67 = arith.constant 0 : i32
    %dma_start3A_68 = arith.constant 249 : i32
    %dma_start3A_69 = arith.constant 0 : i32
    %dma_start3A_70 = arith.constant 0 : i32
    %dma_start3A_71 = tpu.memref_slice %arg8[%dma_start3A_67, %dma_start3A_69, %dma_start3A_70] : memref<3x40x128xf32, #tpu.memory_space<vmem>> -> memref<1x40x128xf32, #tpu.memory_space<vmem>>
    %dma_start3A_72 = tpu.memref_squeeze %dma_start3A_71 : memref<1x40x128xf32, #tpu.memory_space<vmem>> -> memref<40x128xf32, #tpu.memory_space<vmem>>
    %dma_start3A_73 = arith.constant 0 : i32
    %dma_start3A_74 = tpu.memref_slice %arg7[%dma_start3A_68, %dma_start3A_73] : memref<250x40xi32, #tpu.memory_space<vmem>> -> memref<1x40xi32, #tpu.memory_space<vmem>>
    %dma_start3A_75 = tpu.memref_squeeze %dma_start3A_74 : memref<1x40xi32, #tpu.memory_space<vmem>> -> memref<40xi32, #tpu.memory_space<vmem>>
    %dma_start3A_76 = arith.constant 0 : i32
    %dma_start3A_77 = arith.constant 0 : i32
    %dma_start3A_78 = tpu.memref_slice %arg6[%dma_start3A_76, %dma_start3A_77] : memref<10000x128xf32, #tpu.memory_space<vmem_shared>> -> memref<10000x128xf32, #tpu.memory_space<vmem_shared>>
    tpu.enqueue_indirect_dma source(%dma_start3A_72 : memref<40x128xf32, #tpu.memory_space<vmem>>) target(%dma_start3A_78 : memref<10000x128xf32, #tpu.memory_space<vmem_shared>>) offsets(%dma_start3A_75 : memref<40xi32, #tpu.memory_space<vmem>>) semaphore(%arg12 : memref<!tpu.dma_semaphore, #tpu.memory_space<semaphore_mem>>) {add = true}
    %dma_wait3A_79 = arith.constant 0 : i32
    %dma_wait3A_80 = arith.constant 249 : i32
    %dma_wait3A_81 = arith.constant 0 : i32
    %dma_wait3A_82 = arith.constant 0 : i32
    %dma_wait3A_83 = tpu.memref_slice %arg8[%dma_wait3A_79, %dma_wait3A_81, %dma_wait3A_82] : memref<3x40x128xf32, #tpu.memory_space<vmem>> -> memref<1x40x128xf32, #tpu.memory_space<vmem>>
    %dma_wait3A_84 = tpu.memref_squeeze %dma_wait3A_83 : memref<1x40x128xf32, #tpu.memory_space<vmem>> -> memref<40x128xf32, #tpu.memory_space<vmem>>
    %dma_wait3A_85 = arith.constant 0 : i32
    %dma_wait3A_86 = tpu.memref_slice %arg7[%dma_wait3A_80, %dma_wait3A_85] : memref<250x40xi32, #tpu.memory_space<vmem>> -> memref<1x40xi32, #tpu.memory_space<vmem>>
    %dma_wait3A_87 = tpu.memref_squeeze %dma_wait3A_86 : memref<1x40xi32, #tpu.memory_space<vmem>> -> memref<40xi32, #tpu.memory_space<vmem>>
    %dma_wait3A_88 = arith.constant 0 : i32
    %dma_wait3A_89 = arith.constant 0 : i32
    %dma_wait3A_90 = tpu.memref_slice %arg6[%dma_wait3A_88, %dma_wait3A_89] : memref<10000x128xf32, #tpu.memory_space<vmem_shared>> -> memref<10000x128xf32, #tpu.memory_space<vmem_shared>>
    tpu.wait_indirect_dma semaphore(%arg12 : memref<!tpu.dma_semaphore, #tpu.memory_space<semaphore_mem>>) src(%dma_wait3A_84 : memref<40x128xf32, #tpu.memory_space<vmem>>) dst(%dma_wait3A_90 : memref<10000x128xf32, #tpu.memory_space<vmem_shared>>)
    %dma_wait3A_91 = arith.constant 1 : i32
    %dma_wait3A_92 = arith.constant 247 : i32
    %dma_wait3A_93 = arith.constant 0 : i32
    %dma_wait3A_94 = arith.constant 0 : i32
    %dma_wait3A_95 = tpu.memref_slice %arg8[%dma_wait3A_91, %dma_wait3A_93, %dma_wait3A_94] : memref<3x40x128xf32, #tpu.memory_space<vmem>> -> memref<1x40x128xf32, #tpu.memory_space<vmem>>
    %dma_wait3A_96 = tpu.memref_squeeze %dma_wait3A_95 : memref<1x40x128xf32, #tpu.memory_space<vmem>> -> memref<40x128xf32, #tpu.memory_space<vmem>>
    %dma_wait3A_97 = arith.constant 0 : i32
    %dma_wait3A_98 = tpu.memref_slice %arg7[%dma_wait3A_92, %dma_wait3A_97] : memref<250x40xi32, #tpu.memory_space<vmem>> -> memref<1x40xi32, #tpu.memory_space<vmem>>
    %dma_wait3A_99 = tpu.memref_squeeze %dma_wait3A_98 : memref<1x40xi32, #tpu.memory_space<vmem>> -> memref<40xi32, #tpu.memory_space<vmem>>
    %dma_wait3A_100 = arith.constant 0 : i32
    %dma_wait3A_101 = arith.constant 0 : i32
    %dma_wait3A_102 = tpu.memref_slice %arg6[%dma_wait3A_100, %dma_wait3A_101] : memref<10000x128xf32, #tpu.memory_space<vmem_shared>> -> memref<10000x128xf32, #tpu.memory_space<vmem_shared>>
    tpu.wait_indirect_dma semaphore(%arg13 : memref<!tpu.dma_semaphore, #tpu.memory_space<semaphore_mem>>) src(%dma_wait3A_96 : memref<40x128xf32, #tpu.memory_space<vmem>>) dst(%dma_wait3A_102 : memref<10000x128xf32, #tpu.memory_space<vmem_shared>>)
    %dma_wait3A_103 = arith.constant 2 : i32
    %dma_wait3A_104 = arith.constant 248 : i32
    %dma_wait3A_105 = arith.constant 0 : i32
    %dma_wait3A_106 = arith.constant 0 : i32
    %dma_wait3A_107 = tpu.memref_slice %arg8[%dma_wait3A_103, %dma_wait3A_105, %dma_wait3A_106] : memref<3x40x128xf32, #tpu.memory_space<vmem>> -> memref<1x40x128xf32, #tpu.memory_space<vmem>>
    %dma_wait3A_108 = tpu.memref_squeeze %dma_wait3A_107 : memref<1x40x128xf32, #tpu.memory_space<vmem>> -> memref<40x128xf32, #tpu.memory_space<vmem>>
    %dma_wait3A_109 = arith.constant 0 : i32
    %dma_wait3A_110 = tpu.memref_slice %arg7[%dma_wait3A_104, %dma_wait3A_109] : memref<250x40xi32, #tpu.memory_space<vmem>> -> memref<1x40xi32, #tpu.memory_space<vmem>>
    %dma_wait3A_111 = tpu.memref_squeeze %dma_wait3A_110 : memref<1x40xi32, #tpu.memory_space<vmem>> -> memref<40xi32, #tpu.memory_space<vmem>>
    %dma_wait3A_112 = arith.constant 0 : i32
    %dma_wait3A_113 = arith.constant 0 : i32
    %dma_wait3A_114 = tpu.memref_slice %arg6[%dma_wait3A_112, %dma_wait3A_113] : memref<10000x128xf32, #tpu.memory_space<vmem_shared>> -> memref<10000x128xf32, #tpu.memory_space<vmem_shared>>
    tpu.wait_indirect_dma semaphore(%arg14 : memref<!tpu.dma_semaphore, #tpu.memory_space<semaphore_mem>>) src(%dma_wait3A_108 : memref<40x128xf32, #tpu.memory_space<vmem>>) dst(%dma_wait3A_114 : memref<10000x128xf32, #tpu.memory_space<vmem_shared>>)
    %barrier3A_115 = arith.constant 0 : index
    tpu.barrier barrier_id(%barrier3A_115)
    %mul3A_116 = arith.constant 624 : i32
    %mul3A_117 = arith.muli %arg1, %mul3A_116 : i32
    %mul3A_118 = arith.constant 624 : i32
    %mul3A_119 = arith.muli %arg1, %mul3A_118 : i32
    "tpu.region"() ({
      %run_scoped3A = tpu.sem_alloc : memref<!tpu.dma_semaphore, #tpu.memory_space<semaphore_mem>>
      %dma_start3A_125 = arith.constant 0 : i32
      %dma_start3A_126 = tpu.memref_slice %arg5[%arg0, %mul3A_119, %dma_start3A_125] : memref<2x10000x128xf32, #tpu.memory_space<hbm>> -> memref<1x624x128xf32, #tpu.memory_space<hbm>>
      %dma_start3A_127 = tpu.memref_squeeze %dma_start3A_126 : memref<1x624x128xf32, #tpu.memory_space<hbm>> -> memref<624x128xf32, #tpu.memory_space<hbm>>
      %dma_start3A_128 = arith.constant 0 : i32
      %dma_start3A_129 = tpu.memref_slice %arg6[%mul3A_117, %dma_start3A_128] : memref<10000x128xf32, #tpu.memory_space<vmem_shared>> -> memref<624x128xf32, #tpu.memory_space<vmem_shared>>
      tpu.enqueue_dma source(%dma_start3A_129 : memref<624x128xf32, #tpu.memory_space<vmem_shared>>) target(%dma_start3A_127 : memref<624x128xf32, #tpu.memory_space<hbm>>) target_semaphore(%run_scoped3A : memref<!tpu.dma_semaphore, #tpu.memory_space<semaphore_mem>>)
      %dma_wait3A_130 = arith.constant 0 : i32
      %dma_wait3A_131 = tpu.memref_slice %arg5[%arg0, %mul3A_119, %dma_wait3A_130] : memref<2x10000x128xf32, #tpu.memory_space<hbm>> -> memref<1x624x128xf32, #tpu.memory_space<hbm>>
      %dma_wait3A_132 = tpu.memref_squeeze %dma_wait3A_131 : memref<1x624x128xf32, #tpu.memory_space<hbm>> -> memref<624x128xf32, #tpu.memory_space<hbm>>
      %dma_wait3A_133 = arith.constant 0 : i32
      %dma_wait3A_134 = tpu.memref_slice %arg6[%mul3A_117, %dma_wait3A_133] : memref<10000x128xf32, #tpu.memory_space<vmem_shared>> -> memref<624x128xf32, #tpu.memory_space<vmem_shared>>
      tpu.wait_dma2 semaphore(%run_scoped3A : memref<!tpu.dma_semaphore, #tpu.memory_space<semaphore_mem>>) src(%dma_wait3A_134 : memref<624x128xf32, #tpu.memory_space<vmem_shared>>) dst(%dma_wait3A_132 : memref<624x128xf32, #tpu.memory_space<hbm>>)
      tpu.yield
    }) : () -> ()
    %eq3A_120 = arith.constant 15 : i32
    %eq3A_121 = arith.cmpi eq, %arg1, %eq3A_120 : i32
    %convert_element_type3A_122 = arith.extui %eq3A_121 : i1 to i32
    %cond3A_123 = arith.constant 0 : i32
    %cond3A_124 = arith.cmpi ne, %convert_element_type3A_122, %cond3A_123 : i32
    scf.if %cond3A_124 {
      "tpu.region"() ({
        %run_scoped3A = tpu.sem_alloc : memref<!tpu.dma_semaphore, #tpu.memory_space<semaphore_mem>>
        %dma_start3A_125 = arith.constant 9984 : i32
        %dma_start3A_126 = arith.constant 0 : i32
        %dma_start3A_127 = tpu.memref_slice %arg5[%arg0, %dma_start3A_125, %dma_start3A_126] : memref<2x10000x128xf32, #tpu.memory_space<hbm>> -> memref<1x16x128xf32, #tpu.memory_space<hbm>>
        %dma_start3A_128 = tpu.memref_squeeze %dma_start3A_127 : memref<1x16x128xf32, #tpu.memory_space<hbm>> -> memref<16x128xf32, #tpu.memory_space<hbm>>
        %dma_start3A_129 = arith.constant 9984 : i32
        %dma_start3A_130 = arith.constant 0 : i32
        %dma_start3A_131 = tpu.memref_slice %arg6[%dma_start3A_129, %dma_start3A_130] : memref<10000x128xf32, #tpu.memory_space<vmem_shared>> -> memref<16x128xf32, #tpu.memory_space<vmem_shared>>
        tpu.enqueue_dma source(%dma_start3A_131 : memref<16x128xf32, #tpu.memory_space<vmem_shared>>) target(%dma_start3A_128 : memref<16x128xf32, #tpu.memory_space<hbm>>) target_semaphore(%run_scoped3A : memref<!tpu.dma_semaphore, #tpu.memory_space<semaphore_mem>>)
        %dma_wait3A_132 = arith.constant 9984 : i32
        %dma_wait3A_133 = arith.constant 0 : i32
        %dma_wait3A_134 = tpu.memref_slice %arg5[%arg0, %dma_wait3A_132, %dma_wait3A_133] : memref<2x10000x128xf32, #tpu.memory_space<hbm>> -> memref<1x16x128xf32, #tpu.memory_space<hbm>>
        %dma_wait3A_135 = tpu.memref_squeeze %dma_wait3A_134 : memref<1x16x128xf32, #tpu.memory_space<hbm>> -> memref<16x128xf32, #tpu.memory_space<hbm>>
        %dma_wait3A_136 = arith.constant 9984 : i32
        %dma_wait3A_137 = arith.constant 0 : i32
        %dma_wait3A_138 = tpu.memref_slice %arg6[%dma_wait3A_136, %dma_wait3A_137] : memref<10000x128xf32, #tpu.memory_space<vmem_shared>> -> memref<16x128xf32, #tpu.memory_space<vmem_shared>>
        tpu.wait_dma2 semaphore(%run_scoped3A : memref<!tpu.dma_semaphore, #tpu.memory_space<semaphore_mem>>) src(%dma_wait3A_138 : memref<16x128xf32, #tpu.memory_space<vmem_shared>>) dst(%dma_wait3A_135 : memref<16x128xf32, #tpu.memory_space<hbm>>)
        tpu.yield
      }) : () -> ()
    } else {
    }
    return
  }
}

module attributes {stable_mosaic.version = 14 : i64} {
  func.func @_pq_body(%arg0: i32, %arg1: memref<1000x128xf32, #tpu.memory_space<vmem>>, %arg2: memref<128x128xf32, #tpu.memory_space<vmem>>, %arg3: memref<128x128xf32, #tpu.memory_space<vmem>>, %arg4: memref<1000x128xi32, #tpu.memory_space<vmem>>) attributes {dimension_semantics = [#tpu.dimension_semantics<arbitrary>], iteration_bounds = array<i64: 10>, scalar_prefetch = 0 : i64, scratch_operands = 0 : i64, tpu.core_type = #tpu.core_type<tc>, window_params = [{transform_indices = @transform_0, window_bounds = array<i64: 1000, 128>}, {pipeline_mode = #tpu.pipeline_mode<synchronous>, transform_indices = @transform_1, window_bounds = array<i64: 128, 128>}, {pipeline_mode = #tpu.pipeline_mode<synchronous>, transform_indices = @transform_2, window_bounds = array<i64: 128, 128>}, {transform_indices = @transform_3, window_bounds = array<i64: 1000, 128>}]} {
    %get3A = arith.constant 0 : index
    %get3A_0 = arith.constant 0 : index
    %get3A_1 = vector.load %arg1[%get3A, %get3A_0] : memref<1000x128xf32, #tpu.memory_space<vmem>>, vector<1000x128xf32>
    %get3A_2 = arith.constant 0 : index
    %get3A_3 = arith.constant 0 : index
    %get3A_4 = vector.load %arg2[%get3A_2, %get3A_3] : memref<128x128xf32, #tpu.memory_space<vmem>>, vector<128x128xf32>
    %dot_general3A = arith.constant dense<0.000000e+00> : vector<1000x128xf32>
    %dot_general3A_5 = tpu.matmul %get3A_1, %get3A_4, %dot_general3A {dimension_numbers = #tpu.dot_dimension_numbers<[1], [0], [0], [1], [0, 0, 1, 1], [], []>, transpose_lhs_hint = false} : vector<1000x128xf32>, vector<128x128xf32>, vector<1000x128xf32> -> vector<1000x128xf32>
    %get3A_6 = arith.constant 0 : index
    %get3A_7 = arith.constant 0 : index
    %get3A_8 = vector.load %arg3[%get3A_6, %get3A_7] : memref<128x128xf32, #tpu.memory_space<vmem>>, vector<128x128xf32>
    %dot_general3A_9 = arith.constant dense<0.000000e+00> : vector<1000x128xf32>
    %dot_general3A_10 = tpu.matmul %get3A_1, %get3A_8, %dot_general3A_9 {dimension_numbers = #tpu.dot_dimension_numbers<[1], [0], [0], [1], [0, 0, 1, 1], [], []>, transpose_lhs_hint = false} : vector<1000x128xf32>, vector<128x128xf32>, vector<1000x128xf32> -> vector<1000x128xf32>
    %bitcast_convert_type3A = tpu.bitcast %dot_general3A_5 : vector<1000x128xf32> -> vector<1000x128xi32>
    %add3A = arith.constant 32767 : i32
    %add3A_11 = vector.broadcast %add3A : i32 to vector<1000x128xi32>
    %add3A_12 = arith.addi %bitcast_convert_type3A, %add3A_11 : vector<1000x128xi32>
    %shift_right_logical3A = arith.constant 16 : i32
    %shift_right_logical3A_13 = vector.broadcast %shift_right_logical3A : i32 to vector<1000x128xi32>
    %shift_right_logical3A_14 = arith.shrui %bitcast_convert_type3A, %shift_right_logical3A_13 : vector<1000x128xi32>
    %and3A = arith.constant 1 : i32
    %and3A_15 = vector.broadcast %and3A : i32 to vector<1000x128xi32>
    %and3A_16 = arith.andi %shift_right_logical3A_14, %and3A_15 : vector<1000x128xi32>
    %add3A_17 = arith.addi %add3A_12, %and3A_16 : vector<1000x128xi32>
    %shift_right_logical3A_18 = arith.constant 16 : i32
    %shift_right_logical3A_19 = vector.broadcast %shift_right_logical3A_18 : i32 to vector<1000x128xi32>
    %shift_right_logical3A_20 = arith.shrui %add3A_17, %shift_right_logical3A_19 : vector<1000x128xi32>
    %bitcast_convert_type3A_21 = tpu.bitcast %dot_general3A_10 : vector<1000x128xf32> -> vector<1000x128xi32>
    %add3A_22 = arith.constant 32767 : i32
    %add3A_23 = vector.broadcast %add3A_22 : i32 to vector<1000x128xi32>
    %add3A_24 = arith.addi %bitcast_convert_type3A_21, %add3A_23 : vector<1000x128xi32>
    %shift_right_logical3A_25 = arith.constant 16 : i32
    %shift_right_logical3A_26 = vector.broadcast %shift_right_logical3A_25 : i32 to vector<1000x128xi32>
    %shift_right_logical3A_27 = arith.shrui %bitcast_convert_type3A_21, %shift_right_logical3A_26 : vector<1000x128xi32>
    %and3A_28 = arith.constant 1 : i32
    %and3A_29 = vector.broadcast %and3A_28 : i32 to vector<1000x128xi32>
    %and3A_30 = arith.andi %shift_right_logical3A_27, %and3A_29 : vector<1000x128xi32>
    %add3A_31 = arith.addi %add3A_24, %and3A_30 : vector<1000x128xi32>
    %shift_right_logical3A_32 = arith.constant 16 : i32
    %shift_right_logical3A_33 = vector.broadcast %shift_right_logical3A_32 : i32 to vector<1000x128xi32>
    %shift_right_logical3A_34 = arith.shrui %add3A_31, %shift_right_logical3A_33 : vector<1000x128xi32>
    %shift_left3A = arith.constant 16 : i32
    %shift_left3A_35 = vector.broadcast %shift_left3A : i32 to vector<1000x128xi32>
    %shift_left3A_36 = arith.shli %shift_right_logical3A_34, %shift_left3A_35 : vector<1000x128xi32>
    %or3A = arith.ori %shift_right_logical3A_20, %shift_left3A_36 : vector<1000x128xi32>
    %bitcast_convert_type3A_37 = tpu.bitcast %or3A : vector<1000x128xi32> -> vector<1000x128xi32>
    %swap3A = arith.constant 0 : index
    %swap3A_38 = arith.constant 0 : index
    %swap3A_39 = vector.load %arg4[%swap3A, %swap3A_38] : memref<1000x128xi32, #tpu.memory_space<vmem>>, vector<1000x128xi32>
    tpu.vector_store %arg4[%swap3A, %swap3A_38], %bitcast_convert_type3A_37 {strides = array<i32>} : memref<1000x128xi32, #tpu.memory_space<vmem>>, vector<1000x128xi32>,
    return
  }
  func.func @transform_0(%arg0: i32) -> (i32, i32) {
    %c0_i32 = arith.constant 0 : i32
    %c0_i32_0 = arith.constant 0 : i32
    return %arg0, %c0_i32 : i32, i32
  }
  func.func @transform_1(%arg0: i32) -> (i32, i32) {
    %c0_i32 = arith.constant 0 : i32
    %c0_i32_0 = arith.constant 0 : i32
    %c0_i32_1 = arith.constant 0 : i32
    return %c0_i32, %c0_i32_0 : i32, i32
  }
  func.func @transform_2(%arg0: i32) -> (i32, i32) {
    %c0_i32 = arith.constant 0 : i32
    %c0_i32_0 = arith.constant 0 : i32
    %c0_i32_1 = arith.constant 0 : i32
    return %c0_i32, %c0_i32_0 : i32, i32
  }
  func.func @transform_3(%arg0: i32) -> (i32, i32) {
    %c0_i32 = arith.constant 0 : i32
    %c0_i32_0 = arith.constant 0 : i32
    return %arg0, %c0_i32 : i32, i32
  }
}

module attributes {stable_mosaic.version = 14 : i64} {
  func.func @_msg_body(%arg0: i32, %arg1: memref<3200x64xi32, #tpu.memory_space<vmem>>, %arg2: memref<3200x16xf32, #tpu.memory_space<vmem>>, %arg3: memref<16x128xf32, #tpu.memory_space<vmem>>, %arg4: memref<1x128xf32, #tpu.memory_space<vmem>>, %arg5: memref<128x128xf32, #tpu.memory_space<vmem>>, %arg6: memref<1x128xf32, #tpu.memory_space<vmem>>, %arg7: memref<128x128xf32, #tpu.memory_space<vmem>>, %arg8: memref<1x128xf32, #tpu.memory_space<vmem>>, %arg9: memref<1x128xf32, #tpu.memory_space<vmem>>, %arg10: memref<1x128xf32, #tpu.memory_space<vmem>>, %arg11: memref<3200x128xf32, #tpu.memory_space<vmem>>) attributes {dimension_semantics = [#tpu.dimension_semantics<arbitrary>], iteration_bounds = array<i64: 100>, scalar_prefetch = 0 : i64, scratch_operands = 0 : i64, tpu.core_type = #tpu.core_type<tc>, window_params = [{transform_indices = @transform_0, window_bounds = array<i64: 3200, 64>}, {transform_indices = @transform_1, window_bounds = array<i64: 3200, 16>}, {pipeline_mode = #tpu.pipeline_mode<synchronous>, transform_indices = @transform_2, window_bounds = array<i64: 16, 128>}, {pipeline_mode = #tpu.pipeline_mode<synchronous>, transform_indices = @transform_3, window_bounds = array<i64: 1, 128>}, {pipeline_mode = #tpu.pipeline_mode<synchronous>, transform_indices = @transform_4, window_bounds = array<i64: 128, 128>}, {pipeline_mode = #tpu.pipeline_mode<synchronous>, transform_indices = @transform_5, window_bounds = array<i64: 1, 128>}, {pipeline_mode = #tpu.pipeline_mode<synchronous>, transform_indices = @transform_6, window_bounds = array<i64: 128, 128>}, {pipeline_mode = #tpu.pipeline_mode<synchronous>, transform_indices = @transform_7, window_bounds = array<i64: 1, 128>}, {pipeline_mode = #tpu.pipeline_mode<synchronous>, transform_indices = @transform_8, window_bounds = array<i64: 1, 128>}, {pipeline_mode = #tpu.pipeline_mode<synchronous>, transform_indices = @transform_9, window_bounds = array<i64: 1, 128>}, {transform_indices = @transform_10, window_bounds = array<i64: 3200, 128>}]} {
    %get3A = arith.constant 0 : index
    %get3A_0 = arith.constant 0 : index
    %get3A_1 = vector.load %arg1[%get3A, %get3A_0] : memref<3200x64xi32, #tpu.memory_space<vmem>>, vector<3200x64xi32>
    %bitcast_convert_type3A = tpu.bitcast %get3A_1 : vector<3200x64xi32> -> vector<3200x64xi32>
    %shift_left3A = arith.constant 16 : i32
    %shift_left3A_2 = vector.broadcast %shift_left3A : i32 to vector<3200x64xi32>
    %shift_left3A_3 = arith.shli %bitcast_convert_type3A, %shift_left3A_2 : vector<3200x64xi32>
    %bitcast_convert_type3A_4 = tpu.bitcast %shift_left3A_3 : vector<3200x64xi32> -> vector<3200x64xf32>
    %and3A = arith.constant -65536 : i32
    %and3A_5 = vector.broadcast %and3A : i32 to vector<3200x64xi32>
    %and3A_6 = arith.andi %bitcast_convert_type3A, %and3A_5 : vector<3200x64xi32>
    %bitcast_convert_type3A_7 = tpu.bitcast %and3A_6 : vector<3200x64xi32> -> vector<3200x64xf32>
    %concatenate3A = tpu.concatenate %bitcast_convert_type3A_4, %bitcast_convert_type3A_7 in 1 : vector<3200x64xf32>, vector<3200x64xf32> -> vector<3200x128xf32>
    %get3A_8 = arith.constant 0 : index
    %get3A_9 = arith.constant 0 : index
    %get3A_10 = vector.load %arg2[%get3A_8, %get3A_9] : memref<3200x16xf32, #tpu.memory_space<vmem>>, vector<3200x16xf32>
    %get3A_11 = arith.constant 0 : index
    %get3A_12 = arith.constant 0 : index
    %get3A_13 = vector.load %arg3[%get3A_11, %get3A_12] : memref<16x128xf32, #tpu.memory_space<vmem>>, vector<16x128xf32>
    %dot_general3A = arith.constant dense<0.000000e+00> : vector<3200x128xf32>
    %dot_general3A_14 = tpu.matmul %get3A_10, %get3A_13, %dot_general3A {dimension_numbers = #tpu.dot_dimension_numbers<[1], [0], [0], [1], [0, 0, 1, 1], [], []>, transpose_lhs_hint = false} : vector<3200x16xf32>, vector<16x128xf32>, vector<3200x128xf32> -> vector<3200x128xf32>
    %add3A = arith.addf %concatenate3A, %dot_general3A_14 : vector<3200x128xf32>
    %get3A_15 = arith.constant 0 : index
    %get3A_16 = arith.constant 0 : index
    %get3A_17 = vector.load %arg4[%get3A_15, %get3A_16] : memref<1x128xf32, #tpu.memory_space<vmem>>, vector<1x128xf32>
    %add3A_18 = vector.broadcast %get3A_17 : vector<1x128xf32> to vector<3200x128xf32>
    %add3A_19 = arith.addf %add3A, %add3A_18 : vector<3200x128xf32>
    %max3A = arith.constant 0.000000e+00 : f32
    %max3A_20 = vector.broadcast %max3A : f32 to vector<3200x128xf32>
    %max3A_21 = arith.maximumf %add3A_19, %max3A_20 : vector<3200x128xf32>
    %get3A_22 = arith.constant 0 : index
    %get3A_23 = arith.constant 0 : index
    %get3A_24 = vector.load %arg5[%get3A_22, %get3A_23] : memref<128x128xf32, #tpu.memory_space<vmem>>, vector<128x128xf32>
    %dot_general3A_25 = arith.constant dense<0.000000e+00> : vector<3200x128xf32>
    %dot_general3A_26 = tpu.matmul %max3A_21, %get3A_24, %dot_general3A_25 {dimension_numbers = #tpu.dot_dimension_numbers<[1], [0], [0], [1], [0, 0, 1, 1], [], []>, transpose_lhs_hint = false} : vector<3200x128xf32>, vector<128x128xf32>, vector<3200x128xf32> -> vector<3200x128xf32>
    %get3A_27 = arith.constant 0 : index
    %get3A_28 = arith.constant 0 : index
    %get3A_29 = vector.load %arg6[%get3A_27, %get3A_28] : memref<1x128xf32, #tpu.memory_space<vmem>>, vector<1x128xf32>
    %add3A_30 = vector.broadcast %get3A_29 : vector<1x128xf32> to vector<3200x128xf32>
    %add3A_31 = arith.addf %dot_general3A_26, %add3A_30 : vector<3200x128xf32>
    %max3A_32 = arith.constant 0.000000e+00 : f32
    %max3A_33 = vector.broadcast %max3A_32 : f32 to vector<3200x128xf32>
    %max3A_34 = arith.maximumf %add3A_31, %max3A_33 : vector<3200x128xf32>
    %get3A_35 = arith.constant 0 : index
    %get3A_36 = arith.constant 0 : index
    %get3A_37 = vector.load %arg7[%get3A_35, %get3A_36] : memref<128x128xf32, #tpu.memory_space<vmem>>, vector<128x128xf32>
    %dot_general3A_38 = arith.constant dense<0.000000e+00> : vector<3200x128xf32>
    %dot_general3A_39 = tpu.matmul %max3A_34, %get3A_37, %dot_general3A_38 {dimension_numbers = #tpu.dot_dimension_numbers<[1], [0], [0], [1], [0, 0, 1, 1], [], []>, transpose_lhs_hint = false} : vector<3200x128xf32>, vector<128x128xf32>, vector<3200x128xf32> -> vector<3200x128xf32>
    %get3A_40 = arith.constant 0 : index
    %get3A_41 = arith.constant 0 : index
    %get3A_42 = vector.load %arg8[%get3A_40, %get3A_41] : memref<1x128xf32, #tpu.memory_space<vmem>>, vector<1x128xf32>
    %add3A_43 = vector.broadcast %get3A_42 : vector<1x128xf32> to vector<3200x128xf32>
    %add3A_44 = arith.addf %dot_general3A_39, %add3A_43 : vector<3200x128xf32>
    %reduce_sum3A = arith.constant dense<0.000000e+00> : vector<3200xf32>
    %reduce_sum3A_45 = vector.multi_reduction <add>, %add3A_44, %reduce_sum3A [1] : vector<3200x128xf32> to vector<3200xf32>
    %broadcast_in_dim3A = vector.shape_cast %reduce_sum3A_45 : vector<3200xf32> to vector<3200x1xf32>
    %div3A = arith.constant 1.280000e+02 : f32
    %div3A_46 = vector.broadcast %div3A : f32 to vector<3200x1xf32>
    %div3A_47 = arith.divf %broadcast_in_dim3A, %div3A_46 : vector<3200x1xf32>
    %sub3A = vector.broadcast %div3A_47 : vector<3200x1xf32> to vector<3200x128xf32>
    %sub3A_48 = arith.subf %add3A_44, %sub3A : vector<3200x128xf32>
    %mul3A = arith.mulf %sub3A_48, %sub3A_48 : vector<3200x128xf32>
    %reduce_sum3A_49 = arith.constant dense<0.000000e+00> : vector<3200xf32>
    %reduce_sum3A_50 = vector.multi_reduction <add>, %mul3A, %reduce_sum3A_49 [1] : vector<3200x128xf32> to vector<3200xf32>
    %broadcast_in_dim3A_51 = vector.shape_cast %reduce_sum3A_50 : vector<3200xf32> to vector<3200x1xf32>
    %div3A_52 = arith.constant 1.280000e+02 : f32
    %div3A_53 = vector.broadcast %div3A_52 : f32 to vector<3200x1xf32>
    %div3A_54 = arith.divf %broadcast_in_dim3A_51, %div3A_53 : vector<3200x1xf32>
    %add3A_55 = arith.constant 9.99999974E-6 : f32
    %add3A_56 = vector.broadcast %add3A_55 : f32 to vector<3200x1xf32>
    %add3A_57 = arith.addf %div3A_54, %add3A_56 : vector<3200x1xf32>
    %rsqrt3A = math.rsqrt %add3A_57 : vector<3200x1xf32>
    %mul3A_58 = vector.broadcast %rsqrt3A : vector<3200x1xf32> to vector<3200x128xf32>
    %mul3A_59 = arith.mulf %sub3A_48, %mul3A_58 : vector<3200x128xf32>
    %get3A_60 = arith.constant 0 : index
    %get3A_61 = arith.constant 0 : index
    %get3A_62 = vector.load %arg9[%get3A_60, %get3A_61] : memref<1x128xf32, #tpu.memory_space<vmem>>, vector<1x128xf32>
    %mul3A_63 = vector.broadcast %get3A_62 : vector<1x128xf32> to vector<3200x128xf32>
    %mul3A_64 = arith.mulf %mul3A_59, %mul3A_63 : vector<3200x128xf32>
    %get3A_65 = arith.constant 0 : index
    %get3A_66 = arith.constant 0 : index
    %get3A_67 = vector.load %arg10[%get3A_65, %get3A_66] : memref<1x128xf32, #tpu.memory_space<vmem>>, vector<1x128xf32>
    %add3A_68 = vector.broadcast %get3A_67 : vector<1x128xf32> to vector<3200x128xf32>
    %add3A_69 = arith.addf %mul3A_64, %add3A_68 : vector<3200x128xf32>
    %swap3A = arith.constant 0 : index
    %swap3A_70 = arith.constant 0 : index
    %swap3A_71 = vector.load %arg11[%swap3A, %swap3A_70] : memref<3200x128xf32, #tpu.memory_space<vmem>>, vector<3200x128xf32>
    tpu.vector_store %arg11[%swap3A, %swap3A_70], %add3A_69 {strides = array<i32>} : memref<3200x128xf32, #tpu.memory_space<vmem>>, vector<3200x128xf32>,
    return
  }
  func.func @transform_0(%arg0: i32) -> (i32, i32) {
    %c0_i32 = arith.constant 0 : i32
    %c0_i32_0 = arith.constant 0 : i32
    return %arg0, %c0_i32 : i32, i32
  }
  func.func @transform_1(%arg0: i32) -> (i32, i32) {
    %c0_i32 = arith.constant 0 : i32
    %c0_i32_0 = arith.constant 0 : i32
    return %arg0, %c0_i32 : i32, i32
  }
  func.func @transform_2(%arg0: i32) -> (i32, i32) {
    %c0_i32 = arith.constant 0 : i32
    %c0_i32_0 = arith.constant 0 : i32
    %c0_i32_1 = arith.constant 0 : i32
    return %c0_i32, %c0_i32_0 : i32, i32
  }
  func.func @transform_3(%arg0: i32) -> (i32, i32) {
    %c0_i32 = arith.constant 0 : i32
    %c0_i32_0 = arith.constant 0 : i32
    %c0_i32_1 = arith.constant 0 : i32
    return %c0_i32, %c0_i32_0 : i32, i32
  }
  func.func @transform_4(%arg0: i32) -> (i32, i32) {
    %c0_i32 = arith.constant 0 : i32
    %c0_i32_0 = arith.constant 0 : i32
    %c0_i32_1 = arith.constant 0 : i32
    return %c0_i32, %c0_i32_0 : i32, i32
  }
  func.func @transform_5(%arg0: i32) -> (i32, i32) {
    %c0_i32 = arith.constant 0 : i32
    %c0_i32_0 = arith.constant 0 : i32
    %c0_i32_1 = arith.constant 0 : i32
    return %c0_i32, %c0_i32_0 : i32, i32
  }
  func.func @transform_6(%arg0: i32) -> (i32, i32) {
    %c0_i32 = arith.constant 0 : i32
    %c0_i32_0 = arith.constant 0 : i32
    %c0_i32_1 = arith.constant 0 : i32
    return %c0_i32, %c0_i32_0 : i32, i32
  }
  func.func @transform_7(%arg0: i32) -> (i32, i32) {
    %c0_i32 = arith.constant 0 : i32
    %c0_i32_0 = arith.constant 0 : i32
    %c0_i32_1 = arith.constant 0 : i32
    return %c0_i32, %c0_i32_0 : i32, i32
  }
  func.func @transform_8(%arg0: i32) -> (i32, i32) {
    %c0_i32 = arith.constant 0 : i32
    %c0_i32_0 = arith.constant 0 : i32
    %c0_i32_1 = arith.constant 0 : i32
    return %c0_i32, %c0_i32_0 : i32, i32
  }
  func.func @transform_9(%arg0: i32) -> (i32, i32) {
    %c0_i32 = arith.constant 0 : i32
    %c0_i32_0 = arith.constant 0 : i32
    %c0_i32_1 = arith.constant 0 : i32
    return %c0_i32, %c0_i32_0 : i32, i32
  }
  func.func @transform_10(%arg0: i32) -> (i32, i32) {
    %c0_i32 = arith.constant 0 : i32
    %c0_i32_0 = arith.constant 0 : i32
    return %arg0, %c0_i32 : i32, i32
  }
}

module attributes {stable_mosaic.version = 14 : i64} {
  func.func @_upd_body(%arg0: i32, %arg1: memref<1000x128xf32, #tpu.memory_space<vmem>>, %arg2: memref<1000x128xf32, #tpu.memory_space<vmem>>, %arg3: memref<1000x128xf32, #tpu.memory_space<vmem>>, %arg4: memref<128x128xf32, #tpu.memory_space<vmem>>, %arg5: memref<128x128xf32, #tpu.memory_space<vmem>>, %arg6: memref<1x128xf32, #tpu.memory_space<vmem>>, %arg7: memref<128x128xf32, #tpu.memory_space<vmem>>, %arg8: memref<1x128xf32, #tpu.memory_space<vmem>>, %arg9: memref<128x128xf32, #tpu.memory_space<vmem>>, %arg10: memref<1x128xf32, #tpu.memory_space<vmem>>, %arg11: memref<1x128xf32, #tpu.memory_space<vmem>>, %arg12: memref<1x128xf32, #tpu.memory_space<vmem>>, %arg13: memref<1000x128xf32, #tpu.memory_space<vmem>>) attributes {dimension_semantics = [#tpu.dimension_semantics<arbitrary>], iteration_bounds = array<i64: 10>, scalar_prefetch = 0 : i64, scratch_operands = 0 : i64, tpu.core_type = #tpu.core_type<tc>, window_params = [{transform_indices = @transform_0, window_bounds = array<i64: 1000, 128>}, {transform_indices = @transform_1, window_bounds = array<i64: 1000, 128>}, {transform_indices = @transform_2, window_bounds = array<i64: 1000, 128>}, {pipeline_mode = #tpu.pipeline_mode<synchronous>, transform_indices = @transform_3, window_bounds = array<i64: 128, 128>}, {pipeline_mode = #tpu.pipeline_mode<synchronous>, transform_indices = @transform_4, window_bounds = array<i64: 128, 128>}, {pipeline_mode = #tpu.pipeline_mode<synchronous>, transform_indices = @transform_5, window_bounds = array<i64: 1, 128>}, {pipeline_mode = #tpu.pipeline_mode<synchronous>, transform_indices = @transform_6, window_bounds = array<i64: 128, 128>}, {pipeline_mode = #tpu.pipeline_mode<synchronous>, transform_indices = @transform_7, window_bounds = array<i64: 1, 128>}, {pipeline_mode = #tpu.pipeline_mode<synchronous>, transform_indices = @transform_8, window_bounds = array<i64: 128, 128>}, {pipeline_mode = #tpu.pipeline_mode<synchronous>, transform_indices = @transform_9, window_bounds = array<i64: 1, 128>}, {pipeline_mode = #tpu.pipeline_mode<synchronous>, transform_indices = @transform_10, window_bounds = array<i64: 1, 128>}, {pipeline_mode = #tpu.pipeline_mode<synchronous>, transform_indices = @transform_11, window_bounds = array<i64: 1, 128>}, {transform_indices = @transform_12, window_bounds = array<i64: 1000, 128>}]} {
    %get3A = arith.constant 0 : index
    %get3A_0 = arith.constant 0 : index
    %get3A_1 = vector.load %arg1[%get3A, %get3A_0] : memref<1000x128xf32, #tpu.memory_space<vmem>>, vector<1000x128xf32>
    %get3A_2 = arith.constant 0 : index
    %get3A_3 = arith.constant 0 : index
    %get3A_4 = vector.load %arg2[%get3A_2, %get3A_3] : memref<1000x128xf32, #tpu.memory_space<vmem>>, vector<1000x128xf32>
    %get3A_5 = arith.constant 0 : index
    %get3A_6 = arith.constant 0 : index
    %get3A_7 = vector.load %arg3[%get3A_5, %get3A_6] : memref<1000x128xf32, #tpu.memory_space<vmem>>, vector<1000x128xf32>
    %add3A = arith.addf %get3A_4, %get3A_7 : vector<1000x128xf32>
    %get3A_8 = arith.constant 0 : index
    %get3A_9 = arith.constant 0 : index
    %get3A_10 = vector.load %arg4[%get3A_8, %get3A_9] : memref<128x128xf32, #tpu.memory_space<vmem>>, vector<128x128xf32>
    %dot_general3A = arith.constant dense<0.000000e+00> : vector<1000x128xf32>
    %dot_general3A_11 = tpu.matmul %get3A_1, %get3A_10, %dot_general3A {dimension_numbers = #tpu.dot_dimension_numbers<[1], [0], [0], [1], [0, 0, 1, 1], [], []>, transpose_lhs_hint = false} : vector<1000x128xf32>, vector<128x128xf32>, vector<1000x128xf32> -> vector<1000x128xf32>
    %get3A_12 = arith.constant 0 : index
    %get3A_13 = arith.constant 0 : index
    %get3A_14 = vector.load %arg5[%get3A_12, %get3A_13] : memref<128x128xf32, #tpu.memory_space<vmem>>, vector<128x128xf32>
    %dot_general3A_15 = arith.constant dense<0.000000e+00> : vector<1000x128xf32>
    %dot_general3A_16 = tpu.matmul %add3A, %get3A_14, %dot_general3A_15 {dimension_numbers = #tpu.dot_dimension_numbers<[1], [0], [0], [1], [0, 0, 1, 1], [], []>, transpose_lhs_hint = false} : vector<1000x128xf32>, vector<128x128xf32>, vector<1000x128xf32> -> vector<1000x128xf32>
    %add3A_17 = arith.addf %dot_general3A_11, %dot_general3A_16 : vector<1000x128xf32>
    %get3A_18 = arith.constant 0 : index
    %get3A_19 = arith.constant 0 : index
    %get3A_20 = vector.load %arg6[%get3A_18, %get3A_19] : memref<1x128xf32, #tpu.memory_space<vmem>>, vector<1x128xf32>
    %add3A_21 = vector.broadcast %get3A_20 : vector<1x128xf32> to vector<1000x128xf32>
    %add3A_22 = arith.addf %add3A_17, %add3A_21 : vector<1000x128xf32>
    %max3A = arith.constant 0.000000e+00 : f32
    %max3A_23 = vector.broadcast %max3A : f32 to vector<1000x128xf32>
    %max3A_24 = arith.maximumf %add3A_22, %max3A_23 : vector<1000x128xf32>
    %get3A_25 = arith.constant 0 : index
    %get3A_26 = arith.constant 0 : index
    %get3A_27 = vector.load %arg7[%get3A_25, %get3A_26] : memref<128x128xf32, #tpu.memory_space<vmem>>, vector<128x128xf32>
    %dot_general3A_28 = arith.constant dense<0.000000e+00> : vector<1000x128xf32>
    %dot_general3A_29 = tpu.matmul %max3A_24, %get3A_27, %dot_general3A_28 {dimension_numbers = #tpu.dot_dimension_numbers<[1], [0], [0], [1], [0, 0, 1, 1], [], []>, transpose_lhs_hint = false} : vector<1000x128xf32>, vector<128x128xf32>, vector<1000x128xf32> -> vector<1000x128xf32>
    %get3A_30 = arith.constant 0 : index
    %get3A_31 = arith.constant 0 : index
    %get3A_32 = vector.load %arg8[%get3A_30, %get3A_31] : memref<1x128xf32, #tpu.memory_space<vmem>>, vector<1x128xf32>
    %add3A_33 = vector.broadcast %get3A_32 : vector<1x128xf32> to vector<1000x128xf32>
    %add3A_34 = arith.addf %dot_general3A_29, %add3A_33 : vector<1000x128xf32>
    %max3A_35 = arith.constant 0.000000e+00 : f32
    %max3A_36 = vector.broadcast %max3A_35 : f32 to vector<1000x128xf32>
    %max3A_37 = arith.maximumf %add3A_34, %max3A_36 : vector<1000x128xf32>
    %get3A_38 = arith.constant 0 : index
    %get3A_39 = arith.constant 0 : index
    %get3A_40 = vector.load %arg9[%get3A_38, %get3A_39] : memref<128x128xf32, #tpu.memory_space<vmem>>, vector<128x128xf32>
    %dot_general3A_41 = arith.constant dense<0.000000e+00> : vector<1000x128xf32>
    %dot_general3A_42 = tpu.matmul %max3A_37, %get3A_40, %dot_general3A_41 {dimension_numbers = #tpu.dot_dimension_numbers<[1], [0], [0], [1], [0, 0, 1, 1], [], []>, transpose_lhs_hint = false} : vector<1000x128xf32>, vector<128x128xf32>, vector<1000x128xf32> -> vector<1000x128xf32>
    %get3A_43 = arith.constant 0 : index
    %get3A_44 = arith.constant 0 : index
    %get3A_45 = vector.load %arg10[%get3A_43, %get3A_44] : memref<1x128xf32, #tpu.memory_space<vmem>>, vector<1x128xf32>
    %add3A_46 = vector.broadcast %get3A_45 : vector<1x128xf32> to vector<1000x128xf32>
    %add3A_47 = arith.addf %dot_general3A_42, %add3A_46 : vector<1000x128xf32>
    %reduce_sum3A = arith.constant dense<0.000000e+00> : vector<1000xf32>
    %reduce_sum3A_48 = vector.multi_reduction <add>, %add3A_47, %reduce_sum3A [1] : vector<1000x128xf32> to vector<1000xf32>
    %broadcast_in_dim3A = vector.shape_cast %reduce_sum3A_48 : vector<1000xf32> to vector<1000x1xf32>
    %div3A = arith.constant 1.280000e+02 : f32
    %div3A_49 = vector.broadcast %div3A : f32 to vector<1000x1xf32>
    %div3A_50 = arith.divf %broadcast_in_dim3A, %div3A_49 : vector<1000x1xf32>
    %sub3A = vector.broadcast %div3A_50 : vector<1000x1xf32> to vector<1000x128xf32>
    %sub3A_51 = arith.subf %add3A_47, %sub3A : vector<1000x128xf32>
    %mul3A = arith.mulf %sub3A_51, %sub3A_51 : vector<1000x128xf32>
    %reduce_sum3A_52 = arith.constant dense<0.000000e+00> : vector<1000xf32>
    %reduce_sum3A_53 = vector.multi_reduction <add>, %mul3A, %reduce_sum3A_52 [1] : vector<1000x128xf32> to vector<1000xf32>
    %broadcast_in_dim3A_54 = vector.shape_cast %reduce_sum3A_53 : vector<1000xf32> to vector<1000x1xf32>
    %div3A_55 = arith.constant 1.280000e+02 : f32
    %div3A_56 = vector.broadcast %div3A_55 : f32 to vector<1000x1xf32>
    %div3A_57 = arith.divf %broadcast_in_dim3A_54, %div3A_56 : vector<1000x1xf32>
    %add3A_58 = arith.constant 9.99999974E-6 : f32
    %add3A_59 = vector.broadcast %add3A_58 : f32 to vector<1000x1xf32>
    %add3A_60 = arith.addf %div3A_57, %add3A_59 : vector<1000x1xf32>
    %rsqrt3A = math.rsqrt %add3A_60 : vector<1000x1xf32>
    %mul3A_61 = vector.broadcast %rsqrt3A : vector<1000x1xf32> to vector<1000x128xf32>
    %mul3A_62 = arith.mulf %sub3A_51, %mul3A_61 : vector<1000x128xf32>
    %get3A_63 = arith.constant 0 : index
    %get3A_64 = arith.constant 0 : index
    %get3A_65 = vector.load %arg11[%get3A_63, %get3A_64] : memref<1x128xf32, #tpu.memory_space<vmem>>, vector<1x128xf32>
    %mul3A_66 = vector.broadcast %get3A_65 : vector<1x128xf32> to vector<1000x128xf32>
    %mul3A_67 = arith.mulf %mul3A_62, %mul3A_66 : vector<1000x128xf32>
    %get3A_68 = arith.constant 0 : index
    %get3A_69 = arith.constant 0 : index
    %get3A_70 = vector.load %arg12[%get3A_68, %get3A_69] : memref<1x128xf32, #tpu.memory_space<vmem>>, vector<1x128xf32>
    %add3A_71 = vector.broadcast %get3A_70 : vector<1x128xf32> to vector<1000x128xf32>
    %add3A_72 = arith.addf %mul3A_67, %add3A_71 : vector<1000x128xf32>
    %add3A_73 = arith.addf %add3A_72, %get3A_1 : vector<1000x128xf32>
    %swap3A = arith.constant 0 : index
    %swap3A_74 = arith.constant 0 : index
    %swap3A_75 = vector.load %arg13[%swap3A, %swap3A_74] : memref<1000x128xf32, #tpu.memory_space<vmem>>, vector<1000x128xf32>
    tpu.vector_store %arg13[%swap3A, %swap3A_74], %add3A_73 {strides = array<i32>} : memref<1000x128xf32, #tpu.memory_space<vmem>>, vector<1000x128xf32>,
    return
  }
  func.func @transform_0(%arg0: i32) -> (i32, i32) {
    %c0_i32 = arith.constant 0 : i32
    %c0_i32_0 = arith.constant 0 : i32
    return %arg0, %c0_i32 : i32, i32
  }
  func.func @transform_1(%arg0: i32) -> (i32, i32) {
    %c0_i32 = arith.constant 0 : i32
    %c0_i32_0 = arith.constant 0 : i32
    return %arg0, %c0_i32 : i32, i32
  }
  func.func @transform_2(%arg0: i32) -> (i32, i32) {
    %c0_i32 = arith.constant 0 : i32
    %c0_i32_0 = arith.constant 0 : i32
    return %arg0, %c0_i32 : i32, i32
  }
  func.func @transform_3(%arg0: i32) -> (i32, i32) {
    %c0_i32 = arith.constant 0 : i32
    %c0_i32_0 = arith.constant 0 : i32
    %c0_i32_1 = arith.constant 0 : i32
    return %c0_i32, %c0_i32_0 : i32, i32
  }
  func.func @transform_4(%arg0: i32) -> (i32, i32) {
    %c0_i32 = arith.constant 0 : i32
    %c0_i32_0 = arith.constant 0 : i32
    %c0_i32_1 = arith.constant 0 : i32
    return %c0_i32, %c0_i32_0 : i32, i32
  }
  func.func @transform_5(%arg0: i32) -> (i32, i32) {
    %c0_i32 = arith.constant 0 : i32
    %c0_i32_0 = arith.constant 0 : i32
    %c0_i32_1 = arith.constant 0 : i32
    return %c0_i32, %c0_i32_0 : i32, i32
  }
  func.func @transform_6(%arg0: i32) -> (i32, i32) {
    %c0_i32 = arith.constant 0 : i32
    %c0_i32_0 = arith.constant 0 : i32
    %c0_i32_1 = arith.constant 0 : i32
    return %c0_i32, %c0_i32_0 : i32, i32
  }
  func.func @transform_7(%arg0: i32) -> (i32, i32) {
    %c0_i32 = arith.constant 0 : i32
    %c0_i32_0 = arith.constant 0 : i32
    %c0_i32_1 = arith.constant 0 : i32
    return %c0_i32, %c0_i32_0 : i32, i32
  }
  func.func @transform_8(%arg0: i32) -> (i32, i32) {
    %c0_i32 = arith.constant 0 : i32
    %c0_i32_0 = arith.constant 0 : i32
    %c0_i32_1 = arith.constant 0 : i32
    return %c0_i32, %c0_i32_0 : i32, i32
  }
  func.func @transform_9(%arg0: i32) -> (i32, i32) {
    %c0_i32 = arith.constant 0 : i32
    %c0_i32_0 = arith.constant 0 : i32
    %c0_i32_1 = arith.constant 0 : i32
    return %c0_i32, %c0_i32_0 : i32, i32
  }
  func.func @transform_10(%arg0: i32) -> (i32, i32) {
    %c0_i32 = arith.constant 0 : i32
    %c0_i32_0 = arith.constant 0 : i32
    %c0_i32_1 = arith.constant 0 : i32
    return %c0_i32, %c0_i32_0 : i32, i32
  }
  func.func @transform_11(%arg0: i32) -> (i32, i32) {
    %c0_i32 = arith.constant 0 : i32
    %c0_i32_0 = arith.constant 0 : i32
    %c0_i32_1 = arith.constant 0 : i32
    return %c0_i32, %c0_i32_0 : i32, i32
  }
  func.func @transform_12(%arg0: i32) -> (i32, i32) {
    %c0_i32 = arith.constant 0 : i32
    %c0_i32_0 = arith.constant 0 : i32
    return %arg0, %c0_i32 : i32, i32
  }
}

</mosaic_0001>

<sc_bundles>
// kernel: kernel.10.cloned.1.call-start
scs
__scs_entry_jumppad:
0x0: {  	(pc) =	sbr.rel $0x88, $3  }
0x1: {  	(tag) =	ssettag $0x0;
	lr =	simm.s32 $0x1  }
0x2: {  	[smem:$0x3F8E] =	sst lr;
	_ =	strace $0xD0000000  }
0x3: {  	_ = 	snop  }
0x4: {  	_ = 	snop  }
0x5: {  	_ = 	snop  }
0x6: {  	_ = 	snop  }
0x7: {  	_ = 	snop  }
__scs_overlays_trampoline_lowered:
0x8: {  	[smem:$0x3F9D] =	sst s0  }
0x9: {  	[smem:$0x3F9E] =	sst s1  }
0xa: {  	[smem:$0x3F9F] =	sst s2  }
0xb: {  	[smem:$0x3FA0] =	sst s3  }
0xc: {  	[smem:$0x3FA1] =	sst s4  }
0xd: {  	[smem:$0x3FA2] =	sst s5  }
0xe: {  	[smem:$0x3FA3] =	sst s6  }
0xf: {  	[smem:$0x3FA4] =	sst s7  }
0x10: {  	[smem:$0x3FA5] =	sst s8  }
0x11: {  	[smem:$0x3FA6] =	sst s9;
	s0 =	simm.s32 @!p0 $0x0  }
0x12: {  	s1 =	sld [smem:$0x3F8C];
	s0 =	simm.s32 @p0 $0x1  }
0x13: {  	[smem:$0x3FA7] =	sst s0;
	s0 =	simm.s32 @!p1 $0x0  }
0x14: {  	s2 =	sld [smem:$0x3F8B];
	s0 =	simm.s32 @p1 $0x1  }
0x15: {  	[smem:$0x3FA8] =	sst s0;
	s0 =	simm.s32 @!p2 $0x0  }
0x16: {  	s3 =	sld [smem:$0x3FDB];
	s0 =	simm.s32 @p2 $0x1  }
0x17: {  	s4 =	simm.s32 $0x1BF5;
	[smem:$0x3FAA] =	sst s0  }
0x18: {  	s0 =	sld [smem:$0x3F8D];
	_ =	swait.ge [sflag:s4], $0x0  }
0x19: {  	s7 =	sld [smem:$0x3F8E]  }
0x1a: {  	s8 =	sadd.s32 $0xFFFFE003, lr  }
0x1b: {  	s9 =	sadd.s32 $0xFFFFFEF7, lr;
	s5 =	simm.s32 $0xFFFFFFFF;
	p2 =	slt.u32 s8, $0xFFFFF086  }
0x1c: {  	p1 =	slt.u32 s9, $0xF7A;
	s5 =	simm.s32 @!p2 $0x0  }
0x1d: {  	s5 =	simm.s32 @p1 $0x1;
	p0 =	seq.s32 s7, s2  }
0x1e: {  	s7 =	smul.u32 @!p0 $0xF7A, s2;
	p2 =	seq.s32 @!p0 s5, $0x0  }
0x1f: {  	s9 =	smul.u32 $0xF7A, s1;
	s8 =	simm.s32 @!p0 $0x1BF5;
	p2 =	por !p2, p0  }
0x20: {  	[sflag:s8] =	ssyncset.s32 @!p0 $0xFFFFF086;
	s6 =	sadd.s32 @!p0 s3, s7;
	s7 =	simm.s32 @!p0 $0x108  }
0x21: {  	s3 =	sadd.s32 s3, s9;
	s6 =	sadd.s32 @!p0 $0x88, s6;
	s7 =	simm.s32 @p2 $0x1082  }
0x22: {  	[simem:s7], [sflag:s8] =	dma.local @!p0 [hbm:s6], $0xF7A  }
0x23: {  	s9 =	sor.u32 $0xD0000000, s2;
	s6 =	simm.s32 $0x108;
	_ =	swait.ge @!p0 [sflag:s8], $0x0  }
0x24: {  	s3 =	sadd.s32 $0x88, s3;
	s6 =	simm.s32 @!p1 $0x1082;
	[sflag:s4] =	ssyncset.s32 $0xFFFFF086  }
0x25: {  	[simem:s6], [sflag:s4] =	dma.local [hbm:s3], $0xF7A  }
0x26: {  	[smem:$0x3F8E] =	sst s1;
	(tag) =	ssettag s2;
	_ =	strace s9  }
0x27: {  	s1 =	sld [smem:$0x3F9E]  }
0x28: {  	s2 =	sld [smem:$0x3F9F]  }
0x29: {  	s4 =	sld [smem:$0x3FA1]  }
0x2a: {  	p0 =	seq.s32 s5, $0x0;
	s5 =	sld [smem:$0x3FA2]  }
0x2b: {  	s6 =	sld [smem:$0x3FA3]  }
0x2c: {  	s7 =	sld [smem:$0x3FA4]  }
0x2d: {  	s3 =	simm.s32 $0x108;
	s8 =	sld [smem:$0x3FA5]  }
0x2e: {  	s3 =	simm.s32 @!p0 $0x1082;
	s9 =	sld [smem:$0x3FA6]  }
0x2f: {  	lr =	sadd.s32 s0, s3;
	s0 =	sld [smem:$0x3F9D]  }
0x30: {  	s3 =	sld [smem:$0x3FA0]  }
0x31: {  	[smem:$0x3FA9] =	sst s10  }
0x32: {  	s10 =	sld [smem:$0x3FA7];
	_ =	sdelay $0x3  }
0x33: {  	p0 =	seq.s32 s10, $0x1;
	s10 =	sld [smem:$0x3FA9];
	_ =	sdelay $0x3  }
0x34: {  	[smem:$0x3FA9] =	sst s10  }
0x35: {  	s10 =	sld [smem:$0x3FA8];
	_ =	sdelay $0x3  }
0x36: {  	p1 =	seq.s32 s10, $0x1;
	s10 =	sld [smem:$0x3FA9];
	_ =	sdelay $0x3  }
0x37: {  	[smem:$0x3FA9] =	sst s10  }
0x38: {  	s10 =	sld [smem:$0x3FAA]  }
0x39: {  	_ = 	snop;
	(pc) =	sbr.ind lr, $3  }
0x3a: {  	_ = 	snop  }
0x3b: {  	_ = 	snop  }
0x3c: {  	p2 =	seq.s32 s10, $0x1;
	s10 =	sld [smem:$0x3FA9]  }
0x3d: {  	_ =	shalt  }
0x3e: {  	_ =	shalt  }
0x3f: {  	_ =	shalt  }
0x40: {  	_ =	shalt  }
0x41: {  	_ =	shalt  }
0x42: {  	_ =	shalt  }
0x43: {  	_ =	shalt  }
0x44: {  	_ =	shalt  }
0x45: {  	_ =	shalt  }
0x46: {  	_ =	shalt  }
0x47: {  	_ =	shalt  }
0x48: {  	_ =	shalt  }
0x49: {  	_ =	shalt  }
0x4a: {  	_ =	shalt  }
0x4b: {  	_ =	shalt  }
0x4c: {  	_ =	shalt  }
0x4d: {  	_ =	shalt  }
0x4e: {  	_ =	shalt  }
0x4f: {  	_ =	shalt  }
0x50: {  	_ =	shalt  }
0x51: {  	_ =	shalt  }
0x52: {  	_ =	shalt  }
0x53: {  	_ =	shalt  }
0x54: {  	_ =	shalt  }
0x55: {  	_ =	shalt  }
0x56: {  	_ =	shalt  }
0x57: {  	_ =	shalt  }
0x58: {  	_ =	shalt  }
0x59: {  	_ =	shalt  }
0x5a: {  	_ =	shalt  }
0x5b: {  	_ =	shalt  }
0x5c: {  	_ =	shalt  }
0x5d: {  	_ =	shalt  }
0x5e: {  	_ =	shalt  }
0x5f: {  	_ =	shalt  }
0x60: {  	_ =	shalt  }
0x61: {  	_ =	shalt  }
0x62: {  	_ =	shalt  }
0x63: {  	_ =	shalt  }
0x64: {  	_ =	shalt  }
0x65: {  	_ =	shalt  }
0x66: {  	_ =	shalt  }
0x67: {  	_ =	shalt  }
0x68: {  	_ =	shalt  }
0x69: {  	_ =	shalt  }
0x6a: {  	_ =	shalt  }
0x6b: {  	_ =	shalt  }
0x6c: {  	_ =	shalt  }
0x6d: {  	_ =	shalt  }
0x6e: {  	_ =	shalt  }
0x6f: {  	_ =	shalt  }
0x70: {  	_ =	shalt  }
0x71: {  	_ =	shalt  }
0x72: {  	_ =	shalt  }
0x73: {  	_ =	shalt  }
0x74: {  	_ =	shalt  }
0x75: {  	_ =	shalt  }
0x76: {  	_ =	shalt  }
0x77: {  	_ =	shalt  }
0x78: {  	_ =	shalt  }
0x79: {  	_ =	shalt  }
0x7a: {  	_ =	shalt  }
0x7b: {  	_ =	shalt  }
0x7c: {  	_ =	shalt  }
0x7d: {  	_ =	shalt  }
0x7e: {  	_ =	shalt  }
0x7f: {  	_ =	shalt  }
0x80: {  	_ =	shalt  }
0x81: {  	_ =	shalt  }
0x82: {  	_ =	shalt  }
0x83: {  	_ =	shalt  }
0x84: {  	_ =	shalt  }
0x85: {  	_ =	shalt  }
0x86: {  	_ =	shalt  }
0x87: {  	_ =	shalt  }
.Lfunc_end0:
.L_simem_size_0:
called_computation.1_lowered:
.L_overlay_start_0:
0x88: {  	s2 =	sld [smem:$0x3FD9]  }
0x89: {  	s3 =	sld [smem:$0x3FFE];
	_ =	sdelay $0x1  }
0x8a: {  	s1 =	srdreg.scid  }
0x8b: {  	s0 =	sand.u32 $0x1, s1  }
0x8c: {  	s14 =	sshll.u32 s0, $0xA;
	s2 =	sadd.s32 s3, s2  }
0x8d: {  	s2 =	sadd.s32 s2, s14  }
0x8e: {  	[smem:$0x3FB5] =	sst s2  }
0x8f: {  	_ = 	snop  }
0x90: {  	s2 =	sld [smem:$0x3FD0];
	_ =	sdelay $0x2  }
0x91: {  	s15 =	simm.s32 $0xA;
	s4 =	simm.s32 $0x10  }
0x92: {  	[smem:s4], [sflag:s15] =	dma.local [hbm:s2], $0x1  }
0x93: {  	_ =	swait.eq [sflag:s15], $0x1  }
0x94: {  	[sflag:s15] =	ssyncset.done $0x0  }
0x95: {  	s16 =	sld [smem:$0x10];
	[sflag:s15] =	ssyncadd.s32 $0xFFFFFFFF  }
0x96: {  	s17 =	sld [smem:$0x11];
	(tm) =	ssettm $0x1  }
0x97: {  	s18 =	sld [smem:$0x3FFB];
	_ =	sdelay $0x3  }
0x98: {  	_ =	strace s18  }
0x99: {  	s4 =	sld [smem:$0x3FFC];
	_ =	sdelay $0x3  }
0x9a: {  	_ =	strace s4  }
0x9b: {  	s4 =	sld [smem:$0x3FFD];
	_ =	sdelay $0x3  }
0x9c: {  	_ =	strace s4  }
0x9d: {  	_ =	strace $0x8FFFFFFF  }
0x9e: {  	s19 =	sld [smem:$0x3FDB];
	_ =	sdelay $0x1  }
0x9f: {  	s5 =	simm.s32 $_scs_section_size  }
0xa0: {  	s6 =	simm.s32 $_size__tile_overlayer_lowered;
	s7 =	simm.s32 $_tile_overlayer_lowered  }
0xa1: {  	s22 =	simm.s32 $0x1BFF;
	s21 =	sshll.u32 s7, $0x1;
	s4 =	sadd.s32 s5, s19  }
0xa2: {  	s8 =	simm.s32 $0x0;
	s20 =	sshll.u32 s6, $0x1;
	s6 =	sadd.s32 s21, s4  }
0xa3: {  	[timem:s8], [sflag:s22] =	dma.local [hbm:s6], s20  }
0xa4: {  	_ =	swait.ge [sflag:s22], s20  }
0xa5: {  	s5 =	ssub.s32 $0x0, s20;
	[sflag:s22] =	ssyncset.done $0x0  }
0xa6: {  	[sflag:s22] =	ssyncadd.s32 s5;
	_ =	sdelay $0x1  }
0xa7: {  	s23 =	simm.s32 $0x1B8B  }
0xa8: {  	_ =	swait.ge [sflag:s23], $0x1  }
0xa9: {  	[sflag:s23] =	ssyncset.done $0x0  }
0xaa: {  	s25 =	simm.s32 $0x1B8E;
	s24 =	sld [smem:$0x3FFE];
	[sflag:s23] =	ssyncadd.s32 $0xFFFFFFFF  }
0xab: {  	s26 =	simm.s32 $execute0_lowered;
	[smem:$0x3FD2] =	sst s25  }
0xac: {  	s6 =	sshll.u32 s26, $0x1;
	_ =	strace $0x80000049;
	[dreg:$0x1] =	wrdreg $0xFFFFFFFF  }
0xad: {  	s28 =	simm.s32 $_size_execute0_lowered;
	s4 =	sadd.s32 s4, s6;
	[dreg:$0x0] =	wrdreg $0x0  }
0xae: {  	s6 =	sshll.u32 s28, $0x1;
	[dreg:$0x2] =	wrdreg s4  }
0xaf: {  	[dreg:$0x3] =	wrdreg s6  }
0xb0: {  	[dreg:$0x4] =	wrdreg $0xC0  }
0xb1: {  	_ =	task [dreg:s8], $0x5FFFF  }
0xb2: {  	[dreg:$0x1] =	wrdreg $0xFFFFFFFF  }
0xb3: {  	[dreg:$0x0] =	wrdreg $0x60  }
0xb4: {  	[dreg:$0x2] =	wrdreg s17  }
0xb5: {  	[dreg:$0x3] =	wrdreg s24  }
0xb6: {  	[dreg:$0x4] =	wrdreg s16  }
0xb7: {  	[dreg:$0x5] =	wrdreg $0x0  }
0xb8: {  	[dreg:$0x6] =	wrdreg $0x9  }
0xb9: {  	_ =	task.clear_ibuf [dreg:s8], $0x7FFFF;
	_ =	strace $0x90000049  }
0xba: {  	s29 =	simm.s32 $0x9;
	_ =	strace $0x8000004B  }
0xbb: {  	_ =	swait.ge [sflag:s29], $0x1  }
0xbc: {  	[sflag:s29] =	ssyncadd.s32 $0xFFFFFFFF  }
0xbd: {  	_ =	strace $0x9000004B  }
0xbe: {  	_ =	sfence  }
0xbf: {  	s30 =	sld [smem:$0x0];
	_ =	sdelay $0x2  }
0xc0: {  	s31 =	sshll.u32 s1, $0xD;
	s1 =	sshrl.u32 s1, $0x2  }
0xc1: {  	s3 =	sand.u32 $0x4000, s31;
	s1 =	sadd.s32 s1, s30  }
0xc2: {  	s0 =	sor.u32 s3, s0;
	s1 =	sshll.u32 s1, $0x11  }
0xc3: {  	s0 =	sor.u32 s1, s0  }
0xc4: {  	s0 =	sadd.s32 $0x8F2B, s0  }
0xc5: {  	[sflag:s0] =	ssyncadd.remote.s32 $0x1  }
0xc6: {  	_ =	sfence.sel $0xFFFF  }
0xc7: {  	[dreg:$0x0] =	wrdreg $0xFFFFFFFF;
	(pc) =	sbr.abs _section_cstart, $3  }
0xc8: {  	[dreg:$0x1] =	wrdreg $0xFFFFFFFF  }
0xc9: {  	_ =	task.clear_ibuf [dreg:s8], $0x2FFFF;
	_ =	strace $0x9FFFFFFF  }
0xca: {  	(tm) =	ssettm $0x7FFFFFFF  }
0xcb: {  	_ =	shalt  }
tec
execute0_lowered:
.L_overlay_start_1:
0x0: {  	(tag) =	ssettag $0x1  }
0x1: {  	s0 =	rddreg [dreg:$0x0]  }
0x2: {  	s2 =	rddreg [dreg:$0x1]  }
0x3: {  	s3 =	rddreg [dreg:$0x3];
	s4 =	simm.s32 $0x0  }
0x4: {  	s5 =	srdreg.scid;
	s1 =	stileid.u32;
	s19 =	simm.s32 $0x1B880  }
0x5: {  	s20 =	simm.s32 $0x1CC80;
	s21 =	simm.s32 $0x1E080;
	s22 =	simm.s32 $0x1  }
0x6: {  	s28 =	simm.s32 $0x5;
	s29 =	simm.s32 $0x6;
	s18 =	simm.s32 $0x0  }
0x7: {  	[smem:$0x7FF] =	sst s4;
	s10 =	sand.u32 $0x1, s5;
	s9 =	smul.u32 $0x4E000, s1  }
0x8: {  	s23 =	sshll.u32 s1, $0x1;
	s26 =	sshll.u32 s1, $0x6;
	s13 =	smul.u32 $0x13800, s1  }
0x9: {  	s17 =	sadd.s32 $0x138000, s3;
	s15 =	smul.u32 $0x4E200, s1;
	p0 =	sne.s32 s1, $0xF  }
0xa: {  	_ =	strace $0x8000004A;
	s6 =	sor.u32 s10, s23;
	s11 =	smul.u32 $0x138800, s10  }
0xb: {  	s24 =	ssub.s32 $0x2, s10;
	s5 =	sor.u32 $0x1C07, s26;
	s16 =	smul.u32 $0x27100, s10  }
0xc: {  	s17 =	sshrl.u32 @!p0 s17, $0x3;
	s23 =	simm.s32 $0x28;
	s26 =	simm.s32 $0x4  }
0xd: {  	s7 =	sshll.u32 s6, $0xC;
	s8 =	sshrl.u32 s24, $0x1;
	s30 =	smul.u32 $0x138800, s6  }
0xe: {  	s25 =	sshrl.u32 s9, $0x2;
	s31 =	smul.u32 $0x27100, s6;
	s7 =	sadd.s32 s7, s2  }
0xf: {  	s2 =	sadd.s32 $0x23800, s2;
	s12 =	ssub.s32 s24, s8;
	s14 =	sadd.s32 s25, s3  }
0x10: {  	s13 =	sadd.s32 s13, s11;
	s11 =	sshrl.u32 s11, $0x3;
	s24 =	simm.s32 $0x2  }
0x11: {  	s25 =	simm.s32 $0x3;
	s9 =	sshrl.u32 s30, $0x3;
	s6 =	sadd.s32 $0x3800, s7  }
0x12: {  	s7 =	sadd.s32 s0, s31;
	s13 =	sshrl.u32 s13, $0x3;
	s11 =	sadd.s32 s2, s11  }
0x13: {  	s12 =	smax.u32 s12, $0x1;
	s9 =	sadd.s32 s0, s9;
	s10 =	sadd.s32 s2, s13  }
0x14: {  	s11 =	sadd.s32 $0x27000, s11;
	s0 =	sadd.s32 s15, s0;
	s13 =	sadd.s32 $0x26E80, s7  }
0x15: {  	s15 =	sshrl.u32 s14, $0x3;
	s8 =	sadd.s32 $0x280, s9;
	s0 =	sadd.s32 s16, s0  }
0x16: {  	s9 =	sadd.s32 $0x500, s9;
	s16 =	simm.s32 $0x7;
	s0 =	sadd.s32 $0xC80, s0  }
.LBB2_1:
0x17: {  	s1 =	rddreg [dreg:$0x2]  }
0x18: {  	[spmem:s15], [sflag:s5] =	dma.local [hbm:s1], $0x2700  }
0x19: {  	_ =	swait.ge [sflag:s16], $0x2700  }
0x1a: {  	[sflag:s16] =	ssyncset.done $0x0  }
0x1b: {  	s14 =	simm.s32 @!p0 $0x7;
	[sflag:s16] =	ssyncadd.s32 $0xFFFFD900  }
0x1c: {  	[spmem:s17], [sflag:s5] =	dma.local @!p0 [hbm:s1], $0x100  }
0x1d: {  	_ =	swait.ge @!p0 [sflag:s14], $0x100  }
0x1e: {  	[sflag:s14] =	ssyncset.done @!p0 $0x0  }
0x1f: {  	[sflag:s14] =	ssyncadd.s32 @!p0 $0xFFFFFF00  }
0x20: {  	s14 =	simm.s32 $0x13880;
	[bflag:$0x0] =	sbarrier.arrive $0xFFFF  }
0x21: {  	[tilespmem:s14], [sflag:$0x7] =	stream.linear.gather [hbm4b:s6+s4], $0x7D00, $0x38;
	[tilespmem:$0x1F480] =	vst v63  }
0x22: {  	_ =	swait.ge [sflag:s16], $0x7D00  }
0x23: {  	[sflag:s16] =	ssyncset.done $0x0  }
0x24: {  	[sflag:s16] =	ssyncadd.s32 $0xFFFF8300  }
0x25: {  	[tilespmem:s19], [sflag:$0x1] =	stream.linear.gather [hbm4b:s7+s4], $0x1400, $0x38;
	[tilespmem:$0x1F480] =	vst v63  }
0x26: {  	_ = 	snop  }
0x27: {  	[tilespmem:s20], [sflag:$0x2] =	stream.linear.gather [hbm4b:s8+s4], $0x1400, $0x38;
	[tilespmem:$0x1F480] =	vst v63  }
0x28: {  	_ = 	snop  }
0x29: {  	[tilespmem:s21], [sflag:$0x3] =	stream.linear.gather [hbm4b:s9+s4], $0x1400, $0x38;
	[tilespmem:$0x1F480] =	vst v63  }
0x2a: {  	_ =	swait.ge [sflag:s22], $0x1400  }
0x2b: {  	[sflag:s22] =	ssyncset.done $0x0  }
0x2c: {  	s2 =	simm.s32 $0x13880;
	[sflag:s22] =	ssyncadd.s32 $0xFFFFEC00  }
0x2d: {  	[spmem:s3] =	stream.indirect.scatter.add.f32 [tilespmem:s19], [sflag:$0x4], $0x80, s2, s23, $0xb8;
	[tilespmem:$0x1F480] =	vst v63  }
0x2e: {  	_ =	swait.ge [sflag:s24], $0x1400  }
0x2f: {  	[sflag:s24] =	ssyncset.done $0x0  }
0x30: {  	s1 =	simm.s32 $0x13900;
	[sflag:s24] =	ssyncadd.s32 $0xFFFFEC00  }
0x31: {  	[spmem:s3] =	stream.indirect.scatter.add.f32 [tilespmem:s20], [sflag:$0x5], $0x80, s1, s23, $0xb8;
	[tilespmem:$0x1F480] =	vst v63  }
0x32: {  	_ =	swait.ge [sflag:s25], $0x1400  }
0x33: {  	[sflag:s25] =	ssyncset.done $0x0  }
0x34: {  	s2 =	simm.s32 $0x13980;
	[sflag:s25] =	ssyncadd.s32 $0xFFFFEC00  }
0x35: {  	[spmem:s3] =	stream.indirect.scatter.add.f32 [tilespmem:s21], [sflag:$0x6], $0x80, s2, s23, $0xb8;
	[tilespmem:$0x1F480] =	vst v63  }
0x36: {  	_ =	swait.ge [sflag:s26], $0x1400  }
0x37: {  	[sflag:s26] =	ssyncset.done $0x0  }
0x38: {  	s1 =	sadd.s32 $0xFFFFFB00, s0;
	[sflag:s26] =	ssyncadd.s32 $0xFFFFEC00  }
0x39: {  	[tilespmem:s19], [sflag:$0x1] =	stream.linear.gather [hbm4b:s1+s4], $0x1400, $0x38;
	[tilespmem:$0x1F480] =	vst v63  }
0x3a: {  	_ =	swait.ge [sflag:s28], $0x1400  }
0x3b: {  	[sflag:s28] =	ssyncset.done $0x0  }
0x3c: {  	s2 =	sadd.s32 $0xFFFFFD80, s0;
	[sflag:s28] =	ssyncadd.s32 $0xFFFFEC00  }
0x3d: {  	[tilespmem:s20], [sflag:$0x2] =	stream.linear.gather [hbm4b:s2+s4], $0x1400, $0x38;
	[tilespmem:$0x1F480] =	vst v63  }
0x3e: {  	_ =	swait.ge [sflag:s29], $0x1400  }
0x3f: {  	s30 =	simm.s32 $0x600;
	[sflag:s29] =	ssyncset.done $0x0  }
0x40: {  	s31 =	sadd.s32 $0x780, s0;
	s14 =	smov.u32 s0;
	[sflag:s29] =	ssyncadd.s32 $0xFFFFEC00  }
.LBB2_2:
0x41: {  	[tilespmem:s21], [sflag:$0x3] =	stream.linear.gather [hbm4b:s14+s4], $0x1400, $0x38;
	[tilespmem:$0x1F480] =	vst v63  }
0x42: {  	s2 =	smov.u32 s30;
	s14 =	smov.u32 s31  }
0x43: {  	p1 =	sne.s32 s30, $0x1E600;
	s30 =	sadd.s32 $0x600, s30;
	_ =	swait.ge [sflag:s22], $0x1400  }
0x44: {  	s2 =	sshra.s32 s2, $0x2;
	[sflag:s22] =	ssyncset.done $0x0  }
0x45: {  	s1 =	sadd.s32 $0x13880, s2;
	[sflag:s22] =	ssyncadd.s32 $0xFFFFEC00  }
0x46: {  	[spmem:s3] =	stream.indirect.scatter.add.f32 [tilespmem:s19], [sflag:$0x4], $0x80, s1, s23, $0xb8;
	[tilespmem:$0x1F480] =	vst v63  }
0x47: {  	_ =	swait.ge [sflag:s24], $0x1400  }
0x48: {  	[sflag:s24] =	ssyncset.done $0x0  }
0x49: {  	s1 =	sadd.s32 $0x13900, s2;
	[sflag:s24] =	ssyncadd.s32 $0xFFFFEC00  }
0x4a: {  	[spmem:s3] =	stream.indirect.scatter.add.f32 [tilespmem:s20], [sflag:$0x5], $0x80, s1, s23, $0xb8;
	[tilespmem:$0x1F480] =	vst v63  }
0x4b: {  	_ =	swait.ge [sflag:s25], $0x1400  }
0x4c: {  	[sflag:s25] =	ssyncset.done $0x0  }
0x4d: {  	s1 =	sadd.s32 $0x13980, s2;
	[sflag:s25] =	ssyncadd.s32 $0xFFFFEC00  }
0x4e: {  	[spmem:s3] =	stream.indirect.scatter.add.f32 [tilespmem:s21], [sflag:$0x6], $0x80, s1, s23, $0xb8;
	[tilespmem:$0x1F480] =	vst v63  }
0x4f: {  	_ =	swait.ge [sflag:s26], $0x1400  }
0x50: {  	[sflag:s26] =	ssyncset.done $0x0  }
0x51: {  	s1 =	sadd.s32 $0xFFFFFB00, s31;
	[sflag:s26] =	ssyncadd.s32 $0xFFFFEC00  }
0x52: {  	[tilespmem:s19], [sflag:$0x1] =	stream.linear.gather [hbm4b:s1+s4], $0x1400, $0x38;
	[tilespmem:$0x1F480] =	vst v63  }
0x53: {  	_ =	swait.ge [sflag:s28], $0x1400  }
0x54: {  	[sflag:s28] =	ssyncset.done $0x0  }
.Ltmp0:
0x55: {  	s1 =	sadd.s32 $0xFFFFFD80, s31;
	[sflag:s28] =	ssyncadd.s32 $0xFFFFEC00;
	(pc) =	sbr.rel @p1 .LBB2_2-.Ltmp0, $4  }
0x56: {  	[tilespmem:s20], [sflag:$0x2] =	stream.linear.gather [hbm4b:s1+s4], $0x1400, $0x38;
	[tilespmem:$0x1F480] =	vst v63  }
0x57: {  	_ =	swait.ge [sflag:s29], $0x1400  }
0x58: {  	[sflag:s29] =	ssyncset.done $0x0  }
0x59: {  	s31 =	sadd.s32 $0x780, s31;
	[sflag:s29] =	ssyncadd.s32 $0xFFFFEC00  }
0x5a: {  	[tilespmem:s21], [sflag:$0x3] =	stream.linear.gather [hbm4b:s14+s4], $0x1400, $0x38;
	[tilespmem:$0x1F480] =	vst v63  }
0x5b: {  	_ =	swait.ge [sflag:s22], $0x1400  }
0x5c: {  	[sflag:s22] =	ssyncset.done $0x0  }
0x5d: {  	s1 =	simm.s32 $0x1B380;
	[sflag:s22] =	ssyncadd.s32 $0xFFFFEC00  }
0x5e: {  	[spmem:s3] =	stream.indirect.scatter.add.f32 [tilespmem:s19], [sflag:$0x4], $0x80, s1, s23, $0xb8;
	[tilespmem:$0x1F480] =	vst v63  }
0x5f: {  	_ =	swait.ge [sflag:s24], $0x1400  }
0x60: {  	[sflag:s24] =	ssyncset.done $0x0  }
0x61: {  	s14 =	simm.s32 $0x1B400;
	[sflag:s24] =	ssyncadd.s32 $0xFFFFEC00  }
0x62: {  	[spmem:s3] =	stream.indirect.scatter.add.f32 [tilespmem:s20], [sflag:$0x5], $0x80, s14, s23, $0xb8;
	[tilespmem:$0x1F480] =	vst v63  }
0x63: {  	_ =	swait.ge [sflag:s25], $0x1400  }
0x64: {  	[sflag:s25] =	ssyncset.done $0x0  }
0x65: {  	s30 =	simm.s32 $0x1B480;
	[sflag:s25] =	ssyncadd.s32 $0xFFFFEC00  }
0x66: {  	[spmem:s3] =	stream.indirect.scatter.add.f32 [tilespmem:s21], [sflag:$0x6], $0x80, s30, s23, $0xb8;
	[tilespmem:$0x1F480] =	vst v63  }
0x67: {  	_ =	swait.ge [sflag:s26], $0x1400  }
0x68: {  	[sflag:s26] =	ssyncset.done $0x0  }
0x69: {  	[sflag:s26] =	ssyncadd.s32 $0xFFFFEC00  }
0x6a: {  	[tilespmem:s19], [sflag:$0x1] =	stream.linear.gather [hbm4b:s13+s4], $0x1400, $0x38;
	[tilespmem:$0x1F480] =	vst v63  }
0x6b: {  	_ =	swait.ge [sflag:s22], $0x1400  }
0x6c: {  	[sflag:s22] =	ssyncset.done $0x0  }
0x6d: {  	s31 =	simm.s32 $0x1B500;
	[sflag:s22] =	ssyncadd.s32 $0xFFFFEC00  }
0x6e: {  	[spmem:s3] =	stream.indirect.scatter.add.f32 [tilespmem:s19], [sflag:$0x4], $0x80, s31, s23, $0xb8;
	[tilespmem:$0x1F480] =	vst v63  }
0x6f: {  	_ =	swait.ge [sflag:s26], $0x1400  }
0x70: {  	[sflag:s26] =	ssyncset.done $0x0  }
0x71: {  	[sflag:s26] =	ssyncadd.s32 $0xFFFFEC00  }
0x72: {  	_ =	swait.ge [sflag:s28], $0x1400  }
0x73: {  	[sflag:s28] =	ssyncset.done $0x0  }
0x74: {  	[sflag:s28] =	ssyncadd.s32 $0xFFFFEC00  }
0x75: {  	_ =	swait.ge [sflag:s29], $0x1400  }
0x76: {  	[sflag:s29] =	ssyncset.done $0x0  }
0x77: {  	[sflag:s29] =	ssyncadd.s32 $0xFFFFEC00  }
0x78: {  	[bflag:$0x0] =	sbarrier.arrive $0xFFFF  }
0x79: {  	[hbm:s10], [sflag:s5] =	dma.local [spmem:s15], $0x2700  }
0x7a: {  	s18 =	sadd.s32 $0x1, s18;
	_ =	swait.ge [sflag:s16], $0x2700  }
0x7b: {  	p1 =	sne.s32 s18, s12;
	[sflag:s16] =	ssyncset.done $0x0  }
.Ltmp1:
0x7c: {  	s1 =	simm.s32 @!p0 $0x7;
	[sflag:s16] =	ssyncadd.s32 $0xFFFFD900;
	(pc) =	sbr.rel @p1 .LBB2_1-.Ltmp1, $4  }
0x7d: {  	[hbm:s11], [sflag:s5] =	dma.local @!p0 [spmem:s17], $0x100  }
0x7e: {  	_ =	swait.ge @!p0 [sflag:s1], $0x100  }
0x7f: {  	[sflag:s1] =	ssyncset.done @!p0 $0x0  }
0x80: {  	[sflag:s1] =	ssyncadd.s32 @!p0 $0xFFFFFF00  }
0x81: {  	_ =	sfence.sel $0x180000  }
0x82: {  	[bflag:$0x0] =	sbarrier.arrive $0xFFFF  }
0x83: {  	_ =	strace $0x9000004A  }
0x84: {  	s0 =	stileid.u32;
	[bflag:$0x2] =	sbarrier.arrive $0xFFFF  }
0x85: {  	p0 =	sne.s32 s0, $0x0;
	s0 =	rddreg [dreg:$0x4]  }
0x86: {  	s0 =	sadd.s32 @!p0 $0x100000, s0  }
0x87: {  	[sflag:s0] =	ssyncadd.tile.s32 @!p0 $0x1;
	_ =	shalt  }
.Lfunc_end2:
_tile_overlayer_lowered:
.L_overlay_start_2:
0x88: {  	(tag) =	ssettag $0x2  }
0x89: {  	s0 =	rddreg [dreg:$0x0];
	s2 =	stileid.u32  }
0x8a: {  	s1 =	rddreg [dreg:$0x1];
	p0 =	sne.s32 s2, $0x0  }
0x8b: {  	s3 =	rddreg [dreg:$0x2];
	[bflag:$0x3] =	sbarrier.arrive $0xFFFF;
	s2 =	simm.s32 @!p0 $0x1C07  }
0x8c: {  	[timem:s3], [sflag:s2] =	dma.local @!p0 [hbm:s0], s1  }
0x8d: {  	s0 =	simm.s32 @!p0 $0x7  }
0x8e: {  	_ =	swait.ge @!p0 [sflag:s0], s1  }
0x8f: {  	s1 =	ssub.s32 @!p0 $0x0, s1;
	[sflag:s0] =	ssyncset.done @!p0 $0x0  }
0x90: {  	[sflag:s0] =	ssyncadd.s32 @!p0 s1  }
0x91: {  	[bflag:$0x3] =	sbarrier.arrive $0xFFFF  }
0x92: {  	_ =	shalt  }

// kernel: kernel.7.cloned.1.call-start
scs
__scs_entry_jumppad:
0x0: {  	(pc) =	sbr.rel $0x88, $3  }
0x1: {  	(tag) =	ssettag $0x0;
	lr =	simm.s32 $0x1  }
0x2: {  	[smem:$0x3F8E] =	sst lr;
	_ =	strace $0xD0000000  }
0x3: {  	_ = 	snop  }
0x4: {  	_ = 	snop  }
0x5: {  	_ = 	snop  }
0x6: {  	_ = 	snop  }
0x7: {  	_ = 	snop  }
__scs_overlays_trampoline_lowered:
0x8: {  	[smem:$0x3F9D] =	sst s0  }
0x9: {  	[smem:$0x3F9E] =	sst s1  }
0xa: {  	[smem:$0x3F9F] =	sst s2  }
0xb: {  	[smem:$0x3FA0] =	sst s3  }
0xc: {  	[smem:$0x3FA1] =	sst s4  }
0xd: {  	[smem:$0x3FA2] =	sst s5  }
0xe: {  	[smem:$0x3FA3] =	sst s6  }
0xf: {  	[smem:$0x3FA4] =	sst s7  }
0x10: {  	[smem:$0x3FA5] =	sst s8  }
0x11: {  	[smem:$0x3FA6] =	sst s9;
	s0 =	simm.s32 @!p0 $0x0  }
0x12: {  	s1 =	sld [smem:$0x3F8C];
	s0 =	simm.s32 @p0 $0x1  }
0x13: {  	[smem:$0x3FA7] =	sst s0;
	s0 =	simm.s32 @!p1 $0x0  }
0x14: {  	s2 =	sld [smem:$0x3F8B];
	s0 =	simm.s32 @p1 $0x1  }
0x15: {  	[smem:$0x3FA8] =	sst s0;
	s0 =	simm.s32 @!p2 $0x0  }
0x16: {  	s3 =	sld [smem:$0x3FDB];
	s0 =	simm.s32 @p2 $0x1  }
0x17: {  	s4 =	simm.s32 $0x1BF5;
	[smem:$0x3FAA] =	sst s0  }
0x18: {  	s0 =	sld [smem:$0x3F8D];
	_ =	swait.ge [sflag:s4], $0x0  }
0x19: {  	s7 =	sld [smem:$0x3F8E]  }
0x1a: {  	s8 =	sadd.s32 $0xFFFFE003, lr  }
0x1b: {  	s9 =	sadd.s32 $0xFFFFFEF7, lr;
	s5 =	simm.s32 $0xFFFFFFFF;
	p2 =	slt.u32 s8, $0xFFFFF086  }
0x1c: {  	p1 =	slt.u32 s9, $0xF7A;
	s5 =	simm.s32 @!p2 $0x0  }
0x1d: {  	s5 =	simm.s32 @p1 $0x1;
	p0 =	seq.s32 s7, s2  }
0x1e: {  	s7 =	smul.u32 @!p0 $0xF7A, s2;
	p2 =	seq.s32 @!p0 s5, $0x0  }
0x1f: {  	s9 =	smul.u32 $0xF7A, s1;
	s8 =	simm.s32 @!p0 $0x1BF5;
	p2 =	por !p2, p0  }
0x20: {  	[sflag:s8] =	ssyncset.s32 @!p0 $0xFFFFF086;
	s6 =	sadd.s32 @!p0 s3, s7;
	s7 =	simm.s32 @!p0 $0x108  }
0x21: {  	s3 =	sadd.s32 s3, s9;
	s6 =	sadd.s32 @!p0 $0x88, s6;
	s7 =	simm.s32 @p2 $0x1082  }
0x22: {  	[simem:s7], [sflag:s8] =	dma.local @!p0 [hbm:s6], $0xF7A  }
0x23: {  	s9 =	sor.u32 $0xD0000000, s2;
	s6 =	simm.s32 $0x108;
	_ =	swait.ge @!p0 [sflag:s8], $0x0  }
0x24: {  	s3 =	sadd.s32 $0x88, s3;
	s6 =	simm.s32 @!p1 $0x1082;
	[sflag:s4] =	ssyncset.s32 $0xFFFFF086  }
0x25: {  	[simem:s6], [sflag:s4] =	dma.local [hbm:s3], $0xF7A  }
0x26: {  	[smem:$0x3F8E] =	sst s1;
	(tag) =	ssettag s2;
	_ =	strace s9  }
0x27: {  	s1 =	sld [smem:$0x3F9E]  }
0x28: {  	s2 =	sld [smem:$0x3F9F]  }
0x29: {  	s4 =	sld [smem:$0x3FA1]  }
0x2a: {  	p0 =	seq.s32 s5, $0x0;
	s5 =	sld [smem:$0x3FA2]  }
0x2b: {  	s6 =	sld [smem:$0x3FA3]  }
0x2c: {  	s7 =	sld [smem:$0x3FA4]  }
0x2d: {  	s3 =	simm.s32 $0x108;
	s8 =	sld [smem:$0x3FA5]  }
0x2e: {  	s3 =	simm.s32 @!p0 $0x1082;
	s9 =	sld [smem:$0x3FA6]  }
0x2f: {  	lr =	sadd.s32 s0, s3;
	s0 =	sld [smem:$0x3F9D]  }
0x30: {  	s3 =	sld [smem:$0x3FA0]  }
0x31: {  	[smem:$0x3FA9] =	sst s10  }
0x32: {  	s10 =	sld [smem:$0x3FA7];
	_ =	sdelay $0x3  }
0x33: {  	p0 =	seq.s32 s10, $0x1;
	s10 =	sld [smem:$0x3FA9];
	_ =	sdelay $0x3  }
0x34: {  	[smem:$0x3FA9] =	sst s10  }
0x35: {  	s10 =	sld [smem:$0x3FA8];
	_ =	sdelay $0x3  }
0x36: {  	p1 =	seq.s32 s10, $0x1;
	s10 =	sld [smem:$0x3FA9];
	_ =	sdelay $0x3  }
0x37: {  	[smem:$0x3FA9] =	sst s10  }
0x38: {  	s10 =	sld [smem:$0x3FAA]  }
0x39: {  	_ = 	snop;
	(pc) =	sbr.ind lr, $3  }
0x3a: {  	_ = 	snop  }
0x3b: {  	_ = 	snop  }
0x3c: {  	p2 =	seq.s32 s10, $0x1;
	s10 =	sld [smem:$0x3FA9]  }
0x3d: {  	_ =	shalt  }
0x3e: {  	_ =	shalt  }
0x3f: {  	_ =	shalt  }
0x40: {  	_ =	shalt  }
0x41: {  	_ =	shalt  }
0x42: {  	_ =	shalt  }
0x43: {  	_ =	shalt  }
0x44: {  	_ =	shalt  }
0x45: {  	_ =	shalt  }
0x46: {  	_ =	shalt  }
0x47: {  	_ =	shalt  }
0x48: {  	_ =	shalt  }
0x49: {  	_ =	shalt  }
0x4a: {  	_ =	shalt  }
0x4b: {  	_ =	shalt  }
0x4c: {  	_ =	shalt  }
0x4d: {  	_ =	shalt  }
0x4e: {  	_ =	shalt  }
0x4f: {  	_ =	shalt  }
0x50: {  	_ =	shalt  }
0x51: {  	_ =	shalt  }
0x52: {  	_ =	shalt  }
0x53: {  	_ =	shalt  }
0x54: {  	_ =	shalt  }
0x55: {  	_ =	shalt  }
0x56: {  	_ =	shalt  }
0x57: {  	_ =	shalt  }
0x58: {  	_ =	shalt  }
0x59: {  	_ =	shalt  }
0x5a: {  	_ =	shalt  }
0x5b: {  	_ =	shalt  }
0x5c: {  	_ =	shalt  }
0x5d: {  	_ =	shalt  }
0x5e: {  	_ =	shalt  }
0x5f: {  	_ =	shalt  }
0x60: {  	_ =	shalt  }
0x61: {  	_ =	shalt  }
0x62: {  	_ =	shalt  }
0x63: {  	_ =	shalt  }
0x64: {  	_ =	shalt  }
0x65: {  	_ =	shalt  }
0x66: {  	_ =	shalt  }
0x67: {  	_ =	shalt  }
0x68: {  	_ =	shalt  }
0x69: {  	_ =	shalt  }
0x6a: {  	_ =	shalt  }
0x6b: {  	_ =	shalt  }
0x6c: {  	_ =	shalt  }
0x6d: {  	_ =	shalt  }
0x6e: {  	_ =	shalt  }
0x6f: {  	_ =	shalt  }
0x70: {  	_ =	shalt  }
0x71: {  	_ =	shalt  }
0x72: {  	_ =	shalt  }
0x73: {  	_ =	shalt  }
0x74: {  	_ =	shalt  }
0x75: {  	_ =	shalt  }
0x76: {  	_ =	shalt  }
0x77: {  	_ =	shalt  }
0x78: {  	_ =	shalt  }
0x79: {  	_ =	shalt  }
0x7a: {  	_ =	shalt  }
0x7b: {  	_ =	shalt  }
0x7c: {  	_ =	shalt  }
0x7d: {  	_ =	shalt  }
0x7e: {  	_ =	shalt  }
0x7f: {  	_ =	shalt  }
0x80: {  	_ =	shalt  }
0x81: {  	_ =	shalt  }
0x82: {  	_ =	shalt  }
0x83: {  	_ =	shalt  }
0x84: {  	_ =	shalt  }
0x85: {  	_ =	shalt  }
0x86: {  	_ =	shalt  }
0x87: {  	_ =	shalt  }
.Lfunc_end0:
.L_simem_size_0:
called_computation_lowered:
.L_overlay_start_0:
0x88: {  	s2 =	sld [smem:$0x3FD9]  }
0x89: {  	s3 =	sld [smem:$0x3FFE];
	_ =	sdelay $0x1  }
0x8a: {  	s1 =	srdreg.scid  }
0x8b: {  	s0 =	sand.u32 $0x1, s1  }
0x8c: {  	s14 =	sshll.u32 s0, $0xA;
	s2 =	sadd.s32 s3, s2  }
0x8d: {  	s2 =	sadd.s32 s2, s14  }
0x8e: {  	[smem:$0x3FB5] =	sst s2  }
0x8f: {  	_ = 	snop  }
0x90: {  	s2 =	sld [smem:$0x3FD0];
	_ =	sdelay $0x2  }
0x91: {  	s15 =	simm.s32 $0xA;
	s4 =	simm.s32 $0x10  }
0x92: {  	[smem:s4], [sflag:s15] =	dma.local [hbm:s2], $0x1  }
0x93: {  	_ =	swait.eq [sflag:s15], $0x1  }
0x94: {  	[sflag:s15] =	ssyncset.done $0x0  }
0x95: {  	s16 =	sld [smem:$0x10];
	[sflag:s15] =	ssyncadd.s32 $0xFFFFFFFF  }
0x96: {  	s17 =	sld [smem:$0x11];
	(tm) =	ssettm $0x1  }
0x97: {  	s18 =	sld [smem:$0x3FFB];
	_ =	sdelay $0x3  }
0x98: {  	_ =	strace s18  }
0x99: {  	s4 =	sld [smem:$0x3FFC];
	_ =	sdelay $0x3  }
0x9a: {  	_ =	strace s4  }
0x9b: {  	s4 =	sld [smem:$0x3FFD];
	_ =	sdelay $0x3  }
0x9c: {  	_ =	strace s4  }
0x9d: {  	_ =	strace $0x8FFFFFFF  }
0x9e: {  	s19 =	sld [smem:$0x3FDB];
	_ =	sdelay $0x1  }
0x9f: {  	s5 =	simm.s32 $_scs_section_size  }
0xa0: {  	s6 =	simm.s32 $_size__tile_overlayer_lowered;
	s7 =	simm.s32 $_tile_overlayer_lowered  }
0xa1: {  	s22 =	simm.s32 $0x1BFF;
	s21 =	sshll.u32 s7, $0x1;
	s4 =	sadd.s32 s5, s19  }
0xa2: {  	s8 =	simm.s32 $0x0;
	s20 =	sshll.u32 s6, $0x1;
	s6 =	sadd.s32 s21, s4  }
0xa3: {  	[timem:s8], [sflag:s22] =	dma.local [hbm:s6], s20  }
0xa4: {  	_ =	swait.ge [sflag:s22], s20  }
0xa5: {  	s5 =	ssub.s32 $0x0, s20;
	[sflag:s22] =	ssyncset.done $0x0  }
0xa6: {  	[sflag:s22] =	ssyncadd.s32 s5;
	_ =	sdelay $0x1  }
0xa7: {  	s23 =	simm.s32 $0x1B8B  }
0xa8: {  	_ =	swait.ge [sflag:s23], $0x1  }
0xa9: {  	[sflag:s23] =	ssyncset.done $0x0  }
0xaa: {  	s25 =	simm.s32 $0x1B8E;
	s24 =	sld [smem:$0x3FFE];
	[sflag:s23] =	ssyncadd.s32 $0xFFFFFFFF  }
0xab: {  	s26 =	simm.s32 $execute0_lowered;
	[smem:$0x3FD2] =	sst s25  }
0xac: {  	s6 =	sshll.u32 s26, $0x1;
	_ =	strace $0x80000046;
	[dreg:$0x1] =	wrdreg $0xFFFFFFFF  }
0xad: {  	s28 =	simm.s32 $_size_execute0_lowered;
	s4 =	sadd.s32 s4, s6;
	[dreg:$0x0] =	wrdreg $0x0  }
0xae: {  	s6 =	sshll.u32 s28, $0x1;
	[dreg:$0x2] =	wrdreg s4  }
0xaf: {  	[dreg:$0x3] =	wrdreg s6  }
0xb0: {  	[dreg:$0x4] =	wrdreg $0xC0  }
0xb1: {  	_ =	task [dreg:s8], $0x5FFFF  }
0xb2: {  	[dreg:$0x1] =	wrdreg $0xFFFFFFFF  }
0xb3: {  	[dreg:$0x0] =	wrdreg $0x60  }
0xb4: {  	[dreg:$0x2] =	wrdreg s16  }
0xb5: {  	[dreg:$0x3] =	wrdreg s17  }
0xb6: {  	[dreg:$0x4] =	wrdreg s24  }
0xb7: {  	[dreg:$0x5] =	wrdreg $0x0  }
0xb8: {  	[dreg:$0x6] =	wrdreg $0x9  }
0xb9: {  	_ =	task.clear_ibuf [dreg:s8], $0x7FFFF;
	_ =	strace $0x90000046  }
0xba: {  	s29 =	simm.s32 $0x9;
	_ =	strace $0x80000048  }
0xbb: {  	_ =	swait.ge [sflag:s29], $0x1  }
0xbc: {  	[sflag:s29] =	ssyncadd.s32 $0xFFFFFFFF  }
0xbd: {  	_ =	strace $0x90000048  }
0xbe: {  	_ =	sfence  }
0xbf: {  	s30 =	sld [smem:$0x0];
	_ =	sdelay $0x2  }
0xc0: {  	s31 =	sshll.u32 s1, $0xD;
	s1 =	sshrl.u32 s1, $0x2  }
0xc1: {  	s3 =	sand.u32 $0x4000, s31;
	s1 =	sadd.s32 s1, s30  }
0xc2: {  	s0 =	sor.u32 s3, s0;
	s1 =	sshll.u32 s1, $0x11  }
0xc3: {  	s0 =	sor.u32 s1, s0  }
0xc4: {  	s0 =	sadd.s32 $0x8F2B, s0  }
0xc5: {  	[sflag:s0] =	ssyncadd.remote.s32 $0x1  }
0xc6: {  	_ =	sfence.sel $0xFFFF  }
0xc7: {  	[dreg:$0x0] =	wrdreg $0xFFFFFFFF;
	(pc) =	sbr.abs _section_cstart, $3  }
0xc8: {  	[dreg:$0x1] =	wrdreg $0xFFFFFFFF  }
0xc9: {  	_ =	task.clear_ibuf [dreg:s8], $0x2FFFF;
	_ =	strace $0x9FFFFFFF  }
0xca: {  	(tm) =	ssettm $0x7FFFFFFF  }
0xcb: {  	_ =	shalt  }
tec
execute0_lowered:
.L_overlay_start_1:
0x0: {  	(tag) =	ssettag $0x1  }
0x1: {  	s0 =	rddreg [dreg:$0x0]  }
0x2: {  	s1 =	rddreg [dreg:$0x1]  }
0x3: {  	s4 =	rddreg [dreg:$0x2]  }
0x4: {  	s2 =	rddreg [dreg:$0x3]  }
0x5: {  	s3 =	simm.s32 $0x0;
	s5 =	srdreg.scid;
	s13 =	stileid.u32  }
0x6: {  	s28 =	simm.s32 $0xE;
	s31 =	simm.s32 $0x13880;
	[smem:$0x7FF] =	sst s3  }
0x7: {  	s7 =	sand.u32 $0x1, s5;
	s5 =	sadd.s32 $0x3800, s4;
	s10 =	smul.u32 $0x4E000, s13  }
0x8: {  	s6 =	sadd.s32 $0x23800, s4;
	s30 =	sshll.u32 s13, $0x1;
	s11 =	sshll.u32 s13, $0x6  }
0x9: {  	p0 =	sne.s32 s13, $0xF;
	_ =	strace $0x80000047;
	s8 =	ssub.s32 $0x2, s7  }
0xa: {  	s7 =	sor.u32 s7, s30;
	s12 =	sor.u32 $0x1C0F, s11;
	s9 =	sshrl.u32 s8, $0x1  }
0xb: {  	s14 =	smul.u32 $0x2710, s7;
	[dreg:$0x7] =	wrdreg s12;
	s11 =	sshll.u32 s7, $0xF  }
0xc: {  	s15 =	sshll.u32 s7, $0xC;
	s7 =	smul.u32 $0x138800, s7;
	s29 =	ssub.s32 s8, s9  }
0xd: {  	s9 =	sshrl.u32 s10, $0x2;
	s10 =	smul.u32 $0x2700, s13;
	s16 =	sadd.s32 s1, s15  }
0xe: {  	s17 =	sadd.s32 s5, s15;
	s18 =	sor.u32 $0x10, s15;
	[dreg:$0x9] =	wrdreg s16  }
0xf: {  	s19 =	sor.u32 $0x20, s15;
	s13 =	simm.s32 $0x6;
	[dreg:$0xa] =	wrdreg s17  }
0x10: {  	s8 =	sadd.s32 s9, s2;
	s12 =	sadd.s32 s1, s18;
	[dreg:$0x5] =	wrdreg s14  }
0x11: {  	s20 =	sadd.s32 s1, s19;
	s21 =	sadd.s32 s5, s19;
	[dreg:$0xb] =	wrdreg s12  }
0x12: {  	s7 =	sshrl.u32 s7, $0x3;
	s23 =	sadd.s32 $0x28, s14;
	[dreg:$0xd] =	wrdreg s20  }
0x13: {  	s25 =	smax.u32 s29, $0x1;
	s29 =	sadd.s32 $0x50, s14;
	[dreg:$0xe] =	wrdreg s21  }
0x14: {  	s30 =	sadd.s32 $0x78, s14;
	s14 =	simm.s32 $0x7;
	[dreg:$0x11] =	wrdreg s23  }
0x15: {  	s16 =	simm.s32 $0x28;
	s19 =	simm.s32 $0x8;
	[dreg:$0x14] =	wrdreg s25  }
0x16: {  	s9 =	sadd.s32 s0, s10;
	s0 =	sadd.s32 $0x27000, s0;
	[dreg:$0x17] =	wrdreg s29  }
0x17: {  	s10 =	sadd.s32 s5, s18;
	s24 =	sadd.s32 s6, s7;
	[dreg:$0x18] =	wrdreg s30  }
0x18: {  	s26 =	sshrl.u32 s8, $0x3;
	s21 =	simm.s32 $0xC;
	[dreg:$0x6] =	wrdreg s9  }
0x19: {  	s25 =	simm.s32 $0x3;
	s8 =	simm.s32 $0xD;
	[dreg:$0x8] =	wrdreg s0  }
0x1a: {  	s12 =	simm.s32 $0x5;
	s9 =	sadd.s32 $0x138000, s2;
	[dreg:$0xc] =	wrdreg s10  }
0x1b: {  	s0 =	sor.u32 $0x30, s15;
	s7 =	sadd.s32 $0x26C00, s24;
	[dreg:$0x15] =	wrdreg s26  }
0x1c: {  	s15 =	simm.s32 $0xB;
	s22 =	sadd.s32 s1, s0;
	[dreg:$0x12] =	wrdreg s7  }
0x1d: {  	s10 =	simm.s32 $0x2;
	s0 =	sadd.s32 s5, s0;
	[dreg:$0xf] =	wrdreg s22  }
0x1e: {  	s26 =	simm.s32 $0xA;
	[dreg:$0x10] =	wrdreg s0;
	s0 =	sadd.s32 $0x26E80, s24  }
0x1f: {  	s7 =	simm.s32 $0x4;
	[dreg:$0x13] =	wrdreg s0;
	s0 =	sshrl.u32 @!p0 s9, $0x3  }
0x20: {  	s24 =	simm.s32 $0x1;
	[dreg:$0x16] =	wrdreg s0;
	s0 =	simm.s32 $0x0  }
.LBB2_1:
0x21: {  	[dreg:$0x19] =	wrdreg s0  }
0x22: {  	s17 =	rddreg [dreg:$0x6]  }
0x23: {  	s18 =	rddreg [dreg:$0x7]  }
0x24: {  	s20 =	rddreg [dreg:$0x15];
	s29 =	simm.s32 $0xF  }
0x25: {  	[spmem:s20], [sflag:s18] =	dma.local [hbm:s17], $0x2700  }
0x26: {  	_ =	swait.ge [sflag:s29], $0x2700  }
0x27: {  	[sflag:s29] =	ssyncset.done $0x0;
	s17 =	rddreg [dreg:$0x8]  }
0x28: {  	s20 =	rddreg [dreg:$0x16];
	[sflag:s29] =	ssyncadd.s32 $0xFFFFD900  }
0x29: {  	[spmem:s20], [sflag:s18] =	dma.local @!p0 [hbm:s17], $0x100  }
0x2a: {  	s17 =	simm.s32 @!p0 $0xF  }
0x2b: {  	_ =	swait.ge @!p0 [sflag:s17], $0x100  }
0x2c: {  	[sflag:s17] =	ssyncset.done @!p0 $0x0  }
0x2d: {  	[sflag:s17] =	ssyncadd.s32 @!p0 $0xFFFFFF00  }
0x2e: {  	[bflag:$0x0] =	sbarrier.arrive $0xFFFF  }
0x2f: {  	s18 =	simm.s32 $0x13880;
	s30 =	rddreg [dreg:$0x9]  }
0x30: {  	[tilespmem:s18], [sflag:$0x7] =	stream.linear.gather [hbm4b:s30+s3], $0x80, $0x38;
	[tilespmem:$0x1B480] =	vst v63  }
0x31: {  	s20 =	simm.s32 $0x13A80;
	s0 =	rddreg [dreg:$0xa]  }
0x32: {  	[tilespmem:s20], [sflag:$0xB] =	stream.linear.gather [hbm4b:s0+s3], $0x80, $0x38;
	[tilespmem:$0x1B480] =	vst v63  }
0x33: {  	s22 =	simm.s32 $0x13900;
	s4 =	rddreg [dreg:$0xb]  }
0x34: {  	[tilespmem:s22], [sflag:$0x8] =	stream.linear.gather [hbm4b:s4+s3], $0x80, $0x38;
	[tilespmem:$0x1B480] =	vst v63  }
0x35: {  	s23 =	simm.s32 $0x13B00;
	s9 =	rddreg [dreg:$0xc]  }
0x36: {  	[tilespmem:s23], [sflag:$0xC] =	stream.linear.gather [hbm4b:s9+s3], $0x80, $0x38;
	[tilespmem:$0x1B480] =	vst v63  }
0x37: {  	s29 =	rddreg [dreg:$0xd];
	s30 =	simm.s32 $0x13980  }
0x38: {  	[tilespmem:s30], [sflag:$0x9] =	stream.linear.gather [hbm4b:s29+s3], $0x80, $0x38;
	[tilespmem:$0x1B480] =	vst v63  }
0x39: {  	s4 =	rddreg [dreg:$0xe];
	s9 =	simm.s32 $0x13B80  }
0x3a: {  	[tilespmem:s9], [sflag:$0xD] =	stream.linear.gather [hbm4b:s4+s3], $0x80, $0x38;
	[tilespmem:$0x1B480] =	vst v63  }
0x3b: {  	s29 =	rddreg [dreg:$0xf];
	s30 =	simm.s32 $0x13A00  }
0x3c: {  	[tilespmem:s30], [sflag:$0xA] =	stream.linear.gather [hbm4b:s29+s3], $0x80, $0x38;
	[tilespmem:$0x1B480] =	vst v63  }
0x3d: {  	s4 =	rddreg [dreg:$0x10];
	s9 =	simm.s32 $0x13C00  }
0x3e: {  	[tilespmem:s9], [sflag:$0xE] =	stream.linear.gather [hbm4b:s4+s3], $0x80, $0x38;
	[tilespmem:$0x1B480] =	vst v63  }
0x3f: {  	_ =	swait.ge [sflag:s14], $0x80  }
0x40: {  	[sflag:s14] =	ssyncset.done $0x0  }
0x41: {  	[sflag:s14] =	ssyncadd.s32 $0xFFFFFF80  }
0x42: {  	_ =	swait.ge [sflag:s15], $0x80  }
0x43: {  	[sflag:s15] =	ssyncset.done $0x0  }
0x44: {  	s29 =	simm.s32 $0x13C80;
	[sflag:s15] =	ssyncadd.s32 $0xFFFFFF80  }
0x45: {  	[tilespmem:s29], [sflag:$0x1] =	stream.indirect.gather [spmem:s2], $0x80, s18, s16, $0xb8;
	[tilespmem:$0x1B480] =	vst v63  }
0x46: {  	s4 =	simm.s32 $0x16480  }
0x47: {  	[tilespmem:s4], [sflag:$0x3] =	stream.indirect.gather [spmem:s2], $0x80, s20, s16, $0xb8;
	[tilespmem:$0x1B480] =	vst v63  }
0x48: {  	_ =	swait.ge [sflag:s19], $0x80  }
0x49: {  	[sflag:s19] =	ssyncset.done $0x0  }
0x4a: {  	[sflag:s19] =	ssyncadd.s32 $0xFFFFFF80  }
0x4b: {  	_ =	swait.ge [sflag:s21], $0x80  }
0x4c: {  	s17 =	simm.s32 $0x0;
	[sflag:s21] =	ssyncset.done $0x0  }
0x4d: {  	s0 =	simm.s32 $0x13A80;
	s9 =	simm.s32 $0x15080;
	[sflag:s21] =	ssyncadd.s32 $0xFFFFFF80  }
0x4e: {  	[tilespmem:s9], [sflag:$0x2] =	stream.indirect.gather [spmem:s2], $0x80, s22, s16, $0xb8;
	[tilespmem:$0x1B480] =	vst v63  }
0x4f: {  	s30 =	simm.s32 $0x17880;
	s4 =	simm.s32 $0x13900;
	s9 =	simm.s32 $0x13B00  }
0x50: {  	[tilespmem:s30], [sflag:$0x4] =	stream.indirect.gather [spmem:s2], $0x80, s23, s16, $0xb8;
	[tilespmem:$0x1B480] =	vst v63  }
.LBB2_2:
0x51: {  	_ =	swait.ge [sflag:s24], $0x1400  }
0x52: {  	[sflag:s24] =	ssyncset.done $0x0  }
0x53: {  	[sflag:s24] =	ssyncadd.s32 $0xFFFFEC00  }
0x54: {  	_ =	swait.ge [sflag:s25], $0x1400  }
0x55: {  	p1 =	seq.s32 s17, $0x0;
	[sflag:s25] =	ssyncset.done $0x0  }
0x56: {  	s18 =	simm.s32 @!p1 $0x5;
	[sflag:s25] =	ssyncadd.s32 $0xFFFFEC00  }
0x57: {  	_ =	swait.ge @!p1 [sflag:s18], $0x1400  }
0x58: {  	[sflag:s18] =	ssyncset.done @!p1 $0x0  }
0x59: {  	s22 =	simm.s32 $0x0;
	[sflag:s18] =	ssyncadd.s32 @!p1 $0xFFFFEC00  }
0x5a: {  	v0 =	vld [tilespmem:s22+$0x13CB0]  }
0x5b: {  	v1 =	vld [tilespmem:s22+$0x164B0]  }
0x5c: {  	v2 =	vld [tilespmem:s22+$0x13CF0]  }
0x5d: {  	v3 =	vld [tilespmem:s22+$0x164F0]  }
0x5e: {  	v4 =	vld [tilespmem:s22+$0x13C80]  }
0x5f: {  	v5 =	vld [tilespmem:s22+$0x16480]  }
0x60: {  	v6 =	vld [tilespmem:s22+$0x13CC0]  }
0x61: {  	v7 =	vld [tilespmem:s22+$0x164C0]  }
0x62: {  	v8 =	vld [tilespmem:s22+$0x13C90]  }
0x63: {  	v0 =	vshll.u32 v0, $0x10;
	v1 =	vand.u32 $0xFFFF0000, v1  }
0x64: {  	v9 =	vld [tilespmem:s22+$0x16490];
	v2 =	vshll.u32 v2, $0x10;
	v3 =	vand.u32 $0xFFFF0000, v3;
	v5 =	vand.u32 $0xFFFF0000, v5  }
0x65: {  	v0 =	vadd.f32 v1, v0;
	v1 =	vadd.f32 v3, v2;
	v2 =	vld [tilespmem:s22+$0x13CD0];
	v3 =	vshll.u32 v4, $0x10  }
0x66: {  	v4 =	vld [tilespmem:s22+$0x164D0];
	v3 =	vadd.f32 v5, v3;
	v5 =	vshll.u32 v6, $0x10;
	v6 =	vand.u32 $0xFFFF0000, v7  }
0x67: {  	v10 =	vld [tilespmem:s22+$0x13CA0];
	v7 =	vshll.u32 v8, $0x10;
	v0 =	vadd.s32 $0x8000, v0;
	v1 =	vadd.s32 $0x8000, v1  }
0x68: {  	v11 =	vld [tilespmem:s22+$0x164A0];
	v6 =	vadd.f32 v6, v5;
	v0 =	vshrl.u32 v0, $0x10;
	v1 =	vand.u32 $0xFFFF0000, v1  }
0x69: {  	v5 =	vand.u32 $0xFFFF0000, v9;
	v3 =	vadd.s32 $0x8000, v3;
	v1 =	vor.u32 v0, v1;
	v0 =	vld [tilespmem:s22+$0x13CE0]  }
0x6a: {  	s23 =	simm.s32 $0x80;
	v7 =	vadd.f32 v5, v7;
	v5 =	vshrl.u32 v3, $0x10;
	[tilespmem:s22+$0x18CB0] =	vst v1;
	v1 =	vld [tilespmem:s22+$0x164E0]  }
0x6b: {  	v9 =	vadd.s32 $0x8000, v6;
	v8 =	vshll.u32 v2, $0x10;
	v4 =	vand.u32 $0xFFFF0000, v4;
	v2 =	vld [tilespmem:s23+$0x13CB0]  }
0x6c: {  	v6 =	vshll.u32 v10, $0x10;
	v7 =	vadd.s32 $0x8000, v7;
	v3 =	vld [tilespmem:s23+$0x164B0];
	v8 =	vadd.f32 v4, v8  }
0x6d: {  	s18 =	simm.s32 $0x400;
	v10 =	vand.u32 $0xFFFF0000, v9;
	v9 =	vand.u32 $0xFFFF0000, v11;
	v4 =	vld [tilespmem:s23+$0x13CF0];
	v7 =	vshrl.u32 v7, $0x10  }
.LBB2_3:
0x6e: {  	p2 =	sne.s32 s18, $0x4E00;
	v11 =	vld [tilespmem:s23+$0x164F0];
	v8 =	vadd.s32 $0x8000, v8;
	v0 =	vshll.u32 v0, $0x10;
	v6 =	vadd.f32 v9, v6  }
0x6f: {  	v5 =	vor.u32 v5, v10;
	v9 =	vld [tilespmem:s23+$0x13C80];
	v8 =	vand.u32 $0xFFFF0000, v8;
	v1 =	vand.u32 $0xFFFF0000, v1  }
0x70: {  	v10 =	vld [tilespmem:s23+$0x16480];
	[tilespmem:s22+$0x18C80] =	vst v5;
	v5 =	vor.u32 v7, v8;
	v6 =	vadd.s32 $0x8000, v6;
	v0 =	vadd.f32 v1, v0  }
0x71: {  	v1 =	vld [tilespmem:s23+$0x13CC0];
	[tilespmem:s22+$0x18C90] =	vst v5;
	v5 =	vshrl.u32 v6, $0x10  }
0x72: {  	v2 =	vshll.u32 v2, $0x10;
	v6 =	vld [tilespmem:s23+$0x164C0];
	v0 =	vadd.s32 $0x8000, v0  }
0x73: {  	v3 =	vand.u32 $0xFFFF0000, v3;
	v4 =	vshll.u32 v4, $0x10;
	v7 =	vld [tilespmem:s23+$0x13C90];
	v8 =	vand.u32 $0xFFFF0000, v11  }
0x74: {  	v2 =	vadd.f32 v3, v2;
	v9 =	vshll.u32 v9, $0x10;
	v11 =	vld [tilespmem:s23+$0x16490];
	v3 =	vadd.f32 v8, v4  }
0x75: {  	v4 =	vand.u32 $0xFFFF0000, v10;
	v8 =	vld [tilespmem:s23+$0x13CD0];
	v10 =	vand.u32 $0xFFFF0000, v0  }
0x76: {  	v0 =	vshll.u32 v1, $0x10;
	v12 =	vld [tilespmem:s23+$0x164D0];
	v1 =	vadd.s32 $0x8000, v2;
	v2 =	vadd.s32 $0x8000, v3  }
0x77: {  	v3 =	vand.u32 $0xFFFF0000, v6;
	v6 =	vld [tilespmem:s23+$0x13CA0];
	v1 =	vshrl.u32 v1, $0x10;
	v2 =	vand.u32 $0xFFFF0000, v2  }
0x78: {  	v4 =	vadd.f32 v4, v9;
	v7 =	vshll.u32 v7, $0x10;
	v9 =	vld [tilespmem:s23+$0x164A0];
	v1 =	vor.u32 v1, v2  }
.Ltmp0:
0x79: {  	v5 =	vor.u32 v5, v10;
	v3 =	vadd.f32 v3, v0;
	v2 =	vand.u32 $0xFFFF0000, v11;
	v0 =	vld [tilespmem:s23+$0x13CE0];
	[tilespmem:s23+$0x18CB0] =	vst v1;
	(pc) =	sbr.rel @p2 .LBB2_3-.Ltmp0, $4  }
0x7a: {  	v4 =	vadd.s32 $0x8000, v4;
	v8 =	vshll.u32 v8, $0x10;
	v7 =	vadd.f32 v2, v7;
	v1 =	vld [tilespmem:s23+$0x164E0];
	[tilespmem:s22+$0x18CA0] =	vst v5;
	s22 =	smov.u32 s23;
	s23 =	sshra.s32 s18, $0x2  }
0x7b: {  	v5 =	vshrl.u32 v4, $0x10;
	v10 =	vadd.s32 $0x8000, v3;
	v2 =	vld [tilespmem:s23+$0x13CB0];
	v4 =	vand.u32 $0xFFFF0000, v12  }
0x7c: {  	v3 =	vld [tilespmem:s23+$0x164B0];
	v7 =	vadd.s32 $0x8000, v7;
	v8 =	vadd.f32 v4, v8;
	v6 =	vshll.u32 v6, $0x10  }
0x7d: {  	s18 =	sadd.s32 $0x200, s18;
	v10 =	vand.u32 $0xFFFF0000, v10;
	v4 =	vld [tilespmem:s23+$0x13CF0];
	v7 =	vshrl.u32 v7, $0x10;
	v9 =	vand.u32 $0xFFFF0000, v9  }
0x7e: {  	v11 =	vld [tilespmem:s23+$0x164F0];
	v8 =	vadd.s32 $0x8000, v8  }
0x7f: {  	v12 =	vld [tilespmem:s23+$0x13C80];
	v5 =	vor.u32 v5, v10;
	v8 =	vand.u32 $0xFFFF0000, v8  }
0x80: {  	v10 =	vld [tilespmem:s23+$0x16480];
	[tilespmem:s22+$0x18C80] =	vst v5;
	v5 =	vor.u32 v7, v8  }
0x81: {  	v7 =	vld [tilespmem:s23+$0x13CC0];
	[tilespmem:s22+$0x18C90] =	vst v5  }
0x82: {  	v0 =	vshll.u32 v0, $0x10;
	v1 =	vand.u32 $0xFFFF0000, v1;
	v5 =	vld [tilespmem:s23+$0x164C0]  }
0x83: {  	v6 =	vadd.f32 v9, v6;
	v2 =	vshll.u32 v2, $0x10;
	v0 =	vadd.f32 v1, v0;
	v8 =	vld [tilespmem:s23+$0x13C90]  }
0x84: {  	v3 =	vand.u32 $0xFFFF0000, v3;
	v4 =	vshll.u32 v4, $0x10;
	v13 =	vld [tilespmem:s23+$0x164A0];
	v9 =	vand.u32 $0xFFFF0000, v11  }
0x85: {  	v6 =	vadd.s32 $0x8000, v6;
	v2 =	vadd.f32 v3, v2;
	v11 =	vld [tilespmem:s23+$0x16490];
	v3 =	vadd.f32 v9, v4  }
0x86: {  	v6 =	vshrl.u32 v6, $0x10;
	v0 =	vadd.s32 $0x8000, v0;
	v4 =	vld [tilespmem:s23+$0x13CD0]  }
0x87: {  	v12 =	vshll.u32 v12, $0x10;
	v9 =	vld [tilespmem:s23+$0x164D0];
	v1 =	vadd.s32 $0x8000, v2;
	v2 =	vadd.s32 $0x8000, v3  }
0x88: {  	v0 =	vand.u32 $0xFFFF0000, v0;
	v1 =	vshrl.u32 v1, $0x10;
	v3 =	vld [tilespmem:s23+$0x13CA0];
	v2 =	vand.u32 $0xFFFF0000, v2  }
0x89: {  	v0 =	vor.u32 v6, v0;
	v7 =	vshll.u32 v7, $0x10;
	v1 =	vor.u32 v1, v2;
	v2 =	vld [tilespmem:s23+$0x13CE0]  }
0x8a: {  	v5 =	vand.u32 $0xFFFF0000, v5;
	v8 =	vshll.u32 v8, $0x10;
	[tilespmem:s23+$0x18CB0] =	vst v1;
	v1 =	vand.u32 $0xFFFF0000, v10;
	v10 =	vld [tilespmem:s23+$0x164E0]  }
0x8b: {  	v5 =	vadd.f32 v5, v7;
	v7 =	vand.u32 $0xFFFF0000, v11;
	v4 =	vshll.u32 v4, $0x10  }
0x8c: {  	v6 =	vadd.f32 v7, v8;
	v7 =	vand.u32 $0xFFFF0000, v9;
	v1 =	vadd.f32 v1, v12  }
0x8d: {  	v5 =	vadd.s32 $0x8000, v5;
	v4 =	vadd.f32 v7, v4;
	v7 =	vand.u32 $0xFFFF0000, v13  }
0x8e: {  	v6 =	vadd.s32 $0x8000, v6;
	v3 =	vshll.u32 v3, $0x10;
	v5 =	vand.u32 $0xFFFF0000, v5  }
0x8f: {  	v1 =	vadd.s32 $0x8000, v1;
	v2 =	vshll.u32 v2, $0x10;
	v8 =	vand.u32 $0xFFFF0000, v10  }
0x90: {  	v3 =	vadd.f32 v7, v3;
	v4 =	vadd.s32 $0x8000, v4;
	v2 =	vadd.f32 v8, v2  }
0x91: {  	s18 =	smul.u32 $0xA0, s17;
	[tilespmem:s22+$0x18CA0] =	vst v0;
	v6 =	vshrl.u32 v6, $0x10;
	v1 =	vshrl.u32 v1, $0x10;
	v0 =	vand.u32 $0xFFFF0000, v4  }
0x92: {  	s20 =	rddreg [dreg:$0x5];
	v1 =	vor.u32 v1, v5;
	v3 =	vadd.s32 $0x8000, v3;
	v2 =	vadd.s32 $0x8000, v2  }
0x93: {  	s20 =	sadd.s32 s20, s18;
	v0 =	vor.u32 v6, v0;
	[tilespmem:s23+$0x18C80] =	vst v1;
	v1 =	vshrl.u32 v3, $0x10;
	v2 =	vand.u32 $0xFFFF0000, v2  }
0x94: {  	s22 =	sshll.u32 s20, $0x4;
	[tilespmem:s23+$0x18C90] =	vst v0;
	v0 =	vor.u32 v1, v2  }
0x95: {  	s22 =	sadd.s32 s6, s22;
	[tilespmem:s23+$0x18CA0] =	vst v0;
	s23 =	simm.s32 $0x18C80  }
0x96: {  	[hbm4b:s22+s3] =	stream.linear.scatter [tilespmem:s23], [sflag:$0x5], $0x1400, $0x38;
	[tilespmem:$0x1B480] =	vst v63  }
0x97: {  	s23 =	simm.s32 $0x9  }
0x98: {  	_ =	swait.ge [sflag:s23], $0x80  }
0x99: {  	[sflag:s23] =	ssyncset.done $0x0  }
0x9a: {  	[sflag:s23] =	ssyncadd.s32 $0xFFFFFF80  }
0x9b: {  	_ =	swait.ge [sflag:s8], $0x80  }
0x9c: {  	[sflag:s8] =	ssyncset.done $0x0  }
0x9d: {  	s22 =	simm.s32 $0x13980;
	s23 =	simm.s32 $0x13C80;
	[sflag:s8] =	ssyncadd.s32 $0xFFFFFF80  }
0x9e: {  	[tilespmem:s23], [sflag:$0x1] =	stream.indirect.gather [spmem:s2], $0x80, s22, s16, $0xb8;
	[tilespmem:$0x1B480] =	vst v63  }
0x9f: {  	s22 =	simm.s32 $0x13B80;
	s23 =	simm.s32 $0x16480  }
0xa0: {  	[tilespmem:s23], [sflag:$0x3] =	stream.indirect.gather [spmem:s2], $0x80, s22, s16, $0xb8;
	[tilespmem:$0x1B480] =	vst v63  }
0xa1: {  	s22 =	sshll.u32 s17, $0x9  }
0xa2: {  	s20 =	sadd.s32 $0x200, s22  }
0xa3: {  	s29 =	sand.u32 $0xFC00, s20  }
0xa4: {  	s23 =	sand.u32 $0x200, s20;
	s29 =	sadd.s32 s11, s29  }
0xa5: {  	s23 =	sor.u32 s23, s29  }
0xa6: {  	s23 =	sshrl.u32 s23, $0x3  }
0xa7: {  	s29 =	sadd.s32 s1, s23  }
0xa8: {  	[tilespmem:s31], [sflag:$0x7] =	stream.linear.gather [hbm4b:s29+s3], $0x80, $0x38;
	[tilespmem:$0x1B480] =	vst v63  }
0xa9: {  	s23 =	sadd.s32 s5, s23  }
0xaa: {  	[tilespmem:s0], [sflag:$0xB] =	stream.linear.gather [hbm4b:s23+s3], $0x80, $0x38;
	[tilespmem:$0x1B480] =	vst v63  }
0xab: {  	_ =	swait.ge [sflag:s10], $0x1400  }
0xac: {  	[sflag:s10] =	ssyncset.done $0x0  }
0xad: {  	[sflag:s10] =	ssyncadd.s32 $0xFFFFEC00  }
0xae: {  	_ =	swait.ge [sflag:s7], $0x1400  }
0xaf: {  	[sflag:s7] =	ssyncset.done $0x0  }
0xb0: {  	s23 =	simm.s32 @!p1 $0x6;
	[sflag:s7] =	ssyncadd.s32 $0xFFFFEC00  }
0xb1: {  	_ =	swait.ge @!p1 [sflag:s23], $0x1400  }
0xb2: {  	[sflag:s23] =	ssyncset.done @!p1 $0x0  }
0xb3: {  	[sflag:s23] =	ssyncadd.s32 @!p1 $0xFFFFEC00;
	s23 =	simm.s32 $0x0  }
0xb4: {  	v0 =	vld [tilespmem:s23+$0x150B0]  }
0xb5: {  	v1 =	vld [tilespmem:s23+$0x178B0]  }
0xb6: {  	v2 =	vld [tilespmem:s23+$0x150F0]  }
0xb7: {  	v3 =	vld [tilespmem:s23+$0x178F0]  }
0xb8: {  	v4 =	vld [tilespmem:s23+$0x15080]  }
0xb9: {  	v5 =	vld [tilespmem:s23+$0x17880]  }
0xba: {  	v6 =	vld [tilespmem:s23+$0x150C0]  }
0xbb: {  	v7 =	vld [tilespmem:s23+$0x178C0]  }
0xbc: {  	v8 =	vld [tilespmem:s23+$0x15090]  }
0xbd: {  	v9 =	vld [tilespmem:s23+$0x17890];
	v0 =	vshll.u32 v0, $0x10  }
0xbe: {  	v10 =	vld [tilespmem:s23+$0x150A0];
	v1 =	vand.u32 $0xFFFF0000, v1;
	v2 =	vshll.u32 v2, $0x10;
	v3 =	vand.u32 $0xFFFF0000, v3  }
0xbf: {  	v5 =	vand.u32 $0xFFFF0000, v5;
	v0 =	vadd.f32 v1, v0;
	v1 =	vadd.f32 v3, v2;
	v2 =	vld [tilespmem:s23+$0x150D0]  }
0xc0: {  	v6 =	vshll.u32 v6, $0x10;
	v7 =	vand.u32 $0xFFFF0000, v7;
	v3 =	vshll.u32 v4, $0x10;
	v4 =	vld [tilespmem:s23+$0x178D0]  }
0xc1: {  	v6 =	vadd.f32 v7, v6;
	v0 =	vadd.s32 $0x8000, v0;
	v1 =	vadd.s32 $0x8000, v1  }
0xc2: {  	v11 =	vld [tilespmem:s23+$0x178A0];
	v7 =	vand.u32 $0xFFFF0000, v9;
	v0 =	vshrl.u32 v0, $0x10;
	v1 =	vand.u32 $0xFFFF0000, v1  }
0xc3: {  	v3 =	vadd.f32 v5, v3;
	v5 =	vshll.u32 v8, $0x10;
	v1 =	vor.u32 v0, v1;
	v0 =	vld [tilespmem:s23+$0x150E0]  }
0xc4: {  	s29 =	simm.s32 $0x80;
	v7 =	vadd.f32 v7, v5;
	v9 =	vadd.s32 $0x8000, v6;
	v6 =	vshll.u32 v10, $0x10;
	[tilespmem:s23+$0x1A0B0] =	vst v1;
	v1 =	vld [tilespmem:s23+$0x178E0]  }
0xc5: {  	v3 =	vadd.s32 $0x8000, v3;
	v8 =	vshll.u32 v2, $0x10;
	v4 =	vand.u32 $0xFFFF0000, v4;
	v2 =	vld [tilespmem:s29+$0x150B0]  }
0xc6: {  	v5 =	vshrl.u32 v3, $0x10;
	v7 =	vadd.s32 $0x8000, v7;
	v3 =	vld [tilespmem:s29+$0x178B0];
	v8 =	vadd.f32 v4, v8  }
0xc7: {  	s30 =	simm.s32 $0x400;
	v10 =	vand.u32 $0xFFFF0000, v9;
	v9 =	vand.u32 $0xFFFF0000, v11;
	v7 =	vshrl.u32 v7, $0x10;
	v4 =	vld [tilespmem:s29+$0x150F0]  }
.LBB2_5:
0xc8: {  	p1 =	sne.s32 s30, $0x4E00;
	v11 =	vld [tilespmem:s29+$0x178F0];
	v8 =	vadd.s32 $0x8000, v8;
	v0 =	vshll.u32 v0, $0x10;
	v6 =	vadd.f32 v9, v6  }
0xc9: {  	v5 =	vor.u32 v5, v10;
	v9 =	vld [tilespmem:s29+$0x15080];
	v8 =	vand.u32 $0xFFFF0000, v8;
	v1 =	vand.u32 $0xFFFF0000, v1  }
0xca: {  	v10 =	vld [tilespmem:s29+$0x17880];
	[tilespmem:s23+$0x1A080] =	vst v5;
	v5 =	vor.u32 v7, v8;
	v6 =	vadd.s32 $0x8000, v6;
	v0 =	vadd.f32 v1, v0  }
0xcb: {  	v1 =	vld [tilespmem:s29+$0x150C0];
	[tilespmem:s23+$0x1A090] =	vst v5;
	v5 =	vshrl.u32 v6, $0x10  }
0xcc: {  	v2 =	vshll.u32 v2, $0x10;
	v6 =	vld [tilespmem:s29+$0x178C0];
	v0 =	vadd.s32 $0x8000, v0  }
0xcd: {  	v3 =	vand.u32 $0xFFFF0000, v3;
	v4 =	vshll.u32 v4, $0x10;
	v7 =	vld [tilespmem:s29+$0x15090];
	v8 =	vand.u32 $0xFFFF0000, v11  }
0xce: {  	v2 =	vadd.f32 v3, v2;
	v9 =	vshll.u32 v9, $0x10;
	v11 =	vld [tilespmem:s29+$0x17890];
	v3 =	vadd.f32 v8, v4  }
0xcf: {  	v4 =	vand.u32 $0xFFFF0000, v10;
	v8 =	vld [tilespmem:s29+$0x150D0];
	v10 =	vand.u32 $0xFFFF0000, v0  }
0xd0: {  	v0 =	vshll.u32 v1, $0x10;
	v12 =	vld [tilespmem:s29+$0x178D0];
	v1 =	vadd.s32 $0x8000, v2;
	v2 =	vadd.s32 $0x8000, v3  }
0xd1: {  	v3 =	vand.u32 $0xFFFF0000, v6;
	v6 =	vld [tilespmem:s29+$0x150A0];
	v1 =	vshrl.u32 v1, $0x10;
	v2 =	vand.u32 $0xFFFF0000, v2  }
0xd2: {  	v4 =	vadd.f32 v4, v9;
	v7 =	vshll.u32 v7, $0x10;
	v9 =	vld [tilespmem:s29+$0x178A0];
	v1 =	vor.u32 v1, v2  }
.Ltmp1:
0xd3: {  	v5 =	vor.u32 v5, v10;
	v3 =	vadd.f32 v3, v0;
	v2 =	vand.u32 $0xFFFF0000, v11;
	v0 =	vld [tilespmem:s29+$0x150E0];
	[tilespmem:s29+$0x1A0B0] =	vst v1;
	(pc) =	sbr.rel @p1 .LBB2_5-.Ltmp1, $4  }
0xd4: {  	v4 =	vadd.s32 $0x8000, v4;
	v8 =	vshll.u32 v8, $0x10;
	v7 =	vadd.f32 v2, v7;
	v1 =	vld [tilespmem:s29+$0x178E0];
	[tilespmem:s23+$0x1A0A0] =	vst v5;
	s23 =	smov.u32 s29;
	s29 =	sshra.s32 s30, $0x2  }
0xd5: {  	v5 =	vshrl.u32 v4, $0x10;
	v10 =	vadd.s32 $0x8000, v3;
	v2 =	vld [tilespmem:s29+$0x150B0];
	v4 =	vand.u32 $0xFFFF0000, v12  }
0xd6: {  	v3 =	vld [tilespmem:s29+$0x178B0];
	v7 =	vadd.s32 $0x8000, v7;
	v8 =	vadd.f32 v4, v8;
	v6 =	vshll.u32 v6, $0x10  }
0xd7: {  	s30 =	sadd.s32 $0x200, s30;
	v10 =	vand.u32 $0xFFFF0000, v10;
	v4 =	vld [tilespmem:s29+$0x150F0];
	v7 =	vshrl.u32 v7, $0x10;
	v9 =	vand.u32 $0xFFFF0000, v9  }
0xd8: {  	v11 =	vld [tilespmem:s29+$0x178F0];
	v8 =	vadd.s32 $0x8000, v8  }
0xd9: {  	v12 =	vld [tilespmem:s29+$0x15080];
	v5 =	vor.u32 v5, v10;
	v8 =	vand.u32 $0xFFFF0000, v8  }
0xda: {  	v10 =	vld [tilespmem:s29+$0x17880];
	[tilespmem:s23+$0x1A080] =	vst v5;
	v5 =	vor.u32 v7, v8  }
0xdb: {  	v7 =	vld [tilespmem:s29+$0x150C0];
	[tilespmem:s23+$0x1A090] =	vst v5  }
0xdc: {  	v0 =	vshll.u32 v0, $0x10;
	v1 =	vand.u32 $0xFFFF0000, v1;
	v5 =	vld [tilespmem:s29+$0x178C0]  }
0xdd: {  	v6 =	vadd.f32 v9, v6;
	v2 =	vshll.u32 v2, $0x10;
	v0 =	vadd.f32 v1, v0;
	v8 =	vld [tilespmem:s29+$0x15090]  }
0xde: {  	v3 =	vand.u32 $0xFFFF0000, v3;
	v4 =	vshll.u32 v4, $0x10;
	v13 =	vld [tilespmem:s29+$0x178A0];
	v9 =	vand.u32 $0xFFFF0000, v11  }
0xdf: {  	v6 =	vadd.s32 $0x8000, v6;
	v2 =	vadd.f32 v3, v2;
	v11 =	vld [tilespmem:s29+$0x17890];
	v3 =	vadd.f32 v9, v4  }
0xe0: {  	v6 =	vshrl.u32 v6, $0x10;
	v0 =	vadd.s32 $0x8000, v0;
	v4 =	vld [tilespmem:s29+$0x150D0]  }
0xe1: {  	v12 =	vshll.u32 v12, $0x10;
	v9 =	vld [tilespmem:s29+$0x178D0];
	v1 =	vadd.s32 $0x8000, v2;
	v2 =	vadd.s32 $0x8000, v3  }
0xe2: {  	v0 =	vand.u32 $0xFFFF0000, v0;
	v1 =	vshrl.u32 v1, $0x10;
	v3 =	vld [tilespmem:s29+$0x150A0];
	v2 =	vand.u32 $0xFFFF0000, v2  }
0xe3: {  	v0 =	vor.u32 v6, v0;
	v7 =	vshll.u32 v7, $0x10;
	v1 =	vor.u32 v1, v2;
	v2 =	vld [tilespmem:s29+$0x150E0]  }
0xe4: {  	v5 =	vand.u32 $0xFFFF0000, v5;
	v8 =	vshll.u32 v8, $0x10;
	[tilespmem:s29+$0x1A0B0] =	vst v1;
	v1 =	vand.u32 $0xFFFF0000, v10;
	v10 =	vld [tilespmem:s29+$0x178E0]  }
0xe5: {  	v5 =	vadd.f32 v5, v7;
	v7 =	vand.u32 $0xFFFF0000, v11;
	v4 =	vshll.u32 v4, $0x10  }
0xe6: {  	v6 =	vadd.f32 v7, v8;
	v7 =	vand.u32 $0xFFFF0000, v9;
	v1 =	vadd.f32 v1, v12  }
0xe7: {  	v5 =	vadd.s32 $0x8000, v5;
	v4 =	vadd.f32 v7, v4;
	v7 =	vand.u32 $0xFFFF0000, v13  }
0xe8: {  	v6 =	vadd.s32 $0x8000, v6;
	v3 =	vshll.u32 v3, $0x10;
	v5 =	vand.u32 $0xFFFF0000, v5  }
0xe9: {  	v1 =	vadd.s32 $0x8000, v1;
	v2 =	vshll.u32 v2, $0x10;
	v8 =	vand.u32 $0xFFFF0000, v10  }
0xea: {  	v3 =	vadd.f32 v7, v3;
	v4 =	vadd.s32 $0x8000, v4;
	v2 =	vadd.f32 v8, v2  }
0xeb: {  	[tilespmem:s23+$0x1A0A0] =	vst v0;
	v6 =	vshrl.u32 v6, $0x10;
	v1 =	vshrl.u32 v1, $0x10;
	v0 =	vand.u32 $0xFFFF0000, v4  }
0xec: {  	s20 =	rddreg [dreg:$0x11];
	v1 =	vor.u32 v1, v5;
	v3 =	vadd.s32 $0x8000, v3;
	v2 =	vadd.s32 $0x8000, v2  }
0xed: {  	s20 =	sadd.s32 s18, s20;
	v0 =	vor.u32 v6, v0;
	[tilespmem:s29+$0x1A080] =	vst v1;
	v1 =	vshrl.u32 v3, $0x10;
	v2 =	vand.u32 $0xFFFF0000, v2  }
0xee: {  	s23 =	sshll.u32 s20, $0x4;
	[tilespmem:s29+$0x1A090] =	vst v0;
	v0 =	vor.u32 v1, v2  }
0xef: {  	s20 =	simm.s32 $0x1A080;
	s23 =	sadd.s32 s6, s23;
	[tilespmem:s29+$0x1A0A0] =	vst v0;
	s29 =	simm.s32 $0x0  }
0xf0: {  	[hbm4b:s23+s29] =	stream.linear.scatter [tilespmem:s20], [sflag:$0x6], $0x1400, $0x38;
	[tilespmem:$0x1B480] =	vst v63  }
0xf1: {  	_ =	swait.ge [sflag:s26], $0x80  }
0xf2: {  	[sflag:s26] =	ssyncset.done $0x0  }
0xf3: {  	[sflag:s26] =	ssyncadd.s32 $0xFFFFFF80  }
0xf4: {  	_ =	swait.ge [sflag:s28], $0x80  }
0xf5: {  	[sflag:s28] =	ssyncset.done $0x0  }
0xf6: {  	s20 =	simm.s32 $0x13A00;
	s23 =	simm.s32 $0x15080;
	[sflag:s28] =	ssyncadd.s32 $0xFFFFFF80  }
0xf7: {  	[tilespmem:s23], [sflag:$0x2] =	stream.indirect.gather [spmem:s2], $0x80, s20, s16, $0xb8;
	[tilespmem:$0x1B480] =	vst v63  }
0xf8: {  	s20 =	simm.s32 $0x13C00;
	s23 =	simm.s32 $0x17880  }
0xf9: {  	[tilespmem:s23], [sflag:$0x4] =	stream.indirect.gather [spmem:s2], $0x80, s20, s16, $0xb8;
	[tilespmem:$0x1B480] =	vst v63  }
0xfa: {  	s20 =	sadd.s32 $0x280, s22  }
0xfb: {  	s30 =	sand.u32 $0xFC00, s20  }
0xfc: {  	s23 =	sand.u32 $0x280, s20;
	s30 =	sadd.s32 s11, s30  }
0xfd: {  	s23 =	sor.u32 s23, s30  }
0xfe: {  	s23 =	sshrl.u32 s23, $0x3  }
0xff: {  	s30 =	sadd.s32 s1, s23  }
0x100: {  	[tilespmem:s4], [sflag:$0x8] =	stream.linear.gather [hbm4b:s30+s29], $0x80, $0x38;
	[tilespmem:$0x1B480] =	vst v63  }
0x101: {  	s23 =	sadd.s32 s5, s23  }
0x102: {  	[tilespmem:s9], [sflag:$0xC] =	stream.linear.gather [hbm4b:s23+s29], $0x80, $0x38;
	[tilespmem:$0x1B480] =	vst v63  }
0x103: {  	_ =	swait.ge [sflag:s24], $0x1400  }
0x104: {  	[sflag:s24] =	ssyncset.done $0x0  }
0x105: {  	[sflag:s24] =	ssyncadd.s32 $0xFFFFEC00  }
0x106: {  	_ =	swait.ge [sflag:s25], $0x1400  }
0x107: {  	[sflag:s25] =	ssyncset.done $0x0  }
0x108: {  	[sflag:s25] =	ssyncadd.s32 $0xFFFFEC00  }
0x109: {  	_ =	swait.ge [sflag:s12], $0x1400  }
0x10a: {  	[sflag:s12] =	ssyncset.done $0x0  }
0x10b: {  	s23 =	simm.s32 $0x0;
	[sflag:s12] =	ssyncadd.s32 $0xFFFFEC00  }
0x10c: {  	v0 =	vld [tilespmem:s23+$0x13CB0]  }
0x10d: {  	v1 =	vld [tilespmem:s23+$0x164B0]  }
0x10e: {  	v2 =	vld [tilespmem:s23+$0x13CF0]  }
0x10f: {  	v3 =	vld [tilespmem:s23+$0x164F0]  }
0x110: {  	v4 =	vld [tilespmem:s23+$0x13C80]  }
0x111: {  	v5 =	vld [tilespmem:s23+$0x16480]  }
0x112: {  	v6 =	vld [tilespmem:s23+$0x13CC0]  }
0x113: {  	v7 =	vld [tilespmem:s23+$0x164C0]  }
0x114: {  	v8 =	vld [tilespmem:s23+$0x13C90]  }
0x115: {  	v9 =	vld [tilespmem:s23+$0x16490];
	v0 =	vshll.u32 v0, $0x10  }
0x116: {  	v10 =	vld [tilespmem:s23+$0x13CA0];
	v1 =	vand.u32 $0xFFFF0000, v1;
	v2 =	vshll.u32 v2, $0x10;
	v3 =	vand.u32 $0xFFFF0000, v3  }
0x117: {  	v5 =	vand.u32 $0xFFFF0000, v5;
	v0 =	vadd.f32 v1, v0;
	v1 =	vadd.f32 v3, v2;
	v2 =	vld [tilespmem:s23+$0x13CD0]  }
0x118: {  	v6 =	vshll.u32 v6, $0x10;
	v7 =	vand.u32 $0xFFFF0000, v7;
	v3 =	vshll.u32 v4, $0x10;
	v4 =	vld [tilespmem:s23+$0x164D0]  }
0x119: {  	v6 =	vadd.f32 v7, v6;
	v0 =	vadd.s32 $0x8000, v0;
	v1 =	vadd.s32 $0x8000, v1  }
0x11a: {  	v11 =	vld [tilespmem:s23+$0x164A0];
	v7 =	vand.u32 $0xFFFF0000, v9;
	v0 =	vshrl.u32 v0, $0x10;
	v1 =	vand.u32 $0xFFFF0000, v1  }
0x11b: {  	v3 =	vadd.f32 v5, v3;
	v5 =	vshll.u32 v8, $0x10;
	v1 =	vor.u32 v0, v1;
	v0 =	vld [tilespmem:s23+$0x13CE0]  }
0x11c: {  	s29 =	simm.s32 $0x80;
	v7 =	vadd.f32 v7, v5;
	v9 =	vadd.s32 $0x8000, v6;
	v6 =	vshll.u32 v10, $0x10;
	[tilespmem:s23+$0x18CB0] =	vst v1;
	v1 =	vld [tilespmem:s23+$0x164E0]  }
0x11d: {  	v3 =	vadd.s32 $0x8000, v3;
	v8 =	vshll.u32 v2, $0x10;
	v4 =	vand.u32 $0xFFFF0000, v4;
	v2 =	vld [tilespmem:s29+$0x13CB0]  }
0x11e: {  	v5 =	vshrl.u32 v3, $0x10;
	v7 =	vadd.s32 $0x8000, v7;
	v3 =	vld [tilespmem:s29+$0x164B0];
	v8 =	vadd.f32 v4, v8  }
0x11f: {  	s30 =	simm.s32 $0x400;
	v10 =	vand.u32 $0xFFFF0000, v9;
	v9 =	vand.u32 $0xFFFF0000, v11;
	v7 =	vshrl.u32 v7, $0x10;
	v4 =	vld [tilespmem:s29+$0x13CF0]  }
.LBB2_7:
0x120: {  	p1 =	sne.s32 s30, $0x4E00;
	v11 =	vld [tilespmem:s29+$0x164F0];
	v8 =	vadd.s32 $0x8000, v8;
	v0 =	vshll.u32 v0, $0x10;
	v6 =	vadd.f32 v9, v6  }
0x121: {  	v5 =	vor.u32 v5, v10;
	v9 =	vld [tilespmem:s29+$0x13C80];
	v8 =	vand.u32 $0xFFFF0000, v8;
	v1 =	vand.u32 $0xFFFF0000, v1  }
0x122: {  	v10 =	vld [tilespmem:s29+$0x16480];
	[tilespmem:s23+$0x18C80] =	vst v5;
	v5 =	vor.u32 v7, v8;
	v6 =	vadd.s32 $0x8000, v6;
	v0 =	vadd.f32 v1, v0  }
0x123: {  	v1 =	vld [tilespmem:s29+$0x13CC0];
	[tilespmem:s23+$0x18C90] =	vst v5;
	v5 =	vshrl.u32 v6, $0x10  }
0x124: {  	v2 =	vshll.u32 v2, $0x10;
	v6 =	vld [tilespmem:s29+$0x164C0];
	v0 =	vadd.s32 $0x8000, v0  }
0x125: {  	v3 =	vand.u32 $0xFFFF0000, v3;
	v4 =	vshll.u32 v4, $0x10;
	v7 =	vld [tilespmem:s29+$0x13C90];
	v8 =	vand.u32 $0xFFFF0000, v11  }
0x126: {  	v2 =	vadd.f32 v3, v2;
	v9 =	vshll.u32 v9, $0x10;
	v11 =	vld [tilespmem:s29+$0x16490];
	v3 =	vadd.f32 v8, v4  }
0x127: {  	v4 =	vand.u32 $0xFFFF0000, v10;
	v8 =	vld [tilespmem:s29+$0x13CD0];
	v10 =	vand.u32 $0xFFFF0000, v0  }
0x128: {  	v0 =	vshll.u32 v1, $0x10;
	v12 =	vld [tilespmem:s29+$0x164D0];
	v1 =	vadd.s32 $0x8000, v2;
	v2 =	vadd.s32 $0x8000, v3  }
0x129: {  	v3 =	vand.u32 $0xFFFF0000, v6;
	v6 =	vld [tilespmem:s29+$0x13CA0];
	v1 =	vshrl.u32 v1, $0x10;
	v2 =	vand.u32 $0xFFFF0000, v2  }
0x12a: {  	v4 =	vadd.f32 v4, v9;
	v7 =	vshll.u32 v7, $0x10;
	v9 =	vld [tilespmem:s29+$0x164A0];
	v1 =	vor.u32 v1, v2  }
.Ltmp2:
0x12b: {  	v5 =	vor.u32 v5, v10;
	v3 =	vadd.f32 v3, v0;
	v2 =	vand.u32 $0xFFFF0000, v11;
	v0 =	vld [tilespmem:s29+$0x13CE0];
	[tilespmem:s29+$0x18CB0] =	vst v1;
	(pc) =	sbr.rel @p1 .LBB2_7-.Ltmp2, $4  }
0x12c: {  	v4 =	vadd.s32 $0x8000, v4;
	v8 =	vshll.u32 v8, $0x10;
	v7 =	vadd.f32 v2, v7;
	v1 =	vld [tilespmem:s29+$0x164E0];
	[tilespmem:s23+$0x18CA0] =	vst v5;
	s23 =	smov.u32 s29;
	s29 =	sshra.s32 s30, $0x2  }
0x12d: {  	v5 =	vshrl.u32 v4, $0x10;
	v10 =	vadd.s32 $0x8000, v3;
	v2 =	vld [tilespmem:s29+$0x13CB0];
	v4 =	vand.u32 $0xFFFF0000, v12  }
0x12e: {  	v3 =	vld [tilespmem:s29+$0x164B0];
	v7 =	vadd.s32 $0x8000, v7;
	v8 =	vadd.f32 v4, v8;
	v6 =	vshll.u32 v6, $0x10  }
0x12f: {  	s30 =	sadd.s32 $0x200, s30;
	v10 =	vand.u32 $0xFFFF0000, v10;
	v4 =	vld [tilespmem:s29+$0x13CF0];
	v7 =	vshrl.u32 v7, $0x10;
	v9 =	vand.u32 $0xFFFF0000, v9  }
0x130: {  	v11 =	vld [tilespmem:s29+$0x164F0];
	v8 =	vadd.s32 $0x8000, v8  }
0x131: {  	v12 =	vld [tilespmem:s29+$0x13C80];
	v5 =	vor.u32 v5, v10;
	v8 =	vand.u32 $0xFFFF0000, v8  }
0x132: {  	v10 =	vld [tilespmem:s29+$0x16480];
	[tilespmem:s23+$0x18C80] =	vst v5;
	v5 =	vor.u32 v7, v8  }
0x133: {  	v7 =	vld [tilespmem:s29+$0x13CC0];
	[tilespmem:s23+$0x18C90] =	vst v5  }
0x134: {  	v0 =	vshll.u32 v0, $0x10;
	v1 =	vand.u32 $0xFFFF0000, v1;
	v5 =	vld [tilespmem:s29+$0x164C0]  }
0x135: {  	v6 =	vadd.f32 v9, v6;
	v2 =	vshll.u32 v2, $0x10;
	v0 =	vadd.f32 v1, v0;
	v8 =	vld [tilespmem:s29+$0x13C90]  }
0x136: {  	v3 =	vand.u32 $0xFFFF0000, v3;
	v4 =	vshll.u32 v4, $0x10;
	v13 =	vld [tilespmem:s29+$0x164A0];
	v9 =	vand.u32 $0xFFFF0000, v11  }
0x137: {  	v6 =	vadd.s32 $0x8000, v6;
	v2 =	vadd.f32 v3, v2;
	v11 =	vld [tilespmem:s29+$0x16490];
	v3 =	vadd.f32 v9, v4  }
0x138: {  	v6 =	vshrl.u32 v6, $0x10;
	v0 =	vadd.s32 $0x8000, v0;
	v4 =	vld [tilespmem:s29+$0x13CD0]  }
0x139: {  	v12 =	vshll.u32 v12, $0x10;
	v9 =	vld [tilespmem:s29+$0x164D0];
	v1 =	vadd.s32 $0x8000, v2;
	v2 =	vadd.s32 $0x8000, v3  }
0x13a: {  	v0 =	vand.u32 $0xFFFF0000, v0;
	v1 =	vshrl.u32 v1, $0x10;
	v3 =	vld [tilespmem:s29+$0x13CA0];
	v2 =	vand.u32 $0xFFFF0000, v2  }
0x13b: {  	v0 =	vor.u32 v6, v0;
	v7 =	vshll.u32 v7, $0x10;
	v1 =	vor.u32 v1, v2;
	v2 =	vld [tilespmem:s29+$0x13CE0]  }
0x13c: {  	v5 =	vand.u32 $0xFFFF0000, v5;
	v8 =	vshll.u32 v8, $0x10;
	[tilespmem:s29+$0x18CB0] =	vst v1;
	v1 =	vand.u32 $0xFFFF0000, v10;
	v10 =	vld [tilespmem:s29+$0x164E0]  }
0x13d: {  	v5 =	vadd.f32 v5, v7;
	v7 =	vand.u32 $0xFFFF0000, v11;
	v4 =	vshll.u32 v4, $0x10  }
0x13e: {  	v6 =	vadd.f32 v7, v8;
	v7 =	vand.u32 $0xFFFF0000, v9;
	v1 =	vadd.f32 v1, v12  }
0x13f: {  	v5 =	vadd.s32 $0x8000, v5;
	v4 =	vadd.f32 v7, v4;
	v7 =	vand.u32 $0xFFFF0000, v13  }
0x140: {  	v6 =	vadd.s32 $0x8000, v6;
	v3 =	vshll.u32 v3, $0x10;
	v5 =	vand.u32 $0xFFFF0000, v5  }
0x141: {  	v1 =	vadd.s32 $0x8000, v1;
	v2 =	vshll.u32 v2, $0x10;
	v8 =	vand.u32 $0xFFFF0000, v10  }
0x142: {  	v3 =	vadd.f32 v7, v3;
	v4 =	vadd.s32 $0x8000, v4;
	v2 =	vadd.f32 v8, v2  }
0x143: {  	[tilespmem:s23+$0x18CA0] =	vst v0;
	v6 =	vshrl.u32 v6, $0x10;
	v1 =	vshrl.u32 v1, $0x10;
	v0 =	vand.u32 $0xFFFF0000, v4  }
0x144: {  	s20 =	rddreg [dreg:$0x17];
	v1 =	vor.u32 v1, v5;
	v3 =	vadd.s32 $0x8000, v3;
	v2 =	vadd.s32 $0x8000, v2  }
0x145: {  	s20 =	sadd.s32 s20, s18;
	v0 =	vor.u32 v6, v0;
	[tilespmem:s29+$0x18C80] =	vst v1;
	v1 =	vshrl.u32 v3, $0x10;
	v2 =	vand.u32 $0xFFFF0000, v2  }
0x146: {  	s23 =	sshll.u32 s20, $0x4;
	[tilespmem:s29+$0x18C90] =	vst v0;
	v0 =	vor.u32 v1, v2  }
0x147: {  	s20 =	simm.s32 $0x18C80;
	s23 =	sadd.s32 s6, s23;
	[tilespmem:s29+$0x18CA0] =	vst v0  }
0x148: {  	[hbm4b:s23+s3] =	stream.linear.scatter [tilespmem:s20], [sflag:$0x5], $0x1400, $0x38;
	[tilespmem:$0x1B480] =	vst v63  }
0x149: {  	_ =	swait.ge [sflag:s14], $0x80  }
0x14a: {  	[sflag:s14] =	ssyncset.done $0x0  }
0x14b: {  	[sflag:s14] =	ssyncadd.s32 $0xFFFFFF80  }
0x14c: {  	_ =	swait.ge [sflag:s15], $0x80  }
0x14d: {  	[sflag:s15] =	ssyncset.done $0x0  }
0x14e: {  	s23 =	simm.s32 $0x13C80;
	[sflag:s15] =	ssyncadd.s32 $0xFFFFFF80  }
0x14f: {  	[tilespmem:s23], [sflag:$0x1] =	stream.indirect.gather [spmem:s2], $0x80, s31, s16, $0xb8;
	[tilespmem:$0x1B480] =	vst v63  }
0x150: {  	p1 =	seq.s32 s17, $0x3D;
	s23 =	simm.s32 $0x16480  }
0x151: {  	[tilespmem:s23], [sflag:$0x3] =	stream.indirect.gather [spmem:s2], $0x80, s0, s16, $0xb8;
	[tilespmem:$0x1B480] =	vst v63  }
0x152: {  	s23 =	sadd.s32 @!p1 $0x300, s22  }
0x153: {  	s29 =	sand.u32 @!p1 $0xFC00, s23  }
0x154: {  	s23 =	sand.u32 @!p1 $0x300, s23;
	s29 =	sadd.s32 @!p1 s11, s29  }
0x155: {  	s23 =	sor.u32 @!p1 s23, s29  }
0x156: {  	s23 =	sshrl.u32 @!p1 s23, $0x3  }
0x157: {  	s30 =	simm.s32 @!p1 $0x0;
	s20 =	simm.s32 @!p1 $0x13980;
	s29 =	sadd.s32 @!p1 s1, s23  }
0x158: {  	[tilespmem:s20], [sflag:$0x9] =	stream.linear.gather @!p1 [hbm4b:s29+s30], $0x80, $0x38;
	[tilespmem:$0x1B480] =	vst v63  }
0x159: {  	s20 =	sadd.s32 @!p1 s5, s23;
	s23 =	simm.s32 @!p1 $0x13B80  }
0x15a: {  	[tilespmem:s23], [sflag:$0xD] =	stream.linear.gather @!p1 [hbm4b:s20+s30], $0x80, $0x38;
	[tilespmem:$0x1B480] =	vst v63  }
0x15b: {  	_ =	swait.ge [sflag:s10], $0x1400  }
0x15c: {  	[sflag:s10] =	ssyncset.done $0x0  }
0x15d: {  	[sflag:s10] =	ssyncadd.s32 $0xFFFFEC00  }
0x15e: {  	_ =	swait.ge [sflag:s7], $0x1400  }
0x15f: {  	[sflag:s7] =	ssyncset.done $0x0  }
0x160: {  	[sflag:s7] =	ssyncadd.s32 $0xFFFFEC00  }
0x161: {  	_ =	swait.ge [sflag:s13], $0x1400  }
0x162: {  	[sflag:s13] =	ssyncset.done $0x0  }
0x163: {  	s23 =	simm.s32 $0x0;
	[sflag:s13] =	ssyncadd.s32 $0xFFFFEC00  }
0x164: {  	v0 =	vld [tilespmem:s23+$0x150B0]  }
0x165: {  	v1 =	vld [tilespmem:s23+$0x178B0]  }
0x166: {  	v2 =	vld [tilespmem:s23+$0x150F0]  }
0x167: {  	v3 =	vld [tilespmem:s23+$0x178F0]  }
0x168: {  	v4 =	vld [tilespmem:s23+$0x15080]  }
0x169: {  	v5 =	vld [tilespmem:s23+$0x17880]  }
0x16a: {  	v6 =	vld [tilespmem:s23+$0x150C0]  }
0x16b: {  	v7 =	vld [tilespmem:s23+$0x178C0]  }
0x16c: {  	v8 =	vld [tilespmem:s23+$0x15090]  }
0x16d: {  	v9 =	vld [tilespmem:s23+$0x17890];
	v0 =	vshll.u32 v0, $0x10  }
0x16e: {  	v10 =	vld [tilespmem:s23+$0x150A0];
	v1 =	vand.u32 $0xFFFF0000, v1;
	v2 =	vshll.u32 v2, $0x10;
	v3 =	vand.u32 $0xFFFF0000, v3  }
0x16f: {  	v5 =	vand.u32 $0xFFFF0000, v5;
	v0 =	vadd.f32 v1, v0;
	v1 =	vadd.f32 v3, v2;
	v2 =	vld [tilespmem:s23+$0x150D0]  }
0x170: {  	v6 =	vshll.u32 v6, $0x10;
	v7 =	vand.u32 $0xFFFF0000, v7;
	v3 =	vshll.u32 v4, $0x10;
	v4 =	vld [tilespmem:s23+$0x178D0]  }
0x171: {  	v6 =	vadd.f32 v7, v6;
	v0 =	vadd.s32 $0x8000, v0;
	v1 =	vadd.s32 $0x8000, v1  }
0x172: {  	v11 =	vld [tilespmem:s23+$0x178A0];
	v7 =	vand.u32 $0xFFFF0000, v9;
	v0 =	vshrl.u32 v0, $0x10;
	v1 =	vand.u32 $0xFFFF0000, v1  }
0x173: {  	v3 =	vadd.f32 v5, v3;
	v5 =	vshll.u32 v8, $0x10;
	v1 =	vor.u32 v0, v1;
	v0 =	vld [tilespmem:s23+$0x150E0]  }
0x174: {  	s29 =	simm.s32 $0x80;
	v7 =	vadd.f32 v7, v5;
	v9 =	vadd.s32 $0x8000, v6;
	v6 =	vshll.u32 v10, $0x10;
	[tilespmem:s23+$0x1A0B0] =	vst v1;
	v1 =	vld [tilespmem:s23+$0x178E0]  }
0x175: {  	v3 =	vadd.s32 $0x8000, v3;
	v8 =	vshll.u32 v2, $0x10;
	v4 =	vand.u32 $0xFFFF0000, v4;
	v2 =	vld [tilespmem:s29+$0x150B0]  }
0x176: {  	v5 =	vshrl.u32 v3, $0x10;
	v7 =	vadd.s32 $0x8000, v7;
	v3 =	vld [tilespmem:s29+$0x178B0];
	v8 =	vadd.f32 v4, v8  }
0x177: {  	s30 =	simm.s32 $0x400;
	v10 =	vand.u32 $0xFFFF0000, v9;
	v9 =	vand.u32 $0xFFFF0000, v11;
	v7 =	vshrl.u32 v7, $0x10;
	v4 =	vld [tilespmem:s29+$0x150F0]  }
.LBB2_9:
0x178: {  	p2 =	sne.s32 s30, $0x4E00;
	v11 =	vld [tilespmem:s29+$0x178F0];
	v8 =	vadd.s32 $0x8000, v8;
	v0 =	vshll.u32 v0, $0x10;
	v6 =	vadd.f32 v9, v6  }
0x179: {  	v5 =	vor.u32 v5, v10;
	v9 =	vld [tilespmem:s29+$0x15080];
	v8 =	vand.u32 $0xFFFF0000, v8;
	v1 =	vand.u32 $0xFFFF0000, v1  }
0x17a: {  	v10 =	vld [tilespmem:s29+$0x17880];
	[tilespmem:s23+$0x1A080] =	vst v5;
	v5 =	vor.u32 v7, v8;
	v6 =	vadd.s32 $0x8000, v6;
	v0 =	vadd.f32 v1, v0  }
0x17b: {  	v1 =	vld [tilespmem:s29+$0x150C0];
	[tilespmem:s23+$0x1A090] =	vst v5;
	v5 =	vshrl.u32 v6, $0x10  }
0x17c: {  	v2 =	vshll.u32 v2, $0x10;
	v6 =	vld [tilespmem:s29+$0x178C0];
	v0 =	vadd.s32 $0x8000, v0  }
0x17d: {  	v3 =	vand.u32 $0xFFFF0000, v3;
	v4 =	vshll.u32 v4, $0x10;
	v7 =	vld [tilespmem:s29+$0x15090];
	v8 =	vand.u32 $0xFFFF0000, v11  }
0x17e: {  	v2 =	vadd.f32 v3, v2;
	v9 =	vshll.u32 v9, $0x10;
	v11 =	vld [tilespmem:s29+$0x17890];
	v3 =	vadd.f32 v8, v4  }
0x17f: {  	v4 =	vand.u32 $0xFFFF0000, v10;
	v8 =	vld [tilespmem:s29+$0x150D0];
	v10 =	vand.u32 $0xFFFF0000, v0  }
0x180: {  	v0 =	vshll.u32 v1, $0x10;
	v12 =	vld [tilespmem:s29+$0x178D0];
	v1 =	vadd.s32 $0x8000, v2;
	v2 =	vadd.s32 $0x8000, v3  }
0x181: {  	v3 =	vand.u32 $0xFFFF0000, v6;
	v6 =	vld [tilespmem:s29+$0x150A0];
	v1 =	vshrl.u32 v1, $0x10;
	v2 =	vand.u32 $0xFFFF0000, v2  }
0x182: {  	v4 =	vadd.f32 v4, v9;
	v7 =	vshll.u32 v7, $0x10;
	v9 =	vld [tilespmem:s29+$0x178A0];
	v1 =	vor.u32 v1, v2  }
.Ltmp3:
0x183: {  	v5 =	vor.u32 v5, v10;
	v3 =	vadd.f32 v3, v0;
	v2 =	vand.u32 $0xFFFF0000, v11;
	v0 =	vld [tilespmem:s29+$0x150E0];
	[tilespmem:s29+$0x1A0B0] =	vst v1;
	(pc) =	sbr.rel @p2 .LBB2_9-.Ltmp3, $4  }
0x184: {  	v4 =	vadd.s32 $0x8000, v4;
	v8 =	vshll.u32 v8, $0x10;
	v7 =	vadd.f32 v2, v7;
	v1 =	vld [tilespmem:s29+$0x178E0];
	[tilespmem:s23+$0x1A0A0] =	vst v5;
	s23 =	smov.u32 s29;
	s29 =	sshra.s32 s30, $0x2  }
0x185: {  	v5 =	vshrl.u32 v4, $0x10;
	v10 =	vadd.s32 $0x8000, v3;
	v2 =	vld [tilespmem:s29+$0x150B0];
	v4 =	vand.u32 $0xFFFF0000, v12  }
0x186: {  	v3 =	vld [tilespmem:s29+$0x178B0];
	v7 =	vadd.s32 $0x8000, v7;
	v8 =	vadd.f32 v4, v8;
	v6 =	vshll.u32 v6, $0x10  }
0x187: {  	s30 =	sadd.s32 $0x200, s30;
	v10 =	vand.u32 $0xFFFF0000, v10;
	v4 =	vld [tilespmem:s29+$0x150F0];
	v7 =	vshrl.u32 v7, $0x10;
	v9 =	vand.u32 $0xFFFF0000, v9  }
0x188: {  	v11 =	vld [tilespmem:s29+$0x178F0];
	v8 =	vadd.s32 $0x8000, v8  }
0x189: {  	v12 =	vld [tilespmem:s29+$0x15080];
	v5 =	vor.u32 v5, v10;
	v8 =	vand.u32 $0xFFFF0000, v8  }
0x18a: {  	v41 =	vld [tilespmem:s29+$0x17880];
	[tilespmem:s23+$0x1A080] =	vst v5;
	v42 =	vor.u32 v7, v8  }
0x18b: {  	v43 =	vld [tilespmem:s29+$0x150C0];
	[tilespmem:s23+$0x1A090] =	vst v42  }
0x18c: {  	v5 =	vld [tilespmem:s29+$0x178C0]  }
0x18d: {  	v44 =	vld [tilespmem:s29+$0x15090]  }
0x18e: {  	v6 =	vadd.f32 v9, v6;
	v46 =	vld [tilespmem:s29+$0x17890]  }
0x18f: {  	v0 =	vshll.u32 v0, $0x10;
	v1 =	vand.u32 $0xFFFF0000, v1;
	v2 =	vshll.u32 v2, $0x10;
	v48 =	vld [tilespmem:s29+$0x150D0]  }
0x190: {  	v6 =	vadd.s32 $0x8000, v6;
	v0 =	vadd.f32 v1, v0;
	v3 =	vand.u32 $0xFFFF0000, v3;
	v49 =	vld [tilespmem:s29+$0x178D0]  }
0x191: {  	v6 =	vshrl.u32 v6, $0x10;
	v4 =	vshll.u32 v4, $0x10;
	v52 =	vld [tilespmem:s29+$0x150A0];
	v45 =	vand.u32 $0xFFFF0000, v11  }
0x192: {  	v2 =	vadd.f32 v3, v2;
	v13 =	vld [tilespmem:s29+$0x178A0];
	v0 =	vadd.s32 $0x8000, v0;
	v47 =	vadd.f32 v45, v4  }
0x193: {  	v55 =	vld [tilespmem:s29+$0x178E0];
	v12 =	vshll.u32 v12, $0x10;
	v54 =	vand.u32 $0xFFFF0000, v41;
	v0 =	vand.u32 $0xFFFF0000, v0  }
0x194: {  	v50 =	vadd.s32 $0x8000, v2;
	v0 =	vor.u32 v6, v0;
	v51 =	vadd.s32 $0x8000, v47  }
0x195: {  	v53 =	vld [tilespmem:s29+$0x150E0];
	v1 =	vshrl.u32 v50, $0x10;
	v7 =	vshll.u32 v43, $0x10;
	v2 =	vand.u32 $0xFFFF0000, v51  }
0x196: {  	v5 =	vand.u32 $0xFFFF0000, v5;
	v8 =	vshll.u32 v44, $0x10;
	v56 =	vand.u32 $0xFFFF0000, v46  }
0x197: {  	v4 =	vshll.u32 v48, $0x10;
	v58 =	vand.u32 $0xFFFF0000, v49;
	v3 =	vshll.u32 v52, $0x10  }
0x198: {  	v59 =	vand.u32 $0xFFFF0000, v13;
	v60 =	vand.u32 $0xFFFF0000, v55;
	v5 =	vadd.f32 v5, v7  }
0x199: {  	v1 =	vor.u32 v1, v2;
	v57 =	vadd.f32 v56, v8;
	v4 =	vadd.f32 v58, v4  }
0x19a: {  	v2 =	vshll.u32 v53, $0x10;
	v3 =	vadd.f32 v59, v3;
	[tilespmem:s29+$0x1A0B0] =	vst v1;
	v1 =	vadd.f32 v54, v12  }
0x19b: {  	v2 =	vadd.f32 v60, v2;
	v5 =	vadd.s32 $0x8000, v5;
	v6 =	vadd.s32 $0x8000, v57  }
0x19c: {  	v4 =	vadd.s32 $0x8000, v4;
	v3 =	vadd.s32 $0x8000, v3;
	v1 =	vadd.s32 $0x8000, v1  }
0x19d: {  	v5 =	vand.u32 $0xFFFF0000, v5;
	v6 =	vshrl.u32 v6, $0x10;
	v61 =	vand.u32 $0xFFFF0000, v4  }
0x19e: {  	s20 =	rddreg [dreg:$0x18];
	[tilespmem:s23+$0x1A0A0] =	vst v0;
	v2 =	vadd.s32 $0x8000, v2;
	v1 =	vshrl.u32 v1, $0x10;
	v0 =	vor.u32 v6, v61  }
0x19f: {  	s18 =	sadd.s32 s20, s18;
	v62 =	vshrl.u32 v3, $0x10;
	v2 =	vand.u32 $0xFFFF0000, v2;
	v1 =	vor.u32 v1, v5;
	[tilespmem:s29+$0x1A090] =	vst v0  }
0x1a0: {  	s18 =	sshll.u32 s18, $0x4;
	v63 =	vor.u32 v62, v2;
	[tilespmem:s29+$0x1A080] =	vst v1  }
0x1a1: {  	s18 =	sadd.s32 s6, s18;
	s23 =	simm.s32 $0x1A080;
	[tilespmem:s29+$0x1A0A0] =	vst v63  }
0x1a2: {  	[hbm4b:s18+s3] =	stream.linear.scatter [tilespmem:s23], [sflag:$0x6], $0x1400, $0x38;
	[tilespmem:$0x1B480] =	vst v63  }
0x1a3: {  	_ =	swait.ge [sflag:s19], $0x80  }
0x1a4: {  	[sflag:s19] =	ssyncset.done $0x0  }
0x1a5: {  	[sflag:s19] =	ssyncadd.s32 $0xFFFFFF80  }
0x1a6: {  	_ =	swait.ge [sflag:s21], $0x80  }
.Ltmp4:
0x1a7: {  	[sflag:s21] =	ssyncset.done $0x0;
	(pc) =	sbr.rel @p1 .LBB2_12-.Ltmp4, $4  }
0x1a8: {  	s29 =	simm.s32 $0x15080;
	[sflag:s21] =	ssyncadd.s32 $0xFFFFFF80  }
0x1a9: {  	[tilespmem:s29], [sflag:$0x2] =	stream.indirect.gather [spmem:s2], $0x80, s4, s16, $0xb8;
	[tilespmem:$0x1B480] =	vst v63  }
0x1aa: {  	s30 =	simm.s32 $0x17880  }
0x1ab: {  	[tilespmem:s30], [sflag:$0x4] =	stream.indirect.gather [spmem:s2], $0x80, s9, s16, $0xb8;
	[tilespmem:$0x1B480] =	vst v63  }
0x1ac: {  	s18 =	sadd.s32 $0x380, s22  }
0x1ad: {  	s20 =	sand.u32 $0xFC00, s18  }
0x1ae: {  	s18 =	sand.u32 $0x380, s18;
	s20 =	sadd.s32 s11, s20  }
0x1af: {  	s18 =	sor.u32 s18, s20  }
.Ltmp5:
0x1b0: {  	s18 =	sshrl.u32 s18, $0x3;
	(pc) =	sbr.rel .LBB2_2-.Ltmp5, $4  }
0x1b1: {  	s29 =	simm.s32 $0x13A00;
	s23 =	sadd.s32 s1, s18  }
0x1b2: {  	[tilespmem:s29], [sflag:$0xA] =	stream.linear.gather [hbm4b:s23+s3], $0x80, $0x38;
	[tilespmem:$0x1B480] =	vst v63  }
0x1b3: {  	s30 =	simm.s32 $0x13C00;
	s17 =	sadd.s32 $0x1, s17;
	s18 =	sadd.s32 s5, s18  }
0x1b4: {  	[tilespmem:s30], [sflag:$0xE] =	stream.linear.gather [hbm4b:s18+s3], $0x80, $0x38;
	[tilespmem:$0x1B480] =	vst v63  }
.LBB2_12:
0x1b5: {  	_ =	swait.ge [sflag:s24], $0x1400  }
0x1b6: {  	[sflag:s24] =	ssyncset.done $0x0  }
0x1b7: {  	[sflag:s24] =	ssyncadd.s32 $0xFFFFEC00  }
0x1b8: {  	_ =	swait.ge [sflag:s25], $0x1400  }
0x1b9: {  	[sflag:s25] =	ssyncset.done $0x0  }
0x1ba: {  	[sflag:s25] =	ssyncadd.s32 $0xFFFFEC00  }
0x1bb: {  	_ =	swait.ge [sflag:s12], $0x1400  }
0x1bc: {  	[sflag:s12] =	ssyncset.done $0x0  }
0x1bd: {  	s17 =	simm.s32 $0x0;
	[sflag:s12] =	ssyncadd.s32 $0xFFFFEC00  }
0x1be: {  	v0 =	vld [tilespmem:s17+$0x13CB0]  }
0x1bf: {  	v1 =	vld [tilespmem:s17+$0x164B0]  }
0x1c0: {  	v2 =	vld [tilespmem:s17+$0x13CF0]  }
0x1c1: {  	v3 =	vld [tilespmem:s17+$0x164F0]  }
0x1c2: {  	v4 =	vld [tilespmem:s17+$0x13C80]  }
0x1c3: {  	v5 =	vld [tilespmem:s17+$0x16480]  }
0x1c4: {  	v6 =	vld [tilespmem:s17+$0x13CC0]  }
0x1c5: {  	v7 =	vld [tilespmem:s17+$0x164C0]  }
0x1c6: {  	v8 =	vld [tilespmem:s17+$0x13C90]  }
0x1c7: {  	v0 =	vshll.u32 v0, $0x10;
	v1 =	vand.u32 $0xFFFF0000, v1  }
0x1c8: {  	v9 =	vld [tilespmem:s17+$0x16490];
	v2 =	vshll.u32 v2, $0x10;
	v3 =	vand.u32 $0xFFFF0000, v3;
	v5 =	vand.u32 $0xFFFF0000, v5  }
0x1c9: {  	v0 =	vadd.f32 v1, v0;
	v1 =	vadd.f32 v3, v2;
	v2 =	vld [tilespmem:s17+$0x13CD0];
	v3 =	vshll.u32 v4, $0x10  }
0x1ca: {  	v4 =	vld [tilespmem:s17+$0x164D0];
	v3 =	vadd.f32 v5, v3;
	v5 =	vshll.u32 v6, $0x10;
	v6 =	vand.u32 $0xFFFF0000, v7  }
0x1cb: {  	v10 =	vld [tilespmem:s17+$0x13CA0];
	v7 =	vshll.u32 v8, $0x10;
	v0 =	vadd.s32 $0x8000, v0;
	v1 =	vadd.s32 $0x8000, v1  }
0x1cc: {  	v11 =	vld [tilespmem:s17+$0x164A0];
	v6 =	vadd.f32 v6, v5;
	v0 =	vshrl.u32 v0, $0x10;
	v1 =	vand.u32 $0xFFFF0000, v1  }
0x1cd: {  	v5 =	vand.u32 $0xFFFF0000, v9;
	v3 =	vadd.s32 $0x8000, v3;
	v1 =	vor.u32 v0, v1;
	v0 =	vld [tilespmem:s17+$0x13CE0]  }
0x1ce: {  	s18 =	simm.s32 $0x80;
	v7 =	vadd.f32 v5, v7;
	v5 =	vshrl.u32 v3, $0x10;
	[tilespmem:s17+$0x18CB0] =	vst v1;
	v1 =	vld [tilespmem:s17+$0x164E0]  }
0x1cf: {  	v9 =	vadd.s32 $0x8000, v6;
	v8 =	vshll.u32 v2, $0x10;
	v4 =	vand.u32 $0xFFFF0000, v4;
	v2 =	vld [tilespmem:s18+$0x13CB0]  }
0x1d0: {  	v6 =	vshll.u32 v10, $0x10;
	v7 =	vadd.s32 $0x8000, v7;
	v3 =	vld [tilespmem:s18+$0x164B0];
	v8 =	vadd.f32 v4, v8  }
0x1d1: {  	s22 =	simm.s32 $0x400;
	v10 =	vand.u32 $0xFFFF0000, v9;
	v9 =	vand.u32 $0xFFFF0000, v11;
	v4 =	vld [tilespmem:s18+$0x13CF0];
	v7 =	vshrl.u32 v7, $0x10  }
.LBB2_13:
0x1d2: {  	p1 =	sne.s32 s22, $0x4E00;
	v11 =	vld [tilespmem:s18+$0x164F0];
	v8 =	vadd.s32 $0x8000, v8;
	v0 =	vshll.u32 v0, $0x10;
	v6 =	vadd.f32 v9, v6  }
0x1d3: {  	v5 =	vor.u32 v5, v10;
	v9 =	vld [tilespmem:s18+$0x13C80];
	v8 =	vand.u32 $0xFFFF0000, v8;
	v1 =	vand.u32 $0xFFFF0000, v1  }
0x1d4: {  	v10 =	vld [tilespmem:s18+$0x16480];
	[tilespmem:s17+$0x18C80] =	vst v5;
	v5 =	vor.u32 v7, v8;
	v6 =	vadd.s32 $0x8000, v6;
	v0 =	vadd.f32 v1, v0  }
0x1d5: {  	v1 =	vld [tilespmem:s18+$0x13CC0];
	[tilespmem:s17+$0x18C90] =	vst v5;
	v5 =	vshrl.u32 v6, $0x10  }
0x1d6: {  	v2 =	vshll.u32 v2, $0x10;
	v6 =	vld [tilespmem:s18+$0x164C0];
	v0 =	vadd.s32 $0x8000, v0  }
0x1d7: {  	v3 =	vand.u32 $0xFFFF0000, v3;
	v4 =	vshll.u32 v4, $0x10;
	v7 =	vld [tilespmem:s18+$0x13C90];
	v8 =	vand.u32 $0xFFFF0000, v11  }
0x1d8: {  	v2 =	vadd.f32 v3, v2;
	v9 =	vshll.u32 v9, $0x10;
	v11 =	vld [tilespmem:s18+$0x16490];
	v3 =	vadd.f32 v8, v4  }
0x1d9: {  	v4 =	vand.u32 $0xFFFF0000, v10;
	v8 =	vld [tilespmem:s18+$0x13CD0];
	v10 =	vand.u32 $0xFFFF0000, v0  }
0x1da: {  	v0 =	vshll.u32 v1, $0x10;
	v12 =	vld [tilespmem:s18+$0x164D0];
	v1 =	vadd.s32 $0x8000, v2;
	v2 =	vadd.s32 $0x8000, v3  }
0x1db: {  	v3 =	vand.u32 $0xFFFF0000, v6;
	v6 =	vld [tilespmem:s18+$0x13CA0];
	v1 =	vshrl.u32 v1, $0x10;
	v2 =	vand.u32 $0xFFFF0000, v2  }
0x1dc: {  	v4 =	vadd.f32 v4, v9;
	v7 =	vshll.u32 v7, $0x10;
	v9 =	vld [tilespmem:s18+$0x164A0];
	v1 =	vor.u32 v1, v2  }
.Ltmp6:
0x1dd: {  	v5 =	vor.u32 v5, v10;
	v3 =	vadd.f32 v3, v0;
	v2 =	vand.u32 $0xFFFF0000, v11;
	v0 =	vld [tilespmem:s18+$0x13CE0];
	[tilespmem:s18+$0x18CB0] =	vst v1;
	(pc) =	sbr.rel @p1 .LBB2_13-.Ltmp6, $4  }
0x1de: {  	v4 =	vadd.s32 $0x8000, v4;
	v8 =	vshll.u32 v8, $0x10;
	v7 =	vadd.f32 v2, v7;
	v1 =	vld [tilespmem:s18+$0x164E0];
	[tilespmem:s17+$0x18CA0] =	vst v5;
	s17 =	smov.u32 s18;
	s18 =	sshra.s32 s22, $0x2  }
0x1df: {  	v5 =	vshrl.u32 v4, $0x10;
	v10 =	vadd.s32 $0x8000, v3;
	v2 =	vld [tilespmem:s18+$0x13CB0];
	v4 =	vand.u32 $0xFFFF0000, v12  }
0x1e0: {  	v3 =	vld [tilespmem:s18+$0x164B0];
	v7 =	vadd.s32 $0x8000, v7;
	v8 =	vadd.f32 v4, v8;
	v6 =	vshll.u32 v6, $0x10  }
0x1e1: {  	s22 =	sadd.s32 $0x200, s22;
	v10 =	vand.u32 $0xFFFF0000, v10;
	v4 =	vld [tilespmem:s18+$0x13CF0];
	v7 =	vshrl.u32 v7, $0x10;
	v9 =	vand.u32 $0xFFFF0000, v9  }
0x1e2: {  	v11 =	vld [tilespmem:s18+$0x164F0];
	v8 =	vadd.s32 $0x8000, v8  }
0x1e3: {  	v12 =	vld [tilespmem:s18+$0x13C80];
	v5 =	vor.u32 v5, v10;
	v8 =	vand.u32 $0xFFFF0000, v8  }
0x1e4: {  	v10 =	vld [tilespmem:s18+$0x16480];
	[tilespmem:s17+$0x18C80] =	vst v5;
	v5 =	vor.u32 v7, v8  }
0x1e5: {  	v7 =	vld [tilespmem:s18+$0x13CC0];
	[tilespmem:s17+$0x18C90] =	vst v5  }
0x1e6: {  	v0 =	vshll.u32 v0, $0x10;
	v1 =	vand.u32 $0xFFFF0000, v1;
	v5 =	vld [tilespmem:s18+$0x164C0]  }
0x1e7: {  	v6 =	vadd.f32 v9, v6;
	v2 =	vshll.u32 v2, $0x10;
	v0 =	vadd.f32 v1, v0;
	v8 =	vld [tilespmem:s18+$0x13C90]  }
0x1e8: {  	v3 =	vand.u32 $0xFFFF0000, v3;
	v4 =	vshll.u32 v4, $0x10;
	v13 =	vld [tilespmem:s18+$0x164A0];
	v9 =	vand.u32 $0xFFFF0000, v11  }
0x1e9: {  	v6 =	vadd.s32 $0x8000, v6;
	v2 =	vadd.f32 v3, v2;
	v11 =	vld [tilespmem:s18+$0x16490];
	v3 =	vadd.f32 v9, v4  }
0x1ea: {  	v6 =	vshrl.u32 v6, $0x10;
	v0 =	vadd.s32 $0x8000, v0;
	v4 =	vld [tilespmem:s18+$0x13CD0]  }
0x1eb: {  	v12 =	vshll.u32 v12, $0x10;
	v9 =	vld [tilespmem:s18+$0x164D0];
	v1 =	vadd.s32 $0x8000, v2;
	v2 =	vadd.s32 $0x8000, v3  }
0x1ec: {  	v0 =	vand.u32 $0xFFFF0000, v0;
	v1 =	vshrl.u32 v1, $0x10;
	v3 =	vld [tilespmem:s18+$0x13CA0];
	v2 =	vand.u32 $0xFFFF0000, v2  }
0x1ed: {  	v0 =	vor.u32 v6, v0;
	v7 =	vshll.u32 v7, $0x10;
	v1 =	vor.u32 v1, v2;
	v2 =	vld [tilespmem:s18+$0x13CE0]  }
0x1ee: {  	v5 =	vand.u32 $0xFFFF0000, v5;
	v8 =	vshll.u32 v8, $0x10;
	[tilespmem:s18+$0x18CB0] =	vst v1;
	v1 =	vand.u32 $0xFFFF0000, v10;
	v10 =	vld [tilespmem:s18+$0x164E0]  }
0x1ef: {  	v5 =	vadd.f32 v5, v7;
	v7 =	vand.u32 $0xFFFF0000, v11;
	v4 =	vshll.u32 v4, $0x10  }
0x1f0: {  	v6 =	vadd.f32 v7, v8;
	v7 =	vand.u32 $0xFFFF0000, v9;
	v1 =	vadd.f32 v1, v12  }
0x1f1: {  	v5 =	vadd.s32 $0x8000, v5;
	v4 =	vadd.f32 v7, v4;
	v7 =	vand.u32 $0xFFFF0000, v13  }
0x1f2: {  	v6 =	vadd.s32 $0x8000, v6;
	v3 =	vshll.u32 v3, $0x10;
	v5 =	vand.u32 $0xFFFF0000, v5  }
0x1f3: {  	v1 =	vadd.s32 $0x8000, v1;
	v2 =	vshll.u32 v2, $0x10;
	v8 =	vand.u32 $0xFFFF0000, v10  }
0x1f4: {  	v3 =	vadd.f32 v7, v3;
	v4 =	vadd.s32 $0x8000, v4;
	v2 =	vadd.f32 v8, v2  }
0x1f5: {  	[tilespmem:s17+$0x18CA0] =	vst v0;
	v6 =	vshrl.u32 v6, $0x10;
	v1 =	vshrl.u32 v1, $0x10;
	v0 =	vand.u32 $0xFFFF0000, v4  }
0x1f6: {  	v1 =	vor.u32 v1, v5;
	v3 =	vadd.s32 $0x8000, v3;
	v2 =	vadd.s32 $0x8000, v2  }
0x1f7: {  	v0 =	vor.u32 v6, v0;
	[tilespmem:s18+$0x18C80] =	vst v1;
	v1 =	vshrl.u32 v3, $0x10;
	v2 =	vand.u32 $0xFFFF0000, v2  }
0x1f8: {  	[tilespmem:s18+$0x18C90] =	vst v0;
	v0 =	vor.u32 v1, v2  }
0x1f9: {  	s29 =	simm.s32 $0x0;
	s30 =	rddreg [dreg:$0x12];
	s0 =	simm.s32 $0x18C80;
	[tilespmem:s18+$0x18CA0] =	vst v0  }
0x1fa: {  	[hbm4b:s30+s29] =	stream.linear.scatter [tilespmem:s0], [sflag:$0x5], $0x1400, $0x38;
	[tilespmem:$0x1B480] =	vst v63  }
0x1fb: {  	_ =	swait.ge [sflag:s10], $0x1400  }
0x1fc: {  	[sflag:s10] =	ssyncset.done $0x0  }
0x1fd: {  	[sflag:s10] =	ssyncadd.s32 $0xFFFFEC00  }
0x1fe: {  	_ =	swait.ge [sflag:s7], $0x1400  }
0x1ff: {  	[sflag:s7] =	ssyncset.done $0x0  }
0x200: {  	[sflag:s7] =	ssyncadd.s32 $0xFFFFEC00  }
0x201: {  	_ =	swait.ge [sflag:s13], $0x1400  }
0x202: {  	[sflag:s13] =	ssyncset.done $0x0  }
0x203: {  	s17 =	simm.s32 $0x0;
	[sflag:s13] =	ssyncadd.s32 $0xFFFFEC00  }
0x204: {  	v0 =	vld [tilespmem:s17+$0x150B0]  }
0x205: {  	v1 =	vld [tilespmem:s17+$0x178B0]  }
0x206: {  	v2 =	vld [tilespmem:s17+$0x150F0]  }
0x207: {  	v3 =	vld [tilespmem:s17+$0x178F0]  }
0x208: {  	v4 =	vld [tilespmem:s17+$0x15080]  }
0x209: {  	v5 =	vld [tilespmem:s17+$0x17880]  }
0x20a: {  	v6 =	vld [tilespmem:s17+$0x150C0]  }
0x20b: {  	v7 =	vld [tilespmem:s17+$0x178C0]  }
0x20c: {  	v8 =	vld [tilespmem:s17+$0x15090]  }
0x20d: {  	v9 =	vld [tilespmem:s17+$0x17890];
	v0 =	vshll.u32 v0, $0x10  }
0x20e: {  	v10 =	vld [tilespmem:s17+$0x150A0];
	v1 =	vand.u32 $0xFFFF0000, v1;
	v2 =	vshll.u32 v2, $0x10;
	v3 =	vand.u32 $0xFFFF0000, v3  }
0x20f: {  	v5 =	vand.u32 $0xFFFF0000, v5;
	v0 =	vadd.f32 v1, v0;
	v1 =	vadd.f32 v3, v2;
	v2 =	vld [tilespmem:s17+$0x150D0]  }
0x210: {  	v6 =	vshll.u32 v6, $0x10;
	v7 =	vand.u32 $0xFFFF0000, v7;
	v3 =	vshll.u32 v4, $0x10;
	v4 =	vld [tilespmem:s17+$0x178D0]  }
0x211: {  	v6 =	vadd.f32 v7, v6;
	v0 =	vadd.s32 $0x8000, v0;
	v1 =	vadd.s32 $0x8000, v1  }
0x212: {  	v11 =	vld [tilespmem:s17+$0x178A0];
	v7 =	vand.u32 $0xFFFF0000, v9;
	v0 =	vshrl.u32 v0, $0x10;
	v1 =	vand.u32 $0xFFFF0000, v1  }
0x213: {  	v3 =	vadd.f32 v5, v3;
	v5 =	vshll.u32 v8, $0x10;
	v1 =	vor.u32 v0, v1;
	v0 =	vld [tilespmem:s17+$0x150E0]  }
0x214: {  	s18 =	simm.s32 $0x80;
	v7 =	vadd.f32 v7, v5;
	v9 =	vadd.s32 $0x8000, v6;
	v6 =	vshll.u32 v10, $0x10;
	[tilespmem:s17+$0x1A0B0] =	vst v1;
	v1 =	vld [tilespmem:s17+$0x178E0]  }
0x215: {  	v3 =	vadd.s32 $0x8000, v3;
	v8 =	vshll.u32 v2, $0x10;
	v4 =	vand.u32 $0xFFFF0000, v4;
	v2 =	vld [tilespmem:s18+$0x150B0]  }
0x216: {  	v5 =	vshrl.u32 v3, $0x10;
	v7 =	vadd.s32 $0x8000, v7;
	v3 =	vld [tilespmem:s18+$0x178B0];
	v8 =	vadd.f32 v4, v8  }
0x217: {  	s22 =	simm.s32 $0x400;
	v10 =	vand.u32 $0xFFFF0000, v9;
	v9 =	vand.u32 $0xFFFF0000, v11;
	v7 =	vshrl.u32 v7, $0x10;
	v4 =	vld [tilespmem:s18+$0x150F0]  }
.LBB2_15:
0x218: {  	p1 =	sne.s32 s22, $0x4E00;
	v11 =	vld [tilespmem:s18+$0x178F0];
	v8 =	vadd.s32 $0x8000, v8;
	v0 =	vshll.u32 v0, $0x10;
	v6 =	vadd.f32 v9, v6  }
0x219: {  	v5 =	vor.u32 v5, v10;
	v9 =	vld [tilespmem:s18+$0x15080];
	v8 =	vand.u32 $0xFFFF0000, v8;
	v1 =	vand.u32 $0xFFFF0000, v1  }
0x21a: {  	v10 =	vld [tilespmem:s18+$0x17880];
	[tilespmem:s17+$0x1A080] =	vst v5;
	v5 =	vor.u32 v7, v8;
	v6 =	vadd.s32 $0x8000, v6;
	v0 =	vadd.f32 v1, v0  }
0x21b: {  	v1 =	vld [tilespmem:s18+$0x150C0];
	[tilespmem:s17+$0x1A090] =	vst v5;
	v5 =	vshrl.u32 v6, $0x10  }
0x21c: {  	v2 =	vshll.u32 v2, $0x10;
	v6 =	vld [tilespmem:s18+$0x178C0];
	v0 =	vadd.s32 $0x8000, v0  }
0x21d: {  	v3 =	vand.u32 $0xFFFF0000, v3;
	v4 =	vshll.u32 v4, $0x10;
	v7 =	vld [tilespmem:s18+$0x15090];
	v8 =	vand.u32 $0xFFFF0000, v11  }
0x21e: {  	v2 =	vadd.f32 v3, v2;
	v9 =	vshll.u32 v9, $0x10;
	v11 =	vld [tilespmem:s18+$0x17890];
	v3 =	vadd.f32 v8, v4  }
0x21f: {  	v4 =	vand.u32 $0xFFFF0000, v10;
	v8 =	vld [tilespmem:s18+$0x150D0];
	v10 =	vand.u32 $0xFFFF0000, v0  }
0x220: {  	v0 =	vshll.u32 v1, $0x10;
	v12 =	vld [tilespmem:s18+$0x178D0];
	v1 =	vadd.s32 $0x8000, v2;
	v2 =	vadd.s32 $0x8000, v3  }
0x221: {  	v3 =	vand.u32 $0xFFFF0000, v6;
	v6 =	vld [tilespmem:s18+$0x150A0];
	v1 =	vshrl.u32 v1, $0x10;
	v2 =	vand.u32 $0xFFFF0000, v2  }
0x222: {  	v4 =	vadd.f32 v4, v9;
	v7 =	vshll.u32 v7, $0x10;
	v9 =	vld [tilespmem:s18+$0x178A0];
	v1 =	vor.u32 v1, v2  }
.Ltmp7:
0x223: {  	v5 =	vor.u32 v5, v10;
	v3 =	vadd.f32 v3, v0;
	v2 =	vand.u32 $0xFFFF0000, v11;
	v0 =	vld [tilespmem:s18+$0x150E0];
	[tilespmem:s18+$0x1A0B0] =	vst v1;
	(pc) =	sbr.rel @p1 .LBB2_15-.Ltmp7, $4  }
0x224: {  	v4 =	vadd.s32 $0x8000, v4;
	v8 =	vshll.u32 v8, $0x10;
	v7 =	vadd.f32 v2, v7;
	v1 =	vld [tilespmem:s18+$0x178E0];
	[tilespmem:s17+$0x1A0A0] =	vst v5;
	s17 =	smov.u32 s18;
	s18 =	sshra.s32 s22, $0x2  }
0x225: {  	v5 =	vshrl.u32 v4, $0x10;
	v10 =	vadd.s32 $0x8000, v3;
	v2 =	vld [tilespmem:s18+$0x150B0];
	v4 =	vand.u32 $0xFFFF0000, v12  }
0x226: {  	v3 =	vld [tilespmem:s18+$0x178B0];
	v7 =	vadd.s32 $0x8000, v7;
	v8 =	vadd.f32 v4, v8;
	v6 =	vshll.u32 v6, $0x10  }
0x227: {  	s22 =	sadd.s32 $0x200, s22;
	v10 =	vand.u32 $0xFFFF0000, v10;
	v4 =	vld [tilespmem:s18+$0x150F0];
	v7 =	vshrl.u32 v7, $0x10;
	v9 =	vand.u32 $0xFFFF0000, v9  }
0x228: {  	v11 =	vld [tilespmem:s18+$0x178F0];
	v8 =	vadd.s32 $0x8000, v8  }
0x229: {  	v12 =	vld [tilespmem:s18+$0x15080];
	v5 =	vor.u32 v5, v10;
	v8 =	vand.u32 $0xFFFF0000, v8  }
0x22a: {  	v41 =	vld [tilespmem:s18+$0x17880];
	[tilespmem:s17+$0x1A080] =	vst v5;
	v42 =	vor.u32 v7, v8  }
0x22b: {  	v43 =	vld [tilespmem:s18+$0x150C0];
	[tilespmem:s17+$0x1A090] =	vst v42  }
0x22c: {  	v5 =	vld [tilespmem:s18+$0x178C0]  }
0x22d: {  	v44 =	vld [tilespmem:s18+$0x15090]  }
0x22e: {  	v6 =	vadd.f32 v9, v6;
	v46 =	vld [tilespmem:s18+$0x17890]  }
0x22f: {  	v0 =	vshll.u32 v0, $0x10;
	v1 =	vand.u32 $0xFFFF0000, v1;
	v2 =	vshll.u32 v2, $0x10;
	v48 =	vld [tilespmem:s18+$0x150D0]  }
0x230: {  	v6 =	vadd.s32 $0x8000, v6;
	v0 =	vadd.f32 v1, v0;
	v3 =	vand.u32 $0xFFFF0000, v3;
	v49 =	vld [tilespmem:s18+$0x178D0]  }
0x231: {  	v6 =	vshrl.u32 v6, $0x10;
	v4 =	vshll.u32 v4, $0x10;
	v52 =	vld [tilespmem:s18+$0x150A0];
	v45 =	vand.u32 $0xFFFF0000, v11  }
0x232: {  	v2 =	vadd.f32 v3, v2;
	v13 =	vld [tilespmem:s18+$0x178A0];
	v0 =	vadd.s32 $0x8000, v0;
	v47 =	vadd.f32 v45, v4  }
0x233: {  	v55 =	vld [tilespmem:s18+$0x178E0];
	v12 =	vshll.u32 v12, $0x10;
	v54 =	vand.u32 $0xFFFF0000, v41;
	v0 =	vand.u32 $0xFFFF0000, v0  }
0x234: {  	v50 =	vadd.s32 $0x8000, v2;
	v0 =	vor.u32 v6, v0;
	v51 =	vadd.s32 $0x8000, v47  }
0x235: {  	v53 =	vld [tilespmem:s18+$0x150E0];
	v1 =	vshrl.u32 v50, $0x10;
	v7 =	vshll.u32 v43, $0x10;
	v2 =	vand.u32 $0xFFFF0000, v51  }
0x236: {  	v5 =	vand.u32 $0xFFFF0000, v5;
	v8 =	vshll.u32 v44, $0x10;
	v56 =	vand.u32 $0xFFFF0000, v46  }
0x237: {  	v4 =	vshll.u32 v48, $0x10;
	v58 =	vand.u32 $0xFFFF0000, v49;
	v3 =	vshll.u32 v52, $0x10  }
0x238: {  	v59 =	vand.u32 $0xFFFF0000, v13;
	v60 =	vand.u32 $0xFFFF0000, v55;
	v5 =	vadd.f32 v5, v7  }
0x239: {  	v1 =	vor.u32 v1, v2;
	v57 =	vadd.f32 v56, v8;
	v4 =	vadd.f32 v58, v4  }
0x23a: {  	v2 =	vshll.u32 v53, $0x10;
	v3 =	vadd.f32 v59, v3;
	[tilespmem:s18+$0x1A0B0] =	vst v1;
	v1 =	vadd.f32 v54, v12  }
0x23b: {  	v2 =	vadd.f32 v60, v2;
	v5 =	vadd.s32 $0x8000, v5;
	v6 =	vadd.s32 $0x8000, v57  }
0x23c: {  	v4 =	vadd.s32 $0x8000, v4;
	v3 =	vadd.s32 $0x8000, v3;
	v1 =	vadd.s32 $0x8000, v1  }
0x23d: {  	v5 =	vand.u32 $0xFFFF0000, v5;
	v6 =	vshrl.u32 v6, $0x10;
	v61 =	vand.u32 $0xFFFF0000, v4  }
0x23e: {  	[tilespmem:s17+$0x1A0A0] =	vst v0;
	v2 =	vadd.s32 $0x8000, v2;
	v1 =	vshrl.u32 v1, $0x10;
	v0 =	vor.u32 v6, v61  }
0x23f: {  	v62 =	vshrl.u32 v3, $0x10;
	v2 =	vand.u32 $0xFFFF0000, v2;
	v1 =	vor.u32 v1, v5;
	[tilespmem:s18+$0x1A090] =	vst v0  }
0x240: {  	v63 =	vor.u32 v62, v2;
	[tilespmem:s18+$0x1A080] =	vst v1  }
0x241: {  	s23 =	rddreg [dreg:$0x13];
	s0 =	simm.s32 $0x1A080;
	[tilespmem:s18+$0x1A0A0] =	vst v63  }
0x242: {  	[hbm4b:s23+s3] =	stream.linear.scatter [tilespmem:s0], [sflag:$0x6], $0x1400, $0x38;
	[tilespmem:$0x1B480] =	vst v63  }
0x243: {  	_ =	swait.ge [sflag:s12], $0x1400  }
0x244: {  	[sflag:s12] =	ssyncset.done $0x0  }
0x245: {  	[sflag:s12] =	ssyncadd.s32 $0xFFFFEC00  }
0x246: {  	_ =	swait.ge [sflag:s13], $0x1400  }
0x247: {  	s29 =	rddreg [dreg:$0x19]  }
0x248: {  	s30 =	rddreg [dreg:$0x14];
	s0 =	sadd.s32 $0x1, s29  }
0x249: {  	p1 =	sne.s32 s0, s30  }
.Ltmp8:
0x24a: {  	_ = 	snop;
	(pc) =	sbr.rel @p1 .LBB2_1-.Ltmp8, $3  }
0x24b: {  	_ =	sdelay $0x1  }
0x24c: {  	[sflag:s13] =	ssyncset.done $0x0  }
0x24d: {  	[sflag:s13] =	ssyncadd.s32 $0xFFFFEC00  }
0x24e: {  	_ =	sfence.sel $0x180000  }
0x24f: {  	[bflag:$0x0] =	sbarrier.arrive $0xFFFF  }
0x250: {  	_ =	strace $0x90000047  }
0x251: {  	s0 =	stileid.u32;
	[bflag:$0x2] =	sbarrier.arrive $0xFFFF  }
0x252: {  	p0 =	sne.s32 s0, $0x0;
	s0 =	rddreg [dreg:$0x4]  }
0x253: {  	s0 =	sadd.s32 @!p0 $0x100000, s0  }
0x254: {  	[sflag:s0] =	ssyncadd.tile.s32 @!p0 $0x1;
	_ =	shalt  }
.Lfunc_end2:
_tile_overlayer_lowered:
.L_overlay_start_2:
0x255: {  	(tag) =	ssettag $0x2  }
0x256: {  	s0 =	rddreg [dreg:$0x0];
	s2 =	stileid.u32  }
0x257: {  	s1 =	rddreg [dreg:$0x1];
	p0 =	sne.s32 s2, $0x0  }
0x258: {  	s3 =	rddreg [dreg:$0x2];
	[bflag:$0x3] =	sbarrier.arrive $0xFFFF;
	s2 =	simm.s32 @!p0 $0x1C0F  }
0x259: {  	[timem:s3], [sflag:s2] =	dma.local @!p0 [hbm:s0], s1  }
0x25a: {  	s0 =	simm.s32 @!p0 $0xF  }
0x25b: {  	_ =	swait.ge @!p0 [sflag:s0], s1  }
0x25c: {  	s1 =	ssub.s32 @!p0 $0x0, s1;
	[sflag:s0] =	ssyncset.done @!p0 $0x0  }
0x25d: {  	[sflag:s0] =	ssyncadd.s32 @!p0 s1  }
0x25e: {  	[bflag:$0x3] =	sbarrier.arrive $0xFFFF  }
0x25f: {  	_ =	shalt  }

</sc_bundles>
